<compile_context>
chip_gen: v7x
topology: tpu7x:2x2x1
jax: 0.10.2.dev20260603
libtpu: 0.0.44.dev20260713+nightly
codegen_flags: <defaults>
</compile_context>

<pallas_src>
import jax
import jax.numpy as jnp
from jax import lax
from jax.experimental import pallas as pl
from jax.experimental.pallas import tpu as pltpu
from jax.experimental.pallas import tpu_sc as plsc

N = 10000
D = 128
E = 320000

NC = 2
NS = 16
NW = NC * NS

K = 64
C_PT = 160
E_PT = C_PT * K
E_PAD = NW * E_PT

N_PAD = 10240
R_BLK = N_PAD // 16


def _zero_vmem_2d(ref, rows):
    z = jnp.zeros((16,), jnp.float32)

    def body(r, _):
        for k in range(8):
            ref[r, pl.ds(k * 16, 16)] = z
        return 0

    lax.fori_loop(0, rows, body, 0)


N_CNT = N_PAD


def _zero_vmem_1d(ref, n):
    z = jnp.zeros((16,), jnp.float32)

    def body(i, _):
        ref[pl.ds(i * 16, 16)] = z
        return 0

    lax.fori_loop(0, n // 16, body, 0)


def _cnt_body(dst_hbm, cnt_hbm, dstbuf, cnt_v, acc, tmp, parts_sh):
    c = lax.axis_index("c")
    s = lax.axis_index("s")

    _zero_vmem_1d(cnt_v, N_CNT)

    ones = jnp.ones((16,), jnp.float32)
    row = c * NS + s

    def chunk(ch, _):
        pltpu.sync_copy(dst_hbm.at[row, pl.ds(ch * 1024, 1024)], dstbuf)

        def grp(g, _):
            w = dstbuf[pl.ds(g * 16, 16)]
            plsc.addupdate_scatter(cnt_v, [lax.bitwise_and(w, 0xFFFF)], ones)
            plsc.addupdate_scatter(cnt_v, [lax.shift_right_logical(w, 16)],
                                   ones)
            return 0

        lax.fori_loop(0, 64, grp, 0)
        return 0

    lax.fori_loop(0, W_PT // 1024, chunk, 0)

    pltpu.sync_copy(cnt_v, parts_sh.at[s])
    plsc.subcore_barrier()

    off = s * 640
    pltpu.sync_copy(parts_sh.at[:, pl.ds(off, 640)], tmp)

    def add(g, _):
        sl = pl.ds(g * 16, 16)
        v = tmp[0, sl]
        for t in range(1, NS):
            v = v + tmp[t, sl]
        acc[sl] = v
        return 0

    lax.fori_loop(0, 40, add, 0)

    pltpu.sync_copy(acc, cnt_hbm.at[c, pl.ds(off, 640)])


def _make_cnt_kernel():
    mesh = plsc.VectorSubcoreMesh(core_axis_name="c", subcore_axis_name="s")
    return pl.kernel(
        _cnt_body,
        out_type=jax.ShapeDtypeStruct((NC, N_CNT), jnp.float32),
        mesh=mesh,
        compiler_params=pltpu.CompilerParams(needs_layout_passes=False),
        scratch_types=[
            pltpu.VMEM((1024,), jnp.int32),
            pltpu.VMEM((N_CNT,), jnp.float32),
            pltpu.VMEM((640,), jnp.float32),
            pltpu.VMEM((NS, 640), jnp.float32),
            pltpu.VMEM_SHARED((NS, N_CNT), jnp.float32),
        ],
    )


W_PT = E_PT // 2
NBUF = 4


def _unpack_idx(packed, j, stage):
    for g in range(K // 32):
        w = packed[pl.ds(j * (K // 2) + g * 16, 16)]
        stage[0, pl.ds(g * 16, 16)] = lax.bitwise_and(w, 0xFFFF)
        stage[0, pl.ds(K // 2 + g * 16, 16)] = lax.shift_right_logical(w, 16)


def _agg_body(y_hbm, src_hbm, dst_hbm, out_hbm, src_v, dst_v, *rest):
    st_s = rest[0:NBUF]
    st_d = rest[NBUF:2 * NBUF]
    bufs = rest[2 * NBUF:3 * NBUF]
    agg_sh = rest[3 * NBUF]
    sem_g = rest[3 * NBUF + 1:3 * NBUF + 1 + NBUF]
    sem_s = rest[3 * NBUF + 1 + NBUF:]

    c = lax.axis_index("c")
    s = lax.axis_index("s")
    wid = c * NS + s

    pltpu.sync_copy(src_hbm.at[wid], src_v)
    pltpu.sync_copy(dst_hbm.at[wid], dst_v)

    _zero_vmem_2d(bufs[0], K)
    base = s * R_BLK
    nfull = (R_BLK // K) * K
    for off in range(0, nfull, K):
        pltpu.sync_copy(bufs[0], agg_sh.at[pl.ds(base + off, K)])
    if R_BLK > nfull:
        pltpu.sync_copy(bufs[0].at[pl.ds(0, R_BLK - nfull)],
                        agg_sh.at[pl.ds(base + nfull, R_BLK - nfull)])
    plsc.subcore_barrier()

    def gather_start(j, u):
        _unpack_idx(src_v, j, st_s[u])
        pltpu.async_copy(y_hbm.at[st_s[u].at[0]], bufs[u], sem_g[u])

    def wait_g(u):
        pltpu.make_async_copy(y_hbm.at[pl.ds(0, K)], bufs[u],
                              sem_g[u]).wait()

    def scat_start(j, u):
        _unpack_idx(dst_v, j, st_d[u])
        pltpu.async_copy(bufs[u], agg_sh.at[st_d[u].at[0]], sem_s[u],
                         add=True)

    def wait_s(u):
        pltpu.make_async_copy(bufs[u], agg_sh.at[pl.ds(0, K)],
                              sem_s[u]).wait()

    def slot(j, u, do_wait_s, gather_ahead):
        wait_g(u)
        if gather_ahead:
            u2 = (u + 2) % NBUF
            if do_wait_s:
                wait_s(u2)
            gather_start(j + 2, u2)
        scat_start(j, u)

    gather_start(0, 0)
    gather_start(1, 1)
    slot(0, 0, False, True)
    slot(1, 1, False, True)

    def steady(i, _):
        j = 2 + 4 * i
        slot(j, 2, True, True)
        slot(j + 1, 3, True, True)
        slot(j + 2, 0, True, True)
        slot(j + 3, 1, True, True)
        return 0

    lax.fori_loop(0, (C_PT - 8) // 4, steady, 0)

    j = C_PT - 6
    slot(j, 2, True, True)
    slot(j + 1, 3, True, True)
    slot(j + 2, 0, True, True)
    slot(j + 3, 1, True, True)
    slot(j + 4, 2, False, False)
    slot(j + 5, 3, False, False)
    for u in range(NBUF):
        wait_s(u)

    plsc.subcore_barrier()
    pltpu.sync_copy(agg_sh.at[pl.ds(base, R_BLK)],
                    out_hbm.at[c, pl.ds(base, R_BLK)])


def _make_agg_kernel():
    mesh = plsc.VectorSubcoreMesh(core_axis_name="c", subcore_axis_name="s")
    return pl.kernel(
        _agg_body,
        out_type=jax.ShapeDtypeStruct((NC, N_PAD, 128), jnp.float32),
        mesh=mesh,
        compiler_params=pltpu.CompilerParams(needs_layout_passes=False),
        scratch_types=(
            [pltpu.VMEM((W_PT,), jnp.int32)] * 2
            + [pltpu.VMEM((1, K), jnp.int32)] * (2 * NBUF)
            + [pltpu.VMEM((K, 128), jnp.float32)] * NBUF
            + [pltpu.VMEM_SHARED((N_PAD, 128), jnp.float32)]
            + [pltpu.SemaphoreType.DMA] * (2 * NBUF)
        ),
    )


TC_BLK = 2000
TC_GRID = N // TC_BLK
PACK_BL = 40960
PACK_GRID = (E_PAD // 2) // PACK_BL


def _pack_body(lo_ref, hi_ref, sp_ref, dp_ref):
    i = pl.program_id(0)
    w = ((i + PACK_GRID) * PACK_BL
         + jax.lax.broadcasted_iota(jnp.int32, (1, PACK_BL), 1))
    m = w < E
    pad_off = jnp.maximum(w - E, 0)
    hi_src = jnp.where(m, hi_ref[0:1], pad_off % N)
    hi_dst = jnp.where(m, hi_ref[1:2], N + pad_off % (N_PAD - N))
    sp_ref[...] = (lo_ref[0:1] | (hi_src << 16)).reshape(8, W_PT)
    dp_ref[...] = (lo_ref[1:2] | (hi_dst << 16)).reshape(8, W_PT)


def _pack(edge_index):
    sp, dp = pl.pallas_call(
        _pack_body,
        grid=(PACK_GRID,),
        in_specs=[pl.BlockSpec((2, PACK_BL), lambda i: (0, i)),
                  pl.BlockSpec((2, PACK_BL), lambda i: (0, i + PACK_GRID))],
        out_specs=[pl.BlockSpec((8, W_PT), lambda i: (i, 0)),
                   pl.BlockSpec((8, W_PT), lambda i: (i, 0))],
        out_shape=[jax.ShapeDtypeStruct((NW, W_PT), jnp.int32),
                   jax.ShapeDtypeStruct((NW, W_PT), jnp.int32)],
    )(edge_index, edge_index)
    return sp, dp


def _lin0_body(x_ref, wl_ref, wr_ref, b_ref, y_ref, z_ref):
    xb = x_ref[...]
    y_ref[...] = jnp.dot(xb, wl_ref[...], preferred_element_type=jnp.float32)
    z_ref[...] = (jnp.dot(xb, wr_ref[...], preferred_element_type=jnp.float32)
                  + b_ref[...])


def _mid_body(a_ref, inv_ref, z0_ref, wl_ref, wr_ref, b_ref, y_ref, z_ref):
    h = (a_ref[0] + a_ref[1]) * inv_ref[...] + z0_ref[...]
    h = jnp.maximum(h, 0.0)
    y_ref[...] = jnp.dot(h, wl_ref[...], preferred_element_type=jnp.float32)
    z_ref[...] = (jnp.dot(h, wr_ref[...], preferred_element_type=jnp.float32)
                  + b_ref[...])


def _fin_body(a_ref, inv_ref, z_ref, o_ref):
    o_ref[...] = (a_ref[0] + a_ref[1]) * inv_ref[...] + z_ref[...]


def _row_spec():
    return pl.BlockSpec((TC_BLK, 128), lambda i: (i, 0))


def _agg_spec():
    return pl.BlockSpec((NC, TC_BLK, 128), lambda i: (0, i, 0))


def _col_spec():
    return pl.BlockSpec((TC_BLK, 1), lambda i: (i, 0))


def _full_spec(shape):
    return pl.BlockSpec(shape, lambda i: tuple(0 for _ in shape))


def _lin0(x, W_l, W_r, b):
    return pl.pallas_call(
        _lin0_body,
        grid=(TC_GRID,),
        in_specs=[_row_spec(), _full_spec((128, 128)), _full_spec((128, 128)),
                  _full_spec((1, 128))],
        out_specs=[_row_spec(), _row_spec()],
        out_shape=[jax.ShapeDtypeStruct((N, 128), jnp.float32),
                   jax.ShapeDtypeStruct((N, 128), jnp.float32)],
    )(x, W_l, W_r, b)


def _mid(agg, inv_col, z0, W_l, W_r, b):
    return pl.pallas_call(
        _mid_body,
        grid=(TC_GRID,),
        in_specs=[_agg_spec(), _col_spec(), _row_spec(),
                  _full_spec((128, 128)), _full_spec((128, 128)),
                  _full_spec((1, 128))],
        out_specs=[_row_spec(), _row_spec()],
        out_shape=[jax.ShapeDtypeStruct((N, 128), jnp.float32),
                   jax.ShapeDtypeStruct((N, 128), jnp.float32)],
    )(agg, inv_col, z0, W_l, W_r, b)


def _fin(agg, inv_col, z1):
    return pl.pallas_call(
        _fin_body,
        grid=(TC_GRID,),
        in_specs=[_agg_spec(), _col_spec(), _row_spec()],
        out_specs=pl.BlockSpec((TC_BLK, 128), lambda i: (i, 0)),
        out_shape=jax.ShapeDtypeStruct((N, 128), jnp.float32),
    )(agg, inv_col, z1)


def kernel(x, edge_index, W_l0, b_l0, W_r0, W_l1, b_l1, W_r1):
    src_p, dst_p = _pack(edge_index)

    cnt_kernel = _make_cnt_kernel()
    agg_kernel = _make_agg_kernel()

    cnts = cnt_kernel(dst_p)
    inv_col = (1.0 / jnp.maximum(cnts[0] + cnts[1], 1.0))[:N].reshape(N, 1)

    y0, z0 = _lin0(x, W_l0, W_r0, b_l0.reshape(1, 128))
    agg0 = agg_kernel(y0, src_p, dst_p)
    y1, z1 = _mid(agg0, inv_col, z0, W_l1, W_r1, b_l1.reshape(1, 128))
    agg1 = agg_kernel(y1, src_p, dst_p)
    return _fin(agg1, inv_col, z1)

# --- scband reference (transcript-rebuilt; emitter-appended) ---
"""Pipeline reference for scband-scalable-gnn-19155554140466 (READ-ONLY COPY).

The authoritative reference and input builder live on the scoring server;
editing this copy changes nothing except your own understanding.
"""

import jax, jax.numpy as jnp
import numpy as np

N = 10000
E = 320000
D_IN = 128
D_H = 128
D_OUT = 128


def setup_inputs(seed: int = 0) -> dict:
    key = jax.random.key(seed)
    ks = jax.random.split(key, 10)
    x = jax.random.normal(ks[0], (N, D_IN), dtype=jnp.float32)
    edge_index = jax.random.randint(ks[1], (2, E), 0, N, dtype=jnp.int32)
    # Layer 0: SAGEConv(D_IN -> D_H). lin_l (neighbors, with bias), lin_r (root, no bias)
    s0 = 1.0 / np.sqrt(D_IN)
    W_l0 = jax.random.uniform(ks[2], (D_IN, D_H), jnp.float32, -s0, s0)
    b_l0 = jax.random.uniform(ks[3], (D_H,), jnp.float32, -s0, s0)
    W_r0 = jax.random.uniform(ks[4], (D_IN, D_H), jnp.float32, -s0, s0)
    # Layer 1: SAGEConv(D_H -> D_OUT)
    s1 = 1.0 / np.sqrt(D_H)
    W_l1 = jax.random.uniform(ks[5], (D_H, D_OUT), jnp.float32, -s1, s1)
    b_l1 = jax.random.uniform(ks[6], (D_OUT,), jnp.float32, -s1, s1)
    W_r1 = jax.random.uniform(ks[7], (D_H, D_OUT), jnp.float32, -s1, s1)
    return {"x": x, "edge_index": edge_index, "W_l0": W_l0, "b_l0": b_l0, "W_r0": W_r0,
            "W_l1": W_l1, "b_l1": b_l1, "W_r1": W_r1}


def _sage_conv(x, edge_index, W_l, b_l, W_r):
    # PyG SAGEConv with mean aggregation:
    # out = lin_l(mean_{j in N(i)} x_j) + lin_r(x_i)
    src = edge_index[0]
    dst = edge_index[1]
    msgs = jnp.take(x, src, axis=0)
    agg = jnp.zeros((x.shape[0], x.shape[1]), dtype=x.dtype).at[dst].add(msgs)
    cnt = jnp.zeros((x.shape[0],), dtype=x.dtype).at[dst].add(1.0)
    mean = agg / jnp.clip(cnt, 1.0, None)[:, None]
    return mean @ W_l + b_l + x @ W_r


def reference(x, edge_index, W_l0, b_l0, W_r0, W_l1, b_l1, W_r1):
    h = _sage_conv(x, edge_index, W_l0, b_l0, W_r0)
    h = jax.nn.relu(h)
    # dropout is identity in eval mode (training=False)
    h = _sage_conv(h, edge_index, W_l1, b_l1, W_r1)
    return h

if __name__ == "__main__":
    import jax
    _d = setup_inputs()
    print(jax.jit(kernel)(*tuple(_d.values())))

</pallas_src>

<mosaic_0001>
#map = affine_map<(d0, d1) -> (0, 0)>
#map1 = affine_map<(d0, d1) -> (0, 0, 0)>
module attributes {stable_mosaic.version = 14 : i64} {
  func.func @_agg_body(%arg0: i32, %arg1: i32, %arg2: memref<10000x128xf32, #tpu.memory_space<hbm>>, %arg3: memref<32x5120xi32, #tpu.memory_space<hbm>>, %arg4: memref<32x5120xi32, #tpu.memory_space<hbm>>, %arg5: memref<2x10240x128xf32, #tpu.memory_space<hbm>>, %arg6: memref<5120xi32, #tpu.memory_space<vmem>>, %arg7: memref<5120xi32, #tpu.memory_space<vmem>>, %arg8: memref<1x64xi32, #tpu.memory_space<vmem>>, %arg9: memref<1x64xi32, #tpu.memory_space<vmem>>, %arg10: memref<1x64xi32, #tpu.memory_space<vmem>>, %arg11: memref<1x64xi32, #tpu.memory_space<vmem>>, %arg12: memref<1x64xi32, #tpu.memory_space<vmem>>, %arg13: memref<1x64xi32, #tpu.memory_space<vmem>>, %arg14: memref<1x64xi32, #tpu.memory_space<vmem>>, %arg15: memref<1x64xi32, #tpu.memory_space<vmem>>, %arg16: memref<64x128xf32, #tpu.memory_space<vmem>>, %arg17: memref<64x128xf32, #tpu.memory_space<vmem>>, %arg18: memref<64x128xf32, #tpu.memory_space<vmem>>, %arg19: memref<64x128xf32, #tpu.memory_space<vmem>>, %arg20: memref<10240x128xf32, #tpu.memory_space<vmem_shared>>, %arg21: memref<!tpu.dma_semaphore, #tpu.memory_space<semaphore_mem>>, %arg22: memref<!tpu.dma_semaphore, #tpu.memory_space<semaphore_mem>>, %arg23: memref<!tpu.dma_semaphore, #tpu.memory_space<semaphore_mem>>, %arg24: memref<!tpu.dma_semaphore, #tpu.memory_space<semaphore_mem>>, %arg25: memref<!tpu.dma_semaphore, #tpu.memory_space<semaphore_mem>>, %arg26: memref<!tpu.dma_semaphore, #tpu.memory_space<semaphore_mem>>, %arg27: memref<!tpu.dma_semaphore, #tpu.memory_space<semaphore_mem>>, %arg28: memref<!tpu.dma_semaphore, #tpu.memory_space<semaphore_mem>>) attributes {dimension_semantics = [#tpu.dimension_semantics<core_parallel>, #tpu.dimension_semantics<subcore_parallel>], iteration_bounds = array<i64: 2, 16>, scalar_prefetch = 0 : i64, scratch_operands = 23 : i64, tpu.core_type = #tpu.core_type<sc_vector_subcore>, window_params = [{transform_indices = #map}, {transform_indices = #map}, {transform_indices = #map}, {transform_indices = #map1}]} {
    %mul3A = arith.constant 16 : i32
    %mul3A_0 = arith.muli %arg0, %mul3A : i32
    %add3A = arith.addi %mul3A_0, %arg1 : i32
    "tpu.region"() ({
      %run_scoped3A = tpu.sem_alloc : memref<!tpu.dma_semaphore, #tpu.memory_space<semaphore_mem>>
      %dma_start3A_752 = arith.constant 0 : i32
      %dma_start3A_753 = tpu.memref_slice %arg3[%add3A, %dma_start3A_752] : memref<32x5120xi32, #tpu.memory_space<hbm>> -> memref<1x5120xi32, #tpu.memory_space<hbm>>
      %dma_start3A_754 = tpu.memref_squeeze %dma_start3A_753 : memref<1x5120xi32, #tpu.memory_space<hbm>> -> memref<5120xi32, #tpu.memory_space<hbm>>
      %dma_start3A_755 = arith.constant 0 : i32
      %dma_start3A_756 = tpu.memref_slice %arg3[%add3A, %dma_start3A_755] : memref<32x5120xi32, #tpu.memory_space<hbm>> -> memref<1x5120xi32, #tpu.memory_space<hbm>>
      %dma_start3A_757 = tpu.memref_squeeze %dma_start3A_756 : memref<1x5120xi32, #tpu.memory_space<hbm>> -> memref<5120xi32, #tpu.memory_space<hbm>>
      tpu.enqueue_dma source(%dma_start3A_757 : memref<5120xi32, #tpu.memory_space<hbm>>) target(%arg6 : memref<5120xi32, #tpu.memory_space<vmem>>) target_semaphore(%run_scoped3A : memref<!tpu.dma_semaphore, #tpu.memory_space<semaphore_mem>>)
      %dma_wait3A_758 = arith.constant 0 : i32
      %dma_wait3A_759 = tpu.memref_slice %arg3[%add3A, %dma_wait3A_758] : memref<32x5120xi32, #tpu.memory_space<hbm>> -> memref<1x5120xi32, #tpu.memory_space<hbm>>
      %dma_wait3A_760 = tpu.memref_squeeze %dma_wait3A_759 : memref<1x5120xi32, #tpu.memory_space<hbm>> -> memref<5120xi32, #tpu.memory_space<hbm>>
      %dma_wait3A_761 = arith.constant 0 : i32
      %dma_wait3A_762 = tpu.memref_slice %arg3[%add3A, %dma_wait3A_761] : memref<32x5120xi32, #tpu.memory_space<hbm>> -> memref<1x5120xi32, #tpu.memory_space<hbm>>
      %dma_wait3A_763 = tpu.memref_squeeze %dma_wait3A_762 : memref<1x5120xi32, #tpu.memory_space<hbm>> -> memref<5120xi32, #tpu.memory_space<hbm>>
      tpu.wait_dma2 semaphore(%run_scoped3A : memref<!tpu.dma_semaphore, #tpu.memory_space<semaphore_mem>>) src(%dma_wait3A_763 : memref<5120xi32, #tpu.memory_space<hbm>>) dst(%arg6 : memref<5120xi32, #tpu.memory_space<vmem>>)
      tpu.yield
    }) : () -> ()
    "tpu.region"() ({
      %run_scoped3A = tpu.sem_alloc : memref<!tpu.dma_semaphore, #tpu.memory_space<semaphore_mem>>
      %dma_start3A_752 = arith.constant 0 : i32
      %dma_start3A_753 = tpu.memref_slice %arg4[%add3A, %dma_start3A_752] : memref<32x5120xi32, #tpu.memory_space<hbm>> -> memref<1x5120xi32, #tpu.memory_space<hbm>>
      %dma_start3A_754 = tpu.memref_squeeze %dma_start3A_753 : memref<1x5120xi32, #tpu.memory_space<hbm>> -> memref<5120xi32, #tpu.memory_space<hbm>>
      %dma_start3A_755 = arith.constant 0 : i32
      %dma_start3A_756 = tpu.memref_slice %arg4[%add3A, %dma_start3A_755] : memref<32x5120xi32, #tpu.memory_space<hbm>> -> memref<1x5120xi32, #tpu.memory_space<hbm>>
      %dma_start3A_757 = tpu.memref_squeeze %dma_start3A_756 : memref<1x5120xi32, #tpu.memory_space<hbm>> -> memref<5120xi32, #tpu.memory_space<hbm>>
      tpu.enqueue_dma source(%dma_start3A_757 : memref<5120xi32, #tpu.memory_space<hbm>>) target(%arg7 : memref<5120xi32, #tpu.memory_space<vmem>>) target_semaphore(%run_scoped3A : memref<!tpu.dma_semaphore, #tpu.memory_space<semaphore_mem>>)
      %dma_wait3A_758 = arith.constant 0 : i32
      %dma_wait3A_759 = tpu.memref_slice %arg4[%add3A, %dma_wait3A_758] : memref<32x5120xi32, #tpu.memory_space<hbm>> -> memref<1x5120xi32, #tpu.memory_space<hbm>>
      %dma_wait3A_760 = tpu.memref_squeeze %dma_wait3A_759 : memref<1x5120xi32, #tpu.memory_space<hbm>> -> memref<5120xi32, #tpu.memory_space<hbm>>
      %dma_wait3A_761 = arith.constant 0 : i32
      %dma_wait3A_762 = tpu.memref_slice %arg4[%add3A, %dma_wait3A_761] : memref<32x5120xi32, #tpu.memory_space<hbm>> -> memref<1x5120xi32, #tpu.memory_space<hbm>>
      %dma_wait3A_763 = tpu.memref_squeeze %dma_wait3A_762 : memref<1x5120xi32, #tpu.memory_space<hbm>> -> memref<5120xi32, #tpu.memory_space<hbm>>
      tpu.wait_dma2 semaphore(%run_scoped3A : memref<!tpu.dma_semaphore, #tpu.memory_space<semaphore_mem>>) src(%dma_wait3A_763 : memref<5120xi32, #tpu.memory_space<hbm>>) dst(%arg7 : memref<5120xi32, #tpu.memory_space<vmem>>)
      tpu.yield
    }) : () -> ()
    %broadcast_in_dim3A = arith.constant 0.000000e+00 : f32
    %broadcast_in_dim3A_1 = vector.broadcast %broadcast_in_dim3A : f32 to vector<16xf32>
    %scan3A = arith.constant 0 : i32
    %scan3A_2 = arith.constant 0 : i32
    %scan3A_3 = arith.constant 64 : i32
    %scan3A_4 = arith.addi %scan3A_2, %scan3A_3 : i32
    %scan3A_5 = arith.constant 1 : i32
    %scan3A_6 = scf.for %scan3A_752 = %scan3A_2 to %scan3A_4 step %scan3A_5 iter_args(%scan3A_753 = %scan3A) -> (i32)  : i32 {
      %swap3A_754 = arith.index_cast %scan3A_752 : i32 to index
      %swap3A_755 = arith.constant 0 : index
      %swap3A_756 = tpu.vector_load %arg16[%swap3A_754, %swap3A_755] {strides = array<i32>} : memref<64x128xf32, #tpu.memory_space<vmem>>, vector<16xf32>,
      tpu.vector_store %arg16[%swap3A_754, %swap3A_755], %broadcast_in_dim3A_1 {strides = array<i32>} : memref<64x128xf32, #tpu.memory_space<vmem>>, vector<16xf32>,
      %swap3A_757 = arith.index_cast %scan3A_752 : i32 to index
      %swap3A_758 = arith.constant 16 : index
      %swap3A_759 = tpu.vector_load %arg16[%swap3A_757, %swap3A_758] {strides = array<i32>} : memref<64x128xf32, #tpu.memory_space<vmem>>, vector<16xf32>,
      tpu.vector_store %arg16[%swap3A_757, %swap3A_758], %broadcast_in_dim3A_1 {strides = array<i32>} : memref<64x128xf32, #tpu.memory_space<vmem>>, vector<16xf32>,
      %swap3A_760 = arith.index_cast %scan3A_752 : i32 to index
      %swap3A_761 = arith.constant 32 : index
      %swap3A_762 = tpu.vector_load %arg16[%swap3A_760, %swap3A_761] {strides = array<i32>} : memref<64x128xf32, #tpu.memory_space<vmem>>, vector<16xf32>,
      tpu.vector_store %arg16[%swap3A_760, %swap3A_761], %broadcast_in_dim3A_1 {strides = array<i32>} : memref<64x128xf32, #tpu.memory_space<vmem>>, vector<16xf32>,
      %swap3A_763 = arith.index_cast %scan3A_752 : i32 to index
      %swap3A_764 = arith.constant 48 : index
      %swap3A_765 = tpu.vector_load %arg16[%swap3A_763, %swap3A_764] {strides = array<i32>} : memref<64x128xf32, #tpu.memory_space<vmem>>, vector<16xf32>,
      tpu.vector_store %arg16[%swap3A_763, %swap3A_764], %broadcast_in_dim3A_1 {strides = array<i32>} : memref<64x128xf32, #tpu.memory_space<vmem>>, vector<16xf32>,
      %swap3A_766 = arith.index_cast %scan3A_752 : i32 to index
      %swap3A_767 = arith.constant 64 : index
      %swap3A_768 = tpu.vector_load %arg16[%swap3A_766, %swap3A_767] {strides = array<i32>} : memref<64x128xf32, #tpu.memory_space<vmem>>, vector<16xf32>,
      tpu.vector_store %arg16[%swap3A_766, %swap3A_767], %broadcast_in_dim3A_1 {strides = array<i32>} : memref<64x128xf32, #tpu.memory_space<vmem>>, vector<16xf32>,
      %swap3A_769 = arith.index_cast %scan3A_752 : i32 to index
      %swap3A_770 = arith.constant 80 : index
      %swap3A_771 = tpu.vector_load %arg16[%swap3A_769, %swap3A_770] {strides = array<i32>} : memref<64x128xf32, #tpu.memory_space<vmem>>, vector<16xf32>,
      tpu.vector_store %arg16[%swap3A_769, %swap3A_770], %broadcast_in_dim3A_1 {strides = array<i32>} : memref<64x128xf32, #tpu.memory_space<vmem>>, vector<16xf32>,
      %swap3A_772 = arith.index_cast %scan3A_752 : i32 to index
      %swap3A_773 = arith.constant 96 : index
      %swap3A_774 = tpu.vector_load %arg16[%swap3A_772, %swap3A_773] {strides = array<i32>} : memref<64x128xf32, #tpu.memory_space<vmem>>, vector<16xf32>,
      tpu.vector_store %arg16[%swap3A_772, %swap3A_773], %broadcast_in_dim3A_1 {strides = array<i32>} : memref<64x128xf32, #tpu.memory_space<vmem>>, vector<16xf32>,
      %swap3A_775 = arith.index_cast %scan3A_752 : i32 to index
      %swap3A_776 = arith.constant 112 : index
      %swap3A_777 = tpu.vector_load %arg16[%swap3A_775, %swap3A_776] {strides = array<i32>} : memref<64x128xf32, #tpu.memory_space<vmem>>, vector<16xf32>,
      tpu.vector_store %arg16[%swap3A_775, %swap3A_776], %broadcast_in_dim3A_1 {strides = array<i32>} : memref<64x128xf32, #tpu.memory_space<vmem>>, vector<16xf32>,
      %scan3A_778 = arith.constant 0 : i32
      scf.yield %scan3A_778 : i32
    }
    %scan3A_7 = arith.constant 64 : i32
    %mul3A_8 = arith.constant 640 : i32
    %mul3A_9 = arith.muli %arg1, %mul3A_8 : i32
    %add3A_10 = arith.constant 0 : i32
    %add3A_11 = arith.addi %mul3A_9, %add3A_10 : i32
    "tpu.region"() ({
      %run_scoped3A = tpu.sem_alloc : memref<!tpu.dma_semaphore, #tpu.memory_space<semaphore_mem>>
      %dma_start3A_752 = arith.constant 0 : i32
      %dma_start3A_753 = tpu.memref_slice %arg20[%add3A_11, %dma_start3A_752] : memref<10240x128xf32, #tpu.memory_space<vmem_shared>> -> memref<64x128xf32, #tpu.memory_space<vmem_shared>>
      %dma_start3A_754 = arith.constant 0 : i32
      %dma_start3A_755 = tpu.memref_slice %arg20[%add3A_11, %dma_start3A_754] : memref<10240x128xf32, #tpu.memory_space<vmem_shared>> -> memref<64x128xf32, #tpu.memory_space<vmem_shared>>
      tpu.enqueue_dma source(%arg16 : memref<64x128xf32, #tpu.memory_space<vmem>>) target(%dma_start3A_755 : memref<64x128xf32, #tpu.memory_space<vmem_shared>>) target_semaphore(%run_scoped3A : memref<!tpu.dma_semaphore, #tpu.memory_space<semaphore_mem>>)
      %dma_wait3A_756 = arith.constant 0 : i32
      %dma_wait3A_757 = tpu.memref_slice %arg20[%add3A_11, %dma_wait3A_756] : memref<10240x128xf32, #tpu.memory_space<vmem_shared>> -> memref<64x128xf32, #tpu.memory_space<vmem_shared>>
      %dma_wait3A_758 = arith.constant 0 : i32
      %dma_wait3A_759 = tpu.memref_slice %arg20[%add3A_11, %dma_wait3A_758] : memref<10240x128xf32, #tpu.memory_space<vmem_shared>> -> memref<64x128xf32, #tpu.memory_space<vmem_shared>>
      tpu.wait_dma2 semaphore(%run_scoped3A : memref<!tpu.dma_semaphore, #tpu.memory_space<semaphore_mem>>) src(%arg16 : memref<64x128xf32, #tpu.memory_space<vmem>>) dst(%dma_wait3A_759 : memref<64x128xf32, #tpu.memory_space<vmem_shared>>)
      tpu.yield
    }) : () -> ()
    %add3A_12 = arith.constant 64 : i32
    %add3A_13 = arith.addi %mul3A_9, %add3A_12 : i32
    "tpu.region"() ({
      %run_scoped3A = tpu.sem_alloc : memref<!tpu.dma_semaphore, #tpu.memory_space<semaphore_mem>>
      %dma_start3A_752 = arith.constant 0 : i32
      %dma_start3A_753 = tpu.memref_slice %arg20[%add3A_13, %dma_start3A_752] : memref<10240x128xf32, #tpu.memory_space<vmem_shared>> -> memref<64x128xf32, #tpu.memory_space<vmem_shared>>
      %dma_start3A_754 = arith.constant 0 : i32
      %dma_start3A_755 = tpu.memref_slice %arg20[%add3A_13, %dma_start3A_754] : memref<10240x128xf32, #tpu.memory_space<vmem_shared>> -> memref<64x128xf32, #tpu.memory_space<vmem_shared>>
      tpu.enqueue_dma source(%arg16 : memref<64x128xf32, #tpu.memory_space<vmem>>) target(%dma_start3A_755 : memref<64x128xf32, #tpu.memory_space<vmem_shared>>) target_semaphore(%run_scoped3A : memref<!tpu.dma_semaphore, #tpu.memory_space<semaphore_mem>>)
      %dma_wait3A_756 = arith.constant 0 : i32
      %dma_wait3A_757 = tpu.memref_slice %arg20[%add3A_13, %dma_wait3A_756] : memref<10240x128xf32, #tpu.memory_space<vmem_shared>> -> memref<64x128xf32, #tpu.memory_space<vmem_shared>>
      %dma_wait3A_758 = arith.constant 0 : i32
      %dma_wait3A_759 = tpu.memref_slice %arg20[%add3A_13, %dma_wait3A_758] : memref<10240x128xf32, #tpu.memory_space<vmem_shared>> -> memref<64x128xf32, #tpu.memory_space<vmem_shared>>
      tpu.wait_dma2 semaphore(%run_scoped3A : memref<!tpu.dma_semaphore, #tpu.memory_space<semaphore_mem>>) src(%arg16 : memref<64x128xf32, #tpu.memory_space<vmem>>) dst(%dma_wait3A_759 : memref<64x128xf32, #tpu.memory_space<vmem_shared>>)
      tpu.yield
    }) : () -> ()
    %add3A_14 = arith.constant 128 : i32
    %add3A_15 = arith.addi %mul3A_9, %add3A_14 : i32
    "tpu.region"() ({
      %run_scoped3A = tpu.sem_alloc : memref<!tpu.dma_semaphore, #tpu.memory_space<semaphore_mem>>
      %dma_start3A_752 = arith.constant 0 : i32
      %dma_start3A_753 = tpu.memref_slice %arg20[%add3A_15, %dma_start3A_752] : memref<10240x128xf32, #tpu.memory_space<vmem_shared>> -> memref<64x128xf32, #tpu.memory_space<vmem_shared>>
      %dma_start3A_754 = arith.constant 0 : i32
      %dma_start3A_755 = tpu.memref_slice %arg20[%add3A_15, %dma_start3A_754] : memref<10240x128xf32, #tpu.memory_space<vmem_shared>> -> memref<64x128xf32, #tpu.memory_space<vmem_shared>>
      tpu.enqueue_dma source(%arg16 : memref<64x128xf32, #tpu.memory_space<vmem>>) target(%dma_start3A_755 : memref<64x128xf32, #tpu.memory_space<vmem_shared>>) target_semaphore(%run_scoped3A : memref<!tpu.dma_semaphore, #tpu.memory_space<semaphore_mem>>)
      %dma_wait3A_756 = arith.constant 0 : i32
      %dma_wait3A_757 = tpu.memref_slice %arg20[%add3A_15, %dma_wait3A_756] : memref<10240x128xf32, #tpu.memory_space<vmem_shared>> -> memref<64x128xf32, #tpu.memory_space<vmem_shared>>
      %dma_wait3A_758 = arith.constant 0 : i32
      %dma_wait3A_759 = tpu.memref_slice %arg20[%add3A_15, %dma_wait3A_758] : memref<10240x128xf32, #tpu.memory_space<vmem_shared>> -> memref<64x128xf32, #tpu.memory_space<vmem_shared>>
      tpu.wait_dma2 semaphore(%run_scoped3A : memref<!tpu.dma_semaphore, #tpu.memory_space<semaphore_mem>>) src(%arg16 : memref<64x128xf32, #tpu.memory_space<vmem>>) dst(%dma_wait3A_759 : memref<64x128xf32, #tpu.memory_space<vmem_shared>>)
      tpu.yield
    }) : () -> ()
    %add3A_16 = arith.constant 192 : i32
    %add3A_17 = arith.addi %mul3A_9, %add3A_16 : i32
    "tpu.region"() ({
      %run_scoped3A = tpu.sem_alloc : memref<!tpu.dma_semaphore, #tpu.memory_space<semaphore_mem>>
      %dma_start3A_752 = arith.constant 0 : i32
      %dma_start3A_753 = tpu.memref_slice %arg20[%add3A_17, %dma_start3A_752] : memref<10240x128xf32, #tpu.memory_space<vmem_shared>> -> memref<64x128xf32, #tpu.memory_space<vmem_shared>>
      %dma_start3A_754 = arith.constant 0 : i32
      %dma_start3A_755 = tpu.memref_slice %arg20[%add3A_17, %dma_start3A_754] : memref<10240x128xf32, #tpu.memory_space<vmem_shared>> -> memref<64x128xf32, #tpu.memory_space<vmem_shared>>
      tpu.enqueue_dma source(%arg16 : memref<64x128xf32, #tpu.memory_space<vmem>>) target(%dma_start3A_755 : memref<64x128xf32, #tpu.memory_space<vmem_shared>>) target_semaphore(%run_scoped3A : memref<!tpu.dma_semaphore, #tpu.memory_space<semaphore_mem>>)
      %dma_wait3A_756 = arith.constant 0 : i32
      %dma_wait3A_757 = tpu.memref_slice %arg20[%add3A_17, %dma_wait3A_756] : memref<10240x128xf32, #tpu.memory_space<vmem_shared>> -> memref<64x128xf32, #tpu.memory_space<vmem_shared>>
      %dma_wait3A_758 = arith.constant 0 : i32
      %dma_wait3A_759 = tpu.memref_slice %arg20[%add3A_17, %dma_wait3A_758] : memref<10240x128xf32, #tpu.memory_space<vmem_shared>> -> memref<64x128xf32, #tpu.memory_space<vmem_shared>>
      tpu.wait_dma2 semaphore(%run_scoped3A : memref<!tpu.dma_semaphore, #tpu.memory_space<semaphore_mem>>) src(%arg16 : memref<64x128xf32, #tpu.memory_space<vmem>>) dst(%dma_wait3A_759 : memref<64x128xf32, #tpu.memory_space<vmem_shared>>)
      tpu.yield
    }) : () -> ()
    %add3A_18 = arith.constant 256 : i32
    %add3A_19 = arith.addi %mul3A_9, %add3A_18 : i32
    "tpu.region"() ({
      %run_scoped3A = tpu.sem_alloc : memref<!tpu.dma_semaphore, #tpu.memory_space<semaphore_mem>>
      %dma_start3A_752 = arith.constant 0 : i32
      %dma_start3A_753 = tpu.memref_slice %arg20[%add3A_19, %dma_start3A_752] : memref<10240x128xf32, #tpu.memory_space<vmem_shared>> -> memref<64x128xf32, #tpu.memory_space<vmem_shared>>
      %dma_start3A_754 = arith.constant 0 : i32
      %dma_start3A_755 = tpu.memref_slice %arg20[%add3A_19, %dma_start3A_754] : memref<10240x128xf32, #tpu.memory_space<vmem_shared>> -> memref<64x128xf32, #tpu.memory_space<vmem_shared>>
      tpu.enqueue_dma source(%arg16 : memref<64x128xf32, #tpu.memory_space<vmem>>) target(%dma_start3A_755 : memref<64x128xf32, #tpu.memory_space<vmem_shared>>) target_semaphore(%run_scoped3A : memref<!tpu.dma_semaphore, #tpu.memory_space<semaphore_mem>>)
      %dma_wait3A_756 = arith.constant 0 : i32
      %dma_wait3A_757 = tpu.memref_slice %arg20[%add3A_19, %dma_wait3A_756] : memref<10240x128xf32, #tpu.memory_space<vmem_shared>> -> memref<64x128xf32, #tpu.memory_space<vmem_shared>>
      %dma_wait3A_758 = arith.constant 0 : i32
      %dma_wait3A_759 = tpu.memref_slice %arg20[%add3A_19, %dma_wait3A_758] : memref<10240x128xf32, #tpu.memory_space<vmem_shared>> -> memref<64x128xf32, #tpu.memory_space<vmem_shared>>
      tpu.wait_dma2 semaphore(%run_scoped3A : memref<!tpu.dma_semaphore, #tpu.memory_space<semaphore_mem>>) src(%arg16 : memref<64x128xf32, #tpu.memory_space<vmem>>) dst(%dma_wait3A_759 : memref<64x128xf32, #tpu.memory_space<vmem_shared>>)
      tpu.yield
    }) : () -> ()
    %add3A_20 = arith.constant 320 : i32
    %add3A_21 = arith.addi %mul3A_9, %add3A_20 : i32
    "tpu.region"() ({
      %run_scoped3A = tpu.sem_alloc : memref<!tpu.dma_semaphore, #tpu.memory_space<semaphore_mem>>
      %dma_start3A_752 = arith.constant 0 : i32
      %dma_start3A_753 = tpu.memref_slice %arg20[%add3A_21, %dma_start3A_752] : memref<10240x128xf32, #tpu.memory_space<vmem_shared>> -> memref<64x128xf32, #tpu.memory_space<vmem_shared>>
      %dma_start3A_754 = arith.constant 0 : i32
      %dma_start3A_755 = tpu.memref_slice %arg20[%add3A_21, %dma_start3A_754] : memref<10240x128xf32, #tpu.memory_space<vmem_shared>> -> memref<64x128xf32, #tpu.memory_space<vmem_shared>>
      tpu.enqueue_dma source(%arg16 : memref<64x128xf32, #tpu.memory_space<vmem>>) target(%dma_start3A_755 : memref<64x128xf32, #tpu.memory_space<vmem_shared>>) target_semaphore(%run_scoped3A : memref<!tpu.dma_semaphore, #tpu.memory_space<semaphore_mem>>)
      %dma_wait3A_756 = arith.constant 0 : i32
      %dma_wait3A_757 = tpu.memref_slice %arg20[%add3A_21, %dma_wait3A_756] : memref<10240x128xf32, #tpu.memory_space<vmem_shared>> -> memref<64x128xf32, #tpu.memory_space<vmem_shared>>
      %dma_wait3A_758 = arith.constant 0 : i32
      %dma_wait3A_759 = tpu.memref_slice %arg20[%add3A_21, %dma_wait3A_758] : memref<10240x128xf32, #tpu.memory_space<vmem_shared>> -> memref<64x128xf32, #tpu.memory_space<vmem_shared>>
      tpu.wait_dma2 semaphore(%run_scoped3A : memref<!tpu.dma_semaphore, #tpu.memory_space<semaphore_mem>>) src(%arg16 : memref<64x128xf32, #tpu.memory_space<vmem>>) dst(%dma_wait3A_759 : memref<64x128xf32, #tpu.memory_space<vmem_shared>>)
      tpu.yield
    }) : () -> ()
    %add3A_22 = arith.constant 384 : i32
    %add3A_23 = arith.addi %mul3A_9, %add3A_22 : i32
    "tpu.region"() ({
      %run_scoped3A = tpu.sem_alloc : memref<!tpu.dma_semaphore, #tpu.memory_space<semaphore_mem>>
      %dma_start3A_752 = arith.constant 0 : i32
      %dma_start3A_753 = tpu.memref_slice %arg20[%add3A_23, %dma_start3A_752] : memref<10240x128xf32, #tpu.memory_space<vmem_shared>> -> memref<64x128xf32, #tpu.memory_space<vmem_shared>>
      %dma_start3A_754 = arith.constant 0 : i32
      %dma_start3A_755 = tpu.memref_slice %arg20[%add3A_23, %dma_start3A_754] : memref<10240x128xf32, #tpu.memory_space<vmem_shared>> -> memref<64x128xf32, #tpu.memory_space<vmem_shared>>
      tpu.enqueue_dma source(%arg16 : memref<64x128xf32, #tpu.memory_space<vmem>>) target(%dma_start3A_755 : memref<64x128xf32, #tpu.memory_space<vmem_shared>>) target_semaphore(%run_scoped3A : memref<!tpu.dma_semaphore, #tpu.memory_space<semaphore_mem>>)
      %dma_wait3A_756 = arith.constant 0 : i32
      %dma_wait3A_757 = tpu.memref_slice %arg20[%add3A_23, %dma_wait3A_756] : memref<10240x128xf32, #tpu.memory_space<vmem_shared>> -> memref<64x128xf32, #tpu.memory_space<vmem_shared>>
      %dma_wait3A_758 = arith.constant 0 : i32
      %dma_wait3A_759 = tpu.memref_slice %arg20[%add3A_23, %dma_wait3A_758] : memref<10240x128xf32, #tpu.memory_space<vmem_shared>> -> memref<64x128xf32, #tpu.memory_space<vmem_shared>>
      tpu.wait_dma2 semaphore(%run_scoped3A : memref<!tpu.dma_semaphore, #tpu.memory_space<semaphore_mem>>) src(%arg16 : memref<64x128xf32, #tpu.memory_space<vmem>>) dst(%dma_wait3A_759 : memref<64x128xf32, #tpu.memory_space<vmem_shared>>)
      tpu.yield
    }) : () -> ()
    %add3A_24 = arith.constant 448 : i32
    %add3A_25 = arith.addi %mul3A_9, %add3A_24 : i32
    "tpu.region"() ({
      %run_scoped3A = tpu.sem_alloc : memref<!tpu.dma_semaphore, #tpu.memory_space<semaphore_mem>>
      %dma_start3A_752 = arith.constant 0 : i32
      %dma_start3A_753 = tpu.memref_slice %arg20[%add3A_25, %dma_start3A_752] : memref<10240x128xf32, #tpu.memory_space<vmem_shared>> -> memref<64x128xf32, #tpu.memory_space<vmem_shared>>
      %dma_start3A_754 = arith.constant 0 : i32
      %dma_start3A_755 = tpu.memref_slice %arg20[%add3A_25, %dma_start3A_754] : memref<10240x128xf32, #tpu.memory_space<vmem_shared>> -> memref<64x128xf32, #tpu.memory_space<vmem_shared>>
      tpu.enqueue_dma source(%arg16 : memref<64x128xf32, #tpu.memory_space<vmem>>) target(%dma_start3A_755 : memref<64x128xf32, #tpu.memory_space<vmem_shared>>) target_semaphore(%run_scoped3A : memref<!tpu.dma_semaphore, #tpu.memory_space<semaphore_mem>>)
      %dma_wait3A_756 = arith.constant 0 : i32
      %dma_wait3A_757 = tpu.memref_slice %arg20[%add3A_25, %dma_wait3A_756] : memref<10240x128xf32, #tpu.memory_space<vmem_shared>> -> memref<64x128xf32, #tpu.memory_space<vmem_shared>>
      %dma_wait3A_758 = arith.constant 0 : i32
      %dma_wait3A_759 = tpu.memref_slice %arg20[%add3A_25, %dma_wait3A_758] : memref<10240x128xf32, #tpu.memory_space<vmem_shared>> -> memref<64x128xf32, #tpu.memory_space<vmem_shared>>
      tpu.wait_dma2 semaphore(%run_scoped3A : memref<!tpu.dma_semaphore, #tpu.memory_space<semaphore_mem>>) src(%arg16 : memref<64x128xf32, #tpu.memory_space<vmem>>) dst(%dma_wait3A_759 : memref<64x128xf32, #tpu.memory_space<vmem_shared>>)
      tpu.yield
    }) : () -> ()
    %add3A_26 = arith.constant 512 : i32
    %add3A_27 = arith.addi %mul3A_9, %add3A_26 : i32
    "tpu.region"() ({
      %run_scoped3A = tpu.sem_alloc : memref<!tpu.dma_semaphore, #tpu.memory_space<semaphore_mem>>
      %dma_start3A_752 = arith.constant 0 : i32
      %dma_start3A_753 = tpu.memref_slice %arg20[%add3A_27, %dma_start3A_752] : memref<10240x128xf32, #tpu.memory_space<vmem_shared>> -> memref<64x128xf32, #tpu.memory_space<vmem_shared>>
      %dma_start3A_754 = arith.constant 0 : i32
      %dma_start3A_755 = tpu.memref_slice %arg20[%add3A_27, %dma_start3A_754] : memref<10240x128xf32, #tpu.memory_space<vmem_shared>> -> memref<64x128xf32, #tpu.memory_space<vmem_shared>>
      tpu.enqueue_dma source(%arg16 : memref<64x128xf32, #tpu.memory_space<vmem>>) target(%dma_start3A_755 : memref<64x128xf32, #tpu.memory_space<vmem_shared>>) target_semaphore(%run_scoped3A : memref<!tpu.dma_semaphore, #tpu.memory_space<semaphore_mem>>)
      %dma_wait3A_756 = arith.constant 0 : i32
      %dma_wait3A_757 = tpu.memref_slice %arg20[%add3A_27, %dma_wait3A_756] : memref<10240x128xf32, #tpu.memory_space<vmem_shared>> -> memref<64x128xf32, #tpu.memory_space<vmem_shared>>
      %dma_wait3A_758 = arith.constant 0 : i32
      %dma_wait3A_759 = tpu.memref_slice %arg20[%add3A_27, %dma_wait3A_758] : memref<10240x128xf32, #tpu.memory_space<vmem_shared>> -> memref<64x128xf32, #tpu.memory_space<vmem_shared>>
      tpu.wait_dma2 semaphore(%run_scoped3A : memref<!tpu.dma_semaphore, #tpu.memory_space<semaphore_mem>>) src(%arg16 : memref<64x128xf32, #tpu.memory_space<vmem>>) dst(%dma_wait3A_759 : memref<64x128xf32, #tpu.memory_space<vmem_shared>>)
      tpu.yield
    }) : () -> ()
    %add3A_28 = arith.constant 576 : i32
    %add3A_29 = arith.addi %mul3A_9, %add3A_28 : i32
    "tpu.region"() ({
      %run_scoped3A = tpu.sem_alloc : memref<!tpu.dma_semaphore, #tpu.memory_space<semaphore_mem>>
      %dma_start3A_752 = arith.constant 0 : i32
      %dma_start3A_753 = tpu.memref_slice %arg20[%add3A_29, %dma_start3A_752] : memref<10240x128xf32, #tpu.memory_space<vmem_shared>> -> memref<64x128xf32, #tpu.memory_space<vmem_shared>>
      %dma_start3A_754 = arith.constant 0 : i32
      %dma_start3A_755 = tpu.memref_slice %arg20[%add3A_29, %dma_start3A_754] : memref<10240x128xf32, #tpu.memory_space<vmem_shared>> -> memref<64x128xf32, #tpu.memory_space<vmem_shared>>
      tpu.enqueue_dma source(%arg16 : memref<64x128xf32, #tpu.memory_space<vmem>>) target(%dma_start3A_755 : memref<64x128xf32, #tpu.memory_space<vmem_shared>>) target_semaphore(%run_scoped3A : memref<!tpu.dma_semaphore, #tpu.memory_space<semaphore_mem>>)
      %dma_wait3A_756 = arith.constant 0 : i32
      %dma_wait3A_757 = tpu.memref_slice %arg20[%add3A_29, %dma_wait3A_756] : memref<10240x128xf32, #tpu.memory_space<vmem_shared>> -> memref<64x128xf32, #tpu.memory_space<vmem_shared>>
      %dma_wait3A_758 = arith.constant 0 : i32
      %dma_wait3A_759 = tpu.memref_slice %arg20[%add3A_29, %dma_wait3A_758] : memref<10240x128xf32, #tpu.memory_space<vmem_shared>> -> memref<64x128xf32, #tpu.memory_space<vmem_shared>>
      tpu.wait_dma2 semaphore(%run_scoped3A : memref<!tpu.dma_semaphore, #tpu.memory_space<semaphore_mem>>) src(%arg16 : memref<64x128xf32, #tpu.memory_space<vmem>>) dst(%dma_wait3A_759 : memref<64x128xf32, #tpu.memory_space<vmem_shared>>)
      tpu.yield
    }) : () -> ()
    %barrier3A = arith.constant 0 : index
    tpu.barrier barrier_id(%barrier3A)
    %get3A = arith.constant 0 : index
    %get3A_30 = tpu.vector_load %arg6[%get3A] {strides = array<i32>} : memref<5120xi32, #tpu.memory_space<vmem>>, vector<16xi32>,
    %and3A = arith.constant 65535 : i32
    %and3A_31 = vector.broadcast %and3A : i32 to vector<16xi32>
    %and3A_32 = arith.andi %get3A_30, %and3A_31 : vector<16xi32>
    %swap3A = arith.constant 0 : i32
    %swap3A_33 = arith.index_cast %swap3A : i32 to index
    %swap3A_34 = arith.constant 0 : index
    %swap3A_35 = tpu.vector_load %arg8[%swap3A_33, %swap3A_34] {strides = array<i32>} : memref<1x64xi32, #tpu.memory_space<vmem>>, vector<16xi32>,
    tpu.vector_store %arg8[%swap3A_33, %swap3A_34], %and3A_32 {strides = array<i32>} : memref<1x64xi32, #tpu.memory_space<vmem>>, vector<16xi32>,
    %shift_right_logical3A = arith.constant 16 : i32
    %shift_right_logical3A_36 = vector.broadcast %shift_right_logical3A : i32 to vector<16xi32>
    %shift_right_logical3A_37 = arith.shrui %get3A_30, %shift_right_logical3A_36 : vector<16xi32>
    %swap3A_38 = arith.constant 0 : i32
    %swap3A_39 = arith.index_cast %swap3A_38 : i32 to index
    %swap3A_40 = arith.constant 32 : index
    %swap3A_41 = tpu.vector_load %arg8[%swap3A_39, %swap3A_40] {strides = array<i32>} : memref<1x64xi32, #tpu.memory_space<vmem>>, vector<16xi32>,
    tpu.vector_store %arg8[%swap3A_39, %swap3A_40], %shift_right_logical3A_37 {strides = array<i32>} : memref<1x64xi32, #tpu.memory_space<vmem>>, vector<16xi32>,
    %get3A_42 = arith.constant 16 : index
    %get3A_43 = tpu.vector_load %arg6[%get3A_42] {strides = array<i32>} : memref<5120xi32, #tpu.memory_space<vmem>>, vector<16xi32>,
    %and3A_44 = arith.constant 65535 : i32
    %and3A_45 = vector.broadcast %and3A_44 : i32 to vector<16xi32>
    %and3A_46 = arith.andi %get3A_43, %and3A_45 : vector<16xi32>
    %swap3A_47 = arith.constant 0 : i32
    %swap3A_48 = arith.index_cast %swap3A_47 : i32 to index
    %swap3A_49 = arith.constant 16 : index
    %swap3A_50 = tpu.vector_load %arg8[%swap3A_48, %swap3A_49] {strides = array<i32>} : memref<1x64xi32, #tpu.memory_space<vmem>>, vector<16xi32>,
    tpu.vector_store %arg8[%swap3A_48, %swap3A_49], %and3A_46 {strides = array<i32>} : memref<1x64xi32, #tpu.memory_space<vmem>>, vector<16xi32>,
    %shift_right_logical3A_51 = arith.constant 16 : i32
    %shift_right_logical3A_52 = vector.broadcast %shift_right_logical3A_51 : i32 to vector<16xi32>
    %shift_right_logical3A_53 = arith.shrui %get3A_43, %shift_right_logical3A_52 : vector<16xi32>
    %swap3A_54 = arith.constant 0 : i32
    %swap3A_55 = arith.index_cast %swap3A_54 : i32 to index
    %swap3A_56 = arith.constant 48 : index
    %swap3A_57 = tpu.vector_load %arg8[%swap3A_55, %swap3A_56] {strides = array<i32>} : memref<1x64xi32, #tpu.memory_space<vmem>>, vector<16xi32>,
    tpu.vector_store %arg8[%swap3A_55, %swap3A_56], %shift_right_logical3A_53 {strides = array<i32>} : memref<1x64xi32, #tpu.memory_space<vmem>>, vector<16xi32>,
    %dma_start3A = arith.constant 0 : i32
    %dma_start3A_58 = arith.constant 0 : i32
    %dma_start3A_59 = tpu.memref_slice %arg8[%dma_start3A, %dma_start3A_58] : memref<1x64xi32, #tpu.memory_space<vmem>> -> memref<1x64xi32, #tpu.memory_space<vmem>>
    %dma_start3A_60 = tpu.memref_squeeze %dma_start3A_59 : memref<1x64xi32, #tpu.memory_space<vmem>> -> memref<64xi32, #tpu.memory_space<vmem>>
    %dma_start3A_61 = arith.constant 0 : i32
    %dma_start3A_62 = arith.constant 0 : i32
    %dma_start3A_63 = tpu.memref_slice %arg2[%dma_start3A_61, %dma_start3A_62] : memref<10000x128xf32, #tpu.memory_space<hbm>> -> memref<10000x128xf32, #tpu.memory_space<hbm>>
    tpu.enqueue_indirect_dma source(%dma_start3A_63 : memref<10000x128xf32, #tpu.memory_space<hbm>>) target(%arg16 : memref<64x128xf32, #tpu.memory_space<vmem>>) offsets(%dma_start3A_60 : memref<64xi32, #tpu.memory_space<vmem>>) semaphore(%arg21 : memref<!tpu.dma_semaphore, #tpu.memory_space<semaphore_mem>>)
    %get3A_64 = arith.constant 32 : index
    %get3A_65 = tpu.vector_load %arg6[%get3A_64] {strides = array<i32>} : memref<5120xi32, #tpu.memory_space<vmem>>, vector<16xi32>,
    %and3A_66 = arith.constant 65535 : i32
    %and3A_67 = vector.broadcast %and3A_66 : i32 to vector<16xi32>
    %and3A_68 = arith.andi %get3A_65, %and3A_67 : vector<16xi32>
    %swap3A_69 = arith.constant 0 : i32
    %swap3A_70 = arith.index_cast %swap3A_69 : i32 to index
    %swap3A_71 = arith.constant 0 : index
    %swap3A_72 = tpu.vector_load %arg9[%swap3A_70, %swap3A_71] {strides = array<i32>} : memref<1x64xi32, #tpu.memory_space<vmem>>, vector<16xi32>,
    tpu.vector_store %arg9[%swap3A_70, %swap3A_71], %and3A_68 {strides = array<i32>} : memref<1x64xi32, #tpu.memory_space<vmem>>, vector<16xi32>,
    %shift_right_logical3A_73 = arith.constant 16 : i32
    %shift_right_logical3A_74 = vector.broadcast %shift_right_logical3A_73 : i32 to vector<16xi32>
    %shift_right_logical3A_75 = arith.shrui %get3A_65, %shift_right_logical3A_74 : vector<16xi32>
    %swap3A_76 = arith.constant 0 : i32
    %swap3A_77 = arith.index_cast %swap3A_76 : i32 to index
    %swap3A_78 = arith.constant 32 : index
    %swap3A_79 = tpu.vector_load %arg9[%swap3A_77, %swap3A_78] {strides = array<i32>} : memref<1x64xi32, #tpu.memory_space<vmem>>, vector<16xi32>,
    tpu.vector_store %arg9[%swap3A_77, %swap3A_78], %shift_right_logical3A_75 {strides = array<i32>} : memref<1x64xi32, #tpu.memory_space<vmem>>, vector<16xi32>,
    %get3A_80 = arith.constant 48 : index
    %get3A_81 = tpu.vector_load %arg6[%get3A_80] {strides = array<i32>} : memref<5120xi32, #tpu.memory_space<vmem>>, vector<16xi32>,
    %and3A_82 = arith.constant 65535 : i32
    %and3A_83 = vector.broadcast %and3A_82 : i32 to vector<16xi32>
    %and3A_84 = arith.andi %get3A_81, %and3A_83 : vector<16xi32>
    %swap3A_85 = arith.constant 0 : i32
    %swap3A_86 = arith.index_cast %swap3A_85 : i32 to index
    %swap3A_87 = arith.constant 16 : index
    %swap3A_88 = tpu.vector_load %arg9[%swap3A_86, %swap3A_87] {strides = array<i32>} : memref<1x64xi32, #tpu.memory_space<vmem>>, vector<16xi32>,
    tpu.vector_store %arg9[%swap3A_86, %swap3A_87], %and3A_84 {strides = array<i32>} : memref<1x64xi32, #tpu.memory_space<vmem>>, vector<16xi32>,
    %shift_right_logical3A_89 = arith.constant 16 : i32
    %shift_right_logical3A_90 = vector.broadcast %shift_right_logical3A_89 : i32 to vector<16xi32>
    %shift_right_logical3A_91 = arith.shrui %get3A_81, %shift_right_logical3A_90 : vector<16xi32>
    %swap3A_92 = arith.constant 0 : i32
    %swap3A_93 = arith.index_cast %swap3A_92 : i32 to index
    %swap3A_94 = arith.constant 48 : index
    %swap3A_95 = tpu.vector_load %arg9[%swap3A_93, %swap3A_94] {strides = array<i32>} : memref<1x64xi32, #tpu.memory_space<vmem>>, vector<16xi32>,
    tpu.vector_store %arg9[%swap3A_93, %swap3A_94], %shift_right_logical3A_91 {strides = array<i32>} : memref<1x64xi32, #tpu.memory_space<vmem>>, vector<16xi32>,
    %dma_start3A_96 = arith.constant 0 : i32
    %dma_start3A_97 = arith.constant 0 : i32
    %dma_start3A_98 = tpu.memref_slice %arg9[%dma_start3A_96, %dma_start3A_97] : memref<1x64xi32, #tpu.memory_space<vmem>> -> memref<1x64xi32, #tpu.memory_space<vmem>>
    %dma_start3A_99 = tpu.memref_squeeze %dma_start3A_98 : memref<1x64xi32, #tpu.memory_space<vmem>> -> memref<64xi32, #tpu.memory_space<vmem>>
    %dma_start3A_100 = arith.constant 0 : i32
    %dma_start3A_101 = arith.constant 0 : i32
    %dma_start3A_102 = tpu.memref_slice %arg2[%dma_start3A_100, %dma_start3A_101] : memref<10000x128xf32, #tpu.memory_space<hbm>> -> memref<10000x128xf32, #tpu.memory_space<hbm>>
    tpu.enqueue_indirect_dma source(%dma_start3A_102 : memref<10000x128xf32, #tpu.memory_space<hbm>>) target(%arg17 : memref<64x128xf32, #tpu.memory_space<vmem>>) offsets(%dma_start3A_99 : memref<64xi32, #tpu.memory_space<vmem>>) semaphore(%arg22 : memref<!tpu.dma_semaphore, #tpu.memory_space<semaphore_mem>>)
    %dma_wait3A = arith.constant 0 : i32
    %dma_wait3A_103 = arith.constant 0 : i32
    %dma_wait3A_104 = tpu.memref_slice %arg2[%dma_wait3A, %dma_wait3A_103] : memref<10000x128xf32, #tpu.memory_space<hbm>> -> memref<64x128xf32, #tpu.memory_space<hbm>>
    %dma_wait3A_105 = arith.constant 0 : i32
    %dma_wait3A_106 = arith.constant 0 : i32
    %dma_wait3A_107 = tpu.memref_slice %arg2[%dma_wait3A_105, %dma_wait3A_106] : memref<10000x128xf32, #tpu.memory_space<hbm>> -> memref<64x128xf32, #tpu.memory_space<hbm>>
    tpu.wait_dma2 semaphore(%arg21 : memref<!tpu.dma_semaphore, #tpu.memory_space<semaphore_mem>>) src(%dma_wait3A_107 : memref<64x128xf32, #tpu.memory_space<hbm>>) dst(%arg16 : memref<64x128xf32, #tpu.memory_space<vmem>>)
    %get3A_108 = arith.constant 64 : index
    %get3A_109 = tpu.vector_load %arg6[%get3A_108] {strides = array<i32>} : memref<5120xi32, #tpu.memory_space<vmem>>, vector<16xi32>,
    %and3A_110 = arith.constant 65535 : i32
    %and3A_111 = vector.broadcast %and3A_110 : i32 to vector<16xi32>
    %and3A_112 = arith.andi %get3A_109, %and3A_111 : vector<16xi32>
    %swap3A_113 = arith.constant 0 : i32
    %swap3A_114 = arith.index_cast %swap3A_113 : i32 to index
    %swap3A_115 = arith.constant 0 : index
    %swap3A_116 = tpu.vector_load %arg10[%swap3A_114, %swap3A_115] {strides = array<i32>} : memref<1x64xi32, #tpu.memory_space<vmem>>, vector<16xi32>,
    tpu.vector_store %arg10[%swap3A_114, %swap3A_115], %and3A_112 {strides = array<i32>} : memref<1x64xi32, #tpu.memory_space<vmem>>, vector<16xi32>,
    %shift_right_logical3A_117 = arith.constant 16 : i32
    %shift_right_logical3A_118 = vector.broadcast %shift_right_logical3A_117 : i32 to vector<16xi32>
    %shift_right_logical3A_119 = arith.shrui %get3A_109, %shift_right_logical3A_118 : vector<16xi32>
    %swap3A_120 = arith.constant 0 : i32
    %swap3A_121 = arith.index_cast %swap3A_120 : i32 to index
    %swap3A_122 = arith.constant 32 : index
    %swap3A_123 = tpu.vector_load %arg10[%swap3A_121, %swap3A_122] {strides = array<i32>} : memref<1x64xi32, #tpu.memory_space<vmem>>, vector<16xi32>,
    tpu.vector_store %arg10[%swap3A_121, %swap3A_122], %shift_right_logical3A_119 {strides = array<i32>} : memref<1x64xi32, #tpu.memory_space<vmem>>, vector<16xi32>,
    %get3A_124 = arith.constant 80 : index
    %get3A_125 = tpu.vector_load %arg6[%get3A_124] {strides = array<i32>} : memref<5120xi32, #tpu.memory_space<vmem>>, vector<16xi32>,
    %and3A_126 = arith.constant 65535 : i32
    %and3A_127 = vector.broadcast %and3A_126 : i32 to vector<16xi32>
    %and3A_128 = arith.andi %get3A_125, %and3A_127 : vector<16xi32>
    %swap3A_129 = arith.constant 0 : i32
    %swap3A_130 = arith.index_cast %swap3A_129 : i32 to index
    %swap3A_131 = arith.constant 16 : index
    %swap3A_132 = tpu.vector_load %arg10[%swap3A_130, %swap3A_131] {strides = array<i32>} : memref<1x64xi32, #tpu.memory_space<vmem>>, vector<16xi32>,
    tpu.vector_store %arg10[%swap3A_130, %swap3A_131], %and3A_128 {strides = array<i32>} : memref<1x64xi32, #tpu.memory_space<vmem>>, vector<16xi32>,
    %shift_right_logical3A_133 = arith.constant 16 : i32
    %shift_right_logical3A_134 = vector.broadcast %shift_right_logical3A_133 : i32 to vector<16xi32>
    %shift_right_logical3A_135 = arith.shrui %get3A_125, %shift_right_logical3A_134 : vector<16xi32>
    %swap3A_136 = arith.constant 0 : i32
    %swap3A_137 = arith.index_cast %swap3A_136 : i32 to index
    %swap3A_138 = arith.constant 48 : index
    %swap3A_139 = tpu.vector_load %arg10[%swap3A_137, %swap3A_138] {strides = array<i32>} : memref<1x64xi32, #tpu.memory_space<vmem>>, vector<16xi32>,
    tpu.vector_store %arg10[%swap3A_137, %swap3A_138], %shift_right_logical3A_135 {strides = array<i32>} : memref<1x64xi32, #tpu.memory_space<vmem>>, vector<16xi32>,
    %dma_start3A_140 = arith.constant 0 : i32
    %dma_start3A_141 = arith.constant 0 : i32
    %dma_start3A_142 = tpu.memref_slice %arg10[%dma_start3A_140, %dma_start3A_141] : memref<1x64xi32, #tpu.memory_space<vmem>> -> memref<1x64xi32, #tpu.memory_space<vmem>>
    %dma_start3A_143 = tpu.memref_squeeze %dma_start3A_142 : memref<1x64xi32, #tpu.memory_space<vmem>> -> memref<64xi32, #tpu.memory_space<vmem>>
    %dma_start3A_144 = arith.constant 0 : i32
    %dma_start3A_145 = arith.constant 0 : i32
    %dma_start3A_146 = tpu.memref_slice %arg2[%dma_start3A_144, %dma_start3A_145] : memref<10000x128xf32, #tpu.memory_space<hbm>> -> memref<10000x128xf32, #tpu.memory_space<hbm>>
    tpu.enqueue_indirect_dma source(%dma_start3A_146 : memref<10000x128xf32, #tpu.memory_space<hbm>>) target(%arg18 : memref<64x128xf32, #tpu.memory_space<vmem>>) offsets(%dma_start3A_143 : memref<64xi32, #tpu.memory_space<vmem>>) semaphore(%arg23 : memref<!tpu.dma_semaphore, #tpu.memory_space<semaphore_mem>>)
    %get3A_147 = arith.constant 0 : index
    %get3A_148 = tpu.vector_load %arg7[%get3A_147] {strides = array<i32>} : memref<5120xi32, #tpu.memory_space<vmem>>, vector<16xi32>,
    %and3A_149 = arith.constant 65535 : i32
    %and3A_150 = vector.broadcast %and3A_149 : i32 to vector<16xi32>
    %and3A_151 = arith.andi %get3A_148, %and3A_150 : vector<16xi32>
    %swap3A_152 = arith.constant 0 : i32
    %swap3A_153 = arith.index_cast %swap3A_152 : i32 to index
    %swap3A_154 = arith.constant 0 : index
    %swap3A_155 = tpu.vector_load %arg12[%swap3A_153, %swap3A_154] {strides = array<i32>} : memref<1x64xi32, #tpu.memory_space<vmem>>, vector<16xi32>,
    tpu.vector_store %arg12[%swap3A_153, %swap3A_154], %and3A_151 {strides = array<i32>} : memref<1x64xi32, #tpu.memory_space<vmem>>, vector<16xi32>,
    %shift_right_logical3A_156 = arith.constant 16 : i32
    %shift_right_logical3A_157 = vector.broadcast %shift_right_logical3A_156 : i32 to vector<16xi32>
    %shift_right_logical3A_158 = arith.shrui %get3A_148, %shift_right_logical3A_157 : vector<16xi32>
    %swap3A_159 = arith.constant 0 : i32
    %swap3A_160 = arith.index_cast %swap3A_159 : i32 to index
    %swap3A_161 = arith.constant 32 : index
    %swap3A_162 = tpu.vector_load %arg12[%swap3A_160, %swap3A_161] {strides = array<i32>} : memref<1x64xi32, #tpu.memory_space<vmem>>, vector<16xi32>,
    tpu.vector_store %arg12[%swap3A_160, %swap3A_161], %shift_right_logical3A_158 {strides = array<i32>} : memref<1x64xi32, #tpu.memory_space<vmem>>, vector<16xi32>,
    %get3A_163 = arith.constant 16 : index
    %get3A_164 = tpu.vector_load %arg7[%get3A_163] {strides = array<i32>} : memref<5120xi32, #tpu.memory_space<vmem>>, vector<16xi32>,
    %and3A_165 = arith.constant 65535 : i32
    %and3A_166 = vector.broadcast %and3A_165 : i32 to vector<16xi32>
    %and3A_167 = arith.andi %get3A_164, %and3A_166 : vector<16xi32>
    %swap3A_168 = arith.constant 0 : i32
    %swap3A_169 = arith.index_cast %swap3A_168 : i32 to index
    %swap3A_170 = arith.constant 16 : index
    %swap3A_171 = tpu.vector_load %arg12[%swap3A_169, %swap3A_170] {strides = array<i32>} : memref<1x64xi32, #tpu.memory_space<vmem>>, vector<16xi32>,
    tpu.vector_store %arg12[%swap3A_169, %swap3A_170], %and3A_167 {strides = array<i32>} : memref<1x64xi32, #tpu.memory_space<vmem>>, vector<16xi32>,
    %shift_right_logical3A_172 = arith.constant 16 : i32
    %shift_right_logical3A_173 = vector.broadcast %shift_right_logical3A_172 : i32 to vector<16xi32>
    %shift_right_logical3A_174 = arith.shrui %get3A_164, %shift_right_logical3A_173 : vector<16xi32>
    %swap3A_175 = arith.constant 0 : i32
    %swap3A_176 = arith.index_cast %swap3A_175 : i32 to index
    %swap3A_177 = arith.constant 48 : index
    %swap3A_178 = tpu.vector_load %arg12[%swap3A_176, %swap3A_177] {strides = array<i32>} : memref<1x64xi32, #tpu.memory_space<vmem>>, vector<16xi32>,
    tpu.vector_store %arg12[%swap3A_176, %swap3A_177], %shift_right_logical3A_174 {strides = array<i32>} : memref<1x64xi32, #tpu.memory_space<vmem>>, vector<16xi32>,
    %dma_start3A_179 = arith.constant 0 : i32
    %dma_start3A_180 = arith.constant 0 : i32
    %dma_start3A_181 = tpu.memref_slice %arg12[%dma_start3A_179, %dma_start3A_180] : memref<1x64xi32, #tpu.memory_space<vmem>> -> memref<1x64xi32, #tpu.memory_space<vmem>>
    %dma_start3A_182 = tpu.memref_squeeze %dma_start3A_181 : memref<1x64xi32, #tpu.memory_space<vmem>> -> memref<64xi32, #tpu.memory_space<vmem>>
    %dma_start3A_183 = arith.constant 0 : i32
    %dma_start3A_184 = arith.constant 0 : i32
    %dma_start3A_185 = tpu.memref_slice %arg20[%dma_start3A_183, %dma_start3A_184] : memref<10240x128xf32, #tpu.memory_space<vmem_shared>> -> memref<10240x128xf32, #tpu.memory_space<vmem_shared>>
    tpu.enqueue_indirect_dma source(%arg16 : memref<64x128xf32, #tpu.memory_space<vmem>>) target(%dma_start3A_185 : memref<10240x128xf32, #tpu.memory_space<vmem_shared>>) offsets(%dma_start3A_182 : memref<64xi32, #tpu.memory_space<vmem>>) semaphore(%arg25 : memref<!tpu.dma_semaphore, #tpu.memory_space<semaphore_mem>>) {add = true}
    %dma_wait3A_186 = arith.constant 0 : i32
    %dma_wait3A_187 = arith.constant 0 : i32
    %dma_wait3A_188 = tpu.memref_slice %arg2[%dma_wait3A_186, %dma_wait3A_187] : memref<10000x128xf32, #tpu.memory_space<hbm>> -> memref<64x128xf32, #tpu.memory_space<hbm>>
    %dma_wait3A_189 = arith.constant 0 : i32
    %dma_wait3A_190 = arith.constant 0 : i32
    %dma_wait3A_191 = tpu.memref_slice %arg2[%dma_wait3A_189, %dma_wait3A_190] : memref<10000x128xf32, #tpu.memory_space<hbm>> -> memref<64x128xf32, #tpu.memory_space<hbm>>
    tpu.wait_dma2 semaphore(%arg22 : memref<!tpu.dma_semaphore, #tpu.memory_space<semaphore_mem>>) src(%dma_wait3A_191 : memref<64x128xf32, #tpu.memory_space<hbm>>) dst(%arg17 : memref<64x128xf32, #tpu.memory_space<vmem>>)
    %get3A_192 = arith.constant 96 : index
    %get3A_193 = tpu.vector_load %arg6[%get3A_192] {strides = array<i32>} : memref<5120xi32, #tpu.memory_space<vmem>>, vector<16xi32>,
    %and3A_194 = arith.constant 65535 : i32
    %and3A_195 = vector.broadcast %and3A_194 : i32 to vector<16xi32>
    %and3A_196 = arith.andi %get3A_193, %and3A_195 : vector<16xi32>
    %swap3A_197 = arith.constant 0 : i32
    %swap3A_198 = arith.index_cast %swap3A_197 : i32 to index
    %swap3A_199 = arith.constant 0 : index
    %swap3A_200 = tpu.vector_load %arg11[%swap3A_198, %swap3A_199] {strides = array<i32>} : memref<1x64xi32, #tpu.memory_space<vmem>>, vector<16xi32>,
    tpu.vector_store %arg11[%swap3A_198, %swap3A_199], %and3A_196 {strides = array<i32>} : memref<1x64xi32, #tpu.memory_space<vmem>>, vector<16xi32>,
    %shift_right_logical3A_201 = arith.constant 16 : i32
    %shift_right_logical3A_202 = vector.broadcast %shift_right_logical3A_201 : i32 to vector<16xi32>
    %shift_right_logical3A_203 = arith.shrui %get3A_193, %shift_right_logical3A_202 : vector<16xi32>
    %swap3A_204 = arith.constant 0 : i32
    %swap3A_205 = arith.index_cast %swap3A_204 : i32 to index
    %swap3A_206 = arith.constant 32 : index
    %swap3A_207 = tpu.vector_load %arg11[%swap3A_205, %swap3A_206] {strides = array<i32>} : memref<1x64xi32, #tpu.memory_space<vmem>>, vector<16xi32>,
    tpu.vector_store %arg11[%swap3A_205, %swap3A_206], %shift_right_logical3A_203 {strides = array<i32>} : memref<1x64xi32, #tpu.memory_space<vmem>>, vector<16xi32>,
    %get3A_208 = arith.constant 112 : index
    %get3A_209 = tpu.vector_load %arg6[%get3A_208] {strides = array<i32>} : memref<5120xi32, #tpu.memory_space<vmem>>, vector<16xi32>,
    %and3A_210 = arith.constant 65535 : i32
    %and3A_211 = vector.broadcast %and3A_210 : i32 to vector<16xi32>
    %and3A_212 = arith.andi %get3A_209, %and3A_211 : vector<16xi32>
    %swap3A_213 = arith.constant 0 : i32
    %swap3A_214 = arith.index_cast %swap3A_213 : i32 to index
    %swap3A_215 = arith.constant 16 : index
    %swap3A_216 = tpu.vector_load %arg11[%swap3A_214, %swap3A_215] {strides = array<i32>} : memref<1x64xi32, #tpu.memory_space<vmem>>, vector<16xi32>,
    tpu.vector_store %arg11[%swap3A_214, %swap3A_215], %and3A_212 {strides = array<i32>} : memref<1x64xi32, #tpu.memory_space<vmem>>, vector<16xi32>,
    %shift_right_logical3A_217 = arith.constant 16 : i32
    %shift_right_logical3A_218 = vector.broadcast %shift_right_logical3A_217 : i32 to vector<16xi32>
    %shift_right_logical3A_219 = arith.shrui %get3A_209, %shift_right_logical3A_218 : vector<16xi32>
    %swap3A_220 = arith.constant 0 : i32
    %swap3A_221 = arith.index_cast %swap3A_220 : i32 to index
    %swap3A_222 = arith.constant 48 : index
    %swap3A_223 = tpu.vector_load %arg11[%swap3A_221, %swap3A_222] {strides = array<i32>} : memref<1x64xi32, #tpu.memory_space<vmem>>, vector<16xi32>,
    tpu.vector_store %arg11[%swap3A_221, %swap3A_222], %shift_right_logical3A_219 {strides = array<i32>} : memref<1x64xi32, #tpu.memory_space<vmem>>, vector<16xi32>,
    %dma_start3A_224 = arith.constant 0 : i32
    %dma_start3A_225 = arith.constant 0 : i32
    %dma_start3A_226 = tpu.memref_slice %arg11[%dma_start3A_224, %dma_start3A_225] : memref<1x64xi32, #tpu.memory_space<vmem>> -> memref<1x64xi32, #tpu.memory_space<vmem>>
    %dma_start3A_227 = tpu.memref_squeeze %dma_start3A_226 : memref<1x64xi32, #tpu.memory_space<vmem>> -> memref<64xi32, #tpu.memory_space<vmem>>
    %dma_start3A_228 = arith.constant 0 : i32
    %dma_start3A_229 = arith.constant 0 : i32
    %dma_start3A_230 = tpu.memref_slice %arg2[%dma_start3A_228, %dma_start3A_229] : memref<10000x128xf32, #tpu.memory_space<hbm>> -> memref<10000x128xf32, #tpu.memory_space<hbm>>
    tpu.enqueue_indirect_dma source(%dma_start3A_230 : memref<10000x128xf32, #tpu.memory_space<hbm>>) target(%arg19 : memref<64x128xf32, #tpu.memory_space<vmem>>) offsets(%dma_start3A_227 : memref<64xi32, #tpu.memory_space<vmem>>) semaphore(%arg24 : memref<!tpu.dma_semaphore, #tpu.memory_space<semaphore_mem>>)
    %get3A_231 = arith.constant 32 : index
    %get3A_232 = tpu.vector_load %arg7[%get3A_231] {strides = array<i32>} : memref<5120xi32, #tpu.memory_space<vmem>>, vector<16xi32>,
    %and3A_233 = arith.constant 65535 : i32
    %and3A_234 = vector.broadcast %and3A_233 : i32 to vector<16xi32>
    %and3A_235 = arith.andi %get3A_232, %and3A_234 : vector<16xi32>
    %swap3A_236 = arith.constant 0 : i32
    %swap3A_237 = arith.index_cast %swap3A_236 : i32 to index
    %swap3A_238 = arith.constant 0 : index
    %swap3A_239 = tpu.vector_load %arg13[%swap3A_237, %swap3A_238] {strides = array<i32>} : memref<1x64xi32, #tpu.memory_space<vmem>>, vector<16xi32>,
    tpu.vector_store %arg13[%swap3A_237, %swap3A_238], %and3A_235 {strides = array<i32>} : memref<1x64xi32, #tpu.memory_space<vmem>>, vector<16xi32>,
    %shift_right_logical3A_240 = arith.constant 16 : i32
    %shift_right_logical3A_241 = vector.broadcast %shift_right_logical3A_240 : i32 to vector<16xi32>
    %shift_right_logical3A_242 = arith.shrui %get3A_232, %shift_right_logical3A_241 : vector<16xi32>
    %swap3A_243 = arith.constant 0 : i32
    %swap3A_244 = arith.index_cast %swap3A_243 : i32 to index
    %swap3A_245 = arith.constant 32 : index
    %swap3A_246 = tpu.vector_load %arg13[%swap3A_244, %swap3A_245] {strides = array<i32>} : memref<1x64xi32, #tpu.memory_space<vmem>>, vector<16xi32>,
    tpu.vector_store %arg13[%swap3A_244, %swap3A_245], %shift_right_logical3A_242 {strides = array<i32>} : memref<1x64xi32, #tpu.memory_space<vmem>>, vector<16xi32>,
    %get3A_247 = arith.constant 48 : index
    %get3A_248 = tpu.vector_load %arg7[%get3A_247] {strides = array<i32>} : memref<5120xi32, #tpu.memory_space<vmem>>, vector<16xi32>,
    %and3A_249 = arith.constant 65535 : i32
    %and3A_250 = vector.broadcast %and3A_249 : i32 to vector<16xi32>
    %and3A_251 = arith.andi %get3A_248, %and3A_250 : vector<16xi32>
    %swap3A_252 = arith.constant 0 : i32
    %swap3A_253 = arith.index_cast %swap3A_252 : i32 to index
    %swap3A_254 = arith.constant 16 : index
    %swap3A_255 = tpu.vector_load %arg13[%swap3A_253, %swap3A_254] {strides = array<i32>} : memref<1x64xi32, #tpu.memory_space<vmem>>, vector<16xi32>,
    tpu.vector_store %arg13[%swap3A_253, %swap3A_254], %and3A_251 {strides = array<i32>} : memref<1x64xi32, #tpu.memory_space<vmem>>, vector<16xi32>,
    %shift_right_logical3A_256 = arith.constant 16 : i32
    %shift_right_logical3A_257 = vector.broadcast %shift_right_logical3A_256 : i32 to vector<16xi32>
    %shift_right_logical3A_258 = arith.shrui %get3A_248, %shift_right_logical3A_257 : vector<16xi32>
    %swap3A_259 = arith.constant 0 : i32
    %swap3A_260 = arith.index_cast %swap3A_259 : i32 to index
    %swap3A_261 = arith.constant 48 : index
    %swap3A_262 = tpu.vector_load %arg13[%swap3A_260, %swap3A_261] {strides = array<i32>} : memref<1x64xi32, #tpu.memory_space<vmem>>, vector<16xi32>,
    tpu.vector_store %arg13[%swap3A_260, %swap3A_261], %shift_right_logical3A_258 {strides = array<i32>} : memref<1x64xi32, #tpu.memory_space<vmem>>, vector<16xi32>,
    %dma_start3A_263 = arith.constant 0 : i32
    %dma_start3A_264 = arith.constant 0 : i32
    %dma_start3A_265 = tpu.memref_slice %arg13[%dma_start3A_263, %dma_start3A_264] : memref<1x64xi32, #tpu.memory_space<vmem>> -> memref<1x64xi32, #tpu.memory_space<vmem>>
    %dma_start3A_266 = tpu.memref_squeeze %dma_start3A_265 : memref<1x64xi32, #tpu.memory_space<vmem>> -> memref<64xi32, #tpu.memory_space<vmem>>
    %dma_start3A_267 = arith.constant 0 : i32
    %dma_start3A_268 = arith.constant 0 : i32
    %dma_start3A_269 = tpu.memref_slice %arg20[%dma_start3A_267, %dma_start3A_268] : memref<10240x128xf32, #tpu.memory_space<vmem_shared>> -> memref<10240x128xf32, #tpu.memory_space<vmem_shared>>
    tpu.enqueue_indirect_dma source(%arg17 : memref<64x128xf32, #tpu.memory_space<vmem>>) target(%dma_start3A_269 : memref<10240x128xf32, #tpu.memory_space<vmem_shared>>) offsets(%dma_start3A_266 : memref<64xi32, #tpu.memory_space<vmem>>) semaphore(%arg26 : memref<!tpu.dma_semaphore, #tpu.memory_space<semaphore_mem>>) {add = true}
    %scan3A_270 = arith.constant 0 : i32
    %scan3A_271 = arith.constant 0 : i32
    %scan3A_272 = arith.constant 38 : i32
    %scan3A_273 = arith.addi %scan3A_271, %scan3A_272 : i32
    %scan3A_274 = arith.constant 1 : i32
    %scan3A_275 = scf.for %scan3A_752 = %scan3A_271 to %scan3A_273 step %scan3A_274 iter_args(%scan3A_753 = %scan3A_270) -> (i32)  : i32 {
      %mul3A_754 = arith.constant 4 : i32
      %mul3A_755 = arith.muli %mul3A_754, %scan3A_752 : i32
      %add3A_756 = arith.constant 2 : i32
      %add3A_757 = arith.addi %add3A_756, %mul3A_755 : i32
      %dma_wait3A_758 = arith.constant 0 : i32
      %dma_wait3A_759 = arith.constant 0 : i32
      %dma_wait3A_760 = tpu.memref_slice %arg2[%dma_wait3A_758, %dma_wait3A_759] : memref<10000x128xf32, #tpu.memory_space<hbm>> -> memref<64x128xf32, #tpu.memory_space<hbm>>
      %dma_wait3A_761 = arith.constant 0 : i32
      %dma_wait3A_762 = arith.constant 0 : i32
      %dma_wait3A_763 = tpu.memref_slice %arg2[%dma_wait3A_761, %dma_wait3A_762] : memref<10000x128xf32, #tpu.memory_space<hbm>> -> memref<64x128xf32, #tpu.memory_space<hbm>>
      tpu.wait_dma2 semaphore(%arg23 : memref<!tpu.dma_semaphore, #tpu.memory_space<semaphore_mem>>) src(%dma_wait3A_763 : memref<64x128xf32, #tpu.memory_space<hbm>>) dst(%arg18 : memref<64x128xf32, #tpu.memory_space<vmem>>)
      %dma_wait3A_764 = arith.constant 0 : i32
      %dma_wait3A_765 = arith.constant 0 : i32
      %dma_wait3A_766 = tpu.memref_slice %arg20[%dma_wait3A_764, %dma_wait3A_765] : memref<10240x128xf32, #tpu.memory_space<vmem_shared>> -> memref<64x128xf32, #tpu.memory_space<vmem_shared>>
      %dma_wait3A_767 = arith.constant 0 : i32
      %dma_wait3A_768 = arith.constant 0 : i32
      %dma_wait3A_769 = tpu.memref_slice %arg20[%dma_wait3A_767, %dma_wait3A_768] : memref<10240x128xf32, #tpu.memory_space<vmem_shared>> -> memref<64x128xf32, #tpu.memory_space<vmem_shared>>
      tpu.wait_dma2 semaphore(%arg25 : memref<!tpu.dma_semaphore, #tpu.memory_space<semaphore_mem>>) src(%arg16 : memref<64x128xf32, #tpu.memory_space<vmem>>) dst(%dma_wait3A_769 : memref<64x128xf32, #tpu.memory_space<vmem_shared>>)
      %add3A_770 = arith.constant 2 : i32
      %add3A_771 = arith.addi %add3A_757, %add3A_770 : i32
      %mul3A_772 = arith.constant 32 : i32
      %mul3A_773 = arith.muli %add3A_771, %mul3A_772 : i32
      %add3A_774 = arith.constant 0 : i32
      %add3A_775 = arith.addi %mul3A_773, %add3A_774 : i32
      %get3A_776 = arith.index_cast %add3A_775 : i32 to index
      %get3A_777 = tpu.vector_load %arg6[%get3A_776] {strides = array<i32>} : memref<5120xi32, #tpu.memory_space<vmem>>, vector<16xi32>,
      %and3A_778 = arith.constant 65535 : i32
      %and3A_779 = vector.broadcast %and3A_778 : i32 to vector<16xi32>
      %and3A_780 = arith.andi %get3A_777, %and3A_779 : vector<16xi32>
      %swap3A_781 = arith.constant 0 : i32
      %swap3A_782 = arith.index_cast %swap3A_781 : i32 to index
      %swap3A_783 = arith.constant 0 : index
      %swap3A_784 = tpu.vector_load %arg8[%swap3A_782, %swap3A_783] {strides = array<i32>} : memref<1x64xi32, #tpu.memory_space<vmem>>, vector<16xi32>,
      tpu.vector_store %arg8[%swap3A_782, %swap3A_783], %and3A_780 {strides = array<i32>} : memref<1x64xi32, #tpu.memory_space<vmem>>, vector<16xi32>,
      %shift_right_logical3A_785 = arith.constant 16 : i32
      %shift_right_logical3A_786 = vector.broadcast %shift_right_logical3A_785 : i32 to vector<16xi32>
      %shift_right_logical3A_787 = arith.shrui %get3A_777, %shift_right_logical3A_786 : vector<16xi32>
      %swap3A_788 = arith.constant 0 : i32
      %swap3A_789 = arith.index_cast %swap3A_788 : i32 to index
      %swap3A_790 = arith.constant 32 : index
      %swap3A_791 = tpu.vector_load %arg8[%swap3A_789, %swap3A_790] {strides = array<i32>} : memref<1x64xi32, #tpu.memory_space<vmem>>, vector<16xi32>,
      tpu.vector_store %arg8[%swap3A_789, %swap3A_790], %shift_right_logical3A_787 {strides = array<i32>} : memref<1x64xi32, #tpu.memory_space<vmem>>, vector<16xi32>,
      %mul3A_792 = arith.constant 32 : i32
      %mul3A_793 = arith.muli %add3A_771, %mul3A_792 : i32
      %add3A_794 = arith.constant 16 : i32
      %add3A_795 = arith.addi %mul3A_793, %add3A_794 : i32
      %get3A_796 = arith.index_cast %add3A_795 : i32 to index
      %get3A_797 = tpu.vector_load %arg6[%get3A_796] {strides = array<i32>} : memref<5120xi32, #tpu.memory_space<vmem>>, vector<16xi32>,
      %and3A_798 = arith.constant 65535 : i32
      %and3A_799 = vector.broadcast %and3A_798 : i32 to vector<16xi32>
      %and3A_800 = arith.andi %get3A_797, %and3A_799 : vector<16xi32>
      %swap3A_801 = arith.constant 0 : i32
      %swap3A_802 = arith.index_cast %swap3A_801 : i32 to index
      %swap3A_803 = arith.constant 16 : index
      %swap3A_804 = tpu.vector_load %arg8[%swap3A_802, %swap3A_803] {strides = array<i32>} : memref<1x64xi32, #tpu.memory_space<vmem>>, vector<16xi32>,
      tpu.vector_store %arg8[%swap3A_802, %swap3A_803], %and3A_800 {strides = array<i32>} : memref<1x64xi32, #tpu.memory_space<vmem>>, vector<16xi32>,
      %shift_right_logical3A_805 = arith.constant 16 : i32
      %shift_right_logical3A_806 = vector.broadcast %shift_right_logical3A_805 : i32 to vector<16xi32>
      %shift_right_logical3A_807 = arith.shrui %get3A_797, %shift_right_logical3A_806 : vector<16xi32>
      %swap3A_808 = arith.constant 0 : i32
      %swap3A_809 = arith.index_cast %swap3A_808 : i32 to index
      %swap3A_810 = arith.constant 48 : index
      %swap3A_811 = tpu.vector_load %arg8[%swap3A_809, %swap3A_810] {strides = array<i32>} : memref<1x64xi32, #tpu.memory_space<vmem>>, vector<16xi32>,
      tpu.vector_store %arg8[%swap3A_809, %swap3A_810], %shift_right_logical3A_807 {strides = array<i32>} : memref<1x64xi32, #tpu.memory_space<vmem>>, vector<16xi32>,
      %dma_start3A_812 = arith.constant 0 : i32
      %dma_start3A_813 = arith.constant 0 : i32
      %dma_start3A_814 = tpu.memref_slice %arg8[%dma_start3A_812, %dma_start3A_813] : memref<1x64xi32, #tpu.memory_space<vmem>> -> memref<1x64xi32, #tpu.memory_space<vmem>>
      %dma_start3A_815 = tpu.memref_squeeze %dma_start3A_814 : memref<1x64xi32, #tpu.memory_space<vmem>> -> memref<64xi32, #tpu.memory_space<vmem>>
      %dma_start3A_816 = arith.constant 0 : i32
      %dma_start3A_817 = arith.constant 0 : i32
      %dma_start3A_818 = tpu.memref_slice %arg2[%dma_start3A_816, %dma_start3A_817] : memref<10000x128xf32, #tpu.memory_space<hbm>> -> memref<10000x128xf32, #tpu.memory_space<hbm>>
      tpu.enqueue_indirect_dma source(%dma_start3A_818 : memref<10000x128xf32, #tpu.memory_space<hbm>>) target(%arg16 : memref<64x128xf32, #tpu.memory_space<vmem>>) offsets(%dma_start3A_815 : memref<64xi32, #tpu.memory_space<vmem>>) semaphore(%arg21 : memref<!tpu.dma_semaphore, #tpu.memory_space<semaphore_mem>>)
      %mul3A_819 = arith.constant 32 : i32
      %mul3A_820 = arith.muli %add3A_757, %mul3A_819 : i32
      %add3A_821 = arith.constant 0 : i32
      %add3A_822 = arith.addi %mul3A_820, %add3A_821 : i32
      %get3A_823 = arith.index_cast %add3A_822 : i32 to index
      %get3A_824 = tpu.vector_load %arg7[%get3A_823] {strides = array<i32>} : memref<5120xi32, #tpu.memory_space<vmem>>, vector<16xi32>,
      %and3A_825 = arith.constant 65535 : i32
      %and3A_826 = vector.broadcast %and3A_825 : i32 to vector<16xi32>
      %and3A_827 = arith.andi %get3A_824, %and3A_826 : vector<16xi32>
      %swap3A_828 = arith.constant 0 : i32
      %swap3A_829 = arith.index_cast %swap3A_828 : i32 to index
      %swap3A_830 = arith.constant 0 : index
      %swap3A_831 = tpu.vector_load %arg14[%swap3A_829, %swap3A_830] {strides = array<i32>} : memref<1x64xi32, #tpu.memory_space<vmem>>, vector<16xi32>,
      tpu.vector_store %arg14[%swap3A_829, %swap3A_830], %and3A_827 {strides = array<i32>} : memref<1x64xi32, #tpu.memory_space<vmem>>, vector<16xi32>,
      %shift_right_logical3A_832 = arith.constant 16 : i32
      %shift_right_logical3A_833 = vector.broadcast %shift_right_logical3A_832 : i32 to vector<16xi32>
      %shift_right_logical3A_834 = arith.shrui %get3A_824, %shift_right_logical3A_833 : vector<16xi32>
      %swap3A_835 = arith.constant 0 : i32
      %swap3A_836 = arith.index_cast %swap3A_835 : i32 to index
      %swap3A_837 = arith.constant 32 : index
      %swap3A_838 = tpu.vector_load %arg14[%swap3A_836, %swap3A_837] {strides = array<i32>} : memref<1x64xi32, #tpu.memory_space<vmem>>, vector<16xi32>,
      tpu.vector_store %arg14[%swap3A_836, %swap3A_837], %shift_right_logical3A_834 {strides = array<i32>} : memref<1x64xi32, #tpu.memory_space<vmem>>, vector<16xi32>,
      %mul3A_839 = arith.constant 32 : i32
      %mul3A_840 = arith.muli %add3A_757, %mul3A_839 : i32
      %add3A_841 = arith.constant 16 : i32
      %add3A_842 = arith.addi %mul3A_840, %add3A_841 : i32
      %get3A_843 = arith.index_cast %add3A_842 : i32 to index
      %get3A_844 = tpu.vector_load %arg7[%get3A_843] {strides = array<i32>} : memref<5120xi32, #tpu.memory_space<vmem>>, vector<16xi32>,
      %and3A_845 = arith.constant 65535 : i32
      %and3A_846 = vector.broadcast %and3A_845 : i32 to vector<16xi32>
      %and3A_847 = arith.andi %get3A_844, %and3A_846 : vector<16xi32>
      %swap3A_848 = arith.constant 0 : i32
      %swap3A_849 = arith.index_cast %swap3A_848 : i32 to index
      %swap3A_850 = arith.constant 16 : index
      %swap3A_851 = tpu.vector_load %arg14[%swap3A_849, %swap3A_850] {strides = array<i32>} : memref<1x64xi32, #tpu.memory_space<vmem>>, vector<16xi32>,
      tpu.vector_store %arg14[%swap3A_849, %swap3A_850], %and3A_847 {strides = array<i32>} : memref<1x64xi32, #tpu.memory_space<vmem>>, vector<16xi32>,
      %shift_right_logical3A_852 = arith.constant 16 : i32
      %shift_right_logical3A_853 = vector.broadcast %shift_right_logical3A_852 : i32 to vector<16xi32>
      %shift_right_logical3A_854 = arith.shrui %get3A_844, %shift_right_logical3A_853 : vector<16xi32>
      %swap3A_855 = arith.constant 0 : i32
      %swap3A_856 = arith.index_cast %swap3A_855 : i32 to index
      %swap3A_857 = arith.constant 48 : index
      %swap3A_858 = tpu.vector_load %arg14[%swap3A_856, %swap3A_857] {strides = array<i32>} : memref<1x64xi32, #tpu.memory_space<vmem>>, vector<16xi32>,
      tpu.vector_store %arg14[%swap3A_856, %swap3A_857], %shift_right_logical3A_854 {strides = array<i32>} : memref<1x64xi32, #tpu.memory_space<vmem>>, vector<16xi32>,
      %dma_start3A_859 = arith.constant 0 : i32
      %dma_start3A_860 = arith.constant 0 : i32
      %dma_start3A_861 = tpu.memref_slice %arg14[%dma_start3A_859, %dma_start3A_860] : memref<1x64xi32, #tpu.memory_space<vmem>> -> memref<1x64xi32, #tpu.memory_space<vmem>>
      %dma_start3A_862 = tpu.memref_squeeze %dma_start3A_861 : memref<1x64xi32, #tpu.memory_space<vmem>> -> memref<64xi32, #tpu.memory_space<vmem>>
      %dma_start3A_863 = arith.constant 0 : i32
      %dma_start3A_864 = arith.constant 0 : i32
      %dma_start3A_865 = tpu.memref_slice %arg20[%dma_start3A_863, %dma_start3A_864] : memref<10240x128xf32, #tpu.memory_space<vmem_shared>> -> memref<10240x128xf32, #tpu.memory_space<vmem_shared>>
      tpu.enqueue_indirect_dma source(%arg18 : memref<64x128xf32, #tpu.memory_space<vmem>>) target(%dma_start3A_865 : memref<10240x128xf32, #tpu.memory_space<vmem_shared>>) offsets(%dma_start3A_862 : memref<64xi32, #tpu.memory_space<vmem>>) semaphore(%arg27 : memref<!tpu.dma_semaphore, #tpu.memory_space<semaphore_mem>>) {add = true}
      %add3A_866 = arith.constant 1 : i32
      %add3A_867 = arith.addi %add3A_757, %add3A_866 : i32
      %dma_wait3A_868 = arith.constant 0 : i32
      %dma_wait3A_869 = arith.constant 0 : i32
      %dma_wait3A_870 = tpu.memref_slice %arg2[%dma_wait3A_868, %dma_wait3A_869] : memref<10000x128xf32, #tpu.memory_space<hbm>> -> memref<64x128xf32, #tpu.memory_space<hbm>>
      %dma_wait3A_871 = arith.constant 0 : i32
      %dma_wait3A_872 = arith.constant 0 : i32
      %dma_wait3A_873 = tpu.memref_slice %arg2[%dma_wait3A_871, %dma_wait3A_872] : memref<10000x128xf32, #tpu.memory_space<hbm>> -> memref<64x128xf32, #tpu.memory_space<hbm>>
      tpu.wait_dma2 semaphore(%arg24 : memref<!tpu.dma_semaphore, #tpu.memory_space<semaphore_mem>>) src(%dma_wait3A_873 : memref<64x128xf32, #tpu.memory_space<hbm>>) dst(%arg19 : memref<64x128xf32, #tpu.memory_space<vmem>>)
      %dma_wait3A_874 = arith.constant 0 : i32
      %dma_wait3A_875 = arith.constant 0 : i32
      %dma_wait3A_876 = tpu.memref_slice %arg20[%dma_wait3A_874, %dma_wait3A_875] : memref<10240x128xf32, #tpu.memory_space<vmem_shared>> -> memref<64x128xf32, #tpu.memory_space<vmem_shared>>
      %dma_wait3A_877 = arith.constant 0 : i32
      %dma_wait3A_878 = arith.constant 0 : i32
      %dma_wait3A_879 = tpu.memref_slice %arg20[%dma_wait3A_877, %dma_wait3A_878] : memref<10240x128xf32, #tpu.memory_space<vmem_shared>> -> memref<64x128xf32, #tpu.memory_space<vmem_shared>>
      tpu.wait_dma2 semaphore(%arg26 : memref<!tpu.dma_semaphore, #tpu.memory_space<semaphore_mem>>) src(%arg17 : memref<64x128xf32, #tpu.memory_space<vmem>>) dst(%dma_wait3A_879 : memref<64x128xf32, #tpu.memory_space<vmem_shared>>)
      %add3A_880 = arith.constant 2 : i32
      %add3A_881 = arith.addi %add3A_867, %add3A_880 : i32
      %mul3A_882 = arith.constant 32 : i32
      %mul3A_883 = arith.muli %add3A_881, %mul3A_882 : i32
      %add3A_884 = arith.constant 0 : i32
      %add3A_885 = arith.addi %mul3A_883, %add3A_884 : i32
      %get3A_886 = arith.index_cast %add3A_885 : i32 to index
      %get3A_887 = tpu.vector_load %arg6[%get3A_886] {strides = array<i32>} : memref<5120xi32, #tpu.memory_space<vmem>>, vector<16xi32>,
      %and3A_888 = arith.constant 65535 : i32
      %and3A_889 = vector.broadcast %and3A_888 : i32 to vector<16xi32>
      %and3A_890 = arith.andi %get3A_887, %and3A_889 : vector<16xi32>
      %swap3A_891 = arith.constant 0 : i32
      %swap3A_892 = arith.index_cast %swap3A_891 : i32 to index
      %swap3A_893 = arith.constant 0 : index
      %swap3A_894 = tpu.vector_load %arg9[%swap3A_892, %swap3A_893] {strides = array<i32>} : memref<1x64xi32, #tpu.memory_space<vmem>>, vector<16xi32>,
      tpu.vector_store %arg9[%swap3A_892, %swap3A_893], %and3A_890 {strides = array<i32>} : memref<1x64xi32, #tpu.memory_space<vmem>>, vector<16xi32>,
      %shift_right_logical3A_895 = arith.constant 16 : i32
      %shift_right_logical3A_896 = vector.broadcast %shift_right_logical3A_895 : i32 to vector<16xi32>
      %shift_right_logical3A_897 = arith.shrui %get3A_887, %shift_right_logical3A_896 : vector<16xi32>
      %swap3A_898 = arith.constant 0 : i32
      %swap3A_899 = arith.index_cast %swap3A_898 : i32 to index
      %swap3A_900 = arith.constant 32 : index
      %swap3A_901 = tpu.vector_load %arg9[%swap3A_899, %swap3A_900] {strides = array<i32>} : memref<1x64xi32, #tpu.memory_space<vmem>>, vector<16xi32>,
      tpu.vector_store %arg9[%swap3A_899, %swap3A_900], %shift_right_logical3A_897 {strides = array<i32>} : memref<1x64xi32, #tpu.memory_space<vmem>>, vector<16xi32>,
      %mul3A_902 = arith.constant 32 : i32
      %mul3A_903 = arith.muli %add3A_881, %mul3A_902 : i32
      %add3A_904 = arith.constant 16 : i32
      %add3A_905 = arith.addi %mul3A_903, %add3A_904 : i32
      %get3A_906 = arith.index_cast %add3A_905 : i32 to index
      %get3A_907 = tpu.vector_load %arg6[%get3A_906] {strides = array<i32>} : memref<5120xi32, #tpu.memory_space<vmem>>, vector<16xi32>,
      %and3A_908 = arith.constant 65535 : i32
      %and3A_909 = vector.broadcast %and3A_908 : i32 to vector<16xi32>
      %and3A_910 = arith.andi %get3A_907, %and3A_909 : vector<16xi32>
      %swap3A_911 = arith.constant 0 : i32
      %swap3A_912 = arith.index_cast %swap3A_911 : i32 to index
      %swap3A_913 = arith.constant 16 : index
      %swap3A_914 = tpu.vector_load %arg9[%swap3A_912, %swap3A_913] {strides = array<i32>} : memref<1x64xi32, #tpu.memory_space<vmem>>, vector<16xi32>,
      tpu.vector_store %arg9[%swap3A_912, %swap3A_913], %and3A_910 {strides = array<i32>} : memref<1x64xi32, #tpu.memory_space<vmem>>, vector<16xi32>,
      %shift_right_logical3A_915 = arith.constant 16 : i32
      %shift_right_logical3A_916 = vector.broadcast %shift_right_logical3A_915 : i32 to vector<16xi32>
      %shift_right_logical3A_917 = arith.shrui %get3A_907, %shift_right_logical3A_916 : vector<16xi32>
      %swap3A_918 = arith.constant 0 : i32
      %swap3A_919 = arith.index_cast %swap3A_918 : i32 to index
      %swap3A_920 = arith.constant 48 : index
      %swap3A_921 = tpu.vector_load %arg9[%swap3A_919, %swap3A_920] {strides = array<i32>} : memref<1x64xi32, #tpu.memory_space<vmem>>, vector<16xi32>,
      tpu.vector_store %arg9[%swap3A_919, %swap3A_920], %shift_right_logical3A_917 {strides = array<i32>} : memref<1x64xi32, #tpu.memory_space<vmem>>, vector<16xi32>,
      %dma_start3A_922 = arith.constant 0 : i32
      %dma_start3A_923 = arith.constant 0 : i32
      %dma_start3A_924 = tpu.memref_slice %arg9[%dma_start3A_922, %dma_start3A_923] : memref<1x64xi32, #tpu.memory_space<vmem>> -> memref<1x64xi32, #tpu.memory_space<vmem>>
      %dma_start3A_925 = tpu.memref_squeeze %dma_start3A_924 : memref<1x64xi32, #tpu.memory_space<vmem>> -> memref<64xi32, #tpu.memory_space<vmem>>
      %dma_start3A_926 = arith.constant 0 : i32
      %dma_start3A_927 = arith.constant 0 : i32
      %dma_start3A_928 = tpu.memref_slice %arg2[%dma_start3A_926, %dma_start3A_927] : memref<10000x128xf32, #tpu.memory_space<hbm>> -> memref<10000x128xf32, #tpu.memory_space<hbm>>
      tpu.enqueue_indirect_dma source(%dma_start3A_928 : memref<10000x128xf32, #tpu.memory_space<hbm>>) target(%arg17 : memref<64x128xf32, #tpu.memory_space<vmem>>) offsets(%dma_start3A_925 : memref<64xi32, #tpu.memory_space<vmem>>) semaphore(%arg22 : memref<!tpu.dma_semaphore, #tpu.memory_space<semaphore_mem>>)
      %mul3A_929 = arith.constant 32 : i32
      %mul3A_930 = arith.muli %add3A_867, %mul3A_929 : i32
      %add3A_931 = arith.constant 0 : i32
      %add3A_932 = arith.addi %mul3A_930, %add3A_931 : i32
      %get3A_933 = arith.index_cast %add3A_932 : i32 to index
      %get3A_934 = tpu.vector_load %arg7[%get3A_933] {strides = array<i32>} : memref<5120xi32, #tpu.memory_space<vmem>>, vector<16xi32>,
      %and3A_935 = arith.constant 65535 : i32
      %and3A_936 = vector.broadcast %and3A_935 : i32 to vector<16xi32>
      %and3A_937 = arith.andi %get3A_934, %and3A_936 : vector<16xi32>
      %swap3A_938 = arith.constant 0 : i32
      %swap3A_939 = arith.index_cast %swap3A_938 : i32 to index
      %swap3A_940 = arith.constant 0 : index
      %swap3A_941 = tpu.vector_load %arg15[%swap3A_939, %swap3A_940] {strides = array<i32>} : memref<1x64xi32, #tpu.memory_space<vmem>>, vector<16xi32>,
      tpu.vector_store %arg15[%swap3A_939, %swap3A_940], %and3A_937 {strides = array<i32>} : memref<1x64xi32, #tpu.memory_space<vmem>>, vector<16xi32>,
      %shift_right_logical3A_942 = arith.constant 16 : i32
      %shift_right_logical3A_943 = vector.broadcast %shift_right_logical3A_942 : i32 to vector<16xi32>
      %shift_right_logical3A_944 = arith.shrui %get3A_934, %shift_right_logical3A_943 : vector<16xi32>
      %swap3A_945 = arith.constant 0 : i32
      %swap3A_946 = arith.index_cast %swap3A_945 : i32 to index
      %swap3A_947 = arith.constant 32 : index
      %swap3A_948 = tpu.vector_load %arg15[%swap3A_946, %swap3A_947] {strides = array<i32>} : memref<1x64xi32, #tpu.memory_space<vmem>>, vector<16xi32>,
      tpu.vector_store %arg15[%swap3A_946, %swap3A_947], %shift_right_logical3A_944 {strides = array<i32>} : memref<1x64xi32, #tpu.memory_space<vmem>>, vector<16xi32>,
      %mul3A_949 = arith.constant 32 : i32
      %mul3A_950 = arith.muli %add3A_867, %mul3A_949 : i32
      %add3A_951 = arith.constant 16 : i32
      %add3A_952 = arith.addi %mul3A_950, %add3A_951 : i32
      %get3A_953 = arith.index_cast %add3A_952 : i32 to index
      %get3A_954 = tpu.vector_load %arg7[%get3A_953] {strides = array<i32>} : memref<5120xi32, #tpu.memory_space<vmem>>, vector<16xi32>,
      %and3A_955 = arith.constant 65535 : i32
      %and3A_956 = vector.broadcast %and3A_955 : i32 to vector<16xi32>
      %and3A_957 = arith.andi %get3A_954, %and3A_956 : vector<16xi32>
      %swap3A_958 = arith.constant 0 : i32
      %swap3A_959 = arith.index_cast %swap3A_958 : i32 to index
      %swap3A_960 = arith.constant 16 : index
      %swap3A_961 = tpu.vector_load %arg15[%swap3A_959, %swap3A_960] {strides = array<i32>} : memref<1x64xi32, #tpu.memory_space<vmem>>, vector<16xi32>,
      tpu.vector_store %arg15[%swap3A_959, %swap3A_960], %and3A_957 {strides = array<i32>} : memref<1x64xi32, #tpu.memory_space<vmem>>, vector<16xi32>,
      %shift_right_logical3A_962 = arith.constant 16 : i32
      %shift_right_logical3A_963 = vector.broadcast %shift_right_logical3A_962 : i32 to vector<16xi32>
      %shift_right_logical3A_964 = arith.shrui %get3A_954, %shift_right_logical3A_963 : vector<16xi32>
      %swap3A_965 = arith.constant 0 : i32
      %swap3A_966 = arith.index_cast %swap3A_965 : i32 to index
      %swap3A_967 = arith.constant 48 : index
      %swap3A_968 = tpu.vector_load %arg15[%swap3A_966, %swap3A_967] {strides = array<i32>} : memref<1x64xi32, #tpu.memory_space<vmem>>, vector<16xi32>,
      tpu.vector_store %arg15[%swap3A_966, %swap3A_967], %shift_right_logical3A_964 {strides = array<i32>} : memref<1x64xi32, #tpu.memory_space<vmem>>, vector<16xi32>,
      %dma_start3A_969 = arith.constant 0 : i32
      %dma_start3A_970 = arith.constant 0 : i32
      %dma_start3A_971 = tpu.memref_slice %arg15[%dma_start3A_969, %dma_start3A_970] : memref<1x64xi32, #tpu.memory_space<vmem>> -> memref<1x64xi32, #tpu.memory_space<vmem>>
      %dma_start3A_972 = tpu.memref_squeeze %dma_start3A_971 : memref<1x64xi32, #tpu.memory_space<vmem>> -> memref<64xi32, #tpu.memory_space<vmem>>
      %dma_start3A_973 = arith.constant 0 : i32
      %dma_start3A_974 = arith.constant 0 : i32
      %dma_start3A_975 = tpu.memref_slice %arg20[%dma_start3A_973, %dma_start3A_974] : memref<10240x128xf32, #tpu.memory_space<vmem_shared>> -> memref<10240x128xf32, #tpu.memory_space<vmem_shared>>
      tpu.enqueue_indirect_dma source(%arg19 : memref<64x128xf32, #tpu.memory_space<vmem>>) target(%dma_start3A_975 : memref<10240x128xf32, #tpu.memory_space<vmem_shared>>) offsets(%dma_start3A_972 : memref<64xi32, #tpu.memory_space<vmem>>) semaphore(%arg28 : memref<!tpu.dma_semaphore, #tpu.memory_space<semaphore_mem>>) {add = true}
      %add3A_976 = arith.constant 2 : i32
      %add3A_977 = arith.addi %add3A_757, %add3A_976 : i32
      %dma_wait3A_978 = arith.constant 0 : i32
      %dma_wait3A_979 = arith.constant 0 : i32
      %dma_wait3A_980 = tpu.memref_slice %arg2[%dma_wait3A_978, %dma_wait3A_979] : memref<10000x128xf32, #tpu.memory_space<hbm>> -> memref<64x128xf32, #tpu.memory_space<hbm>>
      %dma_wait3A_981 = arith.constant 0 : i32
      %dma_wait3A_982 = arith.constant 0 : i32
      %dma_wait3A_983 = tpu.memref_slice %arg2[%dma_wait3A_981, %dma_wait3A_982] : memref<10000x128xf32, #tpu.memory_space<hbm>> -> memref<64x128xf32, #tpu.memory_space<hbm>>
      tpu.wait_dma2 semaphore(%arg21 : memref<!tpu.dma_semaphore, #tpu.memory_space<semaphore_mem>>) src(%dma_wait3A_983 : memref<64x128xf32, #tpu.memory_space<hbm>>) dst(%arg16 : memref<64x128xf32, #tpu.memory_space<vmem>>)
      %dma_wait3A_984 = arith.constant 0 : i32
      %dma_wait3A_985 = arith.constant 0 : i32
      %dma_wait3A_986 = tpu.memref_slice %arg20[%dma_wait3A_984, %dma_wait3A_985] : memref<10240x128xf32, #tpu.memory_space<vmem_shared>> -> memref<64x128xf32, #tpu.memory_space<vmem_shared>>
      %dma_wait3A_987 = arith.constant 0 : i32
      %dma_wait3A_988 = arith.constant 0 : i32
      %dma_wait3A_989 = tpu.memref_slice %arg20[%dma_wait3A_987, %dma_wait3A_988] : memref<10240x128xf32, #tpu.memory_space<vmem_shared>> -> memref<64x128xf32, #tpu.memory_space<vmem_shared>>
      tpu.wait_dma2 semaphore(%arg27 : memref<!tpu.dma_semaphore, #tpu.memory_space<semaphore_mem>>) src(%arg18 : memref<64x128xf32, #tpu.memory_space<vmem>>) dst(%dma_wait3A_989 : memref<64x128xf32, #tpu.memory_space<vmem_shared>>)
      %add3A_990 = arith.constant 2 : i32
      %add3A_991 = arith.addi %add3A_977, %add3A_990 : i32
      %mul3A_992 = arith.constant 32 : i32
      %mul3A_993 = arith.muli %add3A_991, %mul3A_992 : i32
      %add3A_994 = arith.constant 0 : i32
      %add3A_995 = arith.addi %mul3A_993, %add3A_994 : i32
      %get3A_996 = arith.index_cast %add3A_995 : i32 to index
      %get3A_997 = tpu.vector_load %arg6[%get3A_996] {strides = array<i32>} : memref<5120xi32, #tpu.memory_space<vmem>>, vector<16xi32>,
      %and3A_998 = arith.constant 65535 : i32
      %and3A_999 = vector.broadcast %and3A_998 : i32 to vector<16xi32>
      %and3A_1000 = arith.andi %get3A_997, %and3A_999 : vector<16xi32>
      %swap3A_1001 = arith.constant 0 : i32
      %swap3A_1002 = arith.index_cast %swap3A_1001 : i32 to index
      %swap3A_1003 = arith.constant 0 : index
      %swap3A_1004 = tpu.vector_load %arg10[%swap3A_1002, %swap3A_1003] {strides = array<i32>} : memref<1x64xi32, #tpu.memory_space<vmem>>, vector<16xi32>,
      tpu.vector_store %arg10[%swap3A_1002, %swap3A_1003], %and3A_1000 {strides = array<i32>} : memref<1x64xi32, #tpu.memory_space<vmem>>, vector<16xi32>,
      %shift_right_logical3A_1005 = arith.constant 16 : i32
      %shift_right_logical3A_1006 = vector.broadcast %shift_right_logical3A_1005 : i32 to vector<16xi32>
      %shift_right_logical3A_1007 = arith.shrui %get3A_997, %shift_right_logical3A_1006 : vector<16xi32>
      %swap3A_1008 = arith.constant 0 : i32
      %swap3A_1009 = arith.index_cast %swap3A_1008 : i32 to index
      %swap3A_1010 = arith.constant 32 : index
      %swap3A_1011 = tpu.vector_load %arg10[%swap3A_1009, %swap3A_1010] {strides = array<i32>} : memref<1x64xi32, #tpu.memory_space<vmem>>, vector<16xi32>,
      tpu.vector_store %arg10[%swap3A_1009, %swap3A_1010], %shift_right_logical3A_1007 {strides = array<i32>} : memref<1x64xi32, #tpu.memory_space<vmem>>, vector<16xi32>,
      %mul3A_1012 = arith.constant 32 : i32
      %mul3A_1013 = arith.muli %add3A_991, %mul3A_1012 : i32
      %add3A_1014 = arith.constant 16 : i32
      %add3A_1015 = arith.addi %mul3A_1013, %add3A_1014 : i32
      %get3A_1016 = arith.index_cast %add3A_1015 : i32 to index
      %get3A_1017 = tpu.vector_load %arg6[%get3A_1016] {strides = array<i32>} : memref<5120xi32, #tpu.memory_space<vmem>>, vector<16xi32>,
      %and3A_1018 = arith.constant 65535 : i32
      %and3A_1019 = vector.broadcast %and3A_1018 : i32 to vector<16xi32>
      %and3A_1020 = arith.andi %get3A_1017, %and3A_1019 : vector<16xi32>
      %swap3A_1021 = arith.constant 0 : i32
      %swap3A_1022 = arith.index_cast %swap3A_1021 : i32 to index
      %swap3A_1023 = arith.constant 16 : index
      %swap3A_1024 = tpu.vector_load %arg10[%swap3A_1022, %swap3A_1023] {strides = array<i32>} : memref<1x64xi32, #tpu.memory_space<vmem>>, vector<16xi32>,
      tpu.vector_store %arg10[%swap3A_1022, %swap3A_1023], %and3A_1020 {strides = array<i32>} : memref<1x64xi32, #tpu.memory_space<vmem>>, vector<16xi32>,
      %shift_right_logical3A_1025 = arith.constant 16 : i32
      %shift_right_logical3A_1026 = vector.broadcast %shift_right_logical3A_1025 : i32 to vector<16xi32>
      %shift_right_logical3A_1027 = arith.shrui %get3A_1017, %shift_right_logical3A_1026 : vector<16xi32>
      %swap3A_1028 = arith.constant 0 : i32
      %swap3A_1029 = arith.index_cast %swap3A_1028 : i32 to index
      %swap3A_1030 = arith.constant 48 : index
      %swap3A_1031 = tpu.vector_load %arg10[%swap3A_1029, %swap3A_1030] {strides = array<i32>} : memref<1x64xi32, #tpu.memory_space<vmem>>, vector<16xi32>,
      tpu.vector_store %arg10[%swap3A_1029, %swap3A_1030], %shift_right_logical3A_1027 {strides = array<i32>} : memref<1x64xi32, #tpu.memory_space<vmem>>, vector<16xi32>,
      %dma_start3A_1032 = arith.constant 0 : i32
      %dma_start3A_1033 = arith.constant 0 : i32
      %dma_start3A_1034 = tpu.memref_slice %arg10[%dma_start3A_1032, %dma_start3A_1033] : memref<1x64xi32, #tpu.memory_space<vmem>> -> memref<1x64xi32, #tpu.memory_space<vmem>>
      %dma_start3A_1035 = tpu.memref_squeeze %dma_start3A_1034 : memref<1x64xi32, #tpu.memory_space<vmem>> -> memref<64xi32, #tpu.memory_space<vmem>>
      %dma_start3A_1036 = arith.constant 0 : i32
      %dma_start3A_1037 = arith.constant 0 : i32
      %dma_start3A_1038 = tpu.memref_slice %arg2[%dma_start3A_1036, %dma_start3A_1037] : memref<10000x128xf32, #tpu.memory_space<hbm>> -> memref<10000x128xf32, #tpu.memory_space<hbm>>
      tpu.enqueue_indirect_dma source(%dma_start3A_1038 : memref<10000x128xf32, #tpu.memory_space<hbm>>) target(%arg18 : memref<64x128xf32, #tpu.memory_space<vmem>>) offsets(%dma_start3A_1035 : memref<64xi32, #tpu.memory_space<vmem>>) semaphore(%arg23 : memref<!tpu.dma_semaphore, #tpu.memory_space<semaphore_mem>>)
      %mul3A_1039 = arith.constant 32 : i32
      %mul3A_1040 = arith.muli %add3A_977, %mul3A_1039 : i32
      %add3A_1041 = arith.constant 0 : i32
      %add3A_1042 = arith.addi %mul3A_1040, %add3A_1041 : i32
      %get3A_1043 = arith.index_cast %add3A_1042 : i32 to index
      %get3A_1044 = tpu.vector_load %arg7[%get3A_1043] {strides = array<i32>} : memref<5120xi32, #tpu.memory_space<vmem>>, vector<16xi32>,
      %and3A_1045 = arith.constant 65535 : i32
      %and3A_1046 = vector.broadcast %and3A_1045 : i32 to vector<16xi32>
      %and3A_1047 = arith.andi %get3A_1044, %and3A_1046 : vector<16xi32>
      %swap3A_1048 = arith.constant 0 : i32
      %swap3A_1049 = arith.index_cast %swap3A_1048 : i32 to index
      %swap3A_1050 = arith.constant 0 : index
      %swap3A_1051 = tpu.vector_load %arg12[%swap3A_1049, %swap3A_1050] {strides = array<i32>} : memref<1x64xi32, #tpu.memory_space<vmem>>, vector<16xi32>,
      tpu.vector_store %arg12[%swap3A_1049, %swap3A_1050], %and3A_1047 {strides = array<i32>} : memref<1x64xi32, #tpu.memory_space<vmem>>, vector<16xi32>,
      %shift_right_logical3A_1052 = arith.constant 16 : i32
      %shift_right_logical3A_1053 = vector.broadcast %shift_right_logical3A_1052 : i32 to vector<16xi32>
      %shift_right_logical3A_1054 = arith.shrui %get3A_1044, %shift_right_logical3A_1053 : vector<16xi32>
      %swap3A_1055 = arith.constant 0 : i32
      %swap3A_1056 = arith.index_cast %swap3A_1055 : i32 to index
      %swap3A_1057 = arith.constant 32 : index
      %swap3A_1058 = tpu.vector_load %arg12[%swap3A_1056, %swap3A_1057] {strides = array<i32>} : memref<1x64xi32, #tpu.memory_space<vmem>>, vector<16xi32>,
      tpu.vector_store %arg12[%swap3A_1056, %swap3A_1057], %shift_right_logical3A_1054 {strides = array<i32>} : memref<1x64xi32, #tpu.memory_space<vmem>>, vector<16xi32>,
      %mul3A_1059 = arith.constant 32 : i32
      %mul3A_1060 = arith.muli %add3A_977, %mul3A_1059 : i32
      %add3A_1061 = arith.constant 16 : i32
      %add3A_1062 = arith.addi %mul3A_1060, %add3A_1061 : i32
      %get3A_1063 = arith.index_cast %add3A_1062 : i32 to index
      %get3A_1064 = tpu.vector_load %arg7[%get3A_1063] {strides = array<i32>} : memref<5120xi32, #tpu.memory_space<vmem>>, vector<16xi32>,
      %and3A_1065 = arith.constant 65535 : i32
      %and3A_1066 = vector.broadcast %and3A_1065 : i32 to vector<16xi32>
      %and3A_1067 = arith.andi %get3A_1064, %and3A_1066 : vector<16xi32>
      %swap3A_1068 = arith.constant 0 : i32
      %swap3A_1069 = arith.index_cast %swap3A_1068 : i32 to index
      %swap3A_1070 = arith.constant 16 : index
      %swap3A_1071 = tpu.vector_load %arg12[%swap3A_1069, %swap3A_1070] {strides = array<i32>} : memref<1x64xi32, #tpu.memory_space<vmem>>, vector<16xi32>,
      tpu.vector_store %arg12[%swap3A_1069, %swap3A_1070], %and3A_1067 {strides = array<i32>} : memref<1x64xi32, #tpu.memory_space<vmem>>, vector<16xi32>,
      %shift_right_logical3A_1072 = arith.constant 16 : i32
      %shift_right_logical3A_1073 = vector.broadcast %shift_right_logical3A_1072 : i32 to vector<16xi32>
      %shift_right_logical3A_1074 = arith.shrui %get3A_1064, %shift_right_logical3A_1073 : vector<16xi32>
      %swap3A_1075 = arith.constant 0 : i32
      %swap3A_1076 = arith.index_cast %swap3A_1075 : i32 to index
      %swap3A_1077 = arith.constant 48 : index
      %swap3A_1078 = tpu.vector_load %arg12[%swap3A_1076, %swap3A_1077] {strides = array<i32>} : memref<1x64xi32, #tpu.memory_space<vmem>>, vector<16xi32>,
      tpu.vector_store %arg12[%swap3A_1076, %swap3A_1077], %shift_right_logical3A_1074 {strides = array<i32>} : memref<1x64xi32, #tpu.memory_space<vmem>>, vector<16xi32>,
      %dma_start3A_1079 = arith.constant 0 : i32
      %dma_start3A_1080 = arith.constant 0 : i32
      %dma_start3A_1081 = tpu.memref_slice %arg12[%dma_start3A_1079, %dma_start3A_1080] : memref<1x64xi32, #tpu.memory_space<vmem>> -> memref<1x64xi32, #tpu.memory_space<vmem>>
      %dma_start3A_1082 = tpu.memref_squeeze %dma_start3A_1081 : memref<1x64xi32, #tpu.memory_space<vmem>> -> memref<64xi32, #tpu.memory_space<vmem>>
      %dma_start3A_1083 = arith.constant 0 : i32
      %dma_start3A_1084 = arith.constant 0 : i32
      %dma_start3A_1085 = tpu.memref_slice %arg20[%dma_start3A_1083, %dma_start3A_1084] : memref<10240x128xf32, #tpu.memory_space<vmem_shared>> -> memref<10240x128xf32, #tpu.memory_space<vmem_shared>>
      tpu.enqueue_indirect_dma source(%arg16 : memref<64x128xf32, #tpu.memory_space<vmem>>) target(%dma_start3A_1085 : memref<10240x128xf32, #tpu.memory_space<vmem_shared>>) offsets(%dma_start3A_1082 : memref<64xi32, #tpu.memory_space<vmem>>) semaphore(%arg25 : memref<!tpu.dma_semaphore, #tpu.memory_space<semaphore_mem>>) {add = true}
      %add3A_1086 = arith.constant 3 : i32
      %add3A_1087 = arith.addi %add3A_757, %add3A_1086 : i32
      %dma_wait3A_1088 = arith.constant 0 : i32
      %dma_wait3A_1089 = arith.constant 0 : i32
      %dma_wait3A_1090 = tpu.memref_slice %arg2[%dma_wait3A_1088, %dma_wait3A_1089] : memref<10000x128xf32, #tpu.memory_space<hbm>> -> memref<64x128xf32, #tpu.memory_space<hbm>>
      %dma_wait3A_1091 = arith.constant 0 : i32
      %dma_wait3A_1092 = arith.constant 0 : i32
      %dma_wait3A_1093 = tpu.memref_slice %arg2[%dma_wait3A_1091, %dma_wait3A_1092] : memref<10000x128xf32, #tpu.memory_space<hbm>> -> memref<64x128xf32, #tpu.memory_space<hbm>>
      tpu.wait_dma2 semaphore(%arg22 : memref<!tpu.dma_semaphore, #tpu.memory_space<semaphore_mem>>) src(%dma_wait3A_1093 : memref<64x128xf32, #tpu.memory_space<hbm>>) dst(%arg17 : memref<64x128xf32, #tpu.memory_space<vmem>>)
      %dma_wait3A_1094 = arith.constant 0 : i32
      %dma_wait3A_1095 = arith.constant 0 : i32
      %dma_wait3A_1096 = tpu.memref_slice %arg20[%dma_wait3A_1094, %dma_wait3A_1095] : memref<10240x128xf32, #tpu.memory_space<vmem_shared>> -> memref<64x128xf32, #tpu.memory_space<vmem_shared>>
      %dma_wait3A_1097 = arith.constant 0 : i32
      %dma_wait3A_1098 = arith.constant 0 : i32
      %dma_wait3A_1099 = tpu.memref_slice %arg20[%dma_wait3A_1097, %dma_wait3A_1098] : memref<10240x128xf32, #tpu.memory_space<vmem_shared>> -> memref<64x128xf32, #tpu.memory_space<vmem_shared>>
      tpu.wait_dma2 semaphore(%arg28 : memref<!tpu.dma_semaphore, #tpu.memory_space<semaphore_mem>>) src(%arg19 : memref<64x128xf32, #tpu.memory_space<vmem>>) dst(%dma_wait3A_1099 : memref<64x128xf32, #tpu.memory_space<vmem_shared>>)
      %add3A_1100 = arith.constant 2 : i32
      %add3A_1101 = arith.addi %add3A_1087, %add3A_1100 : i32
      %mul3A_1102 = arith.constant 32 : i32
      %mul3A_1103 = arith.muli %add3A_1101, %mul3A_1102 : i32
      %add3A_1104 = arith.constant 0 : i32
      %add3A_1105 = arith.addi %mul3A_1103, %add3A_1104 : i32
      %get3A_1106 = arith.index_cast %add3A_1105 : i32 to index
      %get3A_1107 = tpu.vector_load %arg6[%get3A_1106] {strides = array<i32>} : memref<5120xi32, #tpu.memory_space<vmem>>, vector<16xi32>,
      %and3A_1108 = arith.constant 65535 : i32
      %and3A_1109 = vector.broadcast %and3A_1108 : i32 to vector<16xi32>
      %and3A_1110 = arith.andi %get3A_1107, %and3A_1109 : vector<16xi32>
      %swap3A_1111 = arith.constant 0 : i32
      %swap3A_1112 = arith.index_cast %swap3A_1111 : i32 to index
      %swap3A_1113 = arith.constant 0 : index
      %swap3A_1114 = tpu.vector_load %arg11[%swap3A_1112, %swap3A_1113] {strides = array<i32>} : memref<1x64xi32, #tpu.memory_space<vmem>>, vector<16xi32>,
      tpu.vector_store %arg11[%swap3A_1112, %swap3A_1113], %and3A_1110 {strides = array<i32>} : memref<1x64xi32, #tpu.memory_space<vmem>>, vector<16xi32>,
      %shift_right_logical3A_1115 = arith.constant 16 : i32
      %shift_right_logical3A_1116 = vector.broadcast %shift_right_logical3A_1115 : i32 to vector<16xi32>
      %shift_right_logical3A_1117 = arith.shrui %get3A_1107, %shift_right_logical3A_1116 : vector<16xi32>
      %swap3A_1118 = arith.constant 0 : i32
      %swap3A_1119 = arith.index_cast %swap3A_1118 : i32 to index
      %swap3A_1120 = arith.constant 32 : index
      %swap3A_1121 = tpu.vector_load %arg11[%swap3A_1119, %swap3A_1120] {strides = array<i32>} : memref<1x64xi32, #tpu.memory_space<vmem>>, vector<16xi32>,
      tpu.vector_store %arg11[%swap3A_1119, %swap3A_1120], %shift_right_logical3A_1117 {strides = array<i32>} : memref<1x64xi32, #tpu.memory_space<vmem>>, vector<16xi32>,
      %mul3A_1122 = arith.constant 32 : i32
      %mul3A_1123 = arith.muli %add3A_1101, %mul3A_1122 : i32
      %add3A_1124 = arith.constant 16 : i32
      %add3A_1125 = arith.addi %mul3A_1123, %add3A_1124 : i32
      %get3A_1126 = arith.index_cast %add3A_1125 : i32 to index
      %get3A_1127 = tpu.vector_load %arg6[%get3A_1126] {strides = array<i32>} : memref<5120xi32, #tpu.memory_space<vmem>>, vector<16xi32>,
      %and3A_1128 = arith.constant 65535 : i32
      %and3A_1129 = vector.broadcast %and3A_1128 : i32 to vector<16xi32>
      %and3A_1130 = arith.andi %get3A_1127, %and3A_1129 : vector<16xi32>
      %swap3A_1131 = arith.constant 0 : i32
      %swap3A_1132 = arith.index_cast %swap3A_1131 : i32 to index
      %swap3A_1133 = arith.constant 16 : index
      %swap3A_1134 = tpu.vector_load %arg11[%swap3A_1132, %swap3A_1133] {strides = array<i32>} : memref<1x64xi32, #tpu.memory_space<vmem>>, vector<16xi32>,
      tpu.vector_store %arg11[%swap3A_1132, %swap3A_1133], %and3A_1130 {strides = array<i32>} : memref<1x64xi32, #tpu.memory_space<vmem>>, vector<16xi32>,
      %shift_right_logical3A_1135 = arith.constant 16 : i32
      %shift_right_logical3A_1136 = vector.broadcast %shift_right_logical3A_1135 : i32 to vector<16xi32>
      %shift_right_logical3A_1137 = arith.shrui %get3A_1127, %shift_right_logical3A_1136 : vector<16xi32>
      %swap3A_1138 = arith.constant 0 : i32
      %swap3A_1139 = arith.index_cast %swap3A_1138 : i32 to index
      %swap3A_1140 = arith.constant 48 : index
      %swap3A_1141 = tpu.vector_load %arg11[%swap3A_1139, %swap3A_1140] {strides = array<i32>} : memref<1x64xi32, #tpu.memory_space<vmem>>, vector<16xi32>,
      tpu.vector_store %arg11[%swap3A_1139, %swap3A_1140], %shift_right_logical3A_1137 {strides = array<i32>} : memref<1x64xi32, #tpu.memory_space<vmem>>, vector<16xi32>,
      %dma_start3A_1142 = arith.constant 0 : i32
      %dma_start3A_1143 = arith.constant 0 : i32
      %dma_start3A_1144 = tpu.memref_slice %arg11[%dma_start3A_1142, %dma_start3A_1143] : memref<1x64xi32, #tpu.memory_space<vmem>> -> memref<1x64xi32, #tpu.memory_space<vmem>>
      %dma_start3A_1145 = tpu.memref_squeeze %dma_start3A_1144 : memref<1x64xi32, #tpu.memory_space<vmem>> -> memref<64xi32, #tpu.memory_space<vmem>>
      %dma_start3A_1146 = arith.constant 0 : i32
      %dma_start3A_1147 = arith.constant 0 : i32
      %dma_start3A_1148 = tpu.memref_slice %arg2[%dma_start3A_1146, %dma_start3A_1147] : memref<10000x128xf32, #tpu.memory_space<hbm>> -> memref<10000x128xf32, #tpu.memory_space<hbm>>
      tpu.enqueue_indirect_dma source(%dma_start3A_1148 : memref<10000x128xf32, #tpu.memory_space<hbm>>) target(%arg19 : memref<64x128xf32, #tpu.memory_space<vmem>>) offsets(%dma_start3A_1145 : memref<64xi32, #tpu.memory_space<vmem>>) semaphore(%arg24 : memref<!tpu.dma_semaphore, #tpu.memory_space<semaphore_mem>>)
      %mul3A_1149 = arith.constant 32 : i32
      %mul3A_1150 = arith.muli %add3A_1087, %mul3A_1149 : i32
      %add3A_1151 = arith.constant 0 : i32
      %add3A_1152 = arith.addi %mul3A_1150, %add3A_1151 : i32
      %get3A_1153 = arith.index_cast %add3A_1152 : i32 to index
      %get3A_1154 = tpu.vector_load %arg7[%get3A_1153] {strides = array<i32>} : memref<5120xi32, #tpu.memory_space<vmem>>, vector<16xi32>,
      %and3A_1155 = arith.constant 65535 : i32
      %and3A_1156 = vector.broadcast %and3A_1155 : i32 to vector<16xi32>
      %and3A_1157 = arith.andi %get3A_1154, %and3A_1156 : vector<16xi32>
      %swap3A_1158 = arith.constant 0 : i32
      %swap3A_1159 = arith.index_cast %swap3A_1158 : i32 to index
      %swap3A_1160 = arith.constant 0 : index
      %swap3A_1161 = tpu.vector_load %arg13[%swap3A_1159, %swap3A_1160] {strides = array<i32>} : memref<1x64xi32, #tpu.memory_space<vmem>>, vector<16xi32>,
      tpu.vector_store %arg13[%swap3A_1159, %swap3A_1160], %and3A_1157 {strides = array<i32>} : memref<1x64xi32, #tpu.memory_space<vmem>>, vector<16xi32>,
      %shift_right_logical3A_1162 = arith.constant 16 : i32
      %shift_right_logical3A_1163 = vector.broadcast %shift_right_logical3A_1162 : i32 to vector<16xi32>
      %shift_right_logical3A_1164 = arith.shrui %get3A_1154, %shift_right_logical3A_1163 : vector<16xi32>
      %swap3A_1165 = arith.constant 0 : i32
      %swap3A_1166 = arith.index_cast %swap3A_1165 : i32 to index
      %swap3A_1167 = arith.constant 32 : index
      %swap3A_1168 = tpu.vector_load %arg13[%swap3A_1166, %swap3A_1167] {strides = array<i32>} : memref<1x64xi32, #tpu.memory_space<vmem>>, vector<16xi32>,
      tpu.vector_store %arg13[%swap3A_1166, %swap3A_1167], %shift_right_logical3A_1164 {strides = array<i32>} : memref<1x64xi32, #tpu.memory_space<vmem>>, vector<16xi32>,
      %mul3A_1169 = arith.constant 32 : i32
      %mul3A_1170 = arith.muli %add3A_1087, %mul3A_1169 : i32
      %add3A_1171 = arith.constant 16 : i32
      %add3A_1172 = arith.addi %mul3A_1170, %add3A_1171 : i32
      %get3A_1173 = arith.index_cast %add3A_1172 : i32 to index
      %get3A_1174 = tpu.vector_load %arg7[%get3A_1173] {strides = array<i32>} : memref<5120xi32, #tpu.memory_space<vmem>>, vector<16xi32>,
      %and3A_1175 = arith.constant 65535 : i32
      %and3A_1176 = vector.broadcast %and3A_1175 : i32 to vector<16xi32>
      %and3A_1177 = arith.andi %get3A_1174, %and3A_1176 : vector<16xi32>
      %swap3A_1178 = arith.constant 0 : i32
      %swap3A_1179 = arith.index_cast %swap3A_1178 : i32 to index
      %swap3A_1180 = arith.constant 16 : index
      %swap3A_1181 = tpu.vector_load %arg13[%swap3A_1179, %swap3A_1180] {strides = array<i32>} : memref<1x64xi32, #tpu.memory_space<vmem>>, vector<16xi32>,
      tpu.vector_store %arg13[%swap3A_1179, %swap3A_1180], %and3A_1177 {strides = array<i32>} : memref<1x64xi32, #tpu.memory_space<vmem>>, vector<16xi32>,
      %shift_right_logical3A_1182 = arith.constant 16 : i32
      %shift_right_logical3A_1183 = vector.broadcast %shift_right_logical3A_1182 : i32 to vector<16xi32>
      %shift_right_logical3A_1184 = arith.shrui %get3A_1174, %shift_right_logical3A_1183 : vector<16xi32>
      %swap3A_1185 = arith.constant 0 : i32
      %swap3A_1186 = arith.index_cast %swap3A_1185 : i32 to index
      %swap3A_1187 = arith.constant 48 : index
      %swap3A_1188 = tpu.vector_load %arg13[%swap3A_1186, %swap3A_1187] {strides = array<i32>} : memref<1x64xi32, #tpu.memory_space<vmem>>, vector<16xi32>,
      tpu.vector_store %arg13[%swap3A_1186, %swap3A_1187], %shift_right_logical3A_1184 {strides = array<i32>} : memref<1x64xi32, #tpu.memory_space<vmem>>, vector<16xi32>,
      %dma_start3A_1189 = arith.constant 0 : i32
      %dma_start3A_1190 = arith.constant 0 : i32
      %dma_start3A_1191 = tpu.memref_slice %arg13[%dma_start3A_1189, %dma_start3A_1190] : memref<1x64xi32, #tpu.memory_space<vmem>> -> memref<1x64xi32, #tpu.memory_space<vmem>>
      %dma_start3A_1192 = tpu.memref_squeeze %dma_start3A_1191 : memref<1x64xi32, #tpu.memory_space<vmem>> -> memref<64xi32, #tpu.memory_space<vmem>>
      %dma_start3A_1193 = arith.constant 0 : i32
      %dma_start3A_1194 = arith.constant 0 : i32
      %dma_start3A_1195 = tpu.memref_slice %arg20[%dma_start3A_1193, %dma_start3A_1194] : memref<10240x128xf32, #tpu.memory_space<vmem_shared>> -> memref<10240x128xf32, #tpu.memory_space<vmem_shared>>
      tpu.enqueue_indirect_dma source(%arg17 : memref<64x128xf32, #tpu.memory_space<vmem>>) target(%dma_start3A_1195 : memref<10240x128xf32, #tpu.memory_space<vmem_shared>>) offsets(%dma_start3A_1192 : memref<64xi32, #tpu.memory_space<vmem>>) semaphore(%arg26 : memref<!tpu.dma_semaphore, #tpu.memory_space<semaphore_mem>>) {add = true}
      %scan3A_1196 = arith.constant 0 : i32
      scf.yield %scan3A_1196 : i32
    }
    %scan3A_276 = arith.constant 38 : i32
    %dma_wait3A_277 = arith.constant 0 : i32
    %dma_wait3A_278 = arith.constant 0 : i32
    %dma_wait3A_279 = tpu.memref_slice %arg2[%dma_wait3A_277, %dma_wait3A_278] : memref<10000x128xf32, #tpu.memory_space<hbm>> -> memref<64x128xf32, #tpu.memory_space<hbm>>
    %dma_wait3A_280 = arith.constant 0 : i32
    %dma_wait3A_281 = arith.constant 0 : i32
    %dma_wait3A_282 = tpu.memref_slice %arg2[%dma_wait3A_280, %dma_wait3A_281] : memref<10000x128xf32, #tpu.memory_space<hbm>> -> memref<64x128xf32, #tpu.memory_space<hbm>>
    tpu.wait_dma2 semaphore(%arg23 : memref<!tpu.dma_semaphore, #tpu.memory_space<semaphore_mem>>) src(%dma_wait3A_282 : memref<64x128xf32, #tpu.memory_space<hbm>>) dst(%arg18 : memref<64x128xf32, #tpu.memory_space<vmem>>)
    %dma_wait3A_283 = arith.constant 0 : i32
    %dma_wait3A_284 = arith.constant 0 : i32
    %dma_wait3A_285 = tpu.memref_slice %arg20[%dma_wait3A_283, %dma_wait3A_284] : memref<10240x128xf32, #tpu.memory_space<vmem_shared>> -> memref<64x128xf32, #tpu.memory_space<vmem_shared>>
    %dma_wait3A_286 = arith.constant 0 : i32
    %dma_wait3A_287 = arith.constant 0 : i32
    %dma_wait3A_288 = tpu.memref_slice %arg20[%dma_wait3A_286, %dma_wait3A_287] : memref<10240x128xf32, #tpu.memory_space<vmem_shared>> -> memref<64x128xf32, #tpu.memory_space<vmem_shared>>
    tpu.wait_dma2 semaphore(%arg25 : memref<!tpu.dma_semaphore, #tpu.memory_space<semaphore_mem>>) src(%arg16 : memref<64x128xf32, #tpu.memory_space<vmem>>) dst(%dma_wait3A_288 : memref<64x128xf32, #tpu.memory_space<vmem_shared>>)
    %get3A_289 = arith.constant 4992 : index
    %get3A_290 = tpu.vector_load %arg6[%get3A_289] {strides = array<i32>} : memref<5120xi32, #tpu.memory_space<vmem>>, vector<16xi32>,
    %and3A_291 = arith.constant 65535 : i32
    %and3A_292 = vector.broadcast %and3A_291 : i32 to vector<16xi32>
    %and3A_293 = arith.andi %get3A_290, %and3A_292 : vector<16xi32>
    %swap3A_294 = arith.constant 0 : i32
    %swap3A_295 = arith.index_cast %swap3A_294 : i32 to index
    %swap3A_296 = arith.constant 0 : index
    %swap3A_297 = tpu.vector_load %arg8[%swap3A_295, %swap3A_296] {strides = array<i32>} : memref<1x64xi32, #tpu.memory_space<vmem>>, vector<16xi32>,
    tpu.vector_store %arg8[%swap3A_295, %swap3A_296], %and3A_293 {strides = array<i32>} : memref<1x64xi32, #tpu.memory_space<vmem>>, vector<16xi32>,
    %shift_right_logical3A_298 = arith.constant 16 : i32
    %shift_right_logical3A_299 = vector.broadcast %shift_right_logical3A_298 : i32 to vector<16xi32>
    %shift_right_logical3A_300 = arith.shrui %get3A_290, %shift_right_logical3A_299 : vector<16xi32>
    %swap3A_301 = arith.constant 0 : i32
    %swap3A_302 = arith.index_cast %swap3A_301 : i32 to index
    %swap3A_303 = arith.constant 32 : index
    %swap3A_304 = tpu.vector_load %arg8[%swap3A_302, %swap3A_303] {strides = array<i32>} : memref<1x64xi32, #tpu.memory_space<vmem>>, vector<16xi32>,
    tpu.vector_store %arg8[%swap3A_302, %swap3A_303], %shift_right_logical3A_300 {strides = array<i32>} : memref<1x64xi32, #tpu.memory_space<vmem>>, vector<16xi32>,
    %get3A_305 = arith.constant 5008 : index
    %get3A_306 = tpu.vector_load %arg6[%get3A_305] {strides = array<i32>} : memref<5120xi32, #tpu.memory_space<vmem>>, vector<16xi32>,
    %and3A_307 = arith.constant 65535 : i32
    %and3A_308 = vector.broadcast %and3A_307 : i32 to vector<16xi32>
    %and3A_309 = arith.andi %get3A_306, %and3A_308 : vector<16xi32>
    %swap3A_310 = arith.constant 0 : i32
    %swap3A_311 = arith.index_cast %swap3A_310 : i32 to index
    %swap3A_312 = arith.constant 16 : index
    %swap3A_313 = tpu.vector_load %arg8[%swap3A_311, %swap3A_312] {strides = array<i32>} : memref<1x64xi32, #tpu.memory_space<vmem>>, vector<16xi32>,
    tpu.vector_store %arg8[%swap3A_311, %swap3A_312], %and3A_309 {strides = array<i32>} : memref<1x64xi32, #tpu.memory_space<vmem>>, vector<16xi32>,
    %shift_right_logical3A_314 = arith.constant 16 : i32
    %shift_right_logical3A_315 = vector.broadcast %shift_right_logical3A_314 : i32 to vector<16xi32>
    %shift_right_logical3A_316 = arith.shrui %get3A_306, %shift_right_logical3A_315 : vector<16xi32>
    %swap3A_317 = arith.constant 0 : i32
    %swap3A_318 = arith.index_cast %swap3A_317 : i32 to index
    %swap3A_319 = arith.constant 48 : index
    %swap3A_320 = tpu.vector_load %arg8[%swap3A_318, %swap3A_319] {strides = array<i32>} : memref<1x64xi32, #tpu.memory_space<vmem>>, vector<16xi32>,
    tpu.vector_store %arg8[%swap3A_318, %swap3A_319], %shift_right_logical3A_316 {strides = array<i32>} : memref<1x64xi32, #tpu.memory_space<vmem>>, vector<16xi32>,
    %dma_start3A_321 = arith.constant 0 : i32
    %dma_start3A_322 = arith.constant 0 : i32
    %dma_start3A_323 = tpu.memref_slice %arg8[%dma_start3A_321, %dma_start3A_322] : memref<1x64xi32, #tpu.memory_space<vmem>> -> memref<1x64xi32, #tpu.memory_space<vmem>>
    %dma_start3A_324 = tpu.memref_squeeze %dma_start3A_323 : memref<1x64xi32, #tpu.memory_space<vmem>> -> memref<64xi32, #tpu.memory_space<vmem>>
    %dma_start3A_325 = arith.constant 0 : i32
    %dma_start3A_326 = arith.constant 0 : i32
    %dma_start3A_327 = tpu.memref_slice %arg2[%dma_start3A_325, %dma_start3A_326] : memref<10000x128xf32, #tpu.memory_space<hbm>> -> memref<10000x128xf32, #tpu.memory_space<hbm>>
    tpu.enqueue_indirect_dma source(%dma_start3A_327 : memref<10000x128xf32, #tpu.memory_space<hbm>>) target(%arg16 : memref<64x128xf32, #tpu.memory_space<vmem>>) offsets(%dma_start3A_324 : memref<64xi32, #tpu.memory_space<vmem>>) semaphore(%arg21 : memref<!tpu.dma_semaphore, #tpu.memory_space<semaphore_mem>>)
    %get3A_328 = arith.constant 4928 : index
    %get3A_329 = tpu.vector_load %arg7[%get3A_328] {strides = array<i32>} : memref<5120xi32, #tpu.memory_space<vmem>>, vector<16xi32>,
    %and3A_330 = arith.constant 65535 : i32
    %and3A_331 = vector.broadcast %and3A_330 : i32 to vector<16xi32>
    %and3A_332 = arith.andi %get3A_329, %and3A_331 : vector<16xi32>
    %swap3A_333 = arith.constant 0 : i32
    %swap3A_334 = arith.index_cast %swap3A_333 : i32 to index
    %swap3A_335 = arith.constant 0 : index
    %swap3A_336 = tpu.vector_load %arg14[%swap3A_334, %swap3A_335] {strides = array<i32>} : memref<1x64xi32, #tpu.memory_space<vmem>>, vector<16xi32>,
    tpu.vector_store %arg14[%swap3A_334, %swap3A_335], %and3A_332 {strides = array<i32>} : memref<1x64xi32, #tpu.memory_space<vmem>>, vector<16xi32>,
    %shift_right_logical3A_337 = arith.constant 16 : i32
    %shift_right_logical3A_338 = vector.broadcast %shift_right_logical3A_337 : i32 to vector<16xi32>
    %shift_right_logical3A_339 = arith.shrui %get3A_329, %shift_right_logical3A_338 : vector<16xi32>
    %swap3A_340 = arith.constant 0 : i32
    %swap3A_341 = arith.index_cast %swap3A_340 : i32 to index
    %swap3A_342 = arith.constant 32 : index
    %swap3A_343 = tpu.vector_load %arg14[%swap3A_341, %swap3A_342] {strides = array<i32>} : memref<1x64xi32, #tpu.memory_space<vmem>>, vector<16xi32>,
    tpu.vector_store %arg14[%swap3A_341, %swap3A_342], %shift_right_logical3A_339 {strides = array<i32>} : memref<1x64xi32, #tpu.memory_space<vmem>>, vector<16xi32>,
    %get3A_344 = arith.constant 4944 : index
    %get3A_345 = tpu.vector_load %arg7[%get3A_344] {strides = array<i32>} : memref<5120xi32, #tpu.memory_space<vmem>>, vector<16xi32>,
    %and3A_346 = arith.constant 65535 : i32
    %and3A_347 = vector.broadcast %and3A_346 : i32 to vector<16xi32>
    %and3A_348 = arith.andi %get3A_345, %and3A_347 : vector<16xi32>
    %swap3A_349 = arith.constant 0 : i32
    %swap3A_350 = arith.index_cast %swap3A_349 : i32 to index
    %swap3A_351 = arith.constant 16 : index
    %swap3A_352 = tpu.vector_load %arg14[%swap3A_350, %swap3A_351] {strides = array<i32>} : memref<1x64xi32, #tpu.memory_space<vmem>>, vector<16xi32>,
    tpu.vector_store %arg14[%swap3A_350, %swap3A_351], %and3A_348 {strides = array<i32>} : memref<1x64xi32, #tpu.memory_space<vmem>>, vector<16xi32>,
    %shift_right_logical3A_353 = arith.constant 16 : i32
    %shift_right_logical3A_354 = vector.broadcast %shift_right_logical3A_353 : i32 to vector<16xi32>
    %shift_right_logical3A_355 = arith.shrui %get3A_345, %shift_right_logical3A_354 : vector<16xi32>
    %swap3A_356 = arith.constant 0 : i32
    %swap3A_357 = arith.index_cast %swap3A_356 : i32 to index
    %swap3A_358 = arith.constant 48 : index
    %swap3A_359 = tpu.vector_load %arg14[%swap3A_357, %swap3A_358] {strides = array<i32>} : memref<1x64xi32, #tpu.memory_space<vmem>>, vector<16xi32>,
    tpu.vector_store %arg14[%swap3A_357, %swap3A_358], %shift_right_logical3A_355 {strides = array<i32>} : memref<1x64xi32, #tpu.memory_space<vmem>>, vector<16xi32>,
    %dma_start3A_360 = arith.constant 0 : i32
    %dma_start3A_361 = arith.constant 0 : i32
    %dma_start3A_362 = tpu.memref_slice %arg14[%dma_start3A_360, %dma_start3A_361] : memref<1x64xi32, #tpu.memory_space<vmem>> -> memref<1x64xi32, #tpu.memory_space<vmem>>
    %dma_start3A_363 = tpu.memref_squeeze %dma_start3A_362 : memref<1x64xi32, #tpu.memory_space<vmem>> -> memref<64xi32, #tpu.memory_space<vmem>>
    %dma_start3A_364 = arith.constant 0 : i32
    %dma_start3A_365 = arith.constant 0 : i32
    %dma_start3A_366 = tpu.memref_slice %arg20[%dma_start3A_364, %dma_start3A_365] : memref<10240x128xf32, #tpu.memory_space<vmem_shared>> -> memref<10240x128xf32, #tpu.memory_space<vmem_shared>>
    tpu.enqueue_indirect_dma source(%arg18 : memref<64x128xf32, #tpu.memory_space<vmem>>) target(%dma_start3A_366 : memref<10240x128xf32, #tpu.memory_space<vmem_shared>>) offsets(%dma_start3A_363 : memref<64xi32, #tpu.memory_space<vmem>>) semaphore(%arg27 : memref<!tpu.dma_semaphore, #tpu.memory_space<semaphore_mem>>) {add = true}
    %dma_wait3A_367 = arith.constant 0 : i32
    %dma_wait3A_368 = arith.constant 0 : i32
    %dma_wait3A_369 = tpu.memref_slice %arg2[%dma_wait3A_367, %dma_wait3A_368] : memref<10000x128xf32, #tpu.memory_space<hbm>> -> memref<64x128xf32, #tpu.memory_space<hbm>>
    %dma_wait3A_370 = arith.constant 0 : i32
    %dma_wait3A_371 = arith.constant 0 : i32
    %dma_wait3A_372 = tpu.memref_slice %arg2[%dma_wait3A_370, %dma_wait3A_371] : memref<10000x128xf32, #tpu.memory_space<hbm>> -> memref<64x128xf32, #tpu.memory_space<hbm>>
    tpu.wait_dma2 semaphore(%arg24 : memref<!tpu.dma_semaphore, #tpu.memory_space<semaphore_mem>>) src(%dma_wait3A_372 : memref<64x128xf32, #tpu.memory_space<hbm>>) dst(%arg19 : memref<64x128xf32, #tpu.memory_space<vmem>>)
    %dma_wait3A_373 = arith.constant 0 : i32
    %dma_wait3A_374 = arith.constant 0 : i32
    %dma_wait3A_375 = tpu.memref_slice %arg20[%dma_wait3A_373, %dma_wait3A_374] : memref<10240x128xf32, #tpu.memory_space<vmem_shared>> -> memref<64x128xf32, #tpu.memory_space<vmem_shared>>
    %dma_wait3A_376 = arith.constant 0 : i32
    %dma_wait3A_377 = arith.constant 0 : i32
    %dma_wait3A_378 = tpu.memref_slice %arg20[%dma_wait3A_376, %dma_wait3A_377] : memref<10240x128xf32, #tpu.memory_space<vmem_shared>> -> memref<64x128xf32, #tpu.memory_space<vmem_shared>>
    tpu.wait_dma2 semaphore(%arg26 : memref<!tpu.dma_semaphore, #tpu.memory_space<semaphore_mem>>) src(%arg17 : memref<64x128xf32, #tpu.memory_space<vmem>>) dst(%dma_wait3A_378 : memref<64x128xf32, #tpu.memory_space<vmem_shared>>)
    %get3A_379 = arith.constant 5024 : index
    %get3A_380 = tpu.vector_load %arg6[%get3A_379] {strides = array<i32>} : memref<5120xi32, #tpu.memory_space<vmem>>, vector<16xi32>,
    %and3A_381 = arith.constant 65535 : i32
    %and3A_382 = vector.broadcast %and3A_381 : i32 to vector<16xi32>
    %and3A_383 = arith.andi %get3A_380, %and3A_382 : vector<16xi32>
    %swap3A_384 = arith.constant 0 : i32
    %swap3A_385 = arith.index_cast %swap3A_384 : i32 to index
    %swap3A_386 = arith.constant 0 : index
    %swap3A_387 = tpu.vector_load %arg9[%swap3A_385, %swap3A_386] {strides = array<i32>} : memref<1x64xi32, #tpu.memory_space<vmem>>, vector<16xi32>,
    tpu.vector_store %arg9[%swap3A_385, %swap3A_386], %and3A_383 {strides = array<i32>} : memref<1x64xi32, #tpu.memory_space<vmem>>, vector<16xi32>,
    %shift_right_logical3A_388 = arith.constant 16 : i32
    %shift_right_logical3A_389 = vector.broadcast %shift_right_logical3A_388 : i32 to vector<16xi32>
    %shift_right_logical3A_390 = arith.shrui %get3A_380, %shift_right_logical3A_389 : vector<16xi32>
    %swap3A_391 = arith.constant 0 : i32
    %swap3A_392 = arith.index_cast %swap3A_391 : i32 to index
    %swap3A_393 = arith.constant 32 : index
    %swap3A_394 = tpu.vector_load %arg9[%swap3A_392, %swap3A_393] {strides = array<i32>} : memref<1x64xi32, #tpu.memory_space<vmem>>, vector<16xi32>,
    tpu.vector_store %arg9[%swap3A_392, %swap3A_393], %shift_right_logical3A_390 {strides = array<i32>} : memref<1x64xi32, #tpu.memory_space<vmem>>, vector<16xi32>,
    %get3A_395 = arith.constant 5040 : index
    %get3A_396 = tpu.vector_load %arg6[%get3A_395] {strides = array<i32>} : memref<5120xi32, #tpu.memory_space<vmem>>, vector<16xi32>,
    %and3A_397 = arith.constant 65535 : i32
    %and3A_398 = vector.broadcast %and3A_397 : i32 to vector<16xi32>
    %and3A_399 = arith.andi %get3A_396, %and3A_398 : vector<16xi32>
    %swap3A_400 = arith.constant 0 : i32
    %swap3A_401 = arith.index_cast %swap3A_400 : i32 to index
    %swap3A_402 = arith.constant 16 : index
    %swap3A_403 = tpu.vector_load %arg9[%swap3A_401, %swap3A_402] {strides = array<i32>} : memref<1x64xi32, #tpu.memory_space<vmem>>, vector<16xi32>,
    tpu.vector_store %arg9[%swap3A_401, %swap3A_402], %and3A_399 {strides = array<i32>} : memref<1x64xi32, #tpu.memory_space<vmem>>, vector<16xi32>,
    %shift_right_logical3A_404 = arith.constant 16 : i32
    %shift_right_logical3A_405 = vector.broadcast %shift_right_logical3A_404 : i32 to vector<16xi32>
    %shift_right_logical3A_406 = arith.shrui %get3A_396, %shift_right_logical3A_405 : vector<16xi32>
    %swap3A_407 = arith.constant 0 : i32
    %swap3A_408 = arith.index_cast %swap3A_407 : i32 to index
    %swap3A_409 = arith.constant 48 : index
    %swap3A_410 = tpu.vector_load %arg9[%swap3A_408, %swap3A_409] {strides = array<i32>} : memref<1x64xi32, #tpu.memory_space<vmem>>, vector<16xi32>,
    tpu.vector_store %arg9[%swap3A_408, %swap3A_409], %shift_right_logical3A_406 {strides = array<i32>} : memref<1x64xi32, #tpu.memory_space<vmem>>, vector<16xi32>,
    %dma_start3A_411 = arith.constant 0 : i32
    %dma_start3A_412 = arith.constant 0 : i32
    %dma_start3A_413 = tpu.memref_slice %arg9[%dma_start3A_411, %dma_start3A_412] : memref<1x64xi32, #tpu.memory_space<vmem>> -> memref<1x64xi32, #tpu.memory_space<vmem>>
    %dma_start3A_414 = tpu.memref_squeeze %dma_start3A_413 : memref<1x64xi32, #tpu.memory_space<vmem>> -> memref<64xi32, #tpu.memory_space<vmem>>
    %dma_start3A_415 = arith.constant 0 : i32
    %dma_start3A_416 = arith.constant 0 : i32
    %dma_start3A_417 = tpu.memref_slice %arg2[%dma_start3A_415, %dma_start3A_416] : memref<10000x128xf32, #tpu.memory_space<hbm>> -> memref<10000x128xf32, #tpu.memory_space<hbm>>
    tpu.enqueue_indirect_dma source(%dma_start3A_417 : memref<10000x128xf32, #tpu.memory_space<hbm>>) target(%arg17 : memref<64x128xf32, #tpu.memory_space<vmem>>) offsets(%dma_start3A_414 : memref<64xi32, #tpu.memory_space<vmem>>) semaphore(%arg22 : memref<!tpu.dma_semaphore, #tpu.memory_space<semaphore_mem>>)
    %get3A_418 = arith.constant 4960 : index
    %get3A_419 = tpu.vector_load %arg7[%get3A_418] {strides = array<i32>} : memref<5120xi32, #tpu.memory_space<vmem>>, vector<16xi32>,
    %and3A_420 = arith.constant 65535 : i32
    %and3A_421 = vector.broadcast %and3A_420 : i32 to vector<16xi32>
    %and3A_422 = arith.andi %get3A_419, %and3A_421 : vector<16xi32>
    %swap3A_423 = arith.constant 0 : i32
    %swap3A_424 = arith.index_cast %swap3A_423 : i32 to index
    %swap3A_425 = arith.constant 0 : index
    %swap3A_426 = tpu.vector_load %arg15[%swap3A_424, %swap3A_425] {strides = array<i32>} : memref<1x64xi32, #tpu.memory_space<vmem>>, vector<16xi32>,
    tpu.vector_store %arg15[%swap3A_424, %swap3A_425], %and3A_422 {strides = array<i32>} : memref<1x64xi32, #tpu.memory_space<vmem>>, vector<16xi32>,
    %shift_right_logical3A_427 = arith.constant 16 : i32
    %shift_right_logical3A_428 = vector.broadcast %shift_right_logical3A_427 : i32 to vector<16xi32>
    %shift_right_logical3A_429 = arith.shrui %get3A_419, %shift_right_logical3A_428 : vector<16xi32>
    %swap3A_430 = arith.constant 0 : i32
    %swap3A_431 = arith.index_cast %swap3A_430 : i32 to index
    %swap3A_432 = arith.constant 32 : index
    %swap3A_433 = tpu.vector_load %arg15[%swap3A_431, %swap3A_432] {strides = array<i32>} : memref<1x64xi32, #tpu.memory_space<vmem>>, vector<16xi32>,
    tpu.vector_store %arg15[%swap3A_431, %swap3A_432], %shift_right_logical3A_429 {strides = array<i32>} : memref<1x64xi32, #tpu.memory_space<vmem>>, vector<16xi32>,
    %get3A_434 = arith.constant 4976 : index
    %get3A_435 = tpu.vector_load %arg7[%get3A_434] {strides = array<i32>} : memref<5120xi32, #tpu.memory_space<vmem>>, vector<16xi32>,
    %and3A_436 = arith.constant 65535 : i32
    %and3A_437 = vector.broadcast %and3A_436 : i32 to vector<16xi32>
    %and3A_438 = arith.andi %get3A_435, %and3A_437 : vector<16xi32>
    %swap3A_439 = arith.constant 0 : i32
    %swap3A_440 = arith.index_cast %swap3A_439 : i32 to index
    %swap3A_441 = arith.constant 16 : index
    %swap3A_442 = tpu.vector_load %arg15[%swap3A_440, %swap3A_441] {strides = array<i32>} : memref<1x64xi32, #tpu.memory_space<vmem>>, vector<16xi32>,
    tpu.vector_store %arg15[%swap3A_440, %swap3A_441], %and3A_438 {strides = array<i32>} : memref<1x64xi32, #tpu.memory_space<vmem>>, vector<16xi32>,
    %shift_right_logical3A_443 = arith.constant 16 : i32
    %shift_right_logical3A_444 = vector.broadcast %shift_right_logical3A_443 : i32 to vector<16xi32>
    %shift_right_logical3A_445 = arith.shrui %get3A_435, %shift_right_logical3A_444 : vector<16xi32>
    %swap3A_446 = arith.constant 0 : i32
    %swap3A_447 = arith.index_cast %swap3A_446 : i32 to index
    %swap3A_448 = arith.constant 48 : index
    %swap3A_449 = tpu.vector_load %arg15[%swap3A_447, %swap3A_448] {strides = array<i32>} : memref<1x64xi32, #tpu.memory_space<vmem>>, vector<16xi32>,
    tpu.vector_store %arg15[%swap3A_447, %swap3A_448], %shift_right_logical3A_445 {strides = array<i32>} : memref<1x64xi32, #tpu.memory_space<vmem>>, vector<16xi32>,
    %dma_start3A_450 = arith.constant 0 : i32
    %dma_start3A_451 = arith.constant 0 : i32
    %dma_start3A_452 = tpu.memref_slice %arg15[%dma_start3A_450, %dma_start3A_451] : memref<1x64xi32, #tpu.memory_space<vmem>> -> memref<1x64xi32, #tpu.memory_space<vmem>>
    %dma_start3A_453 = tpu.memref_squeeze %dma_start3A_452 : memref<1x64xi32, #tpu.memory_space<vmem>> -> memref<64xi32, #tpu.memory_space<vmem>>
    %dma_start3A_454 = arith.constant 0 : i32
    %dma_start3A_455 = arith.constant 0 : i32
    %dma_start3A_456 = tpu.memref_slice %arg20[%dma_start3A_454, %dma_start3A_455] : memref<10240x128xf32, #tpu.memory_space<vmem_shared>> -> memref<10240x128xf32, #tpu.memory_space<vmem_shared>>
    tpu.enqueue_indirect_dma source(%arg19 : memref<64x128xf32, #tpu.memory_space<vmem>>) target(%dma_start3A_456 : memref<10240x128xf32, #tpu.memory_space<vmem_shared>>) offsets(%dma_start3A_453 : memref<64xi32, #tpu.memory_space<vmem>>) semaphore(%arg28 : memref<!tpu.dma_semaphore, #tpu.memory_space<semaphore_mem>>) {add = true}
    %dma_wait3A_457 = arith.constant 0 : i32
    %dma_wait3A_458 = arith.constant 0 : i32
    %dma_wait3A_459 = tpu.memref_slice %arg2[%dma_wait3A_457, %dma_wait3A_458] : memref<10000x128xf32, #tpu.memory_space<hbm>> -> memref<64x128xf32, #tpu.memory_space<hbm>>
    %dma_wait3A_460 = arith.constant 0 : i32
    %dma_wait3A_461 = arith.constant 0 : i32
    %dma_wait3A_462 = tpu.memref_slice %arg2[%dma_wait3A_460, %dma_wait3A_461] : memref<10000x128xf32, #tpu.memory_space<hbm>> -> memref<64x128xf32, #tpu.memory_space<hbm>>
    tpu.wait_dma2 semaphore(%arg21 : memref<!tpu.dma_semaphore, #tpu.memory_space<semaphore_mem>>) src(%dma_wait3A_462 : memref<64x128xf32, #tpu.memory_space<hbm>>) dst(%arg16 : memref<64x128xf32, #tpu.memory_space<vmem>>)
    %dma_wait3A_463 = arith.constant 0 : i32
    %dma_wait3A_464 = arith.constant 0 : i32
    %dma_wait3A_465 = tpu.memref_slice %arg20[%dma_wait3A_463, %dma_wait3A_464] : memref<10240x128xf32, #tpu.memory_space<vmem_shared>> -> memref<64x128xf32, #tpu.memory_space<vmem_shared>>
    %dma_wait3A_466 = arith.constant 0 : i32
    %dma_wait3A_467 = arith.constant 0 : i32
    %dma_wait3A_468 = tpu.memref_slice %arg20[%dma_wait3A_466, %dma_wait3A_467] : memref<10240x128xf32, #tpu.memory_space<vmem_shared>> -> memref<64x128xf32, #tpu.memory_space<vmem_shared>>
    tpu.wait_dma2 semaphore(%arg27 : memref<!tpu.dma_semaphore, #tpu.memory_space<semaphore_mem>>) src(%arg18 : memref<64x128xf32, #tpu.memory_space<vmem>>) dst(%dma_wait3A_468 : memref<64x128xf32, #tpu.memory_space<vmem_shared>>)
    %get3A_469 = arith.constant 5056 : index
    %get3A_470 = tpu.vector_load %arg6[%get3A_469] {strides = array<i32>} : memref<5120xi32, #tpu.memory_space<vmem>>, vector<16xi32>,
    %and3A_471 = arith.constant 65535 : i32
    %and3A_472 = vector.broadcast %and3A_471 : i32 to vector<16xi32>
    %and3A_473 = arith.andi %get3A_470, %and3A_472 : vector<16xi32>
    %swap3A_474 = arith.constant 0 : i32
    %swap3A_475 = arith.index_cast %swap3A_474 : i32 to index
    %swap3A_476 = arith.constant 0 : index
    %swap3A_477 = tpu.vector_load %arg10[%swap3A_475, %swap3A_476] {strides = array<i32>} : memref<1x64xi32, #tpu.memory_space<vmem>>, vector<16xi32>,
    tpu.vector_store %arg10[%swap3A_475, %swap3A_476], %and3A_473 {strides = array<i32>} : memref<1x64xi32, #tpu.memory_space<vmem>>, vector<16xi32>,
    %shift_right_logical3A_478 = arith.constant 16 : i32
    %shift_right_logical3A_479 = vector.broadcast %shift_right_logical3A_478 : i32 to vector<16xi32>
    %shift_right_logical3A_480 = arith.shrui %get3A_470, %shift_right_logical3A_479 : vector<16xi32>
    %swap3A_481 = arith.constant 0 : i32
    %swap3A_482 = arith.index_cast %swap3A_481 : i32 to index
    %swap3A_483 = arith.constant 32 : index
    %swap3A_484 = tpu.vector_load %arg10[%swap3A_482, %swap3A_483] {strides = array<i32>} : memref<1x64xi32, #tpu.memory_space<vmem>>, vector<16xi32>,
    tpu.vector_store %arg10[%swap3A_482, %swap3A_483], %shift_right_logical3A_480 {strides = array<i32>} : memref<1x64xi32, #tpu.memory_space<vmem>>, vector<16xi32>,
    %get3A_485 = arith.constant 5072 : index
    %get3A_486 = tpu.vector_load %arg6[%get3A_485] {strides = array<i32>} : memref<5120xi32, #tpu.memory_space<vmem>>, vector<16xi32>,
    %and3A_487 = arith.constant 65535 : i32
    %and3A_488 = vector.broadcast %and3A_487 : i32 to vector<16xi32>
    %and3A_489 = arith.andi %get3A_486, %and3A_488 : vector<16xi32>
    %swap3A_490 = arith.constant 0 : i32
    %swap3A_491 = arith.index_cast %swap3A_490 : i32 to index
    %swap3A_492 = arith.constant 16 : index
    %swap3A_493 = tpu.vector_load %arg10[%swap3A_491, %swap3A_492] {strides = array<i32>} : memref<1x64xi32, #tpu.memory_space<vmem>>, vector<16xi32>,
    tpu.vector_store %arg10[%swap3A_491, %swap3A_492], %and3A_489 {strides = array<i32>} : memref<1x64xi32, #tpu.memory_space<vmem>>, vector<16xi32>,
    %shift_right_logical3A_494 = arith.constant 16 : i32
    %shift_right_logical3A_495 = vector.broadcast %shift_right_logical3A_494 : i32 to vector<16xi32>
    %shift_right_logical3A_496 = arith.shrui %get3A_486, %shift_right_logical3A_495 : vector<16xi32>
    %swap3A_497 = arith.constant 0 : i32
    %swap3A_498 = arith.index_cast %swap3A_497 : i32 to index
    %swap3A_499 = arith.constant 48 : index
    %swap3A_500 = tpu.vector_load %arg10[%swap3A_498, %swap3A_499] {strides = array<i32>} : memref<1x64xi32, #tpu.memory_space<vmem>>, vector<16xi32>,
    tpu.vector_store %arg10[%swap3A_498, %swap3A_499], %shift_right_logical3A_496 {strides = array<i32>} : memref<1x64xi32, #tpu.memory_space<vmem>>, vector<16xi32>,
    %dma_start3A_501 = arith.constant 0 : i32
    %dma_start3A_502 = arith.constant 0 : i32
    %dma_start3A_503 = tpu.memref_slice %arg10[%dma_start3A_501, %dma_start3A_502] : memref<1x64xi32, #tpu.memory_space<vmem>> -> memref<1x64xi32, #tpu.memory_space<vmem>>
    %dma_start3A_504 = tpu.memref_squeeze %dma_start3A_503 : memref<1x64xi32, #tpu.memory_space<vmem>> -> memref<64xi32, #tpu.memory_space<vmem>>
    %dma_start3A_505 = arith.constant 0 : i32
    %dma_start3A_506 = arith.constant 0 : i32
    %dma_start3A_507 = tpu.memref_slice %arg2[%dma_start3A_505, %dma_start3A_506] : memref<10000x128xf32, #tpu.memory_space<hbm>> -> memref<10000x128xf32, #tpu.memory_space<hbm>>
    tpu.enqueue_indirect_dma source(%dma_start3A_507 : memref<10000x128xf32, #tpu.memory_space<hbm>>) target(%arg18 : memref<64x128xf32, #tpu.memory_space<vmem>>) offsets(%dma_start3A_504 : memref<64xi32, #tpu.memory_space<vmem>>) semaphore(%arg23 : memref<!tpu.dma_semaphore, #tpu.memory_space<semaphore_mem>>)
    %get3A_508 = arith.constant 4992 : index
    %get3A_509 = tpu.vector_load %arg7[%get3A_508] {strides = array<i32>} : memref<5120xi32, #tpu.memory_space<vmem>>, vector<16xi32>,
    %and3A_510 = arith.constant 65535 : i32
    %and3A_511 = vector.broadcast %and3A_510 : i32 to vector<16xi32>
    %and3A_512 = arith.andi %get3A_509, %and3A_511 : vector<16xi32>
    %swap3A_513 = arith.constant 0 : i32
    %swap3A_514 = arith.index_cast %swap3A_513 : i32 to index
    %swap3A_515 = arith.constant 0 : index
    %swap3A_516 = tpu.vector_load %arg12[%swap3A_514, %swap3A_515] {strides = array<i32>} : memref<1x64xi32, #tpu.memory_space<vmem>>, vector<16xi32>,
    tpu.vector_store %arg12[%swap3A_514, %swap3A_515], %and3A_512 {strides = array<i32>} : memref<1x64xi32, #tpu.memory_space<vmem>>, vector<16xi32>,
    %shift_right_logical3A_517 = arith.constant 16 : i32
    %shift_right_logical3A_518 = vector.broadcast %shift_right_logical3A_517 : i32 to vector<16xi32>
    %shift_right_logical3A_519 = arith.shrui %get3A_509, %shift_right_logical3A_518 : vector<16xi32>
    %swap3A_520 = arith.constant 0 : i32
    %swap3A_521 = arith.index_cast %swap3A_520 : i32 to index
    %swap3A_522 = arith.constant 32 : index
    %swap3A_523 = tpu.vector_load %arg12[%swap3A_521, %swap3A_522] {strides = array<i32>} : memref<1x64xi32, #tpu.memory_space<vmem>>, vector<16xi32>,
    tpu.vector_store %arg12[%swap3A_521, %swap3A_522], %shift_right_logical3A_519 {strides = array<i32>} : memref<1x64xi32, #tpu.memory_space<vmem>>, vector<16xi32>,
    %get3A_524 = arith.constant 5008 : index
    %get3A_525 = tpu.vector_load %arg7[%get3A_524] {strides = array<i32>} : memref<5120xi32, #tpu.memory_space<vmem>>, vector<16xi32>,
    %and3A_526 = arith.constant 65535 : i32
    %and3A_527 = vector.broadcast %and3A_526 : i32 to vector<16xi32>
    %and3A_528 = arith.andi %get3A_525, %and3A_527 : vector<16xi32>
    %swap3A_529 = arith.constant 0 : i32
    %swap3A_530 = arith.index_cast %swap3A_529 : i32 to index
    %swap3A_531 = arith.constant 16 : index
    %swap3A_532 = tpu.vector_load %arg12[%swap3A_530, %swap3A_531] {strides = array<i32>} : memref<1x64xi32, #tpu.memory_space<vmem>>, vector<16xi32>,
    tpu.vector_store %arg12[%swap3A_530, %swap3A_531], %and3A_528 {strides = array<i32>} : memref<1x64xi32, #tpu.memory_space<vmem>>, vector<16xi32>,
    %shift_right_logical3A_533 = arith.constant 16 : i32
    %shift_right_logical3A_534 = vector.broadcast %shift_right_logical3A_533 : i32 to vector<16xi32>
    %shift_right_logical3A_535 = arith.shrui %get3A_525, %shift_right_logical3A_534 : vector<16xi32>
    %swap3A_536 = arith.constant 0 : i32
    %swap3A_537 = arith.index_cast %swap3A_536 : i32 to index
    %swap3A_538 = arith.constant 48 : index
    %swap3A_539 = tpu.vector_load %arg12[%swap3A_537, %swap3A_538] {strides = array<i32>} : memref<1x64xi32, #tpu.memory_space<vmem>>, vector<16xi32>,
    tpu.vector_store %arg12[%swap3A_537, %swap3A_538], %shift_right_logical3A_535 {strides = array<i32>} : memref<1x64xi32, #tpu.memory_space<vmem>>, vector<16xi32>,
    %dma_start3A_540 = arith.constant 0 : i32
    %dma_start3A_541 = arith.constant 0 : i32
    %dma_start3A_542 = tpu.memref_slice %arg12[%dma_start3A_540, %dma_start3A_541] : memref<1x64xi32, #tpu.memory_space<vmem>> -> memref<1x64xi32, #tpu.memory_space<vmem>>
    %dma_start3A_543 = tpu.memref_squeeze %dma_start3A_542 : memref<1x64xi32, #tpu.memory_space<vmem>> -> memref<64xi32, #tpu.memory_space<vmem>>
    %dma_start3A_544 = arith.constant 0 : i32
    %dma_start3A_545 = arith.constant 0 : i32
    %dma_start3A_546 = tpu.memref_slice %arg20[%dma_start3A_544, %dma_start3A_545] : memref<10240x128xf32, #tpu.memory_space<vmem_shared>> -> memref<10240x128xf32, #tpu.memory_space<vmem_shared>>
    tpu.enqueue_indirect_dma source(%arg16 : memref<64x128xf32, #tpu.memory_space<vmem>>) target(%dma_start3A_546 : memref<10240x128xf32, #tpu.memory_space<vmem_shared>>) offsets(%dma_start3A_543 : memref<64xi32, #tpu.memory_space<vmem>>) semaphore(%arg25 : memref<!tpu.dma_semaphore, #tpu.memory_space<semaphore_mem>>) {add = true}
    %dma_wait3A_547 = arith.constant 0 : i32
    %dma_wait3A_548 = arith.constant 0 : i32
    %dma_wait3A_549 = tpu.memref_slice %arg2[%dma_wait3A_547, %dma_wait3A_548] : memref<10000x128xf32, #tpu.memory_space<hbm>> -> memref<64x128xf32, #tpu.memory_space<hbm>>
    %dma_wait3A_550 = arith.constant 0 : i32
    %dma_wait3A_551 = arith.constant 0 : i32
    %dma_wait3A_552 = tpu.memref_slice %arg2[%dma_wait3A_550, %dma_wait3A_551] : memref<10000x128xf32, #tpu.memory_space<hbm>> -> memref<64x128xf32, #tpu.memory_space<hbm>>
    tpu.wait_dma2 semaphore(%arg22 : memref<!tpu.dma_semaphore, #tpu.memory_space<semaphore_mem>>) src(%dma_wait3A_552 : memref<64x128xf32, #tpu.memory_space<hbm>>) dst(%arg17 : memref<64x128xf32, #tpu.memory_space<vmem>>)
    %dma_wait3A_553 = arith.constant 0 : i32
    %dma_wait3A_554 = arith.constant 0 : i32
    %dma_wait3A_555 = tpu.memref_slice %arg20[%dma_wait3A_553, %dma_wait3A_554] : memref<10240x128xf32, #tpu.memory_space<vmem_shared>> -> memref<64x128xf32, #tpu.memory_space<vmem_shared>>
    %dma_wait3A_556 = arith.constant 0 : i32
    %dma_wait3A_557 = arith.constant 0 : i32
    %dma_wait3A_558 = tpu.memref_slice %arg20[%dma_wait3A_556, %dma_wait3A_557] : memref<10240x128xf32, #tpu.memory_space<vmem_shared>> -> memref<64x128xf32, #tpu.memory_space<vmem_shared>>
    tpu.wait_dma2 semaphore(%arg28 : memref<!tpu.dma_semaphore, #tpu.memory_space<semaphore_mem>>) src(%arg19 : memref<64x128xf32, #tpu.memory_space<vmem>>) dst(%dma_wait3A_558 : memref<64x128xf32, #tpu.memory_space<vmem_shared>>)
    %get3A_559 = arith.constant 5088 : index
    %get3A_560 = tpu.vector_load %arg6[%get3A_559] {strides = array<i32>} : memref<5120xi32, #tpu.memory_space<vmem>>, vector<16xi32>,
    %and3A_561 = arith.constant 65535 : i32
    %and3A_562 = vector.broadcast %and3A_561 : i32 to vector<16xi32>
    %and3A_563 = arith.andi %get3A_560, %and3A_562 : vector<16xi32>
    %swap3A_564 = arith.constant 0 : i32
    %swap3A_565 = arith.index_cast %swap3A_564 : i32 to index
    %swap3A_566 = arith.constant 0 : index
    %swap3A_567 = tpu.vector_load %arg11[%swap3A_565, %swap3A_566] {strides = array<i32>} : memref<1x64xi32, #tpu.memory_space<vmem>>, vector<16xi32>,
    tpu.vector_store %arg11[%swap3A_565, %swap3A_566], %and3A_563 {strides = array<i32>} : memref<1x64xi32, #tpu.memory_space<vmem>>, vector<16xi32>,
    %shift_right_logical3A_568 = arith.constant 16 : i32
    %shift_right_logical3A_569 = vector.broadcast %shift_right_logical3A_568 : i32 to vector<16xi32>
    %shift_right_logical3A_570 = arith.shrui %get3A_560, %shift_right_logical3A_569 : vector<16xi32>
    %swap3A_571 = arith.constant 0 : i32
    %swap3A_572 = arith.index_cast %swap3A_571 : i32 to index
    %swap3A_573 = arith.constant 32 : index
    %swap3A_574 = tpu.vector_load %arg11[%swap3A_572, %swap3A_573] {strides = array<i32>} : memref<1x64xi32, #tpu.memory_space<vmem>>, vector<16xi32>,
    tpu.vector_store %arg11[%swap3A_572, %swap3A_573], %shift_right_logical3A_570 {strides = array<i32>} : memref<1x64xi32, #tpu.memory_space<vmem>>, vector<16xi32>,
    %get3A_575 = arith.constant 5104 : index
    %get3A_576 = tpu.vector_load %arg6[%get3A_575] {strides = array<i32>} : memref<5120xi32, #tpu.memory_space<vmem>>, vector<16xi32>,
    %and3A_577 = arith.constant 65535 : i32
    %and3A_578 = vector.broadcast %and3A_577 : i32 to vector<16xi32>
    %and3A_579 = arith.andi %get3A_576, %and3A_578 : vector<16xi32>
    %swap3A_580 = arith.constant 0 : i32
    %swap3A_581 = arith.index_cast %swap3A_580 : i32 to index
    %swap3A_582 = arith.constant 16 : index
    %swap3A_583 = tpu.vector_load %arg11[%swap3A_581, %swap3A_582] {strides = array<i32>} : memref<1x64xi32, #tpu.memory_space<vmem>>, vector<16xi32>,
    tpu.vector_store %arg11[%swap3A_581, %swap3A_582], %and3A_579 {strides = array<i32>} : memref<1x64xi32, #tpu.memory_space<vmem>>, vector<16xi32>,
    %shift_right_logical3A_584 = arith.constant 16 : i32
    %shift_right_logical3A_585 = vector.broadcast %shift_right_logical3A_584 : i32 to vector<16xi32>
    %shift_right_logical3A_586 = arith.shrui %get3A_576, %shift_right_logical3A_585 : vector<16xi32>
    %swap3A_587 = arith.constant 0 : i32
    %swap3A_588 = arith.index_cast %swap3A_587 : i32 to index
    %swap3A_589 = arith.constant 48 : index
    %swap3A_590 = tpu.vector_load %arg11[%swap3A_588, %swap3A_589] {strides = array<i32>} : memref<1x64xi32, #tpu.memory_space<vmem>>, vector<16xi32>,
    tpu.vector_store %arg11[%swap3A_588, %swap3A_589], %shift_right_logical3A_586 {strides = array<i32>} : memref<1x64xi32, #tpu.memory_space<vmem>>, vector<16xi32>,
    %dma_start3A_591 = arith.constant 0 : i32
    %dma_start3A_592 = arith.constant 0 : i32
    %dma_start3A_593 = tpu.memref_slice %arg11[%dma_start3A_591, %dma_start3A_592] : memref<1x64xi32, #tpu.memory_space<vmem>> -> memref<1x64xi32, #tpu.memory_space<vmem>>
    %dma_start3A_594 = tpu.memref_squeeze %dma_start3A_593 : memref<1x64xi32, #tpu.memory_space<vmem>> -> memref<64xi32, #tpu.memory_space<vmem>>
    %dma_start3A_595 = arith.constant 0 : i32
    %dma_start3A_596 = arith.constant 0 : i32
    %dma_start3A_597 = tpu.memref_slice %arg2[%dma_start3A_595, %dma_start3A_596] : memref<10000x128xf32, #tpu.memory_space<hbm>> -> memref<10000x128xf32, #tpu.memory_space<hbm>>
    tpu.enqueue_indirect_dma source(%dma_start3A_597 : memref<10000x128xf32, #tpu.memory_space<hbm>>) target(%arg19 : memref<64x128xf32, #tpu.memory_space<vmem>>) offsets(%dma_start3A_594 : memref<64xi32, #tpu.memory_space<vmem>>) semaphore(%arg24 : memref<!tpu.dma_semaphore, #tpu.memory_space<semaphore_mem>>)
    %get3A_598 = arith.constant 5024 : index
    %get3A_599 = tpu.vector_load %arg7[%get3A_598] {strides = array<i32>} : memref<5120xi32, #tpu.memory_space<vmem>>, vector<16xi32>,
    %and3A_600 = arith.constant 65535 : i32
    %and3A_601 = vector.broadcast %and3A_600 : i32 to vector<16xi32>
    %and3A_602 = arith.andi %get3A_599, %and3A_601 : vector<16xi32>
    %swap3A_603 = arith.constant 0 : i32
    %swap3A_604 = arith.index_cast %swap3A_603 : i32 to index
    %swap3A_605 = arith.constant 0 : index
    %swap3A_606 = tpu.vector_load %arg13[%swap3A_604, %swap3A_605] {strides = array<i32>} : memref<1x64xi32, #tpu.memory_space<vmem>>, vector<16xi32>,
    tpu.vector_store %arg13[%swap3A_604, %swap3A_605], %and3A_602 {strides = array<i32>} : memref<1x64xi32, #tpu.memory_space<vmem>>, vector<16xi32>,
    %shift_right_logical3A_607 = arith.constant 16 : i32
    %shift_right_logical3A_608 = vector.broadcast %shift_right_logical3A_607 : i32 to vector<16xi32>
    %shift_right_logical3A_609 = arith.shrui %get3A_599, %shift_right_logical3A_608 : vector<16xi32>
    %swap3A_610 = arith.constant 0 : i32
    %swap3A_611 = arith.index_cast %swap3A_610 : i32 to index
    %swap3A_612 = arith.constant 32 : index
    %swap3A_613 = tpu.vector_load %arg13[%swap3A_611, %swap3A_612] {strides = array<i32>} : memref<1x64xi32, #tpu.memory_space<vmem>>, vector<16xi32>,
    tpu.vector_store %arg13[%swap3A_611, %swap3A_612], %shift_right_logical3A_609 {strides = array<i32>} : memref<1x64xi32, #tpu.memory_space<vmem>>, vector<16xi32>,
    %get3A_614 = arith.constant 5040 : index
    %get3A_615 = tpu.vector_load %arg7[%get3A_614] {strides = array<i32>} : memref<5120xi32, #tpu.memory_space<vmem>>, vector<16xi32>,
    %and3A_616 = arith.constant 65535 : i32
    %and3A_617 = vector.broadcast %and3A_616 : i32 to vector<16xi32>
    %and3A_618 = arith.andi %get3A_615, %and3A_617 : vector<16xi32>
    %swap3A_619 = arith.constant 0 : i32
    %swap3A_620 = arith.index_cast %swap3A_619 : i32 to index
    %swap3A_621 = arith.constant 16 : index
    %swap3A_622 = tpu.vector_load %arg13[%swap3A_620, %swap3A_621] {strides = array<i32>} : memref<1x64xi32, #tpu.memory_space<vmem>>, vector<16xi32>,
    tpu.vector_store %arg13[%swap3A_620, %swap3A_621], %and3A_618 {strides = array<i32>} : memref<1x64xi32, #tpu.memory_space<vmem>>, vector<16xi32>,
    %shift_right_logical3A_623 = arith.constant 16 : i32
    %shift_right_logical3A_624 = vector.broadcast %shift_right_logical3A_623 : i32 to vector<16xi32>
    %shift_right_logical3A_625 = arith.shrui %get3A_615, %shift_right_logical3A_624 : vector<16xi32>
    %swap3A_626 = arith.constant 0 : i32
    %swap3A_627 = arith.index_cast %swap3A_626 : i32 to index
    %swap3A_628 = arith.constant 48 : index
    %swap3A_629 = tpu.vector_load %arg13[%swap3A_627, %swap3A_628] {strides = array<i32>} : memref<1x64xi32, #tpu.memory_space<vmem>>, vector<16xi32>,
    tpu.vector_store %arg13[%swap3A_627, %swap3A_628], %shift_right_logical3A_625 {strides = array<i32>} : memref<1x64xi32, #tpu.memory_space<vmem>>, vector<16xi32>,
    %dma_start3A_630 = arith.constant 0 : i32
    %dma_start3A_631 = arith.constant 0 : i32
    %dma_start3A_632 = tpu.memref_slice %arg13[%dma_start3A_630, %dma_start3A_631] : memref<1x64xi32, #tpu.memory_space<vmem>> -> memref<1x64xi32, #tpu.memory_space<vmem>>
    %dma_start3A_633 = tpu.memref_squeeze %dma_start3A_632 : memref<1x64xi32, #tpu.memory_space<vmem>> -> memref<64xi32, #tpu.memory_space<vmem>>
    %dma_start3A_634 = arith.constant 0 : i32
    %dma_start3A_635 = arith.constant 0 : i32
    %dma_start3A_636 = tpu.memref_slice %arg20[%dma_start3A_634, %dma_start3A_635] : memref<10240x128xf32, #tpu.memory_space<vmem_shared>> -> memref<10240x128xf32, #tpu.memory_space<vmem_shared>>
    tpu.enqueue_indirect_dma source(%arg17 : memref<64x128xf32, #tpu.memory_space<vmem>>) target(%dma_start3A_636 : memref<10240x128xf32, #tpu.memory_space<vmem_shared>>) offsets(%dma_start3A_633 : memref<64xi32, #tpu.memory_space<vmem>>) semaphore(%arg26 : memref<!tpu.dma_semaphore, #tpu.memory_space<semaphore_mem>>) {add = true}
    %dma_wait3A_637 = arith.constant 0 : i32
    %dma_wait3A_638 = arith.constant 0 : i32
    %dma_wait3A_639 = tpu.memref_slice %arg2[%dma_wait3A_637, %dma_wait3A_638] : memref<10000x128xf32, #tpu.memory_space<hbm>> -> memref<64x128xf32, #tpu.memory_space<hbm>>
    %dma_wait3A_640 = arith.constant 0 : i32
    %dma_wait3A_641 = arith.constant 0 : i32
    %dma_wait3A_642 = tpu.memref_slice %arg2[%dma_wait3A_640, %dma_wait3A_641] : memref<10000x128xf32, #tpu.memory_space<hbm>> -> memref<64x128xf32, #tpu.memory_space<hbm>>
    tpu.wait_dma2 semaphore(%arg23 : memref<!tpu.dma_semaphore, #tpu.memory_space<semaphore_mem>>) src(%dma_wait3A_642 : memref<64x128xf32, #tpu.memory_space<hbm>>) dst(%arg18 : memref<64x128xf32, #tpu.memory_space<vmem>>)
    %get3A_643 = arith.constant 5056 : index
    %get3A_644 = tpu.vector_load %arg7[%get3A_643] {strides = array<i32>} : memref<5120xi32, #tpu.memory_space<vmem>>, vector<16xi32>,
    %and3A_645 = arith.constant 65535 : i32
    %and3A_646 = vector.broadcast %and3A_645 : i32 to vector<16xi32>
    %and3A_647 = arith.andi %get3A_644, %and3A_646 : vector<16xi32>
    %swap3A_648 = arith.constant 0 : i32
    %swap3A_649 = arith.index_cast %swap3A_648 : i32 to index
    %swap3A_650 = arith.constant 0 : index
    %swap3A_651 = tpu.vector_load %arg14[%swap3A_649, %swap3A_650] {strides = array<i32>} : memref<1x64xi32, #tpu.memory_space<vmem>>, vector<16xi32>,
    tpu.vector_store %arg14[%swap3A_649, %swap3A_650], %and3A_647 {strides = array<i32>} : memref<1x64xi32, #tpu.memory_space<vmem>>, vector<16xi32>,
    %shift_right_logical3A_652 = arith.constant 16 : i32
    %shift_right_logical3A_653 = vector.broadcast %shift_right_logical3A_652 : i32 to vector<16xi32>
    %shift_right_logical3A_654 = arith.shrui %get3A_644, %shift_right_logical3A_653 : vector<16xi32>
    %swap3A_655 = arith.constant 0 : i32
    %swap3A_656 = arith.index_cast %swap3A_655 : i32 to index
    %swap3A_657 = arith.constant 32 : index
    %swap3A_658 = tpu.vector_load %arg14[%swap3A_656, %swap3A_657] {strides = array<i32>} : memref<1x64xi32, #tpu.memory_space<vmem>>, vector<16xi32>,
    tpu.vector_store %arg14[%swap3A_656, %swap3A_657], %shift_right_logical3A_654 {strides = array<i32>} : memref<1x64xi32, #tpu.memory_space<vmem>>, vector<16xi32>,
    %get3A_659 = arith.constant 5072 : index
    %get3A_660 = tpu.vector_load %arg7[%get3A_659] {strides = array<i32>} : memref<5120xi32, #tpu.memory_space<vmem>>, vector<16xi32>,
    %and3A_661 = arith.constant 65535 : i32
    %and3A_662 = vector.broadcast %and3A_661 : i32 to vector<16xi32>
    %and3A_663 = arith.andi %get3A_660, %and3A_662 : vector<16xi32>
    %swap3A_664 = arith.constant 0 : i32
    %swap3A_665 = arith.index_cast %swap3A_664 : i32 to index
    %swap3A_666 = arith.constant 16 : index
    %swap3A_667 = tpu.vector_load %arg14[%swap3A_665, %swap3A_666] {strides = array<i32>} : memref<1x64xi32, #tpu.memory_space<vmem>>, vector<16xi32>,
    tpu.vector_store %arg14[%swap3A_665, %swap3A_666], %and3A_663 {strides = array<i32>} : memref<1x64xi32, #tpu.memory_space<vmem>>, vector<16xi32>,
    %shift_right_logical3A_668 = arith.constant 16 : i32
    %shift_right_logical3A_669 = vector.broadcast %shift_right_logical3A_668 : i32 to vector<16xi32>
    %shift_right_logical3A_670 = arith.shrui %get3A_660, %shift_right_logical3A_669 : vector<16xi32>
    %swap3A_671 = arith.constant 0 : i32
    %swap3A_672 = arith.index_cast %swap3A_671 : i32 to index
    %swap3A_673 = arith.constant 48 : index
    %swap3A_674 = tpu.vector_load %arg14[%swap3A_672, %swap3A_673] {strides = array<i32>} : memref<1x64xi32, #tpu.memory_space<vmem>>, vector<16xi32>,
    tpu.vector_store %arg14[%swap3A_672, %swap3A_673], %shift_right_logical3A_670 {strides = array<i32>} : memref<1x64xi32, #tpu.memory_space<vmem>>, vector<16xi32>,
    %dma_start3A_675 = arith.constant 0 : i32
    %dma_start3A_676 = arith.constant 0 : i32
    %dma_start3A_677 = tpu.memref_slice %arg14[%dma_start3A_675, %dma_start3A_676] : memref<1x64xi32, #tpu.memory_space<vmem>> -> memref<1x64xi32, #tpu.memory_space<vmem>>
    %dma_start3A_678 = tpu.memref_squeeze %dma_start3A_677 : memref<1x64xi32, #tpu.memory_space<vmem>> -> memref<64xi32, #tpu.memory_space<vmem>>
    %dma_start3A_679 = arith.constant 0 : i32
    %dma_start3A_680 = arith.constant 0 : i32
    %dma_start3A_681 = tpu.memref_slice %arg20[%dma_start3A_679, %dma_start3A_680] : memref<10240x128xf32, #tpu.memory_space<vmem_shared>> -> memref<10240x128xf32, #tpu.memory_space<vmem_shared>>
    tpu.enqueue_indirect_dma source(%arg18 : memref<64x128xf32, #tpu.memory_space<vmem>>) target(%dma_start3A_681 : memref<10240x128xf32, #tpu.memory_space<vmem_shared>>) offsets(%dma_start3A_678 : memref<64xi32, #tpu.memory_space<vmem>>) semaphore(%arg27 : memref<!tpu.dma_semaphore, #tpu.memory_space<semaphore_mem>>) {add = true}
    %dma_wait3A_682 = arith.constant 0 : i32
    %dma_wait3A_683 = arith.constant 0 : i32
    %dma_wait3A_684 = tpu.memref_slice %arg2[%dma_wait3A_682, %dma_wait3A_683] : memref<10000x128xf32, #tpu.memory_space<hbm>> -> memref<64x128xf32, #tpu.memory_space<hbm>>
    %dma_wait3A_685 = arith.constant 0 : i32
    %dma_wait3A_686 = arith.constant 0 : i32
    %dma_wait3A_687 = tpu.memref_slice %arg2[%dma_wait3A_685, %dma_wait3A_686] : memref<10000x128xf32, #tpu.memory_space<hbm>> -> memref<64x128xf32, #tpu.memory_space<hbm>>
    tpu.wait_dma2 semaphore(%arg24 : memref<!tpu.dma_semaphore, #tpu.memory_space<semaphore_mem>>) src(%dma_wait3A_687 : memref<64x128xf32, #tpu.memory_space<hbm>>) dst(%arg19 : memref<64x128xf32, #tpu.memory_space<vmem>>)
    %get3A_688 = arith.constant 5088 : index
    %get3A_689 = tpu.vector_load %arg7[%get3A_688] {strides = array<i32>} : memref<5120xi32, #tpu.memory_space<vmem>>, vector<16xi32>,
    %and3A_690 = arith.constant 65535 : i32
    %and3A_691 = vector.broadcast %and3A_690 : i32 to vector<16xi32>
    %and3A_692 = arith.andi %get3A_689, %and3A_691 : vector<16xi32>
    %swap3A_693 = arith.constant 0 : i32
    %swap3A_694 = arith.index_cast %swap3A_693 : i32 to index
    %swap3A_695 = arith.constant 0 : index
    %swap3A_696 = tpu.vector_load %arg15[%swap3A_694, %swap3A_695] {strides = array<i32>} : memref<1x64xi32, #tpu.memory_space<vmem>>, vector<16xi32>,
    tpu.vector_store %arg15[%swap3A_694, %swap3A_695], %and3A_692 {strides = array<i32>} : memref<1x64xi32, #tpu.memory_space<vmem>>, vector<16xi32>,
    %shift_right_logical3A_697 = arith.constant 16 : i32
    %shift_right_logical3A_698 = vector.broadcast %shift_right_logical3A_697 : i32 to vector<16xi32>
    %shift_right_logical3A_699 = arith.shrui %get3A_689, %shift_right_logical3A_698 : vector<16xi32>
    %swap3A_700 = arith.constant 0 : i32
    %swap3A_701 = arith.index_cast %swap3A_700 : i32 to index
    %swap3A_702 = arith.constant 32 : index
    %swap3A_703 = tpu.vector_load %arg15[%swap3A_701, %swap3A_702] {strides = array<i32>} : memref<1x64xi32, #tpu.memory_space<vmem>>, vector<16xi32>,
    tpu.vector_store %arg15[%swap3A_701, %swap3A_702], %shift_right_logical3A_699 {strides = array<i32>} : memref<1x64xi32, #tpu.memory_space<vmem>>, vector<16xi32>,
    %get3A_704 = arith.constant 5104 : index
    %get3A_705 = tpu.vector_load %arg7[%get3A_704] {strides = array<i32>} : memref<5120xi32, #tpu.memory_space<vmem>>, vector<16xi32>,
    %and3A_706 = arith.constant 65535 : i32
    %and3A_707 = vector.broadcast %and3A_706 : i32 to vector<16xi32>
    %and3A_708 = arith.andi %get3A_705, %and3A_707 : vector<16xi32>
    %swap3A_709 = arith.constant 0 : i32
    %swap3A_710 = arith.index_cast %swap3A_709 : i32 to index
    %swap3A_711 = arith.constant 16 : index
    %swap3A_712 = tpu.vector_load %arg15[%swap3A_710, %swap3A_711] {strides = array<i32>} : memref<1x64xi32, #tpu.memory_space<vmem>>, vector<16xi32>,
    tpu.vector_store %arg15[%swap3A_710, %swap3A_711], %and3A_708 {strides = array<i32>} : memref<1x64xi32, #tpu.memory_space<vmem>>, vector<16xi32>,
    %shift_right_logical3A_713 = arith.constant 16 : i32
    %shift_right_logical3A_714 = vector.broadcast %shift_right_logical3A_713 : i32 to vector<16xi32>
    %shift_right_logical3A_715 = arith.shrui %get3A_705, %shift_right_logical3A_714 : vector<16xi32>
    %swap3A_716 = arith.constant 0 : i32
    %swap3A_717 = arith.index_cast %swap3A_716 : i32 to index
    %swap3A_718 = arith.constant 48 : index
    %swap3A_719 = tpu.vector_load %arg15[%swap3A_717, %swap3A_718] {strides = array<i32>} : memref<1x64xi32, #tpu.memory_space<vmem>>, vector<16xi32>,
    tpu.vector_store %arg15[%swap3A_717, %swap3A_718], %shift_right_logical3A_715 {strides = array<i32>} : memref<1x64xi32, #tpu.memory_space<vmem>>, vector<16xi32>,
    %dma_start3A_720 = arith.constant 0 : i32
    %dma_start3A_721 = arith.constant 0 : i32
    %dma_start3A_722 = tpu.memref_slice %arg15[%dma_start3A_720, %dma_start3A_721] : memref<1x64xi32, #tpu.memory_space<vmem>> -> memref<1x64xi32, #tpu.memory_space<vmem>>
    %dma_start3A_723 = tpu.memref_squeeze %dma_start3A_722 : memref<1x64xi32, #tpu.memory_space<vmem>> -> memref<64xi32, #tpu.memory_space<vmem>>
    %dma_start3A_724 = arith.constant 0 : i32
    %dma_start3A_725 = arith.constant 0 : i32
    %dma_start3A_726 = tpu.memref_slice %arg20[%dma_start3A_724, %dma_start3A_725] : memref<10240x128xf32, #tpu.memory_space<vmem_shared>> -> memref<10240x128xf32, #tpu.memory_space<vmem_shared>>
    tpu.enqueue_indirect_dma source(%arg19 : memref<64x128xf32, #tpu.memory_space<vmem>>) target(%dma_start3A_726 : memref<10240x128xf32, #tpu.memory_space<vmem_shared>>) offsets(%dma_start3A_723 : memref<64xi32, #tpu.memory_space<vmem>>) semaphore(%arg28 : memref<!tpu.dma_semaphore, #tpu.memory_space<semaphore_mem>>) {add = true}
    %dma_wait3A_727 = arith.constant 0 : i32
    %dma_wait3A_728 = arith.constant 0 : i32
    %dma_wait3A_729 = tpu.memref_slice %arg20[%dma_wait3A_727, %dma_wait3A_728] : memref<10240x128xf32, #tpu.memory_space<vmem_shared>> -> memref<64x128xf32, #tpu.memory_space<vmem_shared>>
    %dma_wait3A_730 = arith.constant 0 : i32
    %dma_wait3A_731 = arith.constant 0 : i32
    %dma_wait3A_732 = tpu.memref_slice %arg20[%dma_wait3A_730, %dma_wait3A_731] : memref<10240x128xf32, #tpu.memory_space<vmem_shared>> -> memref<64x128xf32, #tpu.memory_space<vmem_shared>>
    tpu.wait_dma2 semaphore(%arg25 : memref<!tpu.dma_semaphore, #tpu.memory_space<semaphore_mem>>) src(%arg16 : memref<64x128xf32, #tpu.memory_space<vmem>>) dst(%dma_wait3A_732 : memref<64x128xf32, #tpu.memory_space<vmem_shared>>)
    %dma_wait3A_733 = arith.constant 0 : i32
    %dma_wait3A_734 = arith.constant 0 : i32
    %dma_wait3A_735 = tpu.memref_slice %arg20[%dma_wait3A_733, %dma_wait3A_734] : memref<10240x128xf32, #tpu.memory_space<vmem_shared>> -> memref<64x128xf32, #tpu.memory_space<vmem_shared>>
    %dma_wait3A_736 = arith.constant 0 : i32
    %dma_wait3A_737 = arith.constant 0 : i32
    %dma_wait3A_738 = tpu.memref_slice %arg20[%dma_wait3A_736, %dma_wait3A_737] : memref<10240x128xf32, #tpu.memory_space<vmem_shared>> -> memref<64x128xf32, #tpu.memory_space<vmem_shared>>
    tpu.wait_dma2 semaphore(%arg26 : memref<!tpu.dma_semaphore, #tpu.memory_space<semaphore_mem>>) src(%arg17 : memref<64x128xf32, #tpu.memory_space<vmem>>) dst(%dma_wait3A_738 : memref<64x128xf32, #tpu.memory_space<vmem_shared>>)
    %dma_wait3A_739 = arith.constant 0 : i32
    %dma_wait3A_740 = arith.constant 0 : i32
    %dma_wait3A_741 = tpu.memref_slice %arg20[%dma_wait3A_739, %dma_wait3A_740] : memref<10240x128xf32, #tpu.memory_space<vmem_shared>> -> memref<64x128xf32, #tpu.memory_space<vmem_shared>>
    %dma_wait3A_742 = arith.constant 0 : i32
    %dma_wait3A_743 = arith.constant 0 : i32
    %dma_wait3A_744 = tpu.memref_slice %arg20[%dma_wait3A_742, %dma_wait3A_743] : memref<10240x128xf32, #tpu.memory_space<vmem_shared>> -> memref<64x128xf32, #tpu.memory_space<vmem_shared>>
    tpu.wait_dma2 semaphore(%arg27 : memref<!tpu.dma_semaphore, #tpu.memory_space<semaphore_mem>>) src(%arg18 : memref<64x128xf32, #tpu.memory_space<vmem>>) dst(%dma_wait3A_744 : memref<64x128xf32, #tpu.memory_space<vmem_shared>>)
    %dma_wait3A_745 = arith.constant 0 : i32
    %dma_wait3A_746 = arith.constant 0 : i32
    %dma_wait3A_747 = tpu.memref_slice %arg20[%dma_wait3A_745, %dma_wait3A_746] : memref<10240x128xf32, #tpu.memory_space<vmem_shared>> -> memref<64x128xf32, #tpu.memory_space<vmem_shared>>
    %dma_wait3A_748 = arith.constant 0 : i32
    %dma_wait3A_749 = arith.constant 0 : i32
    %dma_wait3A_750 = tpu.memref_slice %arg20[%dma_wait3A_748, %dma_wait3A_749] : memref<10240x128xf32, #tpu.memory_space<vmem_shared>> -> memref<64x128xf32, #tpu.memory_space<vmem_shared>>
    tpu.wait_dma2 semaphore(%arg28 : memref<!tpu.dma_semaphore, #tpu.memory_space<semaphore_mem>>) src(%arg19 : memref<64x128xf32, #tpu.memory_space<vmem>>) dst(%dma_wait3A_750 : memref<64x128xf32, #tpu.memory_space<vmem_shared>>)
    %barrier3A_751 = arith.constant 0 : index
    tpu.barrier barrier_id(%barrier3A_751)
    "tpu.region"() ({
      %run_scoped3A = tpu.sem_alloc : memref<!tpu.dma_semaphore, #tpu.memory_space<semaphore_mem>>
      %dma_start3A_752 = arith.constant 0 : i32
      %dma_start3A_753 = tpu.memref_slice %arg5[%arg0, %mul3A_9, %dma_start3A_752] : memref<2x10240x128xf32, #tpu.memory_space<hbm>> -> memref<1x640x128xf32, #tpu.memory_space<hbm>>
      %dma_start3A_754 = tpu.memref_squeeze %dma_start3A_753 : memref<1x640x128xf32, #tpu.memory_space<hbm>> -> memref<640x128xf32, #tpu.memory_space<hbm>>
      %dma_start3A_755 = arith.constant 0 : i32
      %dma_start3A_756 = tpu.memref_slice %arg20[%mul3A_9, %dma_start3A_755] : memref<10240x128xf32, #tpu.memory_space<vmem_shared>> -> memref<640x128xf32, #tpu.memory_space<vmem_shared>>
      tpu.enqueue_dma source(%dma_start3A_756 : memref<640x128xf32, #tpu.memory_space<vmem_shared>>) target(%dma_start3A_754 : memref<640x128xf32, #tpu.memory_space<hbm>>) target_semaphore(%run_scoped3A : memref<!tpu.dma_semaphore, #tpu.memory_space<semaphore_mem>>)
      %dma_wait3A_757 = arith.constant 0 : i32
      %dma_wait3A_758 = tpu.memref_slice %arg5[%arg0, %mul3A_9, %dma_wait3A_757] : memref<2x10240x128xf32, #tpu.memory_space<hbm>> -> memref<1x640x128xf32, #tpu.memory_space<hbm>>
      %dma_wait3A_759 = tpu.memref_squeeze %dma_wait3A_758 : memref<1x640x128xf32, #tpu.memory_space<hbm>> -> memref<640x128xf32, #tpu.memory_space<hbm>>
      %dma_wait3A_760 = arith.constant 0 : i32
      %dma_wait3A_761 = tpu.memref_slice %arg20[%mul3A_9, %dma_wait3A_760] : memref<10240x128xf32, #tpu.memory_space<vmem_shared>> -> memref<640x128xf32, #tpu.memory_space<vmem_shared>>
      tpu.wait_dma2 semaphore(%run_scoped3A : memref<!tpu.dma_semaphore, #tpu.memory_space<semaphore_mem>>) src(%dma_wait3A_761 : memref<640x128xf32, #tpu.memory_space<vmem_shared>>) dst(%dma_wait3A_759 : memref<640x128xf32, #tpu.memory_space<hbm>>)
      tpu.yield
    }) : () -> ()
    return
  }
}

#map = affine_map<(d0, d1) -> (0, 0)>
module attributes {stable_mosaic.version = 14 : i64} {
  func.func @_cnt_body(%arg0: i32, %arg1: i32, %arg2: memref<32x5120xi32, #tpu.memory_space<hbm>>, %arg3: memref<2x10240xf32, #tpu.memory_space<hbm>>, %arg4: memref<1024xi32, #tpu.memory_space<vmem>>, %arg5: memref<10240xf32, #tpu.memory_space<vmem>>, %arg6: memref<640xf32, #tpu.memory_space<vmem>>, %arg7: memref<16x640xf32, #tpu.memory_space<vmem>>, %arg8: memref<16x10240xf32, #tpu.memory_space<vmem_shared>>) attributes {dimension_semantics = [#tpu.dimension_semantics<core_parallel>, #tpu.dimension_semantics<subcore_parallel>], iteration_bounds = array<i64: 2, 16>, scalar_prefetch = 0 : i64, scratch_operands = 5 : i64, tpu.core_type = #tpu.core_type<sc_vector_subcore>, window_params = [{transform_indices = #map}, {transform_indices = #map}]} {
    %broadcast_in_dim3A = arith.constant 0.000000e+00 : f32
    %broadcast_in_dim3A_0 = vector.broadcast %broadcast_in_dim3A : f32 to vector<16xf32>
    %scan3A = arith.constant 0 : i32
    %scan3A_1 = arith.constant 0 : i32
    %scan3A_2 = arith.constant 640 : i32
    %scan3A_3 = arith.addi %scan3A_1, %scan3A_2 : i32
    %scan3A_4 = arith.constant 1 : i32
    %scan3A_5 = scf.for %scan3A_26 = %scan3A_1 to %scan3A_3 step %scan3A_4 iter_args(%scan3A_27 = %scan3A) -> (i32)  : i32 {
      %mul3A_28 = arith.constant 16 : i32
      %mul3A_29 = arith.muli %scan3A_26, %mul3A_28 : i32
      %swap3A = arith.index_cast %mul3A_29 : i32 to index
      %swap3A_30 = tpu.vector_load %arg5[%swap3A] {strides = array<i32>} : memref<10240xf32, #tpu.memory_space<vmem>>, vector<16xf32>,
      tpu.vector_store %arg5[%swap3A], %broadcast_in_dim3A_0 {strides = array<i32>} : memref<10240xf32, #tpu.memory_space<vmem>>, vector<16xf32>,
      %scan3A_31 = arith.constant 0 : i32
      scf.yield %scan3A_31 : i32
    }
    %scan3A_6 = arith.constant 640 : i32
    %broadcast_in_dim3A_7 = arith.constant 1.000000e+00 : f32
    %broadcast_in_dim3A_8 = vector.broadcast %broadcast_in_dim3A_7 : f32 to vector<16xf32>
    %mul3A = arith.constant 16 : i32
    %mul3A_9 = arith.muli %arg0, %mul3A : i32
    %add3A = arith.addi %mul3A_9, %arg1 : i32
    %scan3A_10 = arith.constant 0 : i32
    %scan3A_11 = arith.constant 0 : i32
    %scan3A_12 = arith.constant 5 : i32
    %scan3A_13 = arith.addi %scan3A_11, %scan3A_12 : i32
    %scan3A_14 = arith.constant 1 : i32
    %scan3A_15 = scf.for %scan3A_26 = %scan3A_11 to %scan3A_13 step %scan3A_14 iter_args(%scan3A_27 = %scan3A_10) -> (i32)  : i32 {
      %mul3A_28 = arith.constant 1024 : i32
      %mul3A_29 = arith.muli %scan3A_26, %mul3A_28 : i32
      "tpu.region"() ({
        %run_scoped3A = tpu.sem_alloc : memref<!tpu.dma_semaphore, #tpu.memory_space<semaphore_mem>>
        %dma_start3A = tpu.memref_slice %arg2[%add3A, %mul3A_29] : memref<32x5120xi32, #tpu.memory_space<hbm>> -> memref<1x1024xi32, #tpu.memory_space<hbm>>
        %dma_start3A_38 = tpu.memref_squeeze %dma_start3A : memref<1x1024xi32, #tpu.memory_space<hbm>> -> memref<1024xi32, #tpu.memory_space<hbm>>
        %dma_start3A_39 = tpu.memref_slice %arg2[%add3A, %mul3A_29] : memref<32x5120xi32, #tpu.memory_space<hbm>> -> memref<1x1024xi32, #tpu.memory_space<hbm>>
        %dma_start3A_40 = tpu.memref_squeeze %dma_start3A_39 : memref<1x1024xi32, #tpu.memory_space<hbm>> -> memref<1024xi32, #tpu.memory_space<hbm>>
        tpu.enqueue_dma source(%dma_start3A_40 : memref<1024xi32, #tpu.memory_space<hbm>>) target(%arg4 : memref<1024xi32, #tpu.memory_space<vmem>>) target_semaphore(%run_scoped3A : memref<!tpu.dma_semaphore, #tpu.memory_space<semaphore_mem>>)
        %dma_wait3A = tpu.memref_slice %arg2[%add3A, %mul3A_29] : memref<32x5120xi32, #tpu.memory_space<hbm>> -> memref<1x1024xi32, #tpu.memory_space<hbm>>
        %dma_wait3A_41 = tpu.memref_squeeze %dma_wait3A : memref<1x1024xi32, #tpu.memory_space<hbm>> -> memref<1024xi32, #tpu.memory_space<hbm>>
        %dma_wait3A_42 = tpu.memref_slice %arg2[%add3A, %mul3A_29] : memref<32x5120xi32, #tpu.memory_space<hbm>> -> memref<1x1024xi32, #tpu.memory_space<hbm>>
        %dma_wait3A_43 = tpu.memref_squeeze %dma_wait3A_42 : memref<1x1024xi32, #tpu.memory_space<hbm>> -> memref<1024xi32, #tpu.memory_space<hbm>>
        tpu.wait_dma2 semaphore(%run_scoped3A : memref<!tpu.dma_semaphore, #tpu.memory_space<semaphore_mem>>) src(%dma_wait3A_43 : memref<1024xi32, #tpu.memory_space<hbm>>) dst(%arg4 : memref<1024xi32, #tpu.memory_space<vmem>>)
        tpu.yield
      }) : () -> ()
      %scan3A_30 = arith.constant 0 : i32
      %scan3A_31 = arith.constant 0 : i32
      %scan3A_32 = arith.constant 64 : i32
      %scan3A_33 = arith.addi %scan3A_31, %scan3A_32 : i32
      %scan3A_34 = arith.constant 1 : i32
      %scan3A_35 = scf.for %scan3A_38 = %scan3A_31 to %scan3A_33 step %scan3A_34 iter_args(%scan3A_39 = %scan3A_30) -> (i32)  : i32 {
        %mul3A_40 = arith.constant 16 : i32
        %mul3A_41 = arith.muli %scan3A_38, %mul3A_40 : i32
        %get3A = arith.index_cast %mul3A_41 : i32 to index
        %get3A_42 = tpu.vector_load %arg4[%get3A] {strides = array<i32>} : memref<1024xi32, #tpu.memory_space<vmem>>, vector<16xi32>,
        %and3A = arith.constant 65535 : i32
        %and3A_43 = vector.broadcast %and3A : i32 to vector<16xi32>
        %and3A_44 = arith.andi %get3A_42, %and3A_43 : vector<16xi32>
        tpu.vector_store_idx %arg5[%and3A_44], %broadcast_in_dim3A_8 {add = true} : memref<10240xf32, #tpu.memory_space<vmem>>[vector<16xi32>], vector<16xf32>,
        %shift_right_logical3A = arith.constant 16 : i32
        %shift_right_logical3A_45 = vector.broadcast %shift_right_logical3A : i32 to vector<16xi32>
        %shift_right_logical3A_46 = arith.shrui %get3A_42, %shift_right_logical3A_45 : vector<16xi32>
        tpu.vector_store_idx %arg5[%shift_right_logical3A_46], %broadcast_in_dim3A_8 {add = true} : memref<10240xf32, #tpu.memory_space<vmem>>[vector<16xi32>], vector<16xf32>,
        %scan3A_47 = arith.constant 0 : i32
        scf.yield %scan3A_47 : i32
      }
      %scan3A_36 = arith.constant 64 : i32
      %scan3A_37 = arith.constant 0 : i32
      scf.yield %scan3A_37 : i32
    }
    %scan3A_16 = arith.constant 5 : i32
    "tpu.region"() ({
      %run_scoped3A = tpu.sem_alloc : memref<!tpu.dma_semaphore, #tpu.memory_space<semaphore_mem>>
      %dma_start3A = arith.constant 0 : i32
      %dma_start3A_26 = tpu.memref_slice %arg8[%arg1, %dma_start3A] : memref<16x10240xf32, #tpu.memory_space<vmem_shared>> -> memref<1x10240xf32, #tpu.memory_space<vmem_shared>>
      %dma_start3A_27 = tpu.memref_squeeze %dma_start3A_26 : memref<1x10240xf32, #tpu.memory_space<vmem_shared>> -> memref<10240xf32, #tpu.memory_space<vmem_shared>>
      %dma_start3A_28 = arith.constant 0 : i32
      %dma_start3A_29 = tpu.memref_slice %arg8[%arg1, %dma_start3A_28] : memref<16x10240xf32, #tpu.memory_space<vmem_shared>> -> memref<1x10240xf32, #tpu.memory_space<vmem_shared>>
      %dma_start3A_30 = tpu.memref_squeeze %dma_start3A_29 : memref<1x10240xf32, #tpu.memory_space<vmem_shared>> -> memref<10240xf32, #tpu.memory_space<vmem_shared>>
      tpu.enqueue_dma source(%arg5 : memref<10240xf32, #tpu.memory_space<vmem>>) target(%dma_start3A_30 : memref<10240xf32, #tpu.memory_space<vmem_shared>>) target_semaphore(%run_scoped3A : memref<!tpu.dma_semaphore, #tpu.memory_space<semaphore_mem>>)
      %dma_wait3A = arith.constant 0 : i32
      %dma_wait3A_31 = tpu.memref_slice %arg8[%arg1, %dma_wait3A] : memref<16x10240xf32, #tpu.memory_space<vmem_shared>> -> memref<1x10240xf32, #tpu.memory_space<vmem_shared>>
      %dma_wait3A_32 = tpu.memref_squeeze %dma_wait3A_31 : memref<1x10240xf32, #tpu.memory_space<vmem_shared>> -> memref<10240xf32, #tpu.memory_space<vmem_shared>>
      %dma_wait3A_33 = arith.constant 0 : i32
      %dma_wait3A_34 = tpu.memref_slice %arg8[%arg1, %dma_wait3A_33] : memref<16x10240xf32, #tpu.memory_space<vmem_shared>> -> memref<1x10240xf32, #tpu.memory_space<vmem_shared>>
      %dma_wait3A_35 = tpu.memref_squeeze %dma_wait3A_34 : memref<1x10240xf32, #tpu.memory_space<vmem_shared>> -> memref<10240xf32, #tpu.memory_space<vmem_shared>>
      tpu.wait_dma2 semaphore(%run_scoped3A : memref<!tpu.dma_semaphore, #tpu.memory_space<semaphore_mem>>) src(%arg5 : memref<10240xf32, #tpu.memory_space<vmem>>) dst(%dma_wait3A_35 : memref<10240xf32, #tpu.memory_space<vmem_shared>>)
      tpu.yield
    }) : () -> ()
    %barrier3A = arith.constant 0 : index
    tpu.barrier barrier_id(%barrier3A)
    %mul3A_17 = arith.constant 640 : i32
    %mul3A_18 = arith.muli %arg1, %mul3A_17 : i32
    "tpu.region"() ({
      %run_scoped3A = tpu.sem_alloc : memref<!tpu.dma_semaphore, #tpu.memory_space<semaphore_mem>>
      %dma_start3A = arith.constant 0 : i32
      %dma_start3A_26 = tpu.memref_slice %arg8[%dma_start3A, %mul3A_18] : memref<16x10240xf32, #tpu.memory_space<vmem_shared>> -> memref<16x640xf32, #tpu.memory_space<vmem_shared>>
      %dma_start3A_27 = arith.constant 0 : i32
      %dma_start3A_28 = tpu.memref_slice %arg8[%dma_start3A_27, %mul3A_18] : memref<16x10240xf32, #tpu.memory_space<vmem_shared>> -> memref<16x640xf32, #tpu.memory_space<vmem_shared>>
      tpu.enqueue_dma source(%dma_start3A_28 : memref<16x640xf32, #tpu.memory_space<vmem_shared>>) target(%arg7 : memref<16x640xf32, #tpu.memory_space<vmem>>) target_semaphore(%run_scoped3A : memref<!tpu.dma_semaphore, #tpu.memory_space<semaphore_mem>>)
      %dma_wait3A = arith.constant 0 : i32
      %dma_wait3A_29 = tpu.memref_slice %arg8[%dma_wait3A, %mul3A_18] : memref<16x10240xf32, #tpu.memory_space<vmem_shared>> -> memref<16x640xf32, #tpu.memory_space<vmem_shared>>
      %dma_wait3A_30 = arith.constant 0 : i32
      %dma_wait3A_31 = tpu.memref_slice %arg8[%dma_wait3A_30, %mul3A_18] : memref<16x10240xf32, #tpu.memory_space<vmem_shared>> -> memref<16x640xf32, #tpu.memory_space<vmem_shared>>
      tpu.wait_dma2 semaphore(%run_scoped3A : memref<!tpu.dma_semaphore, #tpu.memory_space<semaphore_mem>>) src(%dma_wait3A_31 : memref<16x640xf32, #tpu.memory_space<vmem_shared>>) dst(%arg7 : memref<16x640xf32, #tpu.memory_space<vmem>>)
      tpu.yield
    }) : () -> ()
    %scan3A_19 = arith.constant 0 : i32
    %scan3A_20 = arith.constant 0 : i32
    %scan3A_21 = arith.constant 40 : i32
    %scan3A_22 = arith.addi %scan3A_20, %scan3A_21 : i32
    %scan3A_23 = arith.constant 1 : i32
    %scan3A_24 = scf.for %scan3A_26 = %scan3A_20 to %scan3A_22 step %scan3A_23 iter_args(%scan3A_27 = %scan3A_19) -> (i32)  : i32 {
      %mul3A_28 = arith.constant 16 : i32
      %mul3A_29 = arith.muli %scan3A_26, %mul3A_28 : i32
      %get3A = arith.constant 0 : i32
      %get3A_30 = arith.index_cast %get3A : i32 to index
      %get3A_31 = arith.index_cast %mul3A_29 : i32 to index
      %get3A_32 = tpu.vector_load %arg7[%get3A_30, %get3A_31] {strides = array<i32>} : memref<16x640xf32, #tpu.memory_space<vmem>>, vector<16xf32>,
      %get3A_33 = arith.constant 1 : i32
      %get3A_34 = arith.index_cast %get3A_33 : i32 to index
      %get3A_35 = arith.index_cast %mul3A_29 : i32 to index
      %get3A_36 = tpu.vector_load %arg7[%get3A_34, %get3A_35] {strides = array<i32>} : memref<16x640xf32, #tpu.memory_space<vmem>>, vector<16xf32>,
      %add3A_37 = arith.addf %get3A_32, %get3A_36 : vector<16xf32>
      %get3A_38 = arith.constant 2 : i32
      %get3A_39 = arith.index_cast %get3A_38 : i32 to index
      %get3A_40 = arith.index_cast %mul3A_29 : i32 to index
      %get3A_41 = tpu.vector_load %arg7[%get3A_39, %get3A_40] {strides = array<i32>} : memref<16x640xf32, #tpu.memory_space<vmem>>, vector<16xf32>,
      %add3A_42 = arith.addf %add3A_37, %get3A_41 : vector<16xf32>
      %get3A_43 = arith.constant 3 : i32
      %get3A_44 = arith.index_cast %get3A_43 : i32 to index
      %get3A_45 = arith.index_cast %mul3A_29 : i32 to index
      %get3A_46 = tpu.vector_load %arg7[%get3A_44, %get3A_45] {strides = array<i32>} : memref<16x640xf32, #tpu.memory_space<vmem>>, vector<16xf32>,
      %add3A_47 = arith.addf %add3A_42, %get3A_46 : vector<16xf32>
      %get3A_48 = arith.constant 4 : i32
      %get3A_49 = arith.index_cast %get3A_48 : i32 to index
      %get3A_50 = arith.index_cast %mul3A_29 : i32 to index
      %get3A_51 = tpu.vector_load %arg7[%get3A_49, %get3A_50] {strides = array<i32>} : memref<16x640xf32, #tpu.memory_space<vmem>>, vector<16xf32>,
      %add3A_52 = arith.addf %add3A_47, %get3A_51 : vector<16xf32>
      %get3A_53 = arith.constant 5 : i32
      %get3A_54 = arith.index_cast %get3A_53 : i32 to index
      %get3A_55 = arith.index_cast %mul3A_29 : i32 to index
      %get3A_56 = tpu.vector_load %arg7[%get3A_54, %get3A_55] {strides = array<i32>} : memref<16x640xf32, #tpu.memory_space<vmem>>, vector<16xf32>,
      %add3A_57 = arith.addf %add3A_52, %get3A_56 : vector<16xf32>
      %get3A_58 = arith.constant 6 : i32
      %get3A_59 = arith.index_cast %get3A_58 : i32 to index
      %get3A_60 = arith.index_cast %mul3A_29 : i32 to index
      %get3A_61 = tpu.vector_load %arg7[%get3A_59, %get3A_60] {strides = array<i32>} : memref<16x640xf32, #tpu.memory_space<vmem>>, vector<16xf32>,
      %add3A_62 = arith.addf %add3A_57, %get3A_61 : vector<16xf32>
      %get3A_63 = arith.constant 7 : i32
      %get3A_64 = arith.index_cast %get3A_63 : i32 to index
      %get3A_65 = arith.index_cast %mul3A_29 : i32 to index
      %get3A_66 = tpu.vector_load %arg7[%get3A_64, %get3A_65] {strides = array<i32>} : memref<16x640xf32, #tpu.memory_space<vmem>>, vector<16xf32>,
      %add3A_67 = arith.addf %add3A_62, %get3A_66 : vector<16xf32>
      %get3A_68 = arith.constant 8 : i32
      %get3A_69 = arith.index_cast %get3A_68 : i32 to index
      %get3A_70 = arith.index_cast %mul3A_29 : i32 to index
      %get3A_71 = tpu.vector_load %arg7[%get3A_69, %get3A_70] {strides = array<i32>} : memref<16x640xf32, #tpu.memory_space<vmem>>, vector<16xf32>,
      %add3A_72 = arith.addf %add3A_67, %get3A_71 : vector<16xf32>
      %get3A_73 = arith.constant 9 : i32
      %get3A_74 = arith.index_cast %get3A_73 : i32 to index
      %get3A_75 = arith.index_cast %mul3A_29 : i32 to index
      %get3A_76 = tpu.vector_load %arg7[%get3A_74, %get3A_75] {strides = array<i32>} : memref<16x640xf32, #tpu.memory_space<vmem>>, vector<16xf32>,
      %add3A_77 = arith.addf %add3A_72, %get3A_76 : vector<16xf32>
      %get3A_78 = arith.constant 10 : i32
      %get3A_79 = arith.index_cast %get3A_78 : i32 to index
      %get3A_80 = arith.index_cast %mul3A_29 : i32 to index
      %get3A_81 = tpu.vector_load %arg7[%get3A_79, %get3A_80] {strides = array<i32>} : memref<16x640xf32, #tpu.memory_space<vmem>>, vector<16xf32>,
      %add3A_82 = arith.addf %add3A_77, %get3A_81 : vector<16xf32>
      %get3A_83 = arith.constant 11 : i32
      %get3A_84 = arith.index_cast %get3A_83 : i32 to index
      %get3A_85 = arith.index_cast %mul3A_29 : i32 to index
      %get3A_86 = tpu.vector_load %arg7[%get3A_84, %get3A_85] {strides = array<i32>} : memref<16x640xf32, #tpu.memory_space<vmem>>, vector<16xf32>,
      %add3A_87 = arith.addf %add3A_82, %get3A_86 : vector<16xf32>
      %get3A_88 = arith.constant 12 : i32
      %get3A_89 = arith.index_cast %get3A_88 : i32 to index
      %get3A_90 = arith.index_cast %mul3A_29 : i32 to index
      %get3A_91 = tpu.vector_load %arg7[%get3A_89, %get3A_90] {strides = array<i32>} : memref<16x640xf32, #tpu.memory_space<vmem>>, vector<16xf32>,
      %add3A_92 = arith.addf %add3A_87, %get3A_91 : vector<16xf32>
      %get3A_93 = arith.constant 13 : i32
      %get3A_94 = arith.index_cast %get3A_93 : i32 to index
      %get3A_95 = arith.index_cast %mul3A_29 : i32 to index
      %get3A_96 = tpu.vector_load %arg7[%get3A_94, %get3A_95] {strides = array<i32>} : memref<16x640xf32, #tpu.memory_space<vmem>>, vector<16xf32>,
      %add3A_97 = arith.addf %add3A_92, %get3A_96 : vector<16xf32>
      %get3A_98 = arith.constant 14 : i32
      %get3A_99 = arith.index_cast %get3A_98 : i32 to index
      %get3A_100 = arith.index_cast %mul3A_29 : i32 to index
      %get3A_101 = tpu.vector_load %arg7[%get3A_99, %get3A_100] {strides = array<i32>} : memref<16x640xf32, #tpu.memory_space<vmem>>, vector<16xf32>,
      %add3A_102 = arith.addf %add3A_97, %get3A_101 : vector<16xf32>
      %get3A_103 = arith.constant 15 : i32
      %get3A_104 = arith.index_cast %get3A_103 : i32 to index
      %get3A_105 = arith.index_cast %mul3A_29 : i32 to index
      %get3A_106 = tpu.vector_load %arg7[%get3A_104, %get3A_105] {strides = array<i32>} : memref<16x640xf32, #tpu.memory_space<vmem>>, vector<16xf32>,
      %add3A_107 = arith.addf %add3A_102, %get3A_106 : vector<16xf32>
      %swap3A = arith.index_cast %mul3A_29 : i32 to index
      %swap3A_108 = tpu.vector_load %arg6[%swap3A] {strides = array<i32>} : memref<640xf32, #tpu.memory_space<vmem>>, vector<16xf32>,
      tpu.vector_store %arg6[%swap3A], %add3A_107 {strides = array<i32>} : memref<640xf32, #tpu.memory_space<vmem>>, vector<16xf32>,
      %scan3A_109 = arith.constant 0 : i32
      scf.yield %scan3A_109 : i32
    }
    %scan3A_25 = arith.constant 40 : i32
    "tpu.region"() ({
      %run_scoped3A = tpu.sem_alloc : memref<!tpu.dma_semaphore, #tpu.memory_space<semaphore_mem>>
      %dma_start3A = tpu.memref_slice %arg3[%arg0, %mul3A_18] : memref<2x10240xf32, #tpu.memory_space<hbm>> -> memref<1x640xf32, #tpu.memory_space<hbm>>
      %dma_start3A_26 = tpu.memref_squeeze %dma_start3A : memref<1x640xf32, #tpu.memory_space<hbm>> -> memref<640xf32, #tpu.memory_space<hbm>>
      %dma_start3A_27 = tpu.memref_slice %arg3[%arg0, %mul3A_18] : memref<2x10240xf32, #tpu.memory_space<hbm>> -> memref<1x640xf32, #tpu.memory_space<hbm>>
      %dma_start3A_28 = tpu.memref_squeeze %dma_start3A_27 : memref<1x640xf32, #tpu.memory_space<hbm>> -> memref<640xf32, #tpu.memory_space<hbm>>
      tpu.enqueue_dma source(%arg6 : memref<640xf32, #tpu.memory_space<vmem>>) target(%dma_start3A_28 : memref<640xf32, #tpu.memory_space<hbm>>) target_semaphore(%run_scoped3A : memref<!tpu.dma_semaphore, #tpu.memory_space<semaphore_mem>>)
      %dma_wait3A = tpu.memref_slice %arg3[%arg0, %mul3A_18] : memref<2x10240xf32, #tpu.memory_space<hbm>> -> memref<1x640xf32, #tpu.memory_space<hbm>>
      %dma_wait3A_29 = tpu.memref_squeeze %dma_wait3A : memref<1x640xf32, #tpu.memory_space<hbm>> -> memref<640xf32, #tpu.memory_space<hbm>>
      %dma_wait3A_30 = tpu.memref_slice %arg3[%arg0, %mul3A_18] : memref<2x10240xf32, #tpu.memory_space<hbm>> -> memref<1x640xf32, #tpu.memory_space<hbm>>
      %dma_wait3A_31 = tpu.memref_squeeze %dma_wait3A_30 : memref<1x640xf32, #tpu.memory_space<hbm>> -> memref<640xf32, #tpu.memory_space<hbm>>
      tpu.wait_dma2 semaphore(%run_scoped3A : memref<!tpu.dma_semaphore, #tpu.memory_space<semaphore_mem>>) src(%arg6 : memref<640xf32, #tpu.memory_space<vmem>>) dst(%dma_wait3A_31 : memref<640xf32, #tpu.memory_space<hbm>>)
      tpu.yield
    }) : () -> ()
    return
  }
}

#map = affine_map<(d0, d1) -> (0, 0)>
#map1 = affine_map<(d0, d1) -> (0, 0, 0)>
module attributes {stable_mosaic.version = 14 : i64} {
  func.func @_agg_body(%arg0: i32, %arg1: i32, %arg2: memref<10000x128xf32, #tpu.memory_space<hbm>>, %arg3: memref<32x5120xi32, #tpu.memory_space<hbm>>, %arg4: memref<32x5120xi32, #tpu.memory_space<hbm>>, %arg5: memref<2x10240x128xf32, #tpu.memory_space<hbm>>, %arg6: memref<5120xi32, #tpu.memory_space<vmem>>, %arg7: memref<5120xi32, #tpu.memory_space<vmem>>, %arg8: memref<1x64xi32, #tpu.memory_space<vmem>>, %arg9: memref<1x64xi32, #tpu.memory_space<vmem>>, %arg10: memref<1x64xi32, #tpu.memory_space<vmem>>, %arg11: memref<1x64xi32, #tpu.memory_space<vmem>>, %arg12: memref<1x64xi32, #tpu.memory_space<vmem>>, %arg13: memref<1x64xi32, #tpu.memory_space<vmem>>, %arg14: memref<1x64xi32, #tpu.memory_space<vmem>>, %arg15: memref<1x64xi32, #tpu.memory_space<vmem>>, %arg16: memref<64x128xf32, #tpu.memory_space<vmem>>, %arg17: memref<64x128xf32, #tpu.memory_space<vmem>>, %arg18: memref<64x128xf32, #tpu.memory_space<vmem>>, %arg19: memref<64x128xf32, #tpu.memory_space<vmem>>, %arg20: memref<10240x128xf32, #tpu.memory_space<vmem_shared>>, %arg21: memref<!tpu.dma_semaphore, #tpu.memory_space<semaphore_mem>>, %arg22: memref<!tpu.dma_semaphore, #tpu.memory_space<semaphore_mem>>, %arg23: memref<!tpu.dma_semaphore, #tpu.memory_space<semaphore_mem>>, %arg24: memref<!tpu.dma_semaphore, #tpu.memory_space<semaphore_mem>>, %arg25: memref<!tpu.dma_semaphore, #tpu.memory_space<semaphore_mem>>, %arg26: memref<!tpu.dma_semaphore, #tpu.memory_space<semaphore_mem>>, %arg27: memref<!tpu.dma_semaphore, #tpu.memory_space<semaphore_mem>>, %arg28: memref<!tpu.dma_semaphore, #tpu.memory_space<semaphore_mem>>) attributes {dimension_semantics = [#tpu.dimension_semantics<core_parallel>, #tpu.dimension_semantics<subcore_parallel>], iteration_bounds = array<i64: 2, 16>, scalar_prefetch = 0 : i64, scratch_operands = 23 : i64, tpu.core_type = #tpu.core_type<sc_vector_subcore>, window_params = [{transform_indices = #map}, {transform_indices = #map}, {transform_indices = #map}, {transform_indices = #map1}]} {
    %mul3A = arith.constant 16 : i32
    %mul3A_0 = arith.muli %arg0, %mul3A : i32
    %add3A = arith.addi %mul3A_0, %arg1 : i32
    "tpu.region"() ({
      %run_scoped3A = tpu.sem_alloc : memref<!tpu.dma_semaphore, #tpu.memory_space<semaphore_mem>>
      %dma_start3A_752 = arith.constant 0 : i32
      %dma_start3A_753 = tpu.memref_slice %arg3[%add3A, %dma_start3A_752] : memref<32x5120xi32, #tpu.memory_space<hbm>> -> memref<1x5120xi32, #tpu.memory_space<hbm>>
      %dma_start3A_754 = tpu.memref_squeeze %dma_start3A_753 : memref<1x5120xi32, #tpu.memory_space<hbm>> -> memref<5120xi32, #tpu.memory_space<hbm>>
      %dma_start3A_755 = arith.constant 0 : i32
      %dma_start3A_756 = tpu.memref_slice %arg3[%add3A, %dma_start3A_755] : memref<32x5120xi32, #tpu.memory_space<hbm>> -> memref<1x5120xi32, #tpu.memory_space<hbm>>
      %dma_start3A_757 = tpu.memref_squeeze %dma_start3A_756 : memref<1x5120xi32, #tpu.memory_space<hbm>> -> memref<5120xi32, #tpu.memory_space<hbm>>
      tpu.enqueue_dma source(%dma_start3A_757 : memref<5120xi32, #tpu.memory_space<hbm>>) target(%arg6 : memref<5120xi32, #tpu.memory_space<vmem>>) target_semaphore(%run_scoped3A : memref<!tpu.dma_semaphore, #tpu.memory_space<semaphore_mem>>)
      %dma_wait3A_758 = arith.constant 0 : i32
      %dma_wait3A_759 = tpu.memref_slice %arg3[%add3A, %dma_wait3A_758] : memref<32x5120xi32, #tpu.memory_space<hbm>> -> memref<1x5120xi32, #tpu.memory_space<hbm>>
      %dma_wait3A_760 = tpu.memref_squeeze %dma_wait3A_759 : memref<1x5120xi32, #tpu.memory_space<hbm>> -> memref<5120xi32, #tpu.memory_space<hbm>>
      %dma_wait3A_761 = arith.constant 0 : i32
      %dma_wait3A_762 = tpu.memref_slice %arg3[%add3A, %dma_wait3A_761] : memref<32x5120xi32, #tpu.memory_space<hbm>> -> memref<1x5120xi32, #tpu.memory_space<hbm>>
      %dma_wait3A_763 = tpu.memref_squeeze %dma_wait3A_762 : memref<1x5120xi32, #tpu.memory_space<hbm>> -> memref<5120xi32, #tpu.memory_space<hbm>>
      tpu.wait_dma2 semaphore(%run_scoped3A : memref<!tpu.dma_semaphore, #tpu.memory_space<semaphore_mem>>) src(%dma_wait3A_763 : memref<5120xi32, #tpu.memory_space<hbm>>) dst(%arg6 : memref<5120xi32, #tpu.memory_space<vmem>>)
      tpu.yield
    }) : () -> ()
    "tpu.region"() ({
      %run_scoped3A = tpu.sem_alloc : memref<!tpu.dma_semaphore, #tpu.memory_space<semaphore_mem>>
      %dma_start3A_752 = arith.constant 0 : i32
      %dma_start3A_753 = tpu.memref_slice %arg4[%add3A, %dma_start3A_752] : memref<32x5120xi32, #tpu.memory_space<hbm>> -> memref<1x5120xi32, #tpu.memory_space<hbm>>
      %dma_start3A_754 = tpu.memref_squeeze %dma_start3A_753 : memref<1x5120xi32, #tpu.memory_space<hbm>> -> memref<5120xi32, #tpu.memory_space<hbm>>
      %dma_start3A_755 = arith.constant 0 : i32
      %dma_start3A_756 = tpu.memref_slice %arg4[%add3A, %dma_start3A_755] : memref<32x5120xi32, #tpu.memory_space<hbm>> -> memref<1x5120xi32, #tpu.memory_space<hbm>>
      %dma_start3A_757 = tpu.memref_squeeze %dma_start3A_756 : memref<1x5120xi32, #tpu.memory_space<hbm>> -> memref<5120xi32, #tpu.memory_space<hbm>>
      tpu.enqueue_dma source(%dma_start3A_757 : memref<5120xi32, #tpu.memory_space<hbm>>) target(%arg7 : memref<5120xi32, #tpu.memory_space<vmem>>) target_semaphore(%run_scoped3A : memref<!tpu.dma_semaphore, #tpu.memory_space<semaphore_mem>>)
      %dma_wait3A_758 = arith.constant 0 : i32
      %dma_wait3A_759 = tpu.memref_slice %arg4[%add3A, %dma_wait3A_758] : memref<32x5120xi32, #tpu.memory_space<hbm>> -> memref<1x5120xi32, #tpu.memory_space<hbm>>
      %dma_wait3A_760 = tpu.memref_squeeze %dma_wait3A_759 : memref<1x5120xi32, #tpu.memory_space<hbm>> -> memref<5120xi32, #tpu.memory_space<hbm>>
      %dma_wait3A_761 = arith.constant 0 : i32
      %dma_wait3A_762 = tpu.memref_slice %arg4[%add3A, %dma_wait3A_761] : memref<32x5120xi32, #tpu.memory_space<hbm>> -> memref<1x5120xi32, #tpu.memory_space<hbm>>
      %dma_wait3A_763 = tpu.memref_squeeze %dma_wait3A_762 : memref<1x5120xi32, #tpu.memory_space<hbm>> -> memref<5120xi32, #tpu.memory_space<hbm>>
      tpu.wait_dma2 semaphore(%run_scoped3A : memref<!tpu.dma_semaphore, #tpu.memory_space<semaphore_mem>>) src(%dma_wait3A_763 : memref<5120xi32, #tpu.memory_space<hbm>>) dst(%arg7 : memref<5120xi32, #tpu.memory_space<vmem>>)
      tpu.yield
    }) : () -> ()
    %broadcast_in_dim3A = arith.constant 0.000000e+00 : f32
    %broadcast_in_dim3A_1 = vector.broadcast %broadcast_in_dim3A : f32 to vector<16xf32>
    %scan3A = arith.constant 0 : i32
    %scan3A_2 = arith.constant 0 : i32
    %scan3A_3 = arith.constant 64 : i32
    %scan3A_4 = arith.addi %scan3A_2, %scan3A_3 : i32
    %scan3A_5 = arith.constant 1 : i32
    %scan3A_6 = scf.for %scan3A_752 = %scan3A_2 to %scan3A_4 step %scan3A_5 iter_args(%scan3A_753 = %scan3A) -> (i32)  : i32 {
      %swap3A_754 = arith.index_cast %scan3A_752 : i32 to index
      %swap3A_755 = arith.constant 0 : index
      %swap3A_756 = tpu.vector_load %arg16[%swap3A_754, %swap3A_755] {strides = array<i32>} : memref<64x128xf32, #tpu.memory_space<vmem>>, vector<16xf32>,
      tpu.vector_store %arg16[%swap3A_754, %swap3A_755], %broadcast_in_dim3A_1 {strides = array<i32>} : memref<64x128xf32, #tpu.memory_space<vmem>>, vector<16xf32>,
      %swap3A_757 = arith.index_cast %scan3A_752 : i32 to index
      %swap3A_758 = arith.constant 16 : index
      %swap3A_759 = tpu.vector_load %arg16[%swap3A_757, %swap3A_758] {strides = array<i32>} : memref<64x128xf32, #tpu.memory_space<vmem>>, vector<16xf32>,
      tpu.vector_store %arg16[%swap3A_757, %swap3A_758], %broadcast_in_dim3A_1 {strides = array<i32>} : memref<64x128xf32, #tpu.memory_space<vmem>>, vector<16xf32>,
      %swap3A_760 = arith.index_cast %scan3A_752 : i32 to index
      %swap3A_761 = arith.constant 32 : index
      %swap3A_762 = tpu.vector_load %arg16[%swap3A_760, %swap3A_761] {strides = array<i32>} : memref<64x128xf32, #tpu.memory_space<vmem>>, vector<16xf32>,
      tpu.vector_store %arg16[%swap3A_760, %swap3A_761], %broadcast_in_dim3A_1 {strides = array<i32>} : memref<64x128xf32, #tpu.memory_space<vmem>>, vector<16xf32>,
      %swap3A_763 = arith.index_cast %scan3A_752 : i32 to index
      %swap3A_764 = arith.constant 48 : index
      %swap3A_765 = tpu.vector_load %arg16[%swap3A_763, %swap3A_764] {strides = array<i32>} : memref<64x128xf32, #tpu.memory_space<vmem>>, vector<16xf32>,
      tpu.vector_store %arg16[%swap3A_763, %swap3A_764], %broadcast_in_dim3A_1 {strides = array<i32>} : memref<64x128xf32, #tpu.memory_space<vmem>>, vector<16xf32>,
      %swap3A_766 = arith.index_cast %scan3A_752 : i32 to index
      %swap3A_767 = arith.constant 64 : index
      %swap3A_768 = tpu.vector_load %arg16[%swap3A_766, %swap3A_767] {strides = array<i32>} : memref<64x128xf32, #tpu.memory_space<vmem>>, vector<16xf32>,
      tpu.vector_store %arg16[%swap3A_766, %swap3A_767], %broadcast_in_dim3A_1 {strides = array<i32>} : memref<64x128xf32, #tpu.memory_space<vmem>>, vector<16xf32>,
      %swap3A_769 = arith.index_cast %scan3A_752 : i32 to index
      %swap3A_770 = arith.constant 80 : index
      %swap3A_771 = tpu.vector_load %arg16[%swap3A_769, %swap3A_770] {strides = array<i32>} : memref<64x128xf32, #tpu.memory_space<vmem>>, vector<16xf32>,
      tpu.vector_store %arg16[%swap3A_769, %swap3A_770], %broadcast_in_dim3A_1 {strides = array<i32>} : memref<64x128xf32, #tpu.memory_space<vmem>>, vector<16xf32>,
      %swap3A_772 = arith.index_cast %scan3A_752 : i32 to index
      %swap3A_773 = arith.constant 96 : index
      %swap3A_774 = tpu.vector_load %arg16[%swap3A_772, %swap3A_773] {strides = array<i32>} : memref<64x128xf32, #tpu.memory_space<vmem>>, vector<16xf32>,
      tpu.vector_store %arg16[%swap3A_772, %swap3A_773], %broadcast_in_dim3A_1 {strides = array<i32>} : memref<64x128xf32, #tpu.memory_space<vmem>>, vector<16xf32>,
      %swap3A_775 = arith.index_cast %scan3A_752 : i32 to index
      %swap3A_776 = arith.constant 112 : index
      %swap3A_777 = tpu.vector_load %arg16[%swap3A_775, %swap3A_776] {strides = array<i32>} : memref<64x128xf32, #tpu.memory_space<vmem>>, vector<16xf32>,
      tpu.vector_store %arg16[%swap3A_775, %swap3A_776], %broadcast_in_dim3A_1 {strides = array<i32>} : memref<64x128xf32, #tpu.memory_space<vmem>>, vector<16xf32>,
      %scan3A_778 = arith.constant 0 : i32
      scf.yield %scan3A_778 : i32
    }
    %scan3A_7 = arith.constant 64 : i32
    %mul3A_8 = arith.constant 640 : i32
    %mul3A_9 = arith.muli %arg1, %mul3A_8 : i32
    %add3A_10 = arith.constant 0 : i32
    %add3A_11 = arith.addi %mul3A_9, %add3A_10 : i32
    "tpu.region"() ({
      %run_scoped3A = tpu.sem_alloc : memref<!tpu.dma_semaphore, #tpu.memory_space<semaphore_mem>>
      %dma_start3A_752 = arith.constant 0 : i32
      %dma_start3A_753 = tpu.memref_slice %arg20[%add3A_11, %dma_start3A_752] : memref<10240x128xf32, #tpu.memory_space<vmem_shared>> -> memref<64x128xf32, #tpu.memory_space<vmem_shared>>
      %dma_start3A_754 = arith.constant 0 : i32
      %dma_start3A_755 = tpu.memref_slice %arg20[%add3A_11, %dma_start3A_754] : memref<10240x128xf32, #tpu.memory_space<vmem_shared>> -> memref<64x128xf32, #tpu.memory_space<vmem_shared>>
      tpu.enqueue_dma source(%arg16 : memref<64x128xf32, #tpu.memory_space<vmem>>) target(%dma_start3A_755 : memref<64x128xf32, #tpu.memory_space<vmem_shared>>) target_semaphore(%run_scoped3A : memref<!tpu.dma_semaphore, #tpu.memory_space<semaphore_mem>>)
      %dma_wait3A_756 = arith.constant 0 : i32
      %dma_wait3A_757 = tpu.memref_slice %arg20[%add3A_11, %dma_wait3A_756] : memref<10240x128xf32, #tpu.memory_space<vmem_shared>> -> memref<64x128xf32, #tpu.memory_space<vmem_shared>>
      %dma_wait3A_758 = arith.constant 0 : i32
      %dma_wait3A_759 = tpu.memref_slice %arg20[%add3A_11, %dma_wait3A_758] : memref<10240x128xf32, #tpu.memory_space<vmem_shared>> -> memref<64x128xf32, #tpu.memory_space<vmem_shared>>
      tpu.wait_dma2 semaphore(%run_scoped3A : memref<!tpu.dma_semaphore, #tpu.memory_space<semaphore_mem>>) src(%arg16 : memref<64x128xf32, #tpu.memory_space<vmem>>) dst(%dma_wait3A_759 : memref<64x128xf32, #tpu.memory_space<vmem_shared>>)
      tpu.yield
    }) : () -> ()
    %add3A_12 = arith.constant 64 : i32
    %add3A_13 = arith.addi %mul3A_9, %add3A_12 : i32
    "tpu.region"() ({
      %run_scoped3A = tpu.sem_alloc : memref<!tpu.dma_semaphore, #tpu.memory_space<semaphore_mem>>
      %dma_start3A_752 = arith.constant 0 : i32
      %dma_start3A_753 = tpu.memref_slice %arg20[%add3A_13, %dma_start3A_752] : memref<10240x128xf32, #tpu.memory_space<vmem_shared>> -> memref<64x128xf32, #tpu.memory_space<vmem_shared>>
      %dma_start3A_754 = arith.constant 0 : i32
      %dma_start3A_755 = tpu.memref_slice %arg20[%add3A_13, %dma_start3A_754] : memref<10240x128xf32, #tpu.memory_space<vmem_shared>> -> memref<64x128xf32, #tpu.memory_space<vmem_shared>>
      tpu.enqueue_dma source(%arg16 : memref<64x128xf32, #tpu.memory_space<vmem>>) target(%dma_start3A_755 : memref<64x128xf32, #tpu.memory_space<vmem_shared>>) target_semaphore(%run_scoped3A : memref<!tpu.dma_semaphore, #tpu.memory_space<semaphore_mem>>)
      %dma_wait3A_756 = arith.constant 0 : i32
      %dma_wait3A_757 = tpu.memref_slice %arg20[%add3A_13, %dma_wait3A_756] : memref<10240x128xf32, #tpu.memory_space<vmem_shared>> -> memref<64x128xf32, #tpu.memory_space<vmem_shared>>
      %dma_wait3A_758 = arith.constant 0 : i32
      %dma_wait3A_759 = tpu.memref_slice %arg20[%add3A_13, %dma_wait3A_758] : memref<10240x128xf32, #tpu.memory_space<vmem_shared>> -> memref<64x128xf32, #tpu.memory_space<vmem_shared>>
      tpu.wait_dma2 semaphore(%run_scoped3A : memref<!tpu.dma_semaphore, #tpu.memory_space<semaphore_mem>>) src(%arg16 : memref<64x128xf32, #tpu.memory_space<vmem>>) dst(%dma_wait3A_759 : memref<64x128xf32, #tpu.memory_space<vmem_shared>>)
      tpu.yield
    }) : () -> ()
    %add3A_14 = arith.constant 128 : i32
    %add3A_15 = arith.addi %mul3A_9, %add3A_14 : i32
    "tpu.region"() ({
      %run_scoped3A = tpu.sem_alloc : memref<!tpu.dma_semaphore, #tpu.memory_space<semaphore_mem>>
      %dma_start3A_752 = arith.constant 0 : i32
      %dma_start3A_753 = tpu.memref_slice %arg20[%add3A_15, %dma_start3A_752] : memref<10240x128xf32, #tpu.memory_space<vmem_shared>> -> memref<64x128xf32, #tpu.memory_space<vmem_shared>>
      %dma_start3A_754 = arith.constant 0 : i32
      %dma_start3A_755 = tpu.memref_slice %arg20[%add3A_15, %dma_start3A_754] : memref<10240x128xf32, #tpu.memory_space<vmem_shared>> -> memref<64x128xf32, #tpu.memory_space<vmem_shared>>
      tpu.enqueue_dma source(%arg16 : memref<64x128xf32, #tpu.memory_space<vmem>>) target(%dma_start3A_755 : memref<64x128xf32, #tpu.memory_space<vmem_shared>>) target_semaphore(%run_scoped3A : memref<!tpu.dma_semaphore, #tpu.memory_space<semaphore_mem>>)
      %dma_wait3A_756 = arith.constant 0 : i32
      %dma_wait3A_757 = tpu.memref_slice %arg20[%add3A_15, %dma_wait3A_756] : memref<10240x128xf32, #tpu.memory_space<vmem_shared>> -> memref<64x128xf32, #tpu.memory_space<vmem_shared>>
      %dma_wait3A_758 = arith.constant 0 : i32
      %dma_wait3A_759 = tpu.memref_slice %arg20[%add3A_15, %dma_wait3A_758] : memref<10240x128xf32, #tpu.memory_space<vmem_shared>> -> memref<64x128xf32, #tpu.memory_space<vmem_shared>>
      tpu.wait_dma2 semaphore(%run_scoped3A : memref<!tpu.dma_semaphore, #tpu.memory_space<semaphore_mem>>) src(%arg16 : memref<64x128xf32, #tpu.memory_space<vmem>>) dst(%dma_wait3A_759 : memref<64x128xf32, #tpu.memory_space<vmem_shared>>)
      tpu.yield
    }) : () -> ()
    %add3A_16 = arith.constant 192 : i32
    %add3A_17 = arith.addi %mul3A_9, %add3A_16 : i32
    "tpu.region"() ({
      %run_scoped3A = tpu.sem_alloc : memref<!tpu.dma_semaphore, #tpu.memory_space<semaphore_mem>>
      %dma_start3A_752 = arith.constant 0 : i32
      %dma_start3A_753 = tpu.memref_slice %arg20[%add3A_17, %dma_start3A_752] : memref<10240x128xf32, #tpu.memory_space<vmem_shared>> -> memref<64x128xf32, #tpu.memory_space<vmem_shared>>
      %dma_start3A_754 = arith.constant 0 : i32
      %dma_start3A_755 = tpu.memref_slice %arg20[%add3A_17, %dma_start3A_754] : memref<10240x128xf32, #tpu.memory_space<vmem_shared>> -> memref<64x128xf32, #tpu.memory_space<vmem_shared>>
      tpu.enqueue_dma source(%arg16 : memref<64x128xf32, #tpu.memory_space<vmem>>) target(%dma_start3A_755 : memref<64x128xf32, #tpu.memory_space<vmem_shared>>) target_semaphore(%run_scoped3A : memref<!tpu.dma_semaphore, #tpu.memory_space<semaphore_mem>>)
      %dma_wait3A_756 = arith.constant 0 : i32
      %dma_wait3A_757 = tpu.memref_slice %arg20[%add3A_17, %dma_wait3A_756] : memref<10240x128xf32, #tpu.memory_space<vmem_shared>> -> memref<64x128xf32, #tpu.memory_space<vmem_shared>>
      %dma_wait3A_758 = arith.constant 0 : i32
      %dma_wait3A_759 = tpu.memref_slice %arg20[%add3A_17, %dma_wait3A_758] : memref<10240x128xf32, #tpu.memory_space<vmem_shared>> -> memref<64x128xf32, #tpu.memory_space<vmem_shared>>
      tpu.wait_dma2 semaphore(%run_scoped3A : memref<!tpu.dma_semaphore, #tpu.memory_space<semaphore_mem>>) src(%arg16 : memref<64x128xf32, #tpu.memory_space<vmem>>) dst(%dma_wait3A_759 : memref<64x128xf32, #tpu.memory_space<vmem_shared>>)
      tpu.yield
    }) : () -> ()
    %add3A_18 = arith.constant 256 : i32
    %add3A_19 = arith.addi %mul3A_9, %add3A_18 : i32
    "tpu.region"() ({
      %run_scoped3A = tpu.sem_alloc : memref<!tpu.dma_semaphore, #tpu.memory_space<semaphore_mem>>
      %dma_start3A_752 = arith.constant 0 : i32
      %dma_start3A_753 = tpu.memref_slice %arg20[%add3A_19, %dma_start3A_752] : memref<10240x128xf32, #tpu.memory_space<vmem_shared>> -> memref<64x128xf32, #tpu.memory_space<vmem_shared>>
      %dma_start3A_754 = arith.constant 0 : i32
      %dma_start3A_755 = tpu.memref_slice %arg20[%add3A_19, %dma_start3A_754] : memref<10240x128xf32, #tpu.memory_space<vmem_shared>> -> memref<64x128xf32, #tpu.memory_space<vmem_shared>>
      tpu.enqueue_dma source(%arg16 : memref<64x128xf32, #tpu.memory_space<vmem>>) target(%dma_start3A_755 : memref<64x128xf32, #tpu.memory_space<vmem_shared>>) target_semaphore(%run_scoped3A : memref<!tpu.dma_semaphore, #tpu.memory_space<semaphore_mem>>)
      %dma_wait3A_756 = arith.constant 0 : i32
      %dma_wait3A_757 = tpu.memref_slice %arg20[%add3A_19, %dma_wait3A_756] : memref<10240x128xf32, #tpu.memory_space<vmem_shared>> -> memref<64x128xf32, #tpu.memory_space<vmem_shared>>
      %dma_wait3A_758 = arith.constant 0 : i32
      %dma_wait3A_759 = tpu.memref_slice %arg20[%add3A_19, %dma_wait3A_758] : memref<10240x128xf32, #tpu.memory_space<vmem_shared>> -> memref<64x128xf32, #tpu.memory_space<vmem_shared>>
      tpu.wait_dma2 semaphore(%run_scoped3A : memref<!tpu.dma_semaphore, #tpu.memory_space<semaphore_mem>>) src(%arg16 : memref<64x128xf32, #tpu.memory_space<vmem>>) dst(%dma_wait3A_759 : memref<64x128xf32, #tpu.memory_space<vmem_shared>>)
      tpu.yield
    }) : () -> ()
    %add3A_20 = arith.constant 320 : i32
    %add3A_21 = arith.addi %mul3A_9, %add3A_20 : i32
    "tpu.region"() ({
      %run_scoped3A = tpu.sem_alloc : memref<!tpu.dma_semaphore, #tpu.memory_space<semaphore_mem>>
      %dma_start3A_752 = arith.constant 0 : i32
      %dma_start3A_753 = tpu.memref_slice %arg20[%add3A_21, %dma_start3A_752] : memref<10240x128xf32, #tpu.memory_space<vmem_shared>> -> memref<64x128xf32, #tpu.memory_space<vmem_shared>>
      %dma_start3A_754 = arith.constant 0 : i32
      %dma_start3A_755 = tpu.memref_slice %arg20[%add3A_21, %dma_start3A_754] : memref<10240x128xf32, #tpu.memory_space<vmem_shared>> -> memref<64x128xf32, #tpu.memory_space<vmem_shared>>
      tpu.enqueue_dma source(%arg16 : memref<64x128xf32, #tpu.memory_space<vmem>>) target(%dma_start3A_755 : memref<64x128xf32, #tpu.memory_space<vmem_shared>>) target_semaphore(%run_scoped3A : memref<!tpu.dma_semaphore, #tpu.memory_space<semaphore_mem>>)
      %dma_wait3A_756 = arith.constant 0 : i32
      %dma_wait3A_757 = tpu.memref_slice %arg20[%add3A_21, %dma_wait3A_756] : memref<10240x128xf32, #tpu.memory_space<vmem_shared>> -> memref<64x128xf32, #tpu.memory_space<vmem_shared>>
      %dma_wait3A_758 = arith.constant 0 : i32
      %dma_wait3A_759 = tpu.memref_slice %arg20[%add3A_21, %dma_wait3A_758] : memref<10240x128xf32, #tpu.memory_space<vmem_shared>> -> memref<64x128xf32, #tpu.memory_space<vmem_shared>>
      tpu.wait_dma2 semaphore(%run_scoped3A : memref<!tpu.dma_semaphore, #tpu.memory_space<semaphore_mem>>) src(%arg16 : memref<64x128xf32, #tpu.memory_space<vmem>>) dst(%dma_wait3A_759 : memref<64x128xf32, #tpu.memory_space<vmem_shared>>)
      tpu.yield
    }) : () -> ()
    %add3A_22 = arith.constant 384 : i32
    %add3A_23 = arith.addi %mul3A_9, %add3A_22 : i32
    "tpu.region"() ({
      %run_scoped3A = tpu.sem_alloc : memref<!tpu.dma_semaphore, #tpu.memory_space<semaphore_mem>>
      %dma_start3A_752 = arith.constant 0 : i32
      %dma_start3A_753 = tpu.memref_slice %arg20[%add3A_23, %dma_start3A_752] : memref<10240x128xf32, #tpu.memory_space<vmem_shared>> -> memref<64x128xf32, #tpu.memory_space<vmem_shared>>
      %dma_start3A_754 = arith.constant 0 : i32
      %dma_start3A_755 = tpu.memref_slice %arg20[%add3A_23, %dma_start3A_754] : memref<10240x128xf32, #tpu.memory_space<vmem_shared>> -> memref<64x128xf32, #tpu.memory_space<vmem_shared>>
      tpu.enqueue_dma source(%arg16 : memref<64x128xf32, #tpu.memory_space<vmem>>) target(%dma_start3A_755 : memref<64x128xf32, #tpu.memory_space<vmem_shared>>) target_semaphore(%run_scoped3A : memref<!tpu.dma_semaphore, #tpu.memory_space<semaphore_mem>>)
      %dma_wait3A_756 = arith.constant 0 : i32
      %dma_wait3A_757 = tpu.memref_slice %arg20[%add3A_23, %dma_wait3A_756] : memref<10240x128xf32, #tpu.memory_space<vmem_shared>> -> memref<64x128xf32, #tpu.memory_space<vmem_shared>>
      %dma_wait3A_758 = arith.constant 0 : i32
      %dma_wait3A_759 = tpu.memref_slice %arg20[%add3A_23, %dma_wait3A_758] : memref<10240x128xf32, #tpu.memory_space<vmem_shared>> -> memref<64x128xf32, #tpu.memory_space<vmem_shared>>
      tpu.wait_dma2 semaphore(%run_scoped3A : memref<!tpu.dma_semaphore, #tpu.memory_space<semaphore_mem>>) src(%arg16 : memref<64x128xf32, #tpu.memory_space<vmem>>) dst(%dma_wait3A_759 : memref<64x128xf32, #tpu.memory_space<vmem_shared>>)
      tpu.yield
    }) : () -> ()
    %add3A_24 = arith.constant 448 : i32
    %add3A_25 = arith.addi %mul3A_9, %add3A_24 : i32
    "tpu.region"() ({
      %run_scoped3A = tpu.sem_alloc : memref<!tpu.dma_semaphore, #tpu.memory_space<semaphore_mem>>
      %dma_start3A_752 = arith.constant 0 : i32
      %dma_start3A_753 = tpu.memref_slice %arg20[%add3A_25, %dma_start3A_752] : memref<10240x128xf32, #tpu.memory_space<vmem_shared>> -> memref<64x128xf32, #tpu.memory_space<vmem_shared>>
      %dma_start3A_754 = arith.constant 0 : i32
      %dma_start3A_755 = tpu.memref_slice %arg20[%add3A_25, %dma_start3A_754] : memref<10240x128xf32, #tpu.memory_space<vmem_shared>> -> memref<64x128xf32, #tpu.memory_space<vmem_shared>>
      tpu.enqueue_dma source(%arg16 : memref<64x128xf32, #tpu.memory_space<vmem>>) target(%dma_start3A_755 : memref<64x128xf32, #tpu.memory_space<vmem_shared>>) target_semaphore(%run_scoped3A : memref<!tpu.dma_semaphore, #tpu.memory_space<semaphore_mem>>)
      %dma_wait3A_756 = arith.constant 0 : i32
      %dma_wait3A_757 = tpu.memref_slice %arg20[%add3A_25, %dma_wait3A_756] : memref<10240x128xf32, #tpu.memory_space<vmem_shared>> -> memref<64x128xf32, #tpu.memory_space<vmem_shared>>
      %dma_wait3A_758 = arith.constant 0 : i32
      %dma_wait3A_759 = tpu.memref_slice %arg20[%add3A_25, %dma_wait3A_758] : memref<10240x128xf32, #tpu.memory_space<vmem_shared>> -> memref<64x128xf32, #tpu.memory_space<vmem_shared>>
      tpu.wait_dma2 semaphore(%run_scoped3A : memref<!tpu.dma_semaphore, #tpu.memory_space<semaphore_mem>>) src(%arg16 : memref<64x128xf32, #tpu.memory_space<vmem>>) dst(%dma_wait3A_759 : memref<64x128xf32, #tpu.memory_space<vmem_shared>>)
      tpu.yield
    }) : () -> ()
    %add3A_26 = arith.constant 512 : i32
    %add3A_27 = arith.addi %mul3A_9, %add3A_26 : i32
    "tpu.region"() ({
      %run_scoped3A = tpu.sem_alloc : memref<!tpu.dma_semaphore, #tpu.memory_space<semaphore_mem>>
      %dma_start3A_752 = arith.constant 0 : i32
      %dma_start3A_753 = tpu.memref_slice %arg20[%add3A_27, %dma_start3A_752] : memref<10240x128xf32, #tpu.memory_space<vmem_shared>> -> memref<64x128xf32, #tpu.memory_space<vmem_shared>>
      %dma_start3A_754 = arith.constant 0 : i32
      %dma_start3A_755 = tpu.memref_slice %arg20[%add3A_27, %dma_start3A_754] : memref<10240x128xf32, #tpu.memory_space<vmem_shared>> -> memref<64x128xf32, #tpu.memory_space<vmem_shared>>
      tpu.enqueue_dma source(%arg16 : memref<64x128xf32, #tpu.memory_space<vmem>>) target(%dma_start3A_755 : memref<64x128xf32, #tpu.memory_space<vmem_shared>>) target_semaphore(%run_scoped3A : memref<!tpu.dma_semaphore, #tpu.memory_space<semaphore_mem>>)
      %dma_wait3A_756 = arith.constant 0 : i32
      %dma_wait3A_757 = tpu.memref_slice %arg20[%add3A_27, %dma_wait3A_756] : memref<10240x128xf32, #tpu.memory_space<vmem_shared>> -> memref<64x128xf32, #tpu.memory_space<vmem_shared>>
      %dma_wait3A_758 = arith.constant 0 : i32
      %dma_wait3A_759 = tpu.memref_slice %arg20[%add3A_27, %dma_wait3A_758] : memref<10240x128xf32, #tpu.memory_space<vmem_shared>> -> memref<64x128xf32, #tpu.memory_space<vmem_shared>>
      tpu.wait_dma2 semaphore(%run_scoped3A : memref<!tpu.dma_semaphore, #tpu.memory_space<semaphore_mem>>) src(%arg16 : memref<64x128xf32, #tpu.memory_space<vmem>>) dst(%dma_wait3A_759 : memref<64x128xf32, #tpu.memory_space<vmem_shared>>)
      tpu.yield
    }) : () -> ()
    %add3A_28 = arith.constant 576 : i32
    %add3A_29 = arith.addi %mul3A_9, %add3A_28 : i32
    "tpu.region"() ({
      %run_scoped3A = tpu.sem_alloc : memref<!tpu.dma_semaphore, #tpu.memory_space<semaphore_mem>>
      %dma_start3A_752 = arith.constant 0 : i32
      %dma_start3A_753 = tpu.memref_slice %arg20[%add3A_29, %dma_start3A_752] : memref<10240x128xf32, #tpu.memory_space<vmem_shared>> -> memref<64x128xf32, #tpu.memory_space<vmem_shared>>
      %dma_start3A_754 = arith.constant 0 : i32
      %dma_start3A_755 = tpu.memref_slice %arg20[%add3A_29, %dma_start3A_754] : memref<10240x128xf32, #tpu.memory_space<vmem_shared>> -> memref<64x128xf32, #tpu.memory_space<vmem_shared>>
      tpu.enqueue_dma source(%arg16 : memref<64x128xf32, #tpu.memory_space<vmem>>) target(%dma_start3A_755 : memref<64x128xf32, #tpu.memory_space<vmem_shared>>) target_semaphore(%run_scoped3A : memref<!tpu.dma_semaphore, #tpu.memory_space<semaphore_mem>>)
      %dma_wait3A_756 = arith.constant 0 : i32
      %dma_wait3A_757 = tpu.memref_slice %arg20[%add3A_29, %dma_wait3A_756] : memref<10240x128xf32, #tpu.memory_space<vmem_shared>> -> memref<64x128xf32, #tpu.memory_space<vmem_shared>>
      %dma_wait3A_758 = arith.constant 0 : i32
      %dma_wait3A_759 = tpu.memref_slice %arg20[%add3A_29, %dma_wait3A_758] : memref<10240x128xf32, #tpu.memory_space<vmem_shared>> -> memref<64x128xf32, #tpu.memory_space<vmem_shared>>
      tpu.wait_dma2 semaphore(%run_scoped3A : memref<!tpu.dma_semaphore, #tpu.memory_space<semaphore_mem>>) src(%arg16 : memref<64x128xf32, #tpu.memory_space<vmem>>) dst(%dma_wait3A_759 : memref<64x128xf32, #tpu.memory_space<vmem_shared>>)
      tpu.yield
    }) : () -> ()
    %barrier3A = arith.constant 0 : index
    tpu.barrier barrier_id(%barrier3A)
    %get3A = arith.constant 0 : index
    %get3A_30 = tpu.vector_load %arg6[%get3A] {strides = array<i32>} : memref<5120xi32, #tpu.memory_space<vmem>>, vector<16xi32>,
    %and3A = arith.constant 65535 : i32
    %and3A_31 = vector.broadcast %and3A : i32 to vector<16xi32>
    %and3A_32 = arith.andi %get3A_30, %and3A_31 : vector<16xi32>
    %swap3A = arith.constant 0 : i32
    %swap3A_33 = arith.index_cast %swap3A : i32 to index
    %swap3A_34 = arith.constant 0 : index
    %swap3A_35 = tpu.vector_load %arg8[%swap3A_33, %swap3A_34] {strides = array<i32>} : memref<1x64xi32, #tpu.memory_space<vmem>>, vector<16xi32>,
    tpu.vector_store %arg8[%swap3A_33, %swap3A_34], %and3A_32 {strides = array<i32>} : memref<1x64xi32, #tpu.memory_space<vmem>>, vector<16xi32>,
    %shift_right_logical3A = arith.constant 16 : i32
    %shift_right_logical3A_36 = vector.broadcast %shift_right_logical3A : i32 to vector<16xi32>
    %shift_right_logical3A_37 = arith.shrui %get3A_30, %shift_right_logical3A_36 : vector<16xi32>
    %swap3A_38 = arith.constant 0 : i32
    %swap3A_39 = arith.index_cast %swap3A_38 : i32 to index
    %swap3A_40 = arith.constant 32 : index
    %swap3A_41 = tpu.vector_load %arg8[%swap3A_39, %swap3A_40] {strides = array<i32>} : memref<1x64xi32, #tpu.memory_space<vmem>>, vector<16xi32>,
    tpu.vector_store %arg8[%swap3A_39, %swap3A_40], %shift_right_logical3A_37 {strides = array<i32>} : memref<1x64xi32, #tpu.memory_space<vmem>>, vector<16xi32>,
    %get3A_42 = arith.constant 16 : index
    %get3A_43 = tpu.vector_load %arg6[%get3A_42] {strides = array<i32>} : memref<5120xi32, #tpu.memory_space<vmem>>, vector<16xi32>,
    %and3A_44 = arith.constant 65535 : i32
    %and3A_45 = vector.broadcast %and3A_44 : i32 to vector<16xi32>
    %and3A_46 = arith.andi %get3A_43, %and3A_45 : vector<16xi32>
    %swap3A_47 = arith.constant 0 : i32
    %swap3A_48 = arith.index_cast %swap3A_47 : i32 to index
    %swap3A_49 = arith.constant 16 : index
    %swap3A_50 = tpu.vector_load %arg8[%swap3A_48, %swap3A_49] {strides = array<i32>} : memref<1x64xi32, #tpu.memory_space<vmem>>, vector<16xi32>,
    tpu.vector_store %arg8[%swap3A_48, %swap3A_49], %and3A_46 {strides = array<i32>} : memref<1x64xi32, #tpu.memory_space<vmem>>, vector<16xi32>,
    %shift_right_logical3A_51 = arith.constant 16 : i32
    %shift_right_logical3A_52 = vector.broadcast %shift_right_logical3A_51 : i32 to vector<16xi32>
    %shift_right_logical3A_53 = arith.shrui %get3A_43, %shift_right_logical3A_52 : vector<16xi32>
    %swap3A_54 = arith.constant 0 : i32
    %swap3A_55 = arith.index_cast %swap3A_54 : i32 to index
    %swap3A_56 = arith.constant 48 : index
    %swap3A_57 = tpu.vector_load %arg8[%swap3A_55, %swap3A_56] {strides = array<i32>} : memref<1x64xi32, #tpu.memory_space<vmem>>, vector<16xi32>,
    tpu.vector_store %arg8[%swap3A_55, %swap3A_56], %shift_right_logical3A_53 {strides = array<i32>} : memref<1x64xi32, #tpu.memory_space<vmem>>, vector<16xi32>,
    %dma_start3A = arith.constant 0 : i32
    %dma_start3A_58 = arith.constant 0 : i32
    %dma_start3A_59 = tpu.memref_slice %arg8[%dma_start3A, %dma_start3A_58] : memref<1x64xi32, #tpu.memory_space<vmem>> -> memref<1x64xi32, #tpu.memory_space<vmem>>
    %dma_start3A_60 = tpu.memref_squeeze %dma_start3A_59 : memref<1x64xi32, #tpu.memory_space<vmem>> -> memref<64xi32, #tpu.memory_space<vmem>>
    %dma_start3A_61 = arith.constant 0 : i32
    %dma_start3A_62 = arith.constant 0 : i32
    %dma_start3A_63 = tpu.memref_slice %arg2[%dma_start3A_61, %dma_start3A_62] : memref<10000x128xf32, #tpu.memory_space<hbm>> -> memref<10000x128xf32, #tpu.memory_space<hbm>>
    tpu.enqueue_indirect_dma source(%dma_start3A_63 : memref<10000x128xf32, #tpu.memory_space<hbm>>) target(%arg16 : memref<64x128xf32, #tpu.memory_space<vmem>>) offsets(%dma_start3A_60 : memref<64xi32, #tpu.memory_space<vmem>>) semaphore(%arg21 : memref<!tpu.dma_semaphore, #tpu.memory_space<semaphore_mem>>)
    %get3A_64 = arith.constant 32 : index
    %get3A_65 = tpu.vector_load %arg6[%get3A_64] {strides = array<i32>} : memref<5120xi32, #tpu.memory_space<vmem>>, vector<16xi32>,
    %and3A_66 = arith.constant 65535 : i32
    %and3A_67 = vector.broadcast %and3A_66 : i32 to vector<16xi32>
    %and3A_68 = arith.andi %get3A_65, %and3A_67 : vector<16xi32>
    %swap3A_69 = arith.constant 0 : i32
    %swap3A_70 = arith.index_cast %swap3A_69 : i32 to index
    %swap3A_71 = arith.constant 0 : index
    %swap3A_72 = tpu.vector_load %arg9[%swap3A_70, %swap3A_71] {strides = array<i32>} : memref<1x64xi32, #tpu.memory_space<vmem>>, vector<16xi32>,
    tpu.vector_store %arg9[%swap3A_70, %swap3A_71], %and3A_68 {strides = array<i32>} : memref<1x64xi32, #tpu.memory_space<vmem>>, vector<16xi32>,
    %shift_right_logical3A_73 = arith.constant 16 : i32
    %shift_right_logical3A_74 = vector.broadcast %shift_right_logical3A_73 : i32 to vector<16xi32>
    %shift_right_logical3A_75 = arith.shrui %get3A_65, %shift_right_logical3A_74 : vector<16xi32>
    %swap3A_76 = arith.constant 0 : i32
    %swap3A_77 = arith.index_cast %swap3A_76 : i32 to index
    %swap3A_78 = arith.constant 32 : index
    %swap3A_79 = tpu.vector_load %arg9[%swap3A_77, %swap3A_78] {strides = array<i32>} : memref<1x64xi32, #tpu.memory_space<vmem>>, vector<16xi32>,
    tpu.vector_store %arg9[%swap3A_77, %swap3A_78], %shift_right_logical3A_75 {strides = array<i32>} : memref<1x64xi32, #tpu.memory_space<vmem>>, vector<16xi32>,
    %get3A_80 = arith.constant 48 : index
    %get3A_81 = tpu.vector_load %arg6[%get3A_80] {strides = array<i32>} : memref<5120xi32, #tpu.memory_space<vmem>>, vector<16xi32>,
    %and3A_82 = arith.constant 65535 : i32
    %and3A_83 = vector.broadcast %and3A_82 : i32 to vector<16xi32>
    %and3A_84 = arith.andi %get3A_81, %and3A_83 : vector<16xi32>
    %swap3A_85 = arith.constant 0 : i32
    %swap3A_86 = arith.index_cast %swap3A_85 : i32 to index
    %swap3A_87 = arith.constant 16 : index
    %swap3A_88 = tpu.vector_load %arg9[%swap3A_86, %swap3A_87] {strides = array<i32>} : memref<1x64xi32, #tpu.memory_space<vmem>>, vector<16xi32>,
    tpu.vector_store %arg9[%swap3A_86, %swap3A_87], %and3A_84 {strides = array<i32>} : memref<1x64xi32, #tpu.memory_space<vmem>>, vector<16xi32>,
    %shift_right_logical3A_89 = arith.constant 16 : i32
    %shift_right_logical3A_90 = vector.broadcast %shift_right_logical3A_89 : i32 to vector<16xi32>
    %shift_right_logical3A_91 = arith.shrui %get3A_81, %shift_right_logical3A_90 : vector<16xi32>
    %swap3A_92 = arith.constant 0 : i32
    %swap3A_93 = arith.index_cast %swap3A_92 : i32 to index
    %swap3A_94 = arith.constant 48 : index
    %swap3A_95 = tpu.vector_load %arg9[%swap3A_93, %swap3A_94] {strides = array<i32>} : memref<1x64xi32, #tpu.memory_space<vmem>>, vector<16xi32>,
    tpu.vector_store %arg9[%swap3A_93, %swap3A_94], %shift_right_logical3A_91 {strides = array<i32>} : memref<1x64xi32, #tpu.memory_space<vmem>>, vector<16xi32>,
    %dma_start3A_96 = arith.constant 0 : i32
    %dma_start3A_97 = arith.constant 0 : i32
    %dma_start3A_98 = tpu.memref_slice %arg9[%dma_start3A_96, %dma_start3A_97] : memref<1x64xi32, #tpu.memory_space<vmem>> -> memref<1x64xi32, #tpu.memory_space<vmem>>
    %dma_start3A_99 = tpu.memref_squeeze %dma_start3A_98 : memref<1x64xi32, #tpu.memory_space<vmem>> -> memref<64xi32, #tpu.memory_space<vmem>>
    %dma_start3A_100 = arith.constant 0 : i32
    %dma_start3A_101 = arith.constant 0 : i32
    %dma_start3A_102 = tpu.memref_slice %arg2[%dma_start3A_100, %dma_start3A_101] : memref<10000x128xf32, #tpu.memory_space<hbm>> -> memref<10000x128xf32, #tpu.memory_space<hbm>>
    tpu.enqueue_indirect_dma source(%dma_start3A_102 : memref<10000x128xf32, #tpu.memory_space<hbm>>) target(%arg17 : memref<64x128xf32, #tpu.memory_space<vmem>>) offsets(%dma_start3A_99 : memref<64xi32, #tpu.memory_space<vmem>>) semaphore(%arg22 : memref<!tpu.dma_semaphore, #tpu.memory_space<semaphore_mem>>)
    %dma_wait3A = arith.constant 0 : i32
    %dma_wait3A_103 = arith.constant 0 : i32
    %dma_wait3A_104 = tpu.memref_slice %arg2[%dma_wait3A, %dma_wait3A_103] : memref<10000x128xf32, #tpu.memory_space<hbm>> -> memref<64x128xf32, #tpu.memory_space<hbm>>
    %dma_wait3A_105 = arith.constant 0 : i32
    %dma_wait3A_106 = arith.constant 0 : i32
    %dma_wait3A_107 = tpu.memref_slice %arg2[%dma_wait3A_105, %dma_wait3A_106] : memref<10000x128xf32, #tpu.memory_space<hbm>> -> memref<64x128xf32, #tpu.memory_space<hbm>>
    tpu.wait_dma2 semaphore(%arg21 : memref<!tpu.dma_semaphore, #tpu.memory_space<semaphore_mem>>) src(%dma_wait3A_107 : memref<64x128xf32, #tpu.memory_space<hbm>>) dst(%arg16 : memref<64x128xf32, #tpu.memory_space<vmem>>)
    %get3A_108 = arith.constant 64 : index
    %get3A_109 = tpu.vector_load %arg6[%get3A_108] {strides = array<i32>} : memref<5120xi32, #tpu.memory_space<vmem>>, vector<16xi32>,
    %and3A_110 = arith.constant 65535 : i32
    %and3A_111 = vector.broadcast %and3A_110 : i32 to vector<16xi32>
    %and3A_112 = arith.andi %get3A_109, %and3A_111 : vector<16xi32>
    %swap3A_113 = arith.constant 0 : i32
    %swap3A_114 = arith.index_cast %swap3A_113 : i32 to index
    %swap3A_115 = arith.constant 0 : index
    %swap3A_116 = tpu.vector_load %arg10[%swap3A_114, %swap3A_115] {strides = array<i32>} : memref<1x64xi32, #tpu.memory_space<vmem>>, vector<16xi32>,
    tpu.vector_store %arg10[%swap3A_114, %swap3A_115], %and3A_112 {strides = array<i32>} : memref<1x64xi32, #tpu.memory_space<vmem>>, vector<16xi32>,
    %shift_right_logical3A_117 = arith.constant 16 : i32
    %shift_right_logical3A_118 = vector.broadcast %shift_right_logical3A_117 : i32 to vector<16xi32>
    %shift_right_logical3A_119 = arith.shrui %get3A_109, %shift_right_logical3A_118 : vector<16xi32>
    %swap3A_120 = arith.constant 0 : i32
    %swap3A_121 = arith.index_cast %swap3A_120 : i32 to index
    %swap3A_122 = arith.constant 32 : index
    %swap3A_123 = tpu.vector_load %arg10[%swap3A_121, %swap3A_122] {strides = array<i32>} : memref<1x64xi32, #tpu.memory_space<vmem>>, vector<16xi32>,
    tpu.vector_store %arg10[%swap3A_121, %swap3A_122], %shift_right_logical3A_119 {strides = array<i32>} : memref<1x64xi32, #tpu.memory_space<vmem>>, vector<16xi32>,
    %get3A_124 = arith.constant 80 : index
    %get3A_125 = tpu.vector_load %arg6[%get3A_124] {strides = array<i32>} : memref<5120xi32, #tpu.memory_space<vmem>>, vector<16xi32>,
    %and3A_126 = arith.constant 65535 : i32
    %and3A_127 = vector.broadcast %and3A_126 : i32 to vector<16xi32>
    %and3A_128 = arith.andi %get3A_125, %and3A_127 : vector<16xi32>
    %swap3A_129 = arith.constant 0 : i32
    %swap3A_130 = arith.index_cast %swap3A_129 : i32 to index
    %swap3A_131 = arith.constant 16 : index
    %swap3A_132 = tpu.vector_load %arg10[%swap3A_130, %swap3A_131] {strides = array<i32>} : memref<1x64xi32, #tpu.memory_space<vmem>>, vector<16xi32>,
    tpu.vector_store %arg10[%swap3A_130, %swap3A_131], %and3A_128 {strides = array<i32>} : memref<1x64xi32, #tpu.memory_space<vmem>>, vector<16xi32>,
    %shift_right_logical3A_133 = arith.constant 16 : i32
    %shift_right_logical3A_134 = vector.broadcast %shift_right_logical3A_133 : i32 to vector<16xi32>
    %shift_right_logical3A_135 = arith.shrui %get3A_125, %shift_right_logical3A_134 : vector<16xi32>
    %swap3A_136 = arith.constant 0 : i32
    %swap3A_137 = arith.index_cast %swap3A_136 : i32 to index
    %swap3A_138 = arith.constant 48 : index
    %swap3A_139 = tpu.vector_load %arg10[%swap3A_137, %swap3A_138] {strides = array<i32>} : memref<1x64xi32, #tpu.memory_space<vmem>>, vector<16xi32>,
    tpu.vector_store %arg10[%swap3A_137, %swap3A_138], %shift_right_logical3A_135 {strides = array<i32>} : memref<1x64xi32, #tpu.memory_space<vmem>>, vector<16xi32>,
    %dma_start3A_140 = arith.constant 0 : i32
    %dma_start3A_141 = arith.constant 0 : i32
    %dma_start3A_142 = tpu.memref_slice %arg10[%dma_start3A_140, %dma_start3A_141] : memref<1x64xi32, #tpu.memory_space<vmem>> -> memref<1x64xi32, #tpu.memory_space<vmem>>
    %dma_start3A_143 = tpu.memref_squeeze %dma_start3A_142 : memref<1x64xi32, #tpu.memory_space<vmem>> -> memref<64xi32, #tpu.memory_space<vmem>>
    %dma_start3A_144 = arith.constant 0 : i32
    %dma_start3A_145 = arith.constant 0 : i32
    %dma_start3A_146 = tpu.memref_slice %arg2[%dma_start3A_144, %dma_start3A_145] : memref<10000x128xf32, #tpu.memory_space<hbm>> -> memref<10000x128xf32, #tpu.memory_space<hbm>>
    tpu.enqueue_indirect_dma source(%dma_start3A_146 : memref<10000x128xf32, #tpu.memory_space<hbm>>) target(%arg18 : memref<64x128xf32, #tpu.memory_space<vmem>>) offsets(%dma_start3A_143 : memref<64xi32, #tpu.memory_space<vmem>>) semaphore(%arg23 : memref<!tpu.dma_semaphore, #tpu.memory_space<semaphore_mem>>)
    %get3A_147 = arith.constant 0 : index
    %get3A_148 = tpu.vector_load %arg7[%get3A_147] {strides = array<i32>} : memref<5120xi32, #tpu.memory_space<vmem>>, vector<16xi32>,
    %and3A_149 = arith.constant 65535 : i32
    %and3A_150 = vector.broadcast %and3A_149 : i32 to vector<16xi32>
    %and3A_151 = arith.andi %get3A_148, %and3A_150 : vector<16xi32>
    %swap3A_152 = arith.constant 0 : i32
    %swap3A_153 = arith.index_cast %swap3A_152 : i32 to index
    %swap3A_154 = arith.constant 0 : index
    %swap3A_155 = tpu.vector_load %arg12[%swap3A_153, %swap3A_154] {strides = array<i32>} : memref<1x64xi32, #tpu.memory_space<vmem>>, vector<16xi32>,
    tpu.vector_store %arg12[%swap3A_153, %swap3A_154], %and3A_151 {strides = array<i32>} : memref<1x64xi32, #tpu.memory_space<vmem>>, vector<16xi32>,
    %shift_right_logical3A_156 = arith.constant 16 : i32
    %shift_right_logical3A_157 = vector.broadcast %shift_right_logical3A_156 : i32 to vector<16xi32>
    %shift_right_logical3A_158 = arith.shrui %get3A_148, %shift_right_logical3A_157 : vector<16xi32>
    %swap3A_159 = arith.constant 0 : i32
    %swap3A_160 = arith.index_cast %swap3A_159 : i32 to index
    %swap3A_161 = arith.constant 32 : index
    %swap3A_162 = tpu.vector_load %arg12[%swap3A_160, %swap3A_161] {strides = array<i32>} : memref<1x64xi32, #tpu.memory_space<vmem>>, vector<16xi32>,
    tpu.vector_store %arg12[%swap3A_160, %swap3A_161], %shift_right_logical3A_158 {strides = array<i32>} : memref<1x64xi32, #tpu.memory_space<vmem>>, vector<16xi32>,
    %get3A_163 = arith.constant 16 : index
    %get3A_164 = tpu.vector_load %arg7[%get3A_163] {strides = array<i32>} : memref<5120xi32, #tpu.memory_space<vmem>>, vector<16xi32>,
    %and3A_165 = arith.constant 65535 : i32
    %and3A_166 = vector.broadcast %and3A_165 : i32 to vector<16xi32>
    %and3A_167 = arith.andi %get3A_164, %and3A_166 : vector<16xi32>
    %swap3A_168 = arith.constant 0 : i32
    %swap3A_169 = arith.index_cast %swap3A_168 : i32 to index
    %swap3A_170 = arith.constant 16 : index
    %swap3A_171 = tpu.vector_load %arg12[%swap3A_169, %swap3A_170] {strides = array<i32>} : memref<1x64xi32, #tpu.memory_space<vmem>>, vector<16xi32>,
    tpu.vector_store %arg12[%swap3A_169, %swap3A_170], %and3A_167 {strides = array<i32>} : memref<1x64xi32, #tpu.memory_space<vmem>>, vector<16xi32>,
    %shift_right_logical3A_172 = arith.constant 16 : i32
    %shift_right_logical3A_173 = vector.broadcast %shift_right_logical3A_172 : i32 to vector<16xi32>
    %shift_right_logical3A_174 = arith.shrui %get3A_164, %shift_right_logical3A_173 : vector<16xi32>
    %swap3A_175 = arith.constant 0 : i32
    %swap3A_176 = arith.index_cast %swap3A_175 : i32 to index
    %swap3A_177 = arith.constant 48 : index
    %swap3A_178 = tpu.vector_load %arg12[%swap3A_176, %swap3A_177] {strides = array<i32>} : memref<1x64xi32, #tpu.memory_space<vmem>>, vector<16xi32>,
    tpu.vector_store %arg12[%swap3A_176, %swap3A_177], %shift_right_logical3A_174 {strides = array<i32>} : memref<1x64xi32, #tpu.memory_space<vmem>>, vector<16xi32>,
    %dma_start3A_179 = arith.constant 0 : i32
    %dma_start3A_180 = arith.constant 0 : i32
    %dma_start3A_181 = tpu.memref_slice %arg12[%dma_start3A_179, %dma_start3A_180] : memref<1x64xi32, #tpu.memory_space<vmem>> -> memref<1x64xi32, #tpu.memory_space<vmem>>
    %dma_start3A_182 = tpu.memref_squeeze %dma_start3A_181 : memref<1x64xi32, #tpu.memory_space<vmem>> -> memref<64xi32, #tpu.memory_space<vmem>>
    %dma_start3A_183 = arith.constant 0 : i32
    %dma_start3A_184 = arith.constant 0 : i32
    %dma_start3A_185 = tpu.memref_slice %arg20[%dma_start3A_183, %dma_start3A_184] : memref<10240x128xf32, #tpu.memory_space<vmem_shared>> -> memref<10240x128xf32, #tpu.memory_space<vmem_shared>>
    tpu.enqueue_indirect_dma source(%arg16 : memref<64x128xf32, #tpu.memory_space<vmem>>) target(%dma_start3A_185 : memref<10240x128xf32, #tpu.memory_space<vmem_shared>>) offsets(%dma_start3A_182 : memref<64xi32, #tpu.memory_space<vmem>>) semaphore(%arg25 : memref<!tpu.dma_semaphore, #tpu.memory_space<semaphore_mem>>) {add = true}
    %dma_wait3A_186 = arith.constant 0 : i32
    %dma_wait3A_187 = arith.constant 0 : i32
    %dma_wait3A_188 = tpu.memref_slice %arg2[%dma_wait3A_186, %dma_wait3A_187] : memref<10000x128xf32, #tpu.memory_space<hbm>> -> memref<64x128xf32, #tpu.memory_space<hbm>>
    %dma_wait3A_189 = arith.constant 0 : i32
    %dma_wait3A_190 = arith.constant 0 : i32
    %dma_wait3A_191 = tpu.memref_slice %arg2[%dma_wait3A_189, %dma_wait3A_190] : memref<10000x128xf32, #tpu.memory_space<hbm>> -> memref<64x128xf32, #tpu.memory_space<hbm>>
    tpu.wait_dma2 semaphore(%arg22 : memref<!tpu.dma_semaphore, #tpu.memory_space<semaphore_mem>>) src(%dma_wait3A_191 : memref<64x128xf32, #tpu.memory_space<hbm>>) dst(%arg17 : memref<64x128xf32, #tpu.memory_space<vmem>>)
    %get3A_192 = arith.constant 96 : index
    %get3A_193 = tpu.vector_load %arg6[%get3A_192] {strides = array<i32>} : memref<5120xi32, #tpu.memory_space<vmem>>, vector<16xi32>,
    %and3A_194 = arith.constant 65535 : i32
    %and3A_195 = vector.broadcast %and3A_194 : i32 to vector<16xi32>
    %and3A_196 = arith.andi %get3A_193, %and3A_195 : vector<16xi32>
    %swap3A_197 = arith.constant 0 : i32
    %swap3A_198 = arith.index_cast %swap3A_197 : i32 to index
    %swap3A_199 = arith.constant 0 : index
    %swap3A_200 = tpu.vector_load %arg11[%swap3A_198, %swap3A_199] {strides = array<i32>} : memref<1x64xi32, #tpu.memory_space<vmem>>, vector<16xi32>,
    tpu.vector_store %arg11[%swap3A_198, %swap3A_199], %and3A_196 {strides = array<i32>} : memref<1x64xi32, #tpu.memory_space<vmem>>, vector<16xi32>,
    %shift_right_logical3A_201 = arith.constant 16 : i32
    %shift_right_logical3A_202 = vector.broadcast %shift_right_logical3A_201 : i32 to vector<16xi32>
    %shift_right_logical3A_203 = arith.shrui %get3A_193, %shift_right_logical3A_202 : vector<16xi32>
    %swap3A_204 = arith.constant 0 : i32
    %swap3A_205 = arith.index_cast %swap3A_204 : i32 to index
    %swap3A_206 = arith.constant 32 : index
    %swap3A_207 = tpu.vector_load %arg11[%swap3A_205, %swap3A_206] {strides = array<i32>} : memref<1x64xi32, #tpu.memory_space<vmem>>, vector<16xi32>,
    tpu.vector_store %arg11[%swap3A_205, %swap3A_206], %shift_right_logical3A_203 {strides = array<i32>} : memref<1x64xi32, #tpu.memory_space<vmem>>, vector<16xi32>,
    %get3A_208 = arith.constant 112 : index
    %get3A_209 = tpu.vector_load %arg6[%get3A_208] {strides = array<i32>} : memref<5120xi32, #tpu.memory_space<vmem>>, vector<16xi32>,
    %and3A_210 = arith.constant 65535 : i32
    %and3A_211 = vector.broadcast %and3A_210 : i32 to vector<16xi32>
    %and3A_212 = arith.andi %get3A_209, %and3A_211 : vector<16xi32>
    %swap3A_213 = arith.constant 0 : i32
    %swap3A_214 = arith.index_cast %swap3A_213 : i32 to index
    %swap3A_215 = arith.constant 16 : index
    %swap3A_216 = tpu.vector_load %arg11[%swap3A_214, %swap3A_215] {strides = array<i32>} : memref<1x64xi32, #tpu.memory_space<vmem>>, vector<16xi32>,
    tpu.vector_store %arg11[%swap3A_214, %swap3A_215], %and3A_212 {strides = array<i32>} : memref<1x64xi32, #tpu.memory_space<vmem>>, vector<16xi32>,
    %shift_right_logical3A_217 = arith.constant 16 : i32
    %shift_right_logical3A_218 = vector.broadcast %shift_right_logical3A_217 : i32 to vector<16xi32>
    %shift_right_logical3A_219 = arith.shrui %get3A_209, %shift_right_logical3A_218 : vector<16xi32>
    %swap3A_220 = arith.constant 0 : i32
    %swap3A_221 = arith.index_cast %swap3A_220 : i32 to index
    %swap3A_222 = arith.constant 48 : index
    %swap3A_223 = tpu.vector_load %arg11[%swap3A_221, %swap3A_222] {strides = array<i32>} : memref<1x64xi32, #tpu.memory_space<vmem>>, vector<16xi32>,
    tpu.vector_store %arg11[%swap3A_221, %swap3A_222], %shift_right_logical3A_219 {strides = array<i32>} : memref<1x64xi32, #tpu.memory_space<vmem>>, vector<16xi32>,
    %dma_start3A_224 = arith.constant 0 : i32
    %dma_start3A_225 = arith.constant 0 : i32
    %dma_start3A_226 = tpu.memref_slice %arg11[%dma_start3A_224, %dma_start3A_225] : memref<1x64xi32, #tpu.memory_space<vmem>> -> memref<1x64xi32, #tpu.memory_space<vmem>>
    %dma_start3A_227 = tpu.memref_squeeze %dma_start3A_226 : memref<1x64xi32, #tpu.memory_space<vmem>> -> memref<64xi32, #tpu.memory_space<vmem>>
    %dma_start3A_228 = arith.constant 0 : i32
    %dma_start3A_229 = arith.constant 0 : i32
    %dma_start3A_230 = tpu.memref_slice %arg2[%dma_start3A_228, %dma_start3A_229] : memref<10000x128xf32, #tpu.memory_space<hbm>> -> memref<10000x128xf32, #tpu.memory_space<hbm>>
    tpu.enqueue_indirect_dma source(%dma_start3A_230 : memref<10000x128xf32, #tpu.memory_space<hbm>>) target(%arg19 : memref<64x128xf32, #tpu.memory_space<vmem>>) offsets(%dma_start3A_227 : memref<64xi32, #tpu.memory_space<vmem>>) semaphore(%arg24 : memref<!tpu.dma_semaphore, #tpu.memory_space<semaphore_mem>>)
    %get3A_231 = arith.constant 32 : index
    %get3A_232 = tpu.vector_load %arg7[%get3A_231] {strides = array<i32>} : memref<5120xi32, #tpu.memory_space<vmem>>, vector<16xi32>,
    %and3A_233 = arith.constant 65535 : i32
    %and3A_234 = vector.broadcast %and3A_233 : i32 to vector<16xi32>
    %and3A_235 = arith.andi %get3A_232, %and3A_234 : vector<16xi32>
    %swap3A_236 = arith.constant 0 : i32
    %swap3A_237 = arith.index_cast %swap3A_236 : i32 to index
    %swap3A_238 = arith.constant 0 : index
    %swap3A_239 = tpu.vector_load %arg13[%swap3A_237, %swap3A_238] {strides = array<i32>} : memref<1x64xi32, #tpu.memory_space<vmem>>, vector<16xi32>,
    tpu.vector_store %arg13[%swap3A_237, %swap3A_238], %and3A_235 {strides = array<i32>} : memref<1x64xi32, #tpu.memory_space<vmem>>, vector<16xi32>,
    %shift_right_logical3A_240 = arith.constant 16 : i32
    %shift_right_logical3A_241 = vector.broadcast %shift_right_logical3A_240 : i32 to vector<16xi32>
    %shift_right_logical3A_242 = arith.shrui %get3A_232, %shift_right_logical3A_241 : vector<16xi32>
    %swap3A_243 = arith.constant 0 : i32
    %swap3A_244 = arith.index_cast %swap3A_243 : i32 to index
    %swap3A_245 = arith.constant 32 : index
    %swap3A_246 = tpu.vector_load %arg13[%swap3A_244, %swap3A_245] {strides = array<i32>} : memref<1x64xi32, #tpu.memory_space<vmem>>, vector<16xi32>,
    tpu.vector_store %arg13[%swap3A_244, %swap3A_245], %shift_right_logical3A_242 {strides = array<i32>} : memref<1x64xi32, #tpu.memory_space<vmem>>, vector<16xi32>,
    %get3A_247 = arith.constant 48 : index
    %get3A_248 = tpu.vector_load %arg7[%get3A_247] {strides = array<i32>} : memref<5120xi32, #tpu.memory_space<vmem>>, vector<16xi32>,
    %and3A_249 = arith.constant 65535 : i32
    %and3A_250 = vector.broadcast %and3A_249 : i32 to vector<16xi32>
    %and3A_251 = arith.andi %get3A_248, %and3A_250 : vector<16xi32>
    %swap3A_252 = arith.constant 0 : i32
    %swap3A_253 = arith.index_cast %swap3A_252 : i32 to index
    %swap3A_254 = arith.constant 16 : index
    %swap3A_255 = tpu.vector_load %arg13[%swap3A_253, %swap3A_254] {strides = array<i32>} : memref<1x64xi32, #tpu.memory_space<vmem>>, vector<16xi32>,
    tpu.vector_store %arg13[%swap3A_253, %swap3A_254], %and3A_251 {strides = array<i32>} : memref<1x64xi32, #tpu.memory_space<vmem>>, vector<16xi32>,
    %shift_right_logical3A_256 = arith.constant 16 : i32
    %shift_right_logical3A_257 = vector.broadcast %shift_right_logical3A_256 : i32 to vector<16xi32>
    %shift_right_logical3A_258 = arith.shrui %get3A_248, %shift_right_logical3A_257 : vector<16xi32>
    %swap3A_259 = arith.constant 0 : i32
    %swap3A_260 = arith.index_cast %swap3A_259 : i32 to index
    %swap3A_261 = arith.constant 48 : index
    %swap3A_262 = tpu.vector_load %arg13[%swap3A_260, %swap3A_261] {strides = array<i32>} : memref<1x64xi32, #tpu.memory_space<vmem>>, vector<16xi32>,
    tpu.vector_store %arg13[%swap3A_260, %swap3A_261], %shift_right_logical3A_258 {strides = array<i32>} : memref<1x64xi32, #tpu.memory_space<vmem>>, vector<16xi32>,
    %dma_start3A_263 = arith.constant 0 : i32
    %dma_start3A_264 = arith.constant 0 : i32
    %dma_start3A_265 = tpu.memref_slice %arg13[%dma_start3A_263, %dma_start3A_264] : memref<1x64xi32, #tpu.memory_space<vmem>> -> memref<1x64xi32, #tpu.memory_space<vmem>>
    %dma_start3A_266 = tpu.memref_squeeze %dma_start3A_265 : memref<1x64xi32, #tpu.memory_space<vmem>> -> memref<64xi32, #tpu.memory_space<vmem>>
    %dma_start3A_267 = arith.constant 0 : i32
    %dma_start3A_268 = arith.constant 0 : i32
    %dma_start3A_269 = tpu.memref_slice %arg20[%dma_start3A_267, %dma_start3A_268] : memref<10240x128xf32, #tpu.memory_space<vmem_shared>> -> memref<10240x128xf32, #tpu.memory_space<vmem_shared>>
    tpu.enqueue_indirect_dma source(%arg17 : memref<64x128xf32, #tpu.memory_space<vmem>>) target(%dma_start3A_269 : memref<10240x128xf32, #tpu.memory_space<vmem_shared>>) offsets(%dma_start3A_266 : memref<64xi32, #tpu.memory_space<vmem>>) semaphore(%arg26 : memref<!tpu.dma_semaphore, #tpu.memory_space<semaphore_mem>>) {add = true}
    %scan3A_270 = arith.constant 0 : i32
    %scan3A_271 = arith.constant 0 : i32
    %scan3A_272 = arith.constant 38 : i32
    %scan3A_273 = arith.addi %scan3A_271, %scan3A_272 : i32
    %scan3A_274 = arith.constant 1 : i32
    %scan3A_275 = scf.for %scan3A_752 = %scan3A_271 to %scan3A_273 step %scan3A_274 iter_args(%scan3A_753 = %scan3A_270) -> (i32)  : i32 {
      %mul3A_754 = arith.constant 4 : i32
      %mul3A_755 = arith.muli %mul3A_754, %scan3A_752 : i32
      %add3A_756 = arith.constant 2 : i32
      %add3A_757 = arith.addi %add3A_756, %mul3A_755 : i32
      %dma_wait3A_758 = arith.constant 0 : i32
      %dma_wait3A_759 = arith.constant 0 : i32
      %dma_wait3A_760 = tpu.memref_slice %arg2[%dma_wait3A_758, %dma_wait3A_759] : memref<10000x128xf32, #tpu.memory_space<hbm>> -> memref<64x128xf32, #tpu.memory_space<hbm>>
      %dma_wait3A_761 = arith.constant 0 : i32
      %dma_wait3A_762 = arith.constant 0 : i32
      %dma_wait3A_763 = tpu.memref_slice %arg2[%dma_wait3A_761, %dma_wait3A_762] : memref<10000x128xf32, #tpu.memory_space<hbm>> -> memref<64x128xf32, #tpu.memory_space<hbm>>
      tpu.wait_dma2 semaphore(%arg23 : memref<!tpu.dma_semaphore, #tpu.memory_space<semaphore_mem>>) src(%dma_wait3A_763 : memref<64x128xf32, #tpu.memory_space<hbm>>) dst(%arg18 : memref<64x128xf32, #tpu.memory_space<vmem>>)
      %dma_wait3A_764 = arith.constant 0 : i32
      %dma_wait3A_765 = arith.constant 0 : i32
      %dma_wait3A_766 = tpu.memref_slice %arg20[%dma_wait3A_764, %dma_wait3A_765] : memref<10240x128xf32, #tpu.memory_space<vmem_shared>> -> memref<64x128xf32, #tpu.memory_space<vmem_shared>>
      %dma_wait3A_767 = arith.constant 0 : i32
      %dma_wait3A_768 = arith.constant 0 : i32
      %dma_wait3A_769 = tpu.memref_slice %arg20[%dma_wait3A_767, %dma_wait3A_768] : memref<10240x128xf32, #tpu.memory_space<vmem_shared>> -> memref<64x128xf32, #tpu.memory_space<vmem_shared>>
      tpu.wait_dma2 semaphore(%arg25 : memref<!tpu.dma_semaphore, #tpu.memory_space<semaphore_mem>>) src(%arg16 : memref<64x128xf32, #tpu.memory_space<vmem>>) dst(%dma_wait3A_769 : memref<64x128xf32, #tpu.memory_space<vmem_shared>>)
      %add3A_770 = arith.constant 2 : i32
      %add3A_771 = arith.addi %add3A_757, %add3A_770 : i32
      %mul3A_772 = arith.constant 32 : i32
      %mul3A_773 = arith.muli %add3A_771, %mul3A_772 : i32
      %add3A_774 = arith.constant 0 : i32
      %add3A_775 = arith.addi %mul3A_773, %add3A_774 : i32
      %get3A_776 = arith.index_cast %add3A_775 : i32 to index
      %get3A_777 = tpu.vector_load %arg6[%get3A_776] {strides = array<i32>} : memref<5120xi32, #tpu.memory_space<vmem>>, vector<16xi32>,
      %and3A_778 = arith.constant 65535 : i32
      %and3A_779 = vector.broadcast %and3A_778 : i32 to vector<16xi32>
      %and3A_780 = arith.andi %get3A_777, %and3A_779 : vector<16xi32>
      %swap3A_781 = arith.constant 0 : i32
      %swap3A_782 = arith.index_cast %swap3A_781 : i32 to index
      %swap3A_783 = arith.constant 0 : index
      %swap3A_784 = tpu.vector_load %arg8[%swap3A_782, %swap3A_783] {strides = array<i32>} : memref<1x64xi32, #tpu.memory_space<vmem>>, vector<16xi32>,
      tpu.vector_store %arg8[%swap3A_782, %swap3A_783], %and3A_780 {strides = array<i32>} : memref<1x64xi32, #tpu.memory_space<vmem>>, vector<16xi32>,
      %shift_right_logical3A_785 = arith.constant 16 : i32
      %shift_right_logical3A_786 = vector.broadcast %shift_right_logical3A_785 : i32 to vector<16xi32>
      %shift_right_logical3A_787 = arith.shrui %get3A_777, %shift_right_logical3A_786 : vector<16xi32>
      %swap3A_788 = arith.constant 0 : i32
      %swap3A_789 = arith.index_cast %swap3A_788 : i32 to index
      %swap3A_790 = arith.constant 32 : index
      %swap3A_791 = tpu.vector_load %arg8[%swap3A_789, %swap3A_790] {strides = array<i32>} : memref<1x64xi32, #tpu.memory_space<vmem>>, vector<16xi32>,
      tpu.vector_store %arg8[%swap3A_789, %swap3A_790], %shift_right_logical3A_787 {strides = array<i32>} : memref<1x64xi32, #tpu.memory_space<vmem>>, vector<16xi32>,
      %mul3A_792 = arith.constant 32 : i32
      %mul3A_793 = arith.muli %add3A_771, %mul3A_792 : i32
      %add3A_794 = arith.constant 16 : i32
      %add3A_795 = arith.addi %mul3A_793, %add3A_794 : i32
      %get3A_796 = arith.index_cast %add3A_795 : i32 to index
      %get3A_797 = tpu.vector_load %arg6[%get3A_796] {strides = array<i32>} : memref<5120xi32, #tpu.memory_space<vmem>>, vector<16xi32>,
      %and3A_798 = arith.constant 65535 : i32
      %and3A_799 = vector.broadcast %and3A_798 : i32 to vector<16xi32>
      %and3A_800 = arith.andi %get3A_797, %and3A_799 : vector<16xi32>
      %swap3A_801 = arith.constant 0 : i32
      %swap3A_802 = arith.index_cast %swap3A_801 : i32 to index
      %swap3A_803 = arith.constant 16 : index
      %swap3A_804 = tpu.vector_load %arg8[%swap3A_802, %swap3A_803] {strides = array<i32>} : memref<1x64xi32, #tpu.memory_space<vmem>>, vector<16xi32>,
      tpu.vector_store %arg8[%swap3A_802, %swap3A_803], %and3A_800 {strides = array<i32>} : memref<1x64xi32, #tpu.memory_space<vmem>>, vector<16xi32>,
      %shift_right_logical3A_805 = arith.constant 16 : i32
      %shift_right_logical3A_806 = vector.broadcast %shift_right_logical3A_805 : i32 to vector<16xi32>
      %shift_right_logical3A_807 = arith.shrui %get3A_797, %shift_right_logical3A_806 : vector<16xi32>
      %swap3A_808 = arith.constant 0 : i32
      %swap3A_809 = arith.index_cast %swap3A_808 : i32 to index
      %swap3A_810 = arith.constant 48 : index
      %swap3A_811 = tpu.vector_load %arg8[%swap3A_809, %swap3A_810] {strides = array<i32>} : memref<1x64xi32, #tpu.memory_space<vmem>>, vector<16xi32>,
      tpu.vector_store %arg8[%swap3A_809, %swap3A_810], %shift_right_logical3A_807 {strides = array<i32>} : memref<1x64xi32, #tpu.memory_space<vmem>>, vector<16xi32>,
      %dma_start3A_812 = arith.constant 0 : i32
      %dma_start3A_813 = arith.constant 0 : i32
      %dma_start3A_814 = tpu.memref_slice %arg8[%dma_start3A_812, %dma_start3A_813] : memref<1x64xi32, #tpu.memory_space<vmem>> -> memref<1x64xi32, #tpu.memory_space<vmem>>
      %dma_start3A_815 = tpu.memref_squeeze %dma_start3A_814 : memref<1x64xi32, #tpu.memory_space<vmem>> -> memref<64xi32, #tpu.memory_space<vmem>>
      %dma_start3A_816 = arith.constant 0 : i32
      %dma_start3A_817 = arith.constant 0 : i32
      %dma_start3A_818 = tpu.memref_slice %arg2[%dma_start3A_816, %dma_start3A_817] : memref<10000x128xf32, #tpu.memory_space<hbm>> -> memref<10000x128xf32, #tpu.memory_space<hbm>>
      tpu.enqueue_indirect_dma source(%dma_start3A_818 : memref<10000x128xf32, #tpu.memory_space<hbm>>) target(%arg16 : memref<64x128xf32, #tpu.memory_space<vmem>>) offsets(%dma_start3A_815 : memref<64xi32, #tpu.memory_space<vmem>>) semaphore(%arg21 : memref<!tpu.dma_semaphore, #tpu.memory_space<semaphore_mem>>)
      %mul3A_819 = arith.constant 32 : i32
      %mul3A_820 = arith.muli %add3A_757, %mul3A_819 : i32
      %add3A_821 = arith.constant 0 : i32
      %add3A_822 = arith.addi %mul3A_820, %add3A_821 : i32
      %get3A_823 = arith.index_cast %add3A_822 : i32 to index
      %get3A_824 = tpu.vector_load %arg7[%get3A_823] {strides = array<i32>} : memref<5120xi32, #tpu.memory_space<vmem>>, vector<16xi32>,
      %and3A_825 = arith.constant 65535 : i32
      %and3A_826 = vector.broadcast %and3A_825 : i32 to vector<16xi32>
      %and3A_827 = arith.andi %get3A_824, %and3A_826 : vector<16xi32>
      %swap3A_828 = arith.constant 0 : i32
      %swap3A_829 = arith.index_cast %swap3A_828 : i32 to index
      %swap3A_830 = arith.constant 0 : index
      %swap3A_831 = tpu.vector_load %arg14[%swap3A_829, %swap3A_830] {strides = array<i32>} : memref<1x64xi32, #tpu.memory_space<vmem>>, vector<16xi32>,
      tpu.vector_store %arg14[%swap3A_829, %swap3A_830], %and3A_827 {strides = array<i32>} : memref<1x64xi32, #tpu.memory_space<vmem>>, vector<16xi32>,
      %shift_right_logical3A_832 = arith.constant 16 : i32
      %shift_right_logical3A_833 = vector.broadcast %shift_right_logical3A_832 : i32 to vector<16xi32>
      %shift_right_logical3A_834 = arith.shrui %get3A_824, %shift_right_logical3A_833 : vector<16xi32>
      %swap3A_835 = arith.constant 0 : i32
      %swap3A_836 = arith.index_cast %swap3A_835 : i32 to index
      %swap3A_837 = arith.constant 32 : index
      %swap3A_838 = tpu.vector_load %arg14[%swap3A_836, %swap3A_837] {strides = array<i32>} : memref<1x64xi32, #tpu.memory_space<vmem>>, vector<16xi32>,
      tpu.vector_store %arg14[%swap3A_836, %swap3A_837], %shift_right_logical3A_834 {strides = array<i32>} : memref<1x64xi32, #tpu.memory_space<vmem>>, vector<16xi32>,
      %mul3A_839 = arith.constant 32 : i32
      %mul3A_840 = arith.muli %add3A_757, %mul3A_839 : i32
      %add3A_841 = arith.constant 16 : i32
      %add3A_842 = arith.addi %mul3A_840, %add3A_841 : i32
      %get3A_843 = arith.index_cast %add3A_842 : i32 to index
      %get3A_844 = tpu.vector_load %arg7[%get3A_843] {strides = array<i32>} : memref<5120xi32, #tpu.memory_space<vmem>>, vector<16xi32>,
      %and3A_845 = arith.constant 65535 : i32
      %and3A_846 = vector.broadcast %and3A_845 : i32 to vector<16xi32>
      %and3A_847 = arith.andi %get3A_844, %and3A_846 : vector<16xi32>
      %swap3A_848 = arith.constant 0 : i32
      %swap3A_849 = arith.index_cast %swap3A_848 : i32 to index
      %swap3A_850 = arith.constant 16 : index
      %swap3A_851 = tpu.vector_load %arg14[%swap3A_849, %swap3A_850] {strides = array<i32>} : memref<1x64xi32, #tpu.memory_space<vmem>>, vector<16xi32>,
      tpu.vector_store %arg14[%swap3A_849, %swap3A_850], %and3A_847 {strides = array<i32>} : memref<1x64xi32, #tpu.memory_space<vmem>>, vector<16xi32>,
      %shift_right_logical3A_852 = arith.constant 16 : i32
      %shift_right_logical3A_853 = vector.broadcast %shift_right_logical3A_852 : i32 to vector<16xi32>
      %shift_right_logical3A_854 = arith.shrui %get3A_844, %shift_right_logical3A_853 : vector<16xi32>
      %swap3A_855 = arith.constant 0 : i32
      %swap3A_856 = arith.index_cast %swap3A_855 : i32 to index
      %swap3A_857 = arith.constant 48 : index
      %swap3A_858 = tpu.vector_load %arg14[%swap3A_856, %swap3A_857] {strides = array<i32>} : memref<1x64xi32, #tpu.memory_space<vmem>>, vector<16xi32>,
      tpu.vector_store %arg14[%swap3A_856, %swap3A_857], %shift_right_logical3A_854 {strides = array<i32>} : memref<1x64xi32, #tpu.memory_space<vmem>>, vector<16xi32>,
      %dma_start3A_859 = arith.constant 0 : i32
      %dma_start3A_860 = arith.constant 0 : i32
      %dma_start3A_861 = tpu.memref_slice %arg14[%dma_start3A_859, %dma_start3A_860] : memref<1x64xi32, #tpu.memory_space<vmem>> -> memref<1x64xi32, #tpu.memory_space<vmem>>
      %dma_start3A_862 = tpu.memref_squeeze %dma_start3A_861 : memref<1x64xi32, #tpu.memory_space<vmem>> -> memref<64xi32, #tpu.memory_space<vmem>>
      %dma_start3A_863 = arith.constant 0 : i32
      %dma_start3A_864 = arith.constant 0 : i32
      %dma_start3A_865 = tpu.memref_slice %arg20[%dma_start3A_863, %dma_start3A_864] : memref<10240x128xf32, #tpu.memory_space<vmem_shared>> -> memref<10240x128xf32, #tpu.memory_space<vmem_shared>>
      tpu.enqueue_indirect_dma source(%arg18 : memref<64x128xf32, #tpu.memory_space<vmem>>) target(%dma_start3A_865 : memref<10240x128xf32, #tpu.memory_space<vmem_shared>>) offsets(%dma_start3A_862 : memref<64xi32, #tpu.memory_space<vmem>>) semaphore(%arg27 : memref<!tpu.dma_semaphore, #tpu.memory_space<semaphore_mem>>) {add = true}
      %add3A_866 = arith.constant 1 : i32
      %add3A_867 = arith.addi %add3A_757, %add3A_866 : i32
      %dma_wait3A_868 = arith.constant 0 : i32
      %dma_wait3A_869 = arith.constant 0 : i32
      %dma_wait3A_870 = tpu.memref_slice %arg2[%dma_wait3A_868, %dma_wait3A_869] : memref<10000x128xf32, #tpu.memory_space<hbm>> -> memref<64x128xf32, #tpu.memory_space<hbm>>
      %dma_wait3A_871 = arith.constant 0 : i32
      %dma_wait3A_872 = arith.constant 0 : i32
      %dma_wait3A_873 = tpu.memref_slice %arg2[%dma_wait3A_871, %dma_wait3A_872] : memref<10000x128xf32, #tpu.memory_space<hbm>> -> memref<64x128xf32, #tpu.memory_space<hbm>>
      tpu.wait_dma2 semaphore(%arg24 : memref<!tpu.dma_semaphore, #tpu.memory_space<semaphore_mem>>) src(%dma_wait3A_873 : memref<64x128xf32, #tpu.memory_space<hbm>>) dst(%arg19 : memref<64x128xf32, #tpu.memory_space<vmem>>)
      %dma_wait3A_874 = arith.constant 0 : i32
      %dma_wait3A_875 = arith.constant 0 : i32
      %dma_wait3A_876 = tpu.memref_slice %arg20[%dma_wait3A_874, %dma_wait3A_875] : memref<10240x128xf32, #tpu.memory_space<vmem_shared>> -> memref<64x128xf32, #tpu.memory_space<vmem_shared>>
      %dma_wait3A_877 = arith.constant 0 : i32
      %dma_wait3A_878 = arith.constant 0 : i32
      %dma_wait3A_879 = tpu.memref_slice %arg20[%dma_wait3A_877, %dma_wait3A_878] : memref<10240x128xf32, #tpu.memory_space<vmem_shared>> -> memref<64x128xf32, #tpu.memory_space<vmem_shared>>
      tpu.wait_dma2 semaphore(%arg26 : memref<!tpu.dma_semaphore, #tpu.memory_space<semaphore_mem>>) src(%arg17 : memref<64x128xf32, #tpu.memory_space<vmem>>) dst(%dma_wait3A_879 : memref<64x128xf32, #tpu.memory_space<vmem_shared>>)
      %add3A_880 = arith.constant 2 : i32
      %add3A_881 = arith.addi %add3A_867, %add3A_880 : i32
      %mul3A_882 = arith.constant 32 : i32
      %mul3A_883 = arith.muli %add3A_881, %mul3A_882 : i32
      %add3A_884 = arith.constant 0 : i32
      %add3A_885 = arith.addi %mul3A_883, %add3A_884 : i32
      %get3A_886 = arith.index_cast %add3A_885 : i32 to index
      %get3A_887 = tpu.vector_load %arg6[%get3A_886] {strides = array<i32>} : memref<5120xi32, #tpu.memory_space<vmem>>, vector<16xi32>,
      %and3A_888 = arith.constant 65535 : i32
      %and3A_889 = vector.broadcast %and3A_888 : i32 to vector<16xi32>
      %and3A_890 = arith.andi %get3A_887, %and3A_889 : vector<16xi32>
      %swap3A_891 = arith.constant 0 : i32
      %swap3A_892 = arith.index_cast %swap3A_891 : i32 to index
      %swap3A_893 = arith.constant 0 : index
      %swap3A_894 = tpu.vector_load %arg9[%swap3A_892, %swap3A_893] {strides = array<i32>} : memref<1x64xi32, #tpu.memory_space<vmem>>, vector<16xi32>,
      tpu.vector_store %arg9[%swap3A_892, %swap3A_893], %and3A_890 {strides = array<i32>} : memref<1x64xi32, #tpu.memory_space<vmem>>, vector<16xi32>,
      %shift_right_logical3A_895 = arith.constant 16 : i32
      %shift_right_logical3A_896 = vector.broadcast %shift_right_logical3A_895 : i32 to vector<16xi32>
      %shift_right_logical3A_897 = arith.shrui %get3A_887, %shift_right_logical3A_896 : vector<16xi32>
      %swap3A_898 = arith.constant 0 : i32
      %swap3A_899 = arith.index_cast %swap3A_898 : i32 to index
      %swap3A_900 = arith.constant 32 : index
      %swap3A_901 = tpu.vector_load %arg9[%swap3A_899, %swap3A_900] {strides = array<i32>} : memref<1x64xi32, #tpu.memory_space<vmem>>, vector<16xi32>,
      tpu.vector_store %arg9[%swap3A_899, %swap3A_900], %shift_right_logical3A_897 {strides = array<i32>} : memref<1x64xi32, #tpu.memory_space<vmem>>, vector<16xi32>,
      %mul3A_902 = arith.constant 32 : i32
      %mul3A_903 = arith.muli %add3A_881, %mul3A_902 : i32
      %add3A_904 = arith.constant 16 : i32
      %add3A_905 = arith.addi %mul3A_903, %add3A_904 : i32
      %get3A_906 = arith.index_cast %add3A_905 : i32 to index
      %get3A_907 = tpu.vector_load %arg6[%get3A_906] {strides = array<i32>} : memref<5120xi32, #tpu.memory_space<vmem>>, vector<16xi32>,
      %and3A_908 = arith.constant 65535 : i32
      %and3A_909 = vector.broadcast %and3A_908 : i32 to vector<16xi32>
      %and3A_910 = arith.andi %get3A_907, %and3A_909 : vector<16xi32>
      %swap3A_911 = arith.constant 0 : i32
      %swap3A_912 = arith.index_cast %swap3A_911 : i32 to index
      %swap3A_913 = arith.constant 16 : index
      %swap3A_914 = tpu.vector_load %arg9[%swap3A_912, %swap3A_913] {strides = array<i32>} : memref<1x64xi32, #tpu.memory_space<vmem>>, vector<16xi32>,
      tpu.vector_store %arg9[%swap3A_912, %swap3A_913], %and3A_910 {strides = array<i32>} : memref<1x64xi32, #tpu.memory_space<vmem>>, vector<16xi32>,
      %shift_right_logical3A_915 = arith.constant 16 : i32
      %shift_right_logical3A_916 = vector.broadcast %shift_right_logical3A_915 : i32 to vector<16xi32>
      %shift_right_logical3A_917 = arith.shrui %get3A_907, %shift_right_logical3A_916 : vector<16xi32>
      %swap3A_918 = arith.constant 0 : i32
      %swap3A_919 = arith.index_cast %swap3A_918 : i32 to index
      %swap3A_920 = arith.constant 48 : index
      %swap3A_921 = tpu.vector_load %arg9[%swap3A_919, %swap3A_920] {strides = array<i32>} : memref<1x64xi32, #tpu.memory_space<vmem>>, vector<16xi32>,
      tpu.vector_store %arg9[%swap3A_919, %swap3A_920], %shift_right_logical3A_917 {strides = array<i32>} : memref<1x64xi32, #tpu.memory_space<vmem>>, vector<16xi32>,
      %dma_start3A_922 = arith.constant 0 : i32
      %dma_start3A_923 = arith.constant 0 : i32
      %dma_start3A_924 = tpu.memref_slice %arg9[%dma_start3A_922, %dma_start3A_923] : memref<1x64xi32, #tpu.memory_space<vmem>> -> memref<1x64xi32, #tpu.memory_space<vmem>>
      %dma_start3A_925 = tpu.memref_squeeze %dma_start3A_924 : memref<1x64xi32, #tpu.memory_space<vmem>> -> memref<64xi32, #tpu.memory_space<vmem>>
      %dma_start3A_926 = arith.constant 0 : i32
      %dma_start3A_927 = arith.constant 0 : i32
      %dma_start3A_928 = tpu.memref_slice %arg2[%dma_start3A_926, %dma_start3A_927] : memref<10000x128xf32, #tpu.memory_space<hbm>> -> memref<10000x128xf32, #tpu.memory_space<hbm>>
      tpu.enqueue_indirect_dma source(%dma_start3A_928 : memref<10000x128xf32, #tpu.memory_space<hbm>>) target(%arg17 : memref<64x128xf32, #tpu.memory_space<vmem>>) offsets(%dma_start3A_925 : memref<64xi32, #tpu.memory_space<vmem>>) semaphore(%arg22 : memref<!tpu.dma_semaphore, #tpu.memory_space<semaphore_mem>>)
      %mul3A_929 = arith.constant 32 : i32
      %mul3A_930 = arith.muli %add3A_867, %mul3A_929 : i32
      %add3A_931 = arith.constant 0 : i32
      %add3A_932 = arith.addi %mul3A_930, %add3A_931 : i32
      %get3A_933 = arith.index_cast %add3A_932 : i32 to index
      %get3A_934 = tpu.vector_load %arg7[%get3A_933] {strides = array<i32>} : memref<5120xi32, #tpu.memory_space<vmem>>, vector<16xi32>,
      %and3A_935 = arith.constant 65535 : i32
      %and3A_936 = vector.broadcast %and3A_935 : i32 to vector<16xi32>
      %and3A_937 = arith.andi %get3A_934, %and3A_936 : vector<16xi32>
      %swap3A_938 = arith.constant 0 : i32
      %swap3A_939 = arith.index_cast %swap3A_938 : i32 to index
      %swap3A_940 = arith.constant 0 : index
      %swap3A_941 = tpu.vector_load %arg15[%swap3A_939, %swap3A_940] {strides = array<i32>} : memref<1x64xi32, #tpu.memory_space<vmem>>, vector<16xi32>,
      tpu.vector_store %arg15[%swap3A_939, %swap3A_940], %and3A_937 {strides = array<i32>} : memref<1x64xi32, #tpu.memory_space<vmem>>, vector<16xi32>,
      %shift_right_logical3A_942 = arith.constant 16 : i32
      %shift_right_logical3A_943 = vector.broadcast %shift_right_logical3A_942 : i32 to vector<16xi32>
      %shift_right_logical3A_944 = arith.shrui %get3A_934, %shift_right_logical3A_943 : vector<16xi32>
      %swap3A_945 = arith.constant 0 : i32
      %swap3A_946 = arith.index_cast %swap3A_945 : i32 to index
      %swap3A_947 = arith.constant 32 : index
      %swap3A_948 = tpu.vector_load %arg15[%swap3A_946, %swap3A_947] {strides = array<i32>} : memref<1x64xi32, #tpu.memory_space<vmem>>, vector<16xi32>,
      tpu.vector_store %arg15[%swap3A_946, %swap3A_947], %shift_right_logical3A_944 {strides = array<i32>} : memref<1x64xi32, #tpu.memory_space<vmem>>, vector<16xi32>,
      %mul3A_949 = arith.constant 32 : i32
      %mul3A_950 = arith.muli %add3A_867, %mul3A_949 : i32
      %add3A_951 = arith.constant 16 : i32
      %add3A_952 = arith.addi %mul3A_950, %add3A_951 : i32
      %get3A_953 = arith.index_cast %add3A_952 : i32 to index
      %get3A_954 = tpu.vector_load %arg7[%get3A_953] {strides = array<i32>} : memref<5120xi32, #tpu.memory_space<vmem>>, vector<16xi32>,
      %and3A_955 = arith.constant 65535 : i32
      %and3A_956 = vector.broadcast %and3A_955 : i32 to vector<16xi32>
      %and3A_957 = arith.andi %get3A_954, %and3A_956 : vector<16xi32>
      %swap3A_958 = arith.constant 0 : i32
      %swap3A_959 = arith.index_cast %swap3A_958 : i32 to index
      %swap3A_960 = arith.constant 16 : index
      %swap3A_961 = tpu.vector_load %arg15[%swap3A_959, %swap3A_960] {strides = array<i32>} : memref<1x64xi32, #tpu.memory_space<vmem>>, vector<16xi32>,
      tpu.vector_store %arg15[%swap3A_959, %swap3A_960], %and3A_957 {strides = array<i32>} : memref<1x64xi32, #tpu.memory_space<vmem>>, vector<16xi32>,
      %shift_right_logical3A_962 = arith.constant 16 : i32
      %shift_right_logical3A_963 = vector.broadcast %shift_right_logical3A_962 : i32 to vector<16xi32>
      %shift_right_logical3A_964 = arith.shrui %get3A_954, %shift_right_logical3A_963 : vector<16xi32>
      %swap3A_965 = arith.constant 0 : i32
      %swap3A_966 = arith.index_cast %swap3A_965 : i32 to index
      %swap3A_967 = arith.constant 48 : index
      %swap3A_968 = tpu.vector_load %arg15[%swap3A_966, %swap3A_967] {strides = array<i32>} : memref<1x64xi32, #tpu.memory_space<vmem>>, vector<16xi32>,
      tpu.vector_store %arg15[%swap3A_966, %swap3A_967], %shift_right_logical3A_964 {strides = array<i32>} : memref<1x64xi32, #tpu.memory_space<vmem>>, vector<16xi32>,
      %dma_start3A_969 = arith.constant 0 : i32
      %dma_start3A_970 = arith.constant 0 : i32
      %dma_start3A_971 = tpu.memref_slice %arg15[%dma_start3A_969, %dma_start3A_970] : memref<1x64xi32, #tpu.memory_space<vmem>> -> memref<1x64xi32, #tpu.memory_space<vmem>>
      %dma_start3A_972 = tpu.memref_squeeze %dma_start3A_971 : memref<1x64xi32, #tpu.memory_space<vmem>> -> memref<64xi32, #tpu.memory_space<vmem>>
      %dma_start3A_973 = arith.constant 0 : i32
      %dma_start3A_974 = arith.constant 0 : i32
      %dma_start3A_975 = tpu.memref_slice %arg20[%dma_start3A_973, %dma_start3A_974] : memref<10240x128xf32, #tpu.memory_space<vmem_shared>> -> memref<10240x128xf32, #tpu.memory_space<vmem_shared>>
      tpu.enqueue_indirect_dma source(%arg19 : memref<64x128xf32, #tpu.memory_space<vmem>>) target(%dma_start3A_975 : memref<10240x128xf32, #tpu.memory_space<vmem_shared>>) offsets(%dma_start3A_972 : memref<64xi32, #tpu.memory_space<vmem>>) semaphore(%arg28 : memref<!tpu.dma_semaphore, #tpu.memory_space<semaphore_mem>>) {add = true}
      %add3A_976 = arith.constant 2 : i32
      %add3A_977 = arith.addi %add3A_757, %add3A_976 : i32
      %dma_wait3A_978 = arith.constant 0 : i32
      %dma_wait3A_979 = arith.constant 0 : i32
      %dma_wait3A_980 = tpu.memref_slice %arg2[%dma_wait3A_978, %dma_wait3A_979] : memref<10000x128xf32, #tpu.memory_space<hbm>> -> memref<64x128xf32, #tpu.memory_space<hbm>>
      %dma_wait3A_981 = arith.constant 0 : i32
      %dma_wait3A_982 = arith.constant 0 : i32
      %dma_wait3A_983 = tpu.memref_slice %arg2[%dma_wait3A_981, %dma_wait3A_982] : memref<10000x128xf32, #tpu.memory_space<hbm>> -> memref<64x128xf32, #tpu.memory_space<hbm>>
      tpu.wait_dma2 semaphore(%arg21 : memref<!tpu.dma_semaphore, #tpu.memory_space<semaphore_mem>>) src(%dma_wait3A_983 : memref<64x128xf32, #tpu.memory_space<hbm>>) dst(%arg16 : memref<64x128xf32, #tpu.memory_space<vmem>>)
      %dma_wait3A_984 = arith.constant 0 : i32
      %dma_wait3A_985 = arith.constant 0 : i32
      %dma_wait3A_986 = tpu.memref_slice %arg20[%dma_wait3A_984, %dma_wait3A_985] : memref<10240x128xf32, #tpu.memory_space<vmem_shared>> -> memref<64x128xf32, #tpu.memory_space<vmem_shared>>
      %dma_wait3A_987 = arith.constant 0 : i32
      %dma_wait3A_988 = arith.constant 0 : i32
      %dma_wait3A_989 = tpu.memref_slice %arg20[%dma_wait3A_987, %dma_wait3A_988] : memref<10240x128xf32, #tpu.memory_space<vmem_shared>> -> memref<64x128xf32, #tpu.memory_space<vmem_shared>>
      tpu.wait_dma2 semaphore(%arg27 : memref<!tpu.dma_semaphore, #tpu.memory_space<semaphore_mem>>) src(%arg18 : memref<64x128xf32, #tpu.memory_space<vmem>>) dst(%dma_wait3A_989 : memref<64x128xf32, #tpu.memory_space<vmem_shared>>)
      %add3A_990 = arith.constant 2 : i32
      %add3A_991 = arith.addi %add3A_977, %add3A_990 : i32
      %mul3A_992 = arith.constant 32 : i32
      %mul3A_993 = arith.muli %add3A_991, %mul3A_992 : i32
      %add3A_994 = arith.constant 0 : i32
      %add3A_995 = arith.addi %mul3A_993, %add3A_994 : i32
      %get3A_996 = arith.index_cast %add3A_995 : i32 to index
      %get3A_997 = tpu.vector_load %arg6[%get3A_996] {strides = array<i32>} : memref<5120xi32, #tpu.memory_space<vmem>>, vector<16xi32>,
      %and3A_998 = arith.constant 65535 : i32
      %and3A_999 = vector.broadcast %and3A_998 : i32 to vector<16xi32>
      %and3A_1000 = arith.andi %get3A_997, %and3A_999 : vector<16xi32>
      %swap3A_1001 = arith.constant 0 : i32
      %swap3A_1002 = arith.index_cast %swap3A_1001 : i32 to index
      %swap3A_1003 = arith.constant 0 : index
      %swap3A_1004 = tpu.vector_load %arg10[%swap3A_1002, %swap3A_1003] {strides = array<i32>} : memref<1x64xi32, #tpu.memory_space<vmem>>, vector<16xi32>,
      tpu.vector_store %arg10[%swap3A_1002, %swap3A_1003], %and3A_1000 {strides = array<i32>} : memref<1x64xi32, #tpu.memory_space<vmem>>, vector<16xi32>,
      %shift_right_logical3A_1005 = arith.constant 16 : i32
      %shift_right_logical3A_1006 = vector.broadcast %shift_right_logical3A_1005 : i32 to vector<16xi32>
      %shift_right_logical3A_1007 = arith.shrui %get3A_997, %shift_right_logical3A_1006 : vector<16xi32>
      %swap3A_1008 = arith.constant 0 : i32
      %swap3A_1009 = arith.index_cast %swap3A_1008 : i32 to index
      %swap3A_1010 = arith.constant 32 : index
      %swap3A_1011 = tpu.vector_load %arg10[%swap3A_1009, %swap3A_1010] {strides = array<i32>} : memref<1x64xi32, #tpu.memory_space<vmem>>, vector<16xi32>,
      tpu.vector_store %arg10[%swap3A_1009, %swap3A_1010], %shift_right_logical3A_1007 {strides = array<i32>} : memref<1x64xi32, #tpu.memory_space<vmem>>, vector<16xi32>,
      %mul3A_1012 = arith.constant 32 : i32
      %mul3A_1013 = arith.muli %add3A_991, %mul3A_1012 : i32
      %add3A_1014 = arith.constant 16 : i32
      %add3A_1015 = arith.addi %mul3A_1013, %add3A_1014 : i32
      %get3A_1016 = arith.index_cast %add3A_1015 : i32 to index
      %get3A_1017 = tpu.vector_load %arg6[%get3A_1016] {strides = array<i32>} : memref<5120xi32, #tpu.memory_space<vmem>>, vector<16xi32>,
      %and3A_1018 = arith.constant 65535 : i32
      %and3A_1019 = vector.broadcast %and3A_1018 : i32 to vector<16xi32>
      %and3A_1020 = arith.andi %get3A_1017, %and3A_1019 : vector<16xi32>
      %swap3A_1021 = arith.constant 0 : i32
      %swap3A_1022 = arith.index_cast %swap3A_1021 : i32 to index
      %swap3A_1023 = arith.constant 16 : index
      %swap3A_1024 = tpu.vector_load %arg10[%swap3A_1022, %swap3A_1023] {strides = array<i32>} : memref<1x64xi32, #tpu.memory_space<vmem>>, vector<16xi32>,
      tpu.vector_store %arg10[%swap3A_1022, %swap3A_1023], %and3A_1020 {strides = array<i32>} : memref<1x64xi32, #tpu.memory_space<vmem>>, vector<16xi32>,
      %shift_right_logical3A_1025 = arith.constant 16 : i32
      %shift_right_logical3A_1026 = vector.broadcast %shift_right_logical3A_1025 : i32 to vector<16xi32>
      %shift_right_logical3A_1027 = arith.shrui %get3A_1017, %shift_right_logical3A_1026 : vector<16xi32>
      %swap3A_1028 = arith.constant 0 : i32
      %swap3A_1029 = arith.index_cast %swap3A_1028 : i32 to index
      %swap3A_1030 = arith.constant 48 : index
      %swap3A_1031 = tpu.vector_load %arg10[%swap3A_1029, %swap3A_1030] {strides = array<i32>} : memref<1x64xi32, #tpu.memory_space<vmem>>, vector<16xi32>,
      tpu.vector_store %arg10[%swap3A_1029, %swap3A_1030], %shift_right_logical3A_1027 {strides = array<i32>} : memref<1x64xi32, #tpu.memory_space<vmem>>, vector<16xi32>,
      %dma_start3A_1032 = arith.constant 0 : i32
      %dma_start3A_1033 = arith.constant 0 : i32
      %dma_start3A_1034 = tpu.memref_slice %arg10[%dma_start3A_1032, %dma_start3A_1033] : memref<1x64xi32, #tpu.memory_space<vmem>> -> memref<1x64xi32, #tpu.memory_space<vmem>>
      %dma_start3A_1035 = tpu.memref_squeeze %dma_start3A_1034 : memref<1x64xi32, #tpu.memory_space<vmem>> -> memref<64xi32, #tpu.memory_space<vmem>>
      %dma_start3A_1036 = arith.constant 0 : i32
      %dma_start3A_1037 = arith.constant 0 : i32
      %dma_start3A_1038 = tpu.memref_slice %arg2[%dma_start3A_1036, %dma_start3A_1037] : memref<10000x128xf32, #tpu.memory_space<hbm>> -> memref<10000x128xf32, #tpu.memory_space<hbm>>
      tpu.enqueue_indirect_dma source(%dma_start3A_1038 : memref<10000x128xf32, #tpu.memory_space<hbm>>) target(%arg18 : memref<64x128xf32, #tpu.memory_space<vmem>>) offsets(%dma_start3A_1035 : memref<64xi32, #tpu.memory_space<vmem>>) semaphore(%arg23 : memref<!tpu.dma_semaphore, #tpu.memory_space<semaphore_mem>>)
      %mul3A_1039 = arith.constant 32 : i32
      %mul3A_1040 = arith.muli %add3A_977, %mul3A_1039 : i32
      %add3A_1041 = arith.constant 0 : i32
      %add3A_1042 = arith.addi %mul3A_1040, %add3A_1041 : i32
      %get3A_1043 = arith.index_cast %add3A_1042 : i32 to index
      %get3A_1044 = tpu.vector_load %arg7[%get3A_1043] {strides = array<i32>} : memref<5120xi32, #tpu.memory_space<vmem>>, vector<16xi32>,
      %and3A_1045 = arith.constant 65535 : i32
      %and3A_1046 = vector.broadcast %and3A_1045 : i32 to vector<16xi32>
      %and3A_1047 = arith.andi %get3A_1044, %and3A_1046 : vector<16xi32>
      %swap3A_1048 = arith.constant 0 : i32
      %swap3A_1049 = arith.index_cast %swap3A_1048 : i32 to index
      %swap3A_1050 = arith.constant 0 : index
      %swap3A_1051 = tpu.vector_load %arg12[%swap3A_1049, %swap3A_1050] {strides = array<i32>} : memref<1x64xi32, #tpu.memory_space<vmem>>, vector<16xi32>,
      tpu.vector_store %arg12[%swap3A_1049, %swap3A_1050], %and3A_1047 {strides = array<i32>} : memref<1x64xi32, #tpu.memory_space<vmem>>, vector<16xi32>,
      %shift_right_logical3A_1052 = arith.constant 16 : i32
      %shift_right_logical3A_1053 = vector.broadcast %shift_right_logical3A_1052 : i32 to vector<16xi32>
      %shift_right_logical3A_1054 = arith.shrui %get3A_1044, %shift_right_logical3A_1053 : vector<16xi32>
      %swap3A_1055 = arith.constant 0 : i32
      %swap3A_1056 = arith.index_cast %swap3A_1055 : i32 to index
      %swap3A_1057 = arith.constant 32 : index
      %swap3A_1058 = tpu.vector_load %arg12[%swap3A_1056, %swap3A_1057] {strides = array<i32>} : memref<1x64xi32, #tpu.memory_space<vmem>>, vector<16xi32>,
      tpu.vector_store %arg12[%swap3A_1056, %swap3A_1057], %shift_right_logical3A_1054 {strides = array<i32>} : memref<1x64xi32, #tpu.memory_space<vmem>>, vector<16xi32>,
      %mul3A_1059 = arith.constant 32 : i32
      %mul3A_1060 = arith.muli %add3A_977, %mul3A_1059 : i32
      %add3A_1061 = arith.constant 16 : i32
      %add3A_1062 = arith.addi %mul3A_1060, %add3A_1061 : i32
      %get3A_1063 = arith.index_cast %add3A_1062 : i32 to index
      %get3A_1064 = tpu.vector_load %arg7[%get3A_1063] {strides = array<i32>} : memref<5120xi32, #tpu.memory_space<vmem>>, vector<16xi32>,
      %and3A_1065 = arith.constant 65535 : i32
      %and3A_1066 = vector.broadcast %and3A_1065 : i32 to vector<16xi32>
      %and3A_1067 = arith.andi %get3A_1064, %and3A_1066 : vector<16xi32>
      %swap3A_1068 = arith.constant 0 : i32
      %swap3A_1069 = arith.index_cast %swap3A_1068 : i32 to index
      %swap3A_1070 = arith.constant 16 : index
      %swap3A_1071 = tpu.vector_load %arg12[%swap3A_1069, %swap3A_1070] {strides = array<i32>} : memref<1x64xi32, #tpu.memory_space<vmem>>, vector<16xi32>,
      tpu.vector_store %arg12[%swap3A_1069, %swap3A_1070], %and3A_1067 {strides = array<i32>} : memref<1x64xi32, #tpu.memory_space<vmem>>, vector<16xi32>,
      %shift_right_logical3A_1072 = arith.constant 16 : i32
      %shift_right_logical3A_1073 = vector.broadcast %shift_right_logical3A_1072 : i32 to vector<16xi32>
      %shift_right_logical3A_1074 = arith.shrui %get3A_1064, %shift_right_logical3A_1073 : vector<16xi32>
      %swap3A_1075 = arith.constant 0 : i32
      %swap3A_1076 = arith.index_cast %swap3A_1075 : i32 to index
      %swap3A_1077 = arith.constant 48 : index
      %swap3A_1078 = tpu.vector_load %arg12[%swap3A_1076, %swap3A_1077] {strides = array<i32>} : memref<1x64xi32, #tpu.memory_space<vmem>>, vector<16xi32>,
      tpu.vector_store %arg12[%swap3A_1076, %swap3A_1077], %shift_right_logical3A_1074 {strides = array<i32>} : memref<1x64xi32, #tpu.memory_space<vmem>>, vector<16xi32>,
      %dma_start3A_1079 = arith.constant 0 : i32
      %dma_start3A_1080 = arith.constant 0 : i32
      %dma_start3A_1081 = tpu.memref_slice %arg12[%dma_start3A_1079, %dma_start3A_1080] : memref<1x64xi32, #tpu.memory_space<vmem>> -> memref<1x64xi32, #tpu.memory_space<vmem>>
      %dma_start3A_1082 = tpu.memref_squeeze %dma_start3A_1081 : memref<1x64xi32, #tpu.memory_space<vmem>> -> memref<64xi32, #tpu.memory_space<vmem>>
      %dma_start3A_1083 = arith.constant 0 : i32
      %dma_start3A_1084 = arith.constant 0 : i32
      %dma_start3A_1085 = tpu.memref_slice %arg20[%dma_start3A_1083, %dma_start3A_1084] : memref<10240x128xf32, #tpu.memory_space<vmem_shared>> -> memref<10240x128xf32, #tpu.memory_space<vmem_shared>>
      tpu.enqueue_indirect_dma source(%arg16 : memref<64x128xf32, #tpu.memory_space<vmem>>) target(%dma_start3A_1085 : memref<10240x128xf32, #tpu.memory_space<vmem_shared>>) offsets(%dma_start3A_1082 : memref<64xi32, #tpu.memory_space<vmem>>) semaphore(%arg25 : memref<!tpu.dma_semaphore, #tpu.memory_space<semaphore_mem>>) {add = true}
      %add3A_1086 = arith.constant 3 : i32
      %add3A_1087 = arith.addi %add3A_757, %add3A_1086 : i32
      %dma_wait3A_1088 = arith.constant 0 : i32
      %dma_wait3A_1089 = arith.constant 0 : i32
      %dma_wait3A_1090 = tpu.memref_slice %arg2[%dma_wait3A_1088, %dma_wait3A_1089] : memref<10000x128xf32, #tpu.memory_space<hbm>> -> memref<64x128xf32, #tpu.memory_space<hbm>>
      %dma_wait3A_1091 = arith.constant 0 : i32
      %dma_wait3A_1092 = arith.constant 0 : i32
      %dma_wait3A_1093 = tpu.memref_slice %arg2[%dma_wait3A_1091, %dma_wait3A_1092] : memref<10000x128xf32, #tpu.memory_space<hbm>> -> memref<64x128xf32, #tpu.memory_space<hbm>>
      tpu.wait_dma2 semaphore(%arg22 : memref<!tpu.dma_semaphore, #tpu.memory_space<semaphore_mem>>) src(%dma_wait3A_1093 : memref<64x128xf32, #tpu.memory_space<hbm>>) dst(%arg17 : memref<64x128xf32, #tpu.memory_space<vmem>>)
      %dma_wait3A_1094 = arith.constant 0 : i32
      %dma_wait3A_1095 = arith.constant 0 : i32
      %dma_wait3A_1096 = tpu.memref_slice %arg20[%dma_wait3A_1094, %dma_wait3A_1095] : memref<10240x128xf32, #tpu.memory_space<vmem_shared>> -> memref<64x128xf32, #tpu.memory_space<vmem_shared>>
      %dma_wait3A_1097 = arith.constant 0 : i32
      %dma_wait3A_1098 = arith.constant 0 : i32
      %dma_wait3A_1099 = tpu.memref_slice %arg20[%dma_wait3A_1097, %dma_wait3A_1098] : memref<10240x128xf32, #tpu.memory_space<vmem_shared>> -> memref<64x128xf32, #tpu.memory_space<vmem_shared>>
      tpu.wait_dma2 semaphore(%arg28 : memref<!tpu.dma_semaphore, #tpu.memory_space<semaphore_mem>>) src(%arg19 : memref<64x128xf32, #tpu.memory_space<vmem>>) dst(%dma_wait3A_1099 : memref<64x128xf32, #tpu.memory_space<vmem_shared>>)
      %add3A_1100 = arith.constant 2 : i32
      %add3A_1101 = arith.addi %add3A_1087, %add3A_1100 : i32
      %mul3A_1102 = arith.constant 32 : i32
      %mul3A_1103 = arith.muli %add3A_1101, %mul3A_1102 : i32
      %add3A_1104 = arith.constant 0 : i32
      %add3A_1105 = arith.addi %mul3A_1103, %add3A_1104 : i32
      %get3A_1106 = arith.index_cast %add3A_1105 : i32 to index
      %get3A_1107 = tpu.vector_load %arg6[%get3A_1106] {strides = array<i32>} : memref<5120xi32, #tpu.memory_space<vmem>>, vector<16xi32>,
      %and3A_1108 = arith.constant 65535 : i32
      %and3A_1109 = vector.broadcast %and3A_1108 : i32 to vector<16xi32>
      %and3A_1110 = arith.andi %get3A_1107, %and3A_1109 : vector<16xi32>
      %swap3A_1111 = arith.constant 0 : i32
      %swap3A_1112 = arith.index_cast %swap3A_1111 : i32 to index
      %swap3A_1113 = arith.constant 0 : index
      %swap3A_1114 = tpu.vector_load %arg11[%swap3A_1112, %swap3A_1113] {strides = array<i32>} : memref<1x64xi32, #tpu.memory_space<vmem>>, vector<16xi32>,
      tpu.vector_store %arg11[%swap3A_1112, %swap3A_1113], %and3A_1110 {strides = array<i32>} : memref<1x64xi32, #tpu.memory_space<vmem>>, vector<16xi32>,
      %shift_right_logical3A_1115 = arith.constant 16 : i32
      %shift_right_logical3A_1116 = vector.broadcast %shift_right_logical3A_1115 : i32 to vector<16xi32>
      %shift_right_logical3A_1117 = arith.shrui %get3A_1107, %shift_right_logical3A_1116 : vector<16xi32>
      %swap3A_1118 = arith.constant 0 : i32
      %swap3A_1119 = arith.index_cast %swap3A_1118 : i32 to index
      %swap3A_1120 = arith.constant 32 : index
      %swap3A_1121 = tpu.vector_load %arg11[%swap3A_1119, %swap3A_1120] {strides = array<i32>} : memref<1x64xi32, #tpu.memory_space<vmem>>, vector<16xi32>,
      tpu.vector_store %arg11[%swap3A_1119, %swap3A_1120], %shift_right_logical3A_1117 {strides = array<i32>} : memref<1x64xi32, #tpu.memory_space<vmem>>, vector<16xi32>,
      %mul3A_1122 = arith.constant 32 : i32
      %mul3A_1123 = arith.muli %add3A_1101, %mul3A_1122 : i32
      %add3A_1124 = arith.constant 16 : i32
      %add3A_1125 = arith.addi %mul3A_1123, %add3A_1124 : i32
      %get3A_1126 = arith.index_cast %add3A_1125 : i32 to index
      %get3A_1127 = tpu.vector_load %arg6[%get3A_1126] {strides = array<i32>} : memref<5120xi32, #tpu.memory_space<vmem>>, vector<16xi32>,
      %and3A_1128 = arith.constant 65535 : i32
      %and3A_1129 = vector.broadcast %and3A_1128 : i32 to vector<16xi32>
      %and3A_1130 = arith.andi %get3A_1127, %and3A_1129 : vector<16xi32>
      %swap3A_1131 = arith.constant 0 : i32
      %swap3A_1132 = arith.index_cast %swap3A_1131 : i32 to index
      %swap3A_1133 = arith.constant 16 : index
      %swap3A_1134 = tpu.vector_load %arg11[%swap3A_1132, %swap3A_1133] {strides = array<i32>} : memref<1x64xi32, #tpu.memory_space<vmem>>, vector<16xi32>,
      tpu.vector_store %arg11[%swap3A_1132, %swap3A_1133], %and3A_1130 {strides = array<i32>} : memref<1x64xi32, #tpu.memory_space<vmem>>, vector<16xi32>,
      %shift_right_logical3A_1135 = arith.constant 16 : i32
      %shift_right_logical3A_1136 = vector.broadcast %shift_right_logical3A_1135 : i32 to vector<16xi32>
      %shift_right_logical3A_1137 = arith.shrui %get3A_1127, %shift_right_logical3A_1136 : vector<16xi32>
      %swap3A_1138 = arith.constant 0 : i32
      %swap3A_1139 = arith.index_cast %swap3A_1138 : i32 to index
      %swap3A_1140 = arith.constant 48 : index
      %swap3A_1141 = tpu.vector_load %arg11[%swap3A_1139, %swap3A_1140] {strides = array<i32>} : memref<1x64xi32, #tpu.memory_space<vmem>>, vector<16xi32>,
      tpu.vector_store %arg11[%swap3A_1139, %swap3A_1140], %shift_right_logical3A_1137 {strides = array<i32>} : memref<1x64xi32, #tpu.memory_space<vmem>>, vector<16xi32>,
      %dma_start3A_1142 = arith.constant 0 : i32
      %dma_start3A_1143 = arith.constant 0 : i32
      %dma_start3A_1144 = tpu.memref_slice %arg11[%dma_start3A_1142, %dma_start3A_1143] : memref<1x64xi32, #tpu.memory_space<vmem>> -> memref<1x64xi32, #tpu.memory_space<vmem>>
      %dma_start3A_1145 = tpu.memref_squeeze %dma_start3A_1144 : memref<1x64xi32, #tpu.memory_space<vmem>> -> memref<64xi32, #tpu.memory_space<vmem>>
      %dma_start3A_1146 = arith.constant 0 : i32
      %dma_start3A_1147 = arith.constant 0 : i32
      %dma_start3A_1148 = tpu.memref_slice %arg2[%dma_start3A_1146, %dma_start3A_1147] : memref<10000x128xf32, #tpu.memory_space<hbm>> -> memref<10000x128xf32, #tpu.memory_space<hbm>>
      tpu.enqueue_indirect_dma source(%dma_start3A_1148 : memref<10000x128xf32, #tpu.memory_space<hbm>>) target(%arg19 : memref<64x128xf32, #tpu.memory_space<vmem>>) offsets(%dma_start3A_1145 : memref<64xi32, #tpu.memory_space<vmem>>) semaphore(%arg24 : memref<!tpu.dma_semaphore, #tpu.memory_space<semaphore_mem>>)
      %mul3A_1149 = arith.constant 32 : i32
      %mul3A_1150 = arith.muli %add3A_1087, %mul3A_1149 : i32
      %add3A_1151 = arith.constant 0 : i32
      %add3A_1152 = arith.addi %mul3A_1150, %add3A_1151 : i32
      %get3A_1153 = arith.index_cast %add3A_1152 : i32 to index
      %get3A_1154 = tpu.vector_load %arg7[%get3A_1153] {strides = array<i32>} : memref<5120xi32, #tpu.memory_space<vmem>>, vector<16xi32>,
      %and3A_1155 = arith.constant 65535 : i32
      %and3A_1156 = vector.broadcast %and3A_1155 : i32 to vector<16xi32>
      %and3A_1157 = arith.andi %get3A_1154, %and3A_1156 : vector<16xi32>
      %swap3A_1158 = arith.constant 0 : i32
      %swap3A_1159 = arith.index_cast %swap3A_1158 : i32 to index
      %swap3A_1160 = arith.constant 0 : index
      %swap3A_1161 = tpu.vector_load %arg13[%swap3A_1159, %swap3A_1160] {strides = array<i32>} : memref<1x64xi32, #tpu.memory_space<vmem>>, vector<16xi32>,
      tpu.vector_store %arg13[%swap3A_1159, %swap3A_1160], %and3A_1157 {strides = array<i32>} : memref<1x64xi32, #tpu.memory_space<vmem>>, vector<16xi32>,
      %shift_right_logical3A_1162 = arith.constant 16 : i32
      %shift_right_logical3A_1163 = vector.broadcast %shift_right_logical3A_1162 : i32 to vector<16xi32>
      %shift_right_logical3A_1164 = arith.shrui %get3A_1154, %shift_right_logical3A_1163 : vector<16xi32>
      %swap3A_1165 = arith.constant 0 : i32
      %swap3A_1166 = arith.index_cast %swap3A_1165 : i32 to index
      %swap3A_1167 = arith.constant 32 : index
      %swap3A_1168 = tpu.vector_load %arg13[%swap3A_1166, %swap3A_1167] {strides = array<i32>} : memref<1x64xi32, #tpu.memory_space<vmem>>, vector<16xi32>,
      tpu.vector_store %arg13[%swap3A_1166, %swap3A_1167], %shift_right_logical3A_1164 {strides = array<i32>} : memref<1x64xi32, #tpu.memory_space<vmem>>, vector<16xi32>,
      %mul3A_1169 = arith.constant 32 : i32
      %mul3A_1170 = arith.muli %add3A_1087, %mul3A_1169 : i32
      %add3A_1171 = arith.constant 16 : i32
      %add3A_1172 = arith.addi %mul3A_1170, %add3A_1171 : i32
      %get3A_1173 = arith.index_cast %add3A_1172 : i32 to index
      %get3A_1174 = tpu.vector_load %arg7[%get3A_1173] {strides = array<i32>} : memref<5120xi32, #tpu.memory_space<vmem>>, vector<16xi32>,
      %and3A_1175 = arith.constant 65535 : i32
      %and3A_1176 = vector.broadcast %and3A_1175 : i32 to vector<16xi32>
      %and3A_1177 = arith.andi %get3A_1174, %and3A_1176 : vector<16xi32>
      %swap3A_1178 = arith.constant 0 : i32
      %swap3A_1179 = arith.index_cast %swap3A_1178 : i32 to index
      %swap3A_1180 = arith.constant 16 : index
      %swap3A_1181 = tpu.vector_load %arg13[%swap3A_1179, %swap3A_1180] {strides = array<i32>} : memref<1x64xi32, #tpu.memory_space<vmem>>, vector<16xi32>,
      tpu.vector_store %arg13[%swap3A_1179, %swap3A_1180], %and3A_1177 {strides = array<i32>} : memref<1x64xi32, #tpu.memory_space<vmem>>, vector<16xi32>,
      %shift_right_logical3A_1182 = arith.constant 16 : i32
      %shift_right_logical3A_1183 = vector.broadcast %shift_right_logical3A_1182 : i32 to vector<16xi32>
      %shift_right_logical3A_1184 = arith.shrui %get3A_1174, %shift_right_logical3A_1183 : vector<16xi32>
      %swap3A_1185 = arith.constant 0 : i32
      %swap3A_1186 = arith.index_cast %swap3A_1185 : i32 to index
      %swap3A_1187 = arith.constant 48 : index
      %swap3A_1188 = tpu.vector_load %arg13[%swap3A_1186, %swap3A_1187] {strides = array<i32>} : memref<1x64xi32, #tpu.memory_space<vmem>>, vector<16xi32>,
      tpu.vector_store %arg13[%swap3A_1186, %swap3A_1187], %shift_right_logical3A_1184 {strides = array<i32>} : memref<1x64xi32, #tpu.memory_space<vmem>>, vector<16xi32>,
      %dma_start3A_1189 = arith.constant 0 : i32
      %dma_start3A_1190 = arith.constant 0 : i32
      %dma_start3A_1191 = tpu.memref_slice %arg13[%dma_start3A_1189, %dma_start3A_1190] : memref<1x64xi32, #tpu.memory_space<vmem>> -> memref<1x64xi32, #tpu.memory_space<vmem>>
      %dma_start3A_1192 = tpu.memref_squeeze %dma_start3A_1191 : memref<1x64xi32, #tpu.memory_space<vmem>> -> memref<64xi32, #tpu.memory_space<vmem>>
      %dma_start3A_1193 = arith.constant 0 : i32
      %dma_start3A_1194 = arith.constant 0 : i32
      %dma_start3A_1195 = tpu.memref_slice %arg20[%dma_start3A_1193, %dma_start3A_1194] : memref<10240x128xf32, #tpu.memory_space<vmem_shared>> -> memref<10240x128xf32, #tpu.memory_space<vmem_shared>>
      tpu.enqueue_indirect_dma source(%arg17 : memref<64x128xf32, #tpu.memory_space<vmem>>) target(%dma_start3A_1195 : memref<10240x128xf32, #tpu.memory_space<vmem_shared>>) offsets(%dma_start3A_1192 : memref<64xi32, #tpu.memory_space<vmem>>) semaphore(%arg26 : memref<!tpu.dma_semaphore, #tpu.memory_space<semaphore_mem>>) {add = true}
      %scan3A_1196 = arith.constant 0 : i32
      scf.yield %scan3A_1196 : i32
    }
    %scan3A_276 = arith.constant 38 : i32
    %dma_wait3A_277 = arith.constant 0 : i32
    %dma_wait3A_278 = arith.constant 0 : i32
    %dma_wait3A_279 = tpu.memref_slice %arg2[%dma_wait3A_277, %dma_wait3A_278] : memref<10000x128xf32, #tpu.memory_space<hbm>> -> memref<64x128xf32, #tpu.memory_space<hbm>>
    %dma_wait3A_280 = arith.constant 0 : i32
    %dma_wait3A_281 = arith.constant 0 : i32
    %dma_wait3A_282 = tpu.memref_slice %arg2[%dma_wait3A_280, %dma_wait3A_281] : memref<10000x128xf32, #tpu.memory_space<hbm>> -> memref<64x128xf32, #tpu.memory_space<hbm>>
    tpu.wait_dma2 semaphore(%arg23 : memref<!tpu.dma_semaphore, #tpu.memory_space<semaphore_mem>>) src(%dma_wait3A_282 : memref<64x128xf32, #tpu.memory_space<hbm>>) dst(%arg18 : memref<64x128xf32, #tpu.memory_space<vmem>>)
    %dma_wait3A_283 = arith.constant 0 : i32
    %dma_wait3A_284 = arith.constant 0 : i32
    %dma_wait3A_285 = tpu.memref_slice %arg20[%dma_wait3A_283, %dma_wait3A_284] : memref<10240x128xf32, #tpu.memory_space<vmem_shared>> -> memref<64x128xf32, #tpu.memory_space<vmem_shared>>
    %dma_wait3A_286 = arith.constant 0 : i32
    %dma_wait3A_287 = arith.constant 0 : i32
    %dma_wait3A_288 = tpu.memref_slice %arg20[%dma_wait3A_286, %dma_wait3A_287] : memref<10240x128xf32, #tpu.memory_space<vmem_shared>> -> memref<64x128xf32, #tpu.memory_space<vmem_shared>>
    tpu.wait_dma2 semaphore(%arg25 : memref<!tpu.dma_semaphore, #tpu.memory_space<semaphore_mem>>) src(%arg16 : memref<64x128xf32, #tpu.memory_space<vmem>>) dst(%dma_wait3A_288 : memref<64x128xf32, #tpu.memory_space<vmem_shared>>)
    %get3A_289 = arith.constant 4992 : index
    %get3A_290 = tpu.vector_load %arg6[%get3A_289] {strides = array<i32>} : memref<5120xi32, #tpu.memory_space<vmem>>, vector<16xi32>,
    %and3A_291 = arith.constant 65535 : i32
    %and3A_292 = vector.broadcast %and3A_291 : i32 to vector<16xi32>
    %and3A_293 = arith.andi %get3A_290, %and3A_292 : vector<16xi32>
    %swap3A_294 = arith.constant 0 : i32
    %swap3A_295 = arith.index_cast %swap3A_294 : i32 to index
    %swap3A_296 = arith.constant 0 : index
    %swap3A_297 = tpu.vector_load %arg8[%swap3A_295, %swap3A_296] {strides = array<i32>} : memref<1x64xi32, #tpu.memory_space<vmem>>, vector<16xi32>,
    tpu.vector_store %arg8[%swap3A_295, %swap3A_296], %and3A_293 {strides = array<i32>} : memref<1x64xi32, #tpu.memory_space<vmem>>, vector<16xi32>,
    %shift_right_logical3A_298 = arith.constant 16 : i32
    %shift_right_logical3A_299 = vector.broadcast %shift_right_logical3A_298 : i32 to vector<16xi32>
    %shift_right_logical3A_300 = arith.shrui %get3A_290, %shift_right_logical3A_299 : vector<16xi32>
    %swap3A_301 = arith.constant 0 : i32
    %swap3A_302 = arith.index_cast %swap3A_301 : i32 to index
    %swap3A_303 = arith.constant 32 : index
    %swap3A_304 = tpu.vector_load %arg8[%swap3A_302, %swap3A_303] {strides = array<i32>} : memref<1x64xi32, #tpu.memory_space<vmem>>, vector<16xi32>,
    tpu.vector_store %arg8[%swap3A_302, %swap3A_303], %shift_right_logical3A_300 {strides = array<i32>} : memref<1x64xi32, #tpu.memory_space<vmem>>, vector<16xi32>,
    %get3A_305 = arith.constant 5008 : index
    %get3A_306 = tpu.vector_load %arg6[%get3A_305] {strides = array<i32>} : memref<5120xi32, #tpu.memory_space<vmem>>, vector<16xi32>,
    %and3A_307 = arith.constant 65535 : i32
    %and3A_308 = vector.broadcast %and3A_307 : i32 to vector<16xi32>
    %and3A_309 = arith.andi %get3A_306, %and3A_308 : vector<16xi32>
    %swap3A_310 = arith.constant 0 : i32
    %swap3A_311 = arith.index_cast %swap3A_310 : i32 to index
    %swap3A_312 = arith.constant 16 : index
    %swap3A_313 = tpu.vector_load %arg8[%swap3A_311, %swap3A_312] {strides = array<i32>} : memref<1x64xi32, #tpu.memory_space<vmem>>, vector<16xi32>,
    tpu.vector_store %arg8[%swap3A_311, %swap3A_312], %and3A_309 {strides = array<i32>} : memref<1x64xi32, #tpu.memory_space<vmem>>, vector<16xi32>,
    %shift_right_logical3A_314 = arith.constant 16 : i32
    %shift_right_logical3A_315 = vector.broadcast %shift_right_logical3A_314 : i32 to vector<16xi32>
    %shift_right_logical3A_316 = arith.shrui %get3A_306, %shift_right_logical3A_315 : vector<16xi32>
    %swap3A_317 = arith.constant 0 : i32
    %swap3A_318 = arith.index_cast %swap3A_317 : i32 to index
    %swap3A_319 = arith.constant 48 : index
    %swap3A_320 = tpu.vector_load %arg8[%swap3A_318, %swap3A_319] {strides = array<i32>} : memref<1x64xi32, #tpu.memory_space<vmem>>, vector<16xi32>,
    tpu.vector_store %arg8[%swap3A_318, %swap3A_319], %shift_right_logical3A_316 {strides = array<i32>} : memref<1x64xi32, #tpu.memory_space<vmem>>, vector<16xi32>,
    %dma_start3A_321 = arith.constant 0 : i32
    %dma_start3A_322 = arith.constant 0 : i32
    %dma_start3A_323 = tpu.memref_slice %arg8[%dma_start3A_321, %dma_start3A_322] : memref<1x64xi32, #tpu.memory_space<vmem>> -> memref<1x64xi32, #tpu.memory_space<vmem>>
    %dma_start3A_324 = tpu.memref_squeeze %dma_start3A_323 : memref<1x64xi32, #tpu.memory_space<vmem>> -> memref<64xi32, #tpu.memory_space<vmem>>
    %dma_start3A_325 = arith.constant 0 : i32
    %dma_start3A_326 = arith.constant 0 : i32
    %dma_start3A_327 = tpu.memref_slice %arg2[%dma_start3A_325, %dma_start3A_326] : memref<10000x128xf32, #tpu.memory_space<hbm>> -> memref<10000x128xf32, #tpu.memory_space<hbm>>
    tpu.enqueue_indirect_dma source(%dma_start3A_327 : memref<10000x128xf32, #tpu.memory_space<hbm>>) target(%arg16 : memref<64x128xf32, #tpu.memory_space<vmem>>) offsets(%dma_start3A_324 : memref<64xi32, #tpu.memory_space<vmem>>) semaphore(%arg21 : memref<!tpu.dma_semaphore, #tpu.memory_space<semaphore_mem>>)
    %get3A_328 = arith.constant 4928 : index
    %get3A_329 = tpu.vector_load %arg7[%get3A_328] {strides = array<i32>} : memref<5120xi32, #tpu.memory_space<vmem>>, vector<16xi32>,
    %and3A_330 = arith.constant 65535 : i32
    %and3A_331 = vector.broadcast %and3A_330 : i32 to vector<16xi32>
    %and3A_332 = arith.andi %get3A_329, %and3A_331 : vector<16xi32>
    %swap3A_333 = arith.constant 0 : i32
    %swap3A_334 = arith.index_cast %swap3A_333 : i32 to index
    %swap3A_335 = arith.constant 0 : index
    %swap3A_336 = tpu.vector_load %arg14[%swap3A_334, %swap3A_335] {strides = array<i32>} : memref<1x64xi32, #tpu.memory_space<vmem>>, vector<16xi32>,
    tpu.vector_store %arg14[%swap3A_334, %swap3A_335], %and3A_332 {strides = array<i32>} : memref<1x64xi32, #tpu.memory_space<vmem>>, vector<16xi32>,
    %shift_right_logical3A_337 = arith.constant 16 : i32
    %shift_right_logical3A_338 = vector.broadcast %shift_right_logical3A_337 : i32 to vector<16xi32>
    %shift_right_logical3A_339 = arith.shrui %get3A_329, %shift_right_logical3A_338 : vector<16xi32>
    %swap3A_340 = arith.constant 0 : i32
    %swap3A_341 = arith.index_cast %swap3A_340 : i32 to index
    %swap3A_342 = arith.constant 32 : index
    %swap3A_343 = tpu.vector_load %arg14[%swap3A_341, %swap3A_342] {strides = array<i32>} : memref<1x64xi32, #tpu.memory_space<vmem>>, vector<16xi32>,
    tpu.vector_store %arg14[%swap3A_341, %swap3A_342], %shift_right_logical3A_339 {strides = array<i32>} : memref<1x64xi32, #tpu.memory_space<vmem>>, vector<16xi32>,
    %get3A_344 = arith.constant 4944 : index
    %get3A_345 = tpu.vector_load %arg7[%get3A_344] {strides = array<i32>} : memref<5120xi32, #tpu.memory_space<vmem>>, vector<16xi32>,
    %and3A_346 = arith.constant 65535 : i32
    %and3A_347 = vector.broadcast %and3A_346 : i32 to vector<16xi32>
    %and3A_348 = arith.andi %get3A_345, %and3A_347 : vector<16xi32>
    %swap3A_349 = arith.constant 0 : i32
    %swap3A_350 = arith.index_cast %swap3A_349 : i32 to index
    %swap3A_351 = arith.constant 16 : index
    %swap3A_352 = tpu.vector_load %arg14[%swap3A_350, %swap3A_351] {strides = array<i32>} : memref<1x64xi32, #tpu.memory_space<vmem>>, vector<16xi32>,
    tpu.vector_store %arg14[%swap3A_350, %swap3A_351], %and3A_348 {strides = array<i32>} : memref<1x64xi32, #tpu.memory_space<vmem>>, vector<16xi32>,
    %shift_right_logical3A_353 = arith.constant 16 : i32
    %shift_right_logical3A_354 = vector.broadcast %shift_right_logical3A_353 : i32 to vector<16xi32>
    %shift_right_logical3A_355 = arith.shrui %get3A_345, %shift_right_logical3A_354 : vector<16xi32>
    %swap3A_356 = arith.constant 0 : i32
    %swap3A_357 = arith.index_cast %swap3A_356 : i32 to index
    %swap3A_358 = arith.constant 48 : index
    %swap3A_359 = tpu.vector_load %arg14[%swap3A_357, %swap3A_358] {strides = array<i32>} : memref<1x64xi32, #tpu.memory_space<vmem>>, vector<16xi32>,
    tpu.vector_store %arg14[%swap3A_357, %swap3A_358], %shift_right_logical3A_355 {strides = array<i32>} : memref<1x64xi32, #tpu.memory_space<vmem>>, vector<16xi32>,
    %dma_start3A_360 = arith.constant 0 : i32
    %dma_start3A_361 = arith.constant 0 : i32
    %dma_start3A_362 = tpu.memref_slice %arg14[%dma_start3A_360, %dma_start3A_361] : memref<1x64xi32, #tpu.memory_space<vmem>> -> memref<1x64xi32, #tpu.memory_space<vmem>>
    %dma_start3A_363 = tpu.memref_squeeze %dma_start3A_362 : memref<1x64xi32, #tpu.memory_space<vmem>> -> memref<64xi32, #tpu.memory_space<vmem>>
    %dma_start3A_364 = arith.constant 0 : i32
    %dma_start3A_365 = arith.constant 0 : i32
    %dma_start3A_366 = tpu.memref_slice %arg20[%dma_start3A_364, %dma_start3A_365] : memref<10240x128xf32, #tpu.memory_space<vmem_shared>> -> memref<10240x128xf32, #tpu.memory_space<vmem_shared>>
    tpu.enqueue_indirect_dma source(%arg18 : memref<64x128xf32, #tpu.memory_space<vmem>>) target(%dma_start3A_366 : memref<10240x128xf32, #tpu.memory_space<vmem_shared>>) offsets(%dma_start3A_363 : memref<64xi32, #tpu.memory_space<vmem>>) semaphore(%arg27 : memref<!tpu.dma_semaphore, #tpu.memory_space<semaphore_mem>>) {add = true}
    %dma_wait3A_367 = arith.constant 0 : i32
    %dma_wait3A_368 = arith.constant 0 : i32
    %dma_wait3A_369 = tpu.memref_slice %arg2[%dma_wait3A_367, %dma_wait3A_368] : memref<10000x128xf32, #tpu.memory_space<hbm>> -> memref<64x128xf32, #tpu.memory_space<hbm>>
    %dma_wait3A_370 = arith.constant 0 : i32
    %dma_wait3A_371 = arith.constant 0 : i32
    %dma_wait3A_372 = tpu.memref_slice %arg2[%dma_wait3A_370, %dma_wait3A_371] : memref<10000x128xf32, #tpu.memory_space<hbm>> -> memref<64x128xf32, #tpu.memory_space<hbm>>
    tpu.wait_dma2 semaphore(%arg24 : memref<!tpu.dma_semaphore, #tpu.memory_space<semaphore_mem>>) src(%dma_wait3A_372 : memref<64x128xf32, #tpu.memory_space<hbm>>) dst(%arg19 : memref<64x128xf32, #tpu.memory_space<vmem>>)
    %dma_wait3A_373 = arith.constant 0 : i32
    %dma_wait3A_374 = arith.constant 0 : i32
    %dma_wait3A_375 = tpu.memref_slice %arg20[%dma_wait3A_373, %dma_wait3A_374] : memref<10240x128xf32, #tpu.memory_space<vmem_shared>> -> memref<64x128xf32, #tpu.memory_space<vmem_shared>>
    %dma_wait3A_376 = arith.constant 0 : i32
    %dma_wait3A_377 = arith.constant 0 : i32
    %dma_wait3A_378 = tpu.memref_slice %arg20[%dma_wait3A_376, %dma_wait3A_377] : memref<10240x128xf32, #tpu.memory_space<vmem_shared>> -> memref<64x128xf32, #tpu.memory_space<vmem_shared>>
    tpu.wait_dma2 semaphore(%arg26 : memref<!tpu.dma_semaphore, #tpu.memory_space<semaphore_mem>>) src(%arg17 : memref<64x128xf32, #tpu.memory_space<vmem>>) dst(%dma_wait3A_378 : memref<64x128xf32, #tpu.memory_space<vmem_shared>>)
    %get3A_379 = arith.constant 5024 : index
    %get3A_380 = tpu.vector_load %arg6[%get3A_379] {strides = array<i32>} : memref<5120xi32, #tpu.memory_space<vmem>>, vector<16xi32>,
    %and3A_381 = arith.constant 65535 : i32
    %and3A_382 = vector.broadcast %and3A_381 : i32 to vector<16xi32>
    %and3A_383 = arith.andi %get3A_380, %and3A_382 : vector<16xi32>
    %swap3A_384 = arith.constant 0 : i32
    %swap3A_385 = arith.index_cast %swap3A_384 : i32 to index
    %swap3A_386 = arith.constant 0 : index
    %swap3A_387 = tpu.vector_load %arg9[%swap3A_385, %swap3A_386] {strides = array<i32>} : memref<1x64xi32, #tpu.memory_space<vmem>>, vector<16xi32>,
    tpu.vector_store %arg9[%swap3A_385, %swap3A_386], %and3A_383 {strides = array<i32>} : memref<1x64xi32, #tpu.memory_space<vmem>>, vector<16xi32>,
    %shift_right_logical3A_388 = arith.constant 16 : i32
    %shift_right_logical3A_389 = vector.broadcast %shift_right_logical3A_388 : i32 to vector<16xi32>
    %shift_right_logical3A_390 = arith.shrui %get3A_380, %shift_right_logical3A_389 : vector<16xi32>
    %swap3A_391 = arith.constant 0 : i32
    %swap3A_392 = arith.index_cast %swap3A_391 : i32 to index
    %swap3A_393 = arith.constant 32 : index
    %swap3A_394 = tpu.vector_load %arg9[%swap3A_392, %swap3A_393] {strides = array<i32>} : memref<1x64xi32, #tpu.memory_space<vmem>>, vector<16xi32>,
    tpu.vector_store %arg9[%swap3A_392, %swap3A_393], %shift_right_logical3A_390 {strides = array<i32>} : memref<1x64xi32, #tpu.memory_space<vmem>>, vector<16xi32>,
    %get3A_395 = arith.constant 5040 : index
    %get3A_396 = tpu.vector_load %arg6[%get3A_395] {strides = array<i32>} : memref<5120xi32, #tpu.memory_space<vmem>>, vector<16xi32>,
    %and3A_397 = arith.constant 65535 : i32
    %and3A_398 = vector.broadcast %and3A_397 : i32 to vector<16xi32>
    %and3A_399 = arith.andi %get3A_396, %and3A_398 : vector<16xi32>
    %swap3A_400 = arith.constant 0 : i32
    %swap3A_401 = arith.index_cast %swap3A_400 : i32 to index
    %swap3A_402 = arith.constant 16 : index
    %swap3A_403 = tpu.vector_load %arg9[%swap3A_401, %swap3A_402] {strides = array<i32>} : memref<1x64xi32, #tpu.memory_space<vmem>>, vector<16xi32>,
    tpu.vector_store %arg9[%swap3A_401, %swap3A_402], %and3A_399 {strides = array<i32>} : memref<1x64xi32, #tpu.memory_space<vmem>>, vector<16xi32>,
    %shift_right_logical3A_404 = arith.constant 16 : i32
    %shift_right_logical3A_405 = vector.broadcast %shift_right_logical3A_404 : i32 to vector<16xi32>
    %shift_right_logical3A_406 = arith.shrui %get3A_396, %shift_right_logical3A_405 : vector<16xi32>
    %swap3A_407 = arith.constant 0 : i32
    %swap3A_408 = arith.index_cast %swap3A_407 : i32 to index
    %swap3A_409 = arith.constant 48 : index
    %swap3A_410 = tpu.vector_load %arg9[%swap3A_408, %swap3A_409] {strides = array<i32>} : memref<1x64xi32, #tpu.memory_space<vmem>>, vector<16xi32>,
    tpu.vector_store %arg9[%swap3A_408, %swap3A_409], %shift_right_logical3A_406 {strides = array<i32>} : memref<1x64xi32, #tpu.memory_space<vmem>>, vector<16xi32>,
    %dma_start3A_411 = arith.constant 0 : i32
    %dma_start3A_412 = arith.constant 0 : i32
    %dma_start3A_413 = tpu.memref_slice %arg9[%dma_start3A_411, %dma_start3A_412] : memref<1x64xi32, #tpu.memory_space<vmem>> -> memref<1x64xi32, #tpu.memory_space<vmem>>
    %dma_start3A_414 = tpu.memref_squeeze %dma_start3A_413 : memref<1x64xi32, #tpu.memory_space<vmem>> -> memref<64xi32, #tpu.memory_space<vmem>>
    %dma_start3A_415 = arith.constant 0 : i32
    %dma_start3A_416 = arith.constant 0 : i32
    %dma_start3A_417 = tpu.memref_slice %arg2[%dma_start3A_415, %dma_start3A_416] : memref<10000x128xf32, #tpu.memory_space<hbm>> -> memref<10000x128xf32, #tpu.memory_space<hbm>>
    tpu.enqueue_indirect_dma source(%dma_start3A_417 : memref<10000x128xf32, #tpu.memory_space<hbm>>) target(%arg17 : memref<64x128xf32, #tpu.memory_space<vmem>>) offsets(%dma_start3A_414 : memref<64xi32, #tpu.memory_space<vmem>>) semaphore(%arg22 : memref<!tpu.dma_semaphore, #tpu.memory_space<semaphore_mem>>)
    %get3A_418 = arith.constant 4960 : index
    %get3A_419 = tpu.vector_load %arg7[%get3A_418] {strides = array<i32>} : memref<5120xi32, #tpu.memory_space<vmem>>, vector<16xi32>,
    %and3A_420 = arith.constant 65535 : i32
    %and3A_421 = vector.broadcast %and3A_420 : i32 to vector<16xi32>
    %and3A_422 = arith.andi %get3A_419, %and3A_421 : vector<16xi32>
    %swap3A_423 = arith.constant 0 : i32
    %swap3A_424 = arith.index_cast %swap3A_423 : i32 to index
    %swap3A_425 = arith.constant 0 : index
    %swap3A_426 = tpu.vector_load %arg15[%swap3A_424, %swap3A_425] {strides = array<i32>} : memref<1x64xi32, #tpu.memory_space<vmem>>, vector<16xi32>,
    tpu.vector_store %arg15[%swap3A_424, %swap3A_425], %and3A_422 {strides = array<i32>} : memref<1x64xi32, #tpu.memory_space<vmem>>, vector<16xi32>,
    %shift_right_logical3A_427 = arith.constant 16 : i32
    %shift_right_logical3A_428 = vector.broadcast %shift_right_logical3A_427 : i32 to vector<16xi32>
    %shift_right_logical3A_429 = arith.shrui %get3A_419, %shift_right_logical3A_428 : vector<16xi32>
    %swap3A_430 = arith.constant 0 : i32
    %swap3A_431 = arith.index_cast %swap3A_430 : i32 to index
    %swap3A_432 = arith.constant 32 : index
    %swap3A_433 = tpu.vector_load %arg15[%swap3A_431, %swap3A_432] {strides = array<i32>} : memref<1x64xi32, #tpu.memory_space<vmem>>, vector<16xi32>,
    tpu.vector_store %arg15[%swap3A_431, %swap3A_432], %shift_right_logical3A_429 {strides = array<i32>} : memref<1x64xi32, #tpu.memory_space<vmem>>, vector<16xi32>,
    %get3A_434 = arith.constant 4976 : index
    %get3A_435 = tpu.vector_load %arg7[%get3A_434] {strides = array<i32>} : memref<5120xi32, #tpu.memory_space<vmem>>, vector<16xi32>,
    %and3A_436 = arith.constant 65535 : i32
    %and3A_437 = vector.broadcast %and3A_436 : i32 to vector<16xi32>
    %and3A_438 = arith.andi %get3A_435, %and3A_437 : vector<16xi32>
    %swap3A_439 = arith.constant 0 : i32
    %swap3A_440 = arith.index_cast %swap3A_439 : i32 to index
    %swap3A_441 = arith.constant 16 : index
    %swap3A_442 = tpu.vector_load %arg15[%swap3A_440, %swap3A_441] {strides = array<i32>} : memref<1x64xi32, #tpu.memory_space<vmem>>, vector<16xi32>,
    tpu.vector_store %arg15[%swap3A_440, %swap3A_441], %and3A_438 {strides = array<i32>} : memref<1x64xi32, #tpu.memory_space<vmem>>, vector<16xi32>,
    %shift_right_logical3A_443 = arith.constant 16 : i32
    %shift_right_logical3A_444 = vector.broadcast %shift_right_logical3A_443 : i32 to vector<16xi32>
    %shift_right_logical3A_445 = arith.shrui %get3A_435, %shift_right_logical3A_444 : vector<16xi32>
    %swap3A_446 = arith.constant 0 : i32
    %swap3A_447 = arith.index_cast %swap3A_446 : i32 to index
    %swap3A_448 = arith.constant 48 : index
    %swap3A_449 = tpu.vector_load %arg15[%swap3A_447, %swap3A_448] {strides = array<i32>} : memref<1x64xi32, #tpu.memory_space<vmem>>, vector<16xi32>,
    tpu.vector_store %arg15[%swap3A_447, %swap3A_448], %shift_right_logical3A_445 {strides = array<i32>} : memref<1x64xi32, #tpu.memory_space<vmem>>, vector<16xi32>,
    %dma_start3A_450 = arith.constant 0 : i32
    %dma_start3A_451 = arith.constant 0 : i32
    %dma_start3A_452 = tpu.memref_slice %arg15[%dma_start3A_450, %dma_start3A_451] : memref<1x64xi32, #tpu.memory_space<vmem>> -> memref<1x64xi32, #tpu.memory_space<vmem>>
    %dma_start3A_453 = tpu.memref_squeeze %dma_start3A_452 : memref<1x64xi32, #tpu.memory_space<vmem>> -> memref<64xi32, #tpu.memory_space<vmem>>
    %dma_start3A_454 = arith.constant 0 : i32
    %dma_start3A_455 = arith.constant 0 : i32
    %dma_start3A_456 = tpu.memref_slice %arg20[%dma_start3A_454, %dma_start3A_455] : memref<10240x128xf32, #tpu.memory_space<vmem_shared>> -> memref<10240x128xf32, #tpu.memory_space<vmem_shared>>
    tpu.enqueue_indirect_dma source(%arg19 : memref<64x128xf32, #tpu.memory_space<vmem>>) target(%dma_start3A_456 : memref<10240x128xf32, #tpu.memory_space<vmem_shared>>) offsets(%dma_start3A_453 : memref<64xi32, #tpu.memory_space<vmem>>) semaphore(%arg28 : memref<!tpu.dma_semaphore, #tpu.memory_space<semaphore_mem>>) {add = true}
    %dma_wait3A_457 = arith.constant 0 : i32
    %dma_wait3A_458 = arith.constant 0 : i32
    %dma_wait3A_459 = tpu.memref_slice %arg2[%dma_wait3A_457, %dma_wait3A_458] : memref<10000x128xf32, #tpu.memory_space<hbm>> -> memref<64x128xf32, #tpu.memory_space<hbm>>
    %dma_wait3A_460 = arith.constant 0 : i32
    %dma_wait3A_461 = arith.constant 0 : i32
    %dma_wait3A_462 = tpu.memref_slice %arg2[%dma_wait3A_460, %dma_wait3A_461] : memref<10000x128xf32, #tpu.memory_space<hbm>> -> memref<64x128xf32, #tpu.memory_space<hbm>>
    tpu.wait_dma2 semaphore(%arg21 : memref<!tpu.dma_semaphore, #tpu.memory_space<semaphore_mem>>) src(%dma_wait3A_462 : memref<64x128xf32, #tpu.memory_space<hbm>>) dst(%arg16 : memref<64x128xf32, #tpu.memory_space<vmem>>)
    %dma_wait3A_463 = arith.constant 0 : i32
    %dma_wait3A_464 = arith.constant 0 : i32
    %dma_wait3A_465 = tpu.memref_slice %arg20[%dma_wait3A_463, %dma_wait3A_464] : memref<10240x128xf32, #tpu.memory_space<vmem_shared>> -> memref<64x128xf32, #tpu.memory_space<vmem_shared>>
    %dma_wait3A_466 = arith.constant 0 : i32
    %dma_wait3A_467 = arith.constant 0 : i32
    %dma_wait3A_468 = tpu.memref_slice %arg20[%dma_wait3A_466, %dma_wait3A_467] : memref<10240x128xf32, #tpu.memory_space<vmem_shared>> -> memref<64x128xf32, #tpu.memory_space<vmem_shared>>
    tpu.wait_dma2 semaphore(%arg27 : memref<!tpu.dma_semaphore, #tpu.memory_space<semaphore_mem>>) src(%arg18 : memref<64x128xf32, #tpu.memory_space<vmem>>) dst(%dma_wait3A_468 : memref<64x128xf32, #tpu.memory_space<vmem_shared>>)
    %get3A_469 = arith.constant 5056 : index
    %get3A_470 = tpu.vector_load %arg6[%get3A_469] {strides = array<i32>} : memref<5120xi32, #tpu.memory_space<vmem>>, vector<16xi32>,
    %and3A_471 = arith.constant 65535 : i32
    %and3A_472 = vector.broadcast %and3A_471 : i32 to vector<16xi32>
    %and3A_473 = arith.andi %get3A_470, %and3A_472 : vector<16xi32>
    %swap3A_474 = arith.constant 0 : i32
    %swap3A_475 = arith.index_cast %swap3A_474 : i32 to index
    %swap3A_476 = arith.constant 0 : index
    %swap3A_477 = tpu.vector_load %arg10[%swap3A_475, %swap3A_476] {strides = array<i32>} : memref<1x64xi32, #tpu.memory_space<vmem>>, vector<16xi32>,
    tpu.vector_store %arg10[%swap3A_475, %swap3A_476], %and3A_473 {strides = array<i32>} : memref<1x64xi32, #tpu.memory_space<vmem>>, vector<16xi32>,
    %shift_right_logical3A_478 = arith.constant 16 : i32
    %shift_right_logical3A_479 = vector.broadcast %shift_right_logical3A_478 : i32 to vector<16xi32>
    %shift_right_logical3A_480 = arith.shrui %get3A_470, %shift_right_logical3A_479 : vector<16xi32>
    %swap3A_481 = arith.constant 0 : i32
    %swap3A_482 = arith.index_cast %swap3A_481 : i32 to index
    %swap3A_483 = arith.constant 32 : index
    %swap3A_484 = tpu.vector_load %arg10[%swap3A_482, %swap3A_483] {strides = array<i32>} : memref<1x64xi32, #tpu.memory_space<vmem>>, vector<16xi32>,
    tpu.vector_store %arg10[%swap3A_482, %swap3A_483], %shift_right_logical3A_480 {strides = array<i32>} : memref<1x64xi32, #tpu.memory_space<vmem>>, vector<16xi32>,
    %get3A_485 = arith.constant 5072 : index
    %get3A_486 = tpu.vector_load %arg6[%get3A_485] {strides = array<i32>} : memref<5120xi32, #tpu.memory_space<vmem>>, vector<16xi32>,
    %and3A_487 = arith.constant 65535 : i32
    %and3A_488 = vector.broadcast %and3A_487 : i32 to vector<16xi32>
    %and3A_489 = arith.andi %get3A_486, %and3A_488 : vector<16xi32>
    %swap3A_490 = arith.constant 0 : i32
    %swap3A_491 = arith.index_cast %swap3A_490 : i32 to index
    %swap3A_492 = arith.constant 16 : index
    %swap3A_493 = tpu.vector_load %arg10[%swap3A_491, %swap3A_492] {strides = array<i32>} : memref<1x64xi32, #tpu.memory_space<vmem>>, vector<16xi32>,
    tpu.vector_store %arg10[%swap3A_491, %swap3A_492], %and3A_489 {strides = array<i32>} : memref<1x64xi32, #tpu.memory_space<vmem>>, vector<16xi32>,
    %shift_right_logical3A_494 = arith.constant 16 : i32
    %shift_right_logical3A_495 = vector.broadcast %shift_right_logical3A_494 : i32 to vector<16xi32>
    %shift_right_logical3A_496 = arith.shrui %get3A_486, %shift_right_logical3A_495 : vector<16xi32>
    %swap3A_497 = arith.constant 0 : i32
    %swap3A_498 = arith.index_cast %swap3A_497 : i32 to index
    %swap3A_499 = arith.constant 48 : index
    %swap3A_500 = tpu.vector_load %arg10[%swap3A_498, %swap3A_499] {strides = array<i32>} : memref<1x64xi32, #tpu.memory_space<vmem>>, vector<16xi32>,
    tpu.vector_store %arg10[%swap3A_498, %swap3A_499], %shift_right_logical3A_496 {strides = array<i32>} : memref<1x64xi32, #tpu.memory_space<vmem>>, vector<16xi32>,
    %dma_start3A_501 = arith.constant 0 : i32
    %dma_start3A_502 = arith.constant 0 : i32
    %dma_start3A_503 = tpu.memref_slice %arg10[%dma_start3A_501, %dma_start3A_502] : memref<1x64xi32, #tpu.memory_space<vmem>> -> memref<1x64xi32, #tpu.memory_space<vmem>>
    %dma_start3A_504 = tpu.memref_squeeze %dma_start3A_503 : memref<1x64xi32, #tpu.memory_space<vmem>> -> memref<64xi32, #tpu.memory_space<vmem>>
    %dma_start3A_505 = arith.constant 0 : i32
    %dma_start3A_506 = arith.constant 0 : i32
    %dma_start3A_507 = tpu.memref_slice %arg2[%dma_start3A_505, %dma_start3A_506] : memref<10000x128xf32, #tpu.memory_space<hbm>> -> memref<10000x128xf32, #tpu.memory_space<hbm>>
    tpu.enqueue_indirect_dma source(%dma_start3A_507 : memref<10000x128xf32, #tpu.memory_space<hbm>>) target(%arg18 : memref<64x128xf32, #tpu.memory_space<vmem>>) offsets(%dma_start3A_504 : memref<64xi32, #tpu.memory_space<vmem>>) semaphore(%arg23 : memref<!tpu.dma_semaphore, #tpu.memory_space<semaphore_mem>>)
    %get3A_508 = arith.constant 4992 : index
    %get3A_509 = tpu.vector_load %arg7[%get3A_508] {strides = array<i32>} : memref<5120xi32, #tpu.memory_space<vmem>>, vector<16xi32>,
    %and3A_510 = arith.constant 65535 : i32
    %and3A_511 = vector.broadcast %and3A_510 : i32 to vector<16xi32>
    %and3A_512 = arith.andi %get3A_509, %and3A_511 : vector<16xi32>
    %swap3A_513 = arith.constant 0 : i32
    %swap3A_514 = arith.index_cast %swap3A_513 : i32 to index
    %swap3A_515 = arith.constant 0 : index
    %swap3A_516 = tpu.vector_load %arg12[%swap3A_514, %swap3A_515] {strides = array<i32>} : memref<1x64xi32, #tpu.memory_space<vmem>>, vector<16xi32>,
    tpu.vector_store %arg12[%swap3A_514, %swap3A_515], %and3A_512 {strides = array<i32>} : memref<1x64xi32, #tpu.memory_space<vmem>>, vector<16xi32>,
    %shift_right_logical3A_517 = arith.constant 16 : i32
    %shift_right_logical3A_518 = vector.broadcast %shift_right_logical3A_517 : i32 to vector<16xi32>
    %shift_right_logical3A_519 = arith.shrui %get3A_509, %shift_right_logical3A_518 : vector<16xi32>
    %swap3A_520 = arith.constant 0 : i32
    %swap3A_521 = arith.index_cast %swap3A_520 : i32 to index
    %swap3A_522 = arith.constant 32 : index
    %swap3A_523 = tpu.vector_load %arg12[%swap3A_521, %swap3A_522] {strides = array<i32>} : memref<1x64xi32, #tpu.memory_space<vmem>>, vector<16xi32>,
    tpu.vector_store %arg12[%swap3A_521, %swap3A_522], %shift_right_logical3A_519 {strides = array<i32>} : memref<1x64xi32, #tpu.memory_space<vmem>>, vector<16xi32>,
    %get3A_524 = arith.constant 5008 : index
    %get3A_525 = tpu.vector_load %arg7[%get3A_524] {strides = array<i32>} : memref<5120xi32, #tpu.memory_space<vmem>>, vector<16xi32>,
    %and3A_526 = arith.constant 65535 : i32
    %and3A_527 = vector.broadcast %and3A_526 : i32 to vector<16xi32>
    %and3A_528 = arith.andi %get3A_525, %and3A_527 : vector<16xi32>
    %swap3A_529 = arith.constant 0 : i32
    %swap3A_530 = arith.index_cast %swap3A_529 : i32 to index
    %swap3A_531 = arith.constant 16 : index
    %swap3A_532 = tpu.vector_load %arg12[%swap3A_530, %swap3A_531] {strides = array<i32>} : memref<1x64xi32, #tpu.memory_space<vmem>>, vector<16xi32>,
    tpu.vector_store %arg12[%swap3A_530, %swap3A_531], %and3A_528 {strides = array<i32>} : memref<1x64xi32, #tpu.memory_space<vmem>>, vector<16xi32>,
    %shift_right_logical3A_533 = arith.constant 16 : i32
    %shift_right_logical3A_534 = vector.broadcast %shift_right_logical3A_533 : i32 to vector<16xi32>
    %shift_right_logical3A_535 = arith.shrui %get3A_525, %shift_right_logical3A_534 : vector<16xi32>
    %swap3A_536 = arith.constant 0 : i32
    %swap3A_537 = arith.index_cast %swap3A_536 : i32 to index
    %swap3A_538 = arith.constant 48 : index
    %swap3A_539 = tpu.vector_load %arg12[%swap3A_537, %swap3A_538] {strides = array<i32>} : memref<1x64xi32, #tpu.memory_space<vmem>>, vector<16xi32>,
    tpu.vector_store %arg12[%swap3A_537, %swap3A_538], %shift_right_logical3A_535 {strides = array<i32>} : memref<1x64xi32, #tpu.memory_space<vmem>>, vector<16xi32>,
    %dma_start3A_540 = arith.constant 0 : i32
    %dma_start3A_541 = arith.constant 0 : i32
    %dma_start3A_542 = tpu.memref_slice %arg12[%dma_start3A_540, %dma_start3A_541] : memref<1x64xi32, #tpu.memory_space<vmem>> -> memref<1x64xi32, #tpu.memory_space<vmem>>
    %dma_start3A_543 = tpu.memref_squeeze %dma_start3A_542 : memref<1x64xi32, #tpu.memory_space<vmem>> -> memref<64xi32, #tpu.memory_space<vmem>>
    %dma_start3A_544 = arith.constant 0 : i32
    %dma_start3A_545 = arith.constant 0 : i32
    %dma_start3A_546 = tpu.memref_slice %arg20[%dma_start3A_544, %dma_start3A_545] : memref<10240x128xf32, #tpu.memory_space<vmem_shared>> -> memref<10240x128xf32, #tpu.memory_space<vmem_shared>>
    tpu.enqueue_indirect_dma source(%arg16 : memref<64x128xf32, #tpu.memory_space<vmem>>) target(%dma_start3A_546 : memref<10240x128xf32, #tpu.memory_space<vmem_shared>>) offsets(%dma_start3A_543 : memref<64xi32, #tpu.memory_space<vmem>>) semaphore(%arg25 : memref<!tpu.dma_semaphore, #tpu.memory_space<semaphore_mem>>) {add = true}
    %dma_wait3A_547 = arith.constant 0 : i32
    %dma_wait3A_548 = arith.constant 0 : i32
    %dma_wait3A_549 = tpu.memref_slice %arg2[%dma_wait3A_547, %dma_wait3A_548] : memref<10000x128xf32, #tpu.memory_space<hbm>> -> memref<64x128xf32, #tpu.memory_space<hbm>>
    %dma_wait3A_550 = arith.constant 0 : i32
    %dma_wait3A_551 = arith.constant 0 : i32
    %dma_wait3A_552 = tpu.memref_slice %arg2[%dma_wait3A_550, %dma_wait3A_551] : memref<10000x128xf32, #tpu.memory_space<hbm>> -> memref<64x128xf32, #tpu.memory_space<hbm>>
    tpu.wait_dma2 semaphore(%arg22 : memref<!tpu.dma_semaphore, #tpu.memory_space<semaphore_mem>>) src(%dma_wait3A_552 : memref<64x128xf32, #tpu.memory_space<hbm>>) dst(%arg17 : memref<64x128xf32, #tpu.memory_space<vmem>>)
    %dma_wait3A_553 = arith.constant 0 : i32
    %dma_wait3A_554 = arith.constant 0 : i32
    %dma_wait3A_555 = tpu.memref_slice %arg20[%dma_wait3A_553, %dma_wait3A_554] : memref<10240x128xf32, #tpu.memory_space<vmem_shared>> -> memref<64x128xf32, #tpu.memory_space<vmem_shared>>
    %dma_wait3A_556 = arith.constant 0 : i32
    %dma_wait3A_557 = arith.constant 0 : i32
    %dma_wait3A_558 = tpu.memref_slice %arg20[%dma_wait3A_556, %dma_wait3A_557] : memref<10240x128xf32, #tpu.memory_space<vmem_shared>> -> memref<64x128xf32, #tpu.memory_space<vmem_shared>>
    tpu.wait_dma2 semaphore(%arg28 : memref<!tpu.dma_semaphore, #tpu.memory_space<semaphore_mem>>) src(%arg19 : memref<64x128xf32, #tpu.memory_space<vmem>>) dst(%dma_wait3A_558 : memref<64x128xf32, #tpu.memory_space<vmem_shared>>)
    %get3A_559 = arith.constant 5088 : index
    %get3A_560 = tpu.vector_load %arg6[%get3A_559] {strides = array<i32>} : memref<5120xi32, #tpu.memory_space<vmem>>, vector<16xi32>,
    %and3A_561 = arith.constant 65535 : i32
    %and3A_562 = vector.broadcast %and3A_561 : i32 to vector<16xi32>
    %and3A_563 = arith.andi %get3A_560, %and3A_562 : vector<16xi32>
    %swap3A_564 = arith.constant 0 : i32
    %swap3A_565 = arith.index_cast %swap3A_564 : i32 to index
    %swap3A_566 = arith.constant 0 : index
    %swap3A_567 = tpu.vector_load %arg11[%swap3A_565, %swap3A_566] {strides = array<i32>} : memref<1x64xi32, #tpu.memory_space<vmem>>, vector<16xi32>,
    tpu.vector_store %arg11[%swap3A_565, %swap3A_566], %and3A_563 {strides = array<i32>} : memref<1x64xi32, #tpu.memory_space<vmem>>, vector<16xi32>,
    %shift_right_logical3A_568 = arith.constant 16 : i32
    %shift_right_logical3A_569 = vector.broadcast %shift_right_logical3A_568 : i32 to vector<16xi32>
    %shift_right_logical3A_570 = arith.shrui %get3A_560, %shift_right_logical3A_569 : vector<16xi32>
    %swap3A_571 = arith.constant 0 : i32
    %swap3A_572 = arith.index_cast %swap3A_571 : i32 to index
    %swap3A_573 = arith.constant 32 : index
    %swap3A_574 = tpu.vector_load %arg11[%swap3A_572, %swap3A_573] {strides = array<i32>} : memref<1x64xi32, #tpu.memory_space<vmem>>, vector<16xi32>,
    tpu.vector_store %arg11[%swap3A_572, %swap3A_573], %shift_right_logical3A_570 {strides = array<i32>} : memref<1x64xi32, #tpu.memory_space<vmem>>, vector<16xi32>,
    %get3A_575 = arith.constant 5104 : index
    %get3A_576 = tpu.vector_load %arg6[%get3A_575] {strides = array<i32>} : memref<5120xi32, #tpu.memory_space<vmem>>, vector<16xi32>,
    %and3A_577 = arith.constant 65535 : i32
    %and3A_578 = vector.broadcast %and3A_577 : i32 to vector<16xi32>
    %and3A_579 = arith.andi %get3A_576, %and3A_578 : vector<16xi32>
    %swap3A_580 = arith.constant 0 : i32
    %swap3A_581 = arith.index_cast %swap3A_580 : i32 to index
    %swap3A_582 = arith.constant 16 : index
    %swap3A_583 = tpu.vector_load %arg11[%swap3A_581, %swap3A_582] {strides = array<i32>} : memref<1x64xi32, #tpu.memory_space<vmem>>, vector<16xi32>,
    tpu.vector_store %arg11[%swap3A_581, %swap3A_582], %and3A_579 {strides = array<i32>} : memref<1x64xi32, #tpu.memory_space<vmem>>, vector<16xi32>,
    %shift_right_logical3A_584 = arith.constant 16 : i32
    %shift_right_logical3A_585 = vector.broadcast %shift_right_logical3A_584 : i32 to vector<16xi32>
    %shift_right_logical3A_586 = arith.shrui %get3A_576, %shift_right_logical3A_585 : vector<16xi32>
    %swap3A_587 = arith.constant 0 : i32
    %swap3A_588 = arith.index_cast %swap3A_587 : i32 to index
    %swap3A_589 = arith.constant 48 : index
    %swap3A_590 = tpu.vector_load %arg11[%swap3A_588, %swap3A_589] {strides = array<i32>} : memref<1x64xi32, #tpu.memory_space<vmem>>, vector<16xi32>,
    tpu.vector_store %arg11[%swap3A_588, %swap3A_589], %shift_right_logical3A_586 {strides = array<i32>} : memref<1x64xi32, #tpu.memory_space<vmem>>, vector<16xi32>,
    %dma_start3A_591 = arith.constant 0 : i32
    %dma_start3A_592 = arith.constant 0 : i32
    %dma_start3A_593 = tpu.memref_slice %arg11[%dma_start3A_591, %dma_start3A_592] : memref<1x64xi32, #tpu.memory_space<vmem>> -> memref<1x64xi32, #tpu.memory_space<vmem>>
    %dma_start3A_594 = tpu.memref_squeeze %dma_start3A_593 : memref<1x64xi32, #tpu.memory_space<vmem>> -> memref<64xi32, #tpu.memory_space<vmem>>
    %dma_start3A_595 = arith.constant 0 : i32
    %dma_start3A_596 = arith.constant 0 : i32
    %dma_start3A_597 = tpu.memref_slice %arg2[%dma_start3A_595, %dma_start3A_596] : memref<10000x128xf32, #tpu.memory_space<hbm>> -> memref<10000x128xf32, #tpu.memory_space<hbm>>
    tpu.enqueue_indirect_dma source(%dma_start3A_597 : memref<10000x128xf32, #tpu.memory_space<hbm>>) target(%arg19 : memref<64x128xf32, #tpu.memory_space<vmem>>) offsets(%dma_start3A_594 : memref<64xi32, #tpu.memory_space<vmem>>) semaphore(%arg24 : memref<!tpu.dma_semaphore, #tpu.memory_space<semaphore_mem>>)
    %get3A_598 = arith.constant 5024 : index
    %get3A_599 = tpu.vector_load %arg7[%get3A_598] {strides = array<i32>} : memref<5120xi32, #tpu.memory_space<vmem>>, vector<16xi32>,
    %and3A_600 = arith.constant 65535 : i32
    %and3A_601 = vector.broadcast %and3A_600 : i32 to vector<16xi32>
    %and3A_602 = arith.andi %get3A_599, %and3A_601 : vector<16xi32>
    %swap3A_603 = arith.constant 0 : i32
    %swap3A_604 = arith.index_cast %swap3A_603 : i32 to index
    %swap3A_605 = arith.constant 0 : index
    %swap3A_606 = tpu.vector_load %arg13[%swap3A_604, %swap3A_605] {strides = array<i32>} : memref<1x64xi32, #tpu.memory_space<vmem>>, vector<16xi32>,
    tpu.vector_store %arg13[%swap3A_604, %swap3A_605], %and3A_602 {strides = array<i32>} : memref<1x64xi32, #tpu.memory_space<vmem>>, vector<16xi32>,
    %shift_right_logical3A_607 = arith.constant 16 : i32
    %shift_right_logical3A_608 = vector.broadcast %shift_right_logical3A_607 : i32 to vector<16xi32>
    %shift_right_logical3A_609 = arith.shrui %get3A_599, %shift_right_logical3A_608 : vector<16xi32>
    %swap3A_610 = arith.constant 0 : i32
    %swap3A_611 = arith.index_cast %swap3A_610 : i32 to index
    %swap3A_612 = arith.constant 32 : index
    %swap3A_613 = tpu.vector_load %arg13[%swap3A_611, %swap3A_612] {strides = array<i32>} : memref<1x64xi32, #tpu.memory_space<vmem>>, vector<16xi32>,
    tpu.vector_store %arg13[%swap3A_611, %swap3A_612], %shift_right_logical3A_609 {strides = array<i32>} : memref<1x64xi32, #tpu.memory_space<vmem>>, vector<16xi32>,
    %get3A_614 = arith.constant 5040 : index
    %get3A_615 = tpu.vector_load %arg7[%get3A_614] {strides = array<i32>} : memref<5120xi32, #tpu.memory_space<vmem>>, vector<16xi32>,
    %and3A_616 = arith.constant 65535 : i32
    %and3A_617 = vector.broadcast %and3A_616 : i32 to vector<16xi32>
    %and3A_618 = arith.andi %get3A_615, %and3A_617 : vector<16xi32>
    %swap3A_619 = arith.constant 0 : i32
    %swap3A_620 = arith.index_cast %swap3A_619 : i32 to index
    %swap3A_621 = arith.constant 16 : index
    %swap3A_622 = tpu.vector_load %arg13[%swap3A_620, %swap3A_621] {strides = array<i32>} : memref<1x64xi32, #tpu.memory_space<vmem>>, vector<16xi32>,
    tpu.vector_store %arg13[%swap3A_620, %swap3A_621], %and3A_618 {strides = array<i32>} : memref<1x64xi32, #tpu.memory_space<vmem>>, vector<16xi32>,
    %shift_right_logical3A_623 = arith.constant 16 : i32
    %shift_right_logical3A_624 = vector.broadcast %shift_right_logical3A_623 : i32 to vector<16xi32>
    %shift_right_logical3A_625 = arith.shrui %get3A_615, %shift_right_logical3A_624 : vector<16xi32>
    %swap3A_626 = arith.constant 0 : i32
    %swap3A_627 = arith.index_cast %swap3A_626 : i32 to index
    %swap3A_628 = arith.constant 48 : index
    %swap3A_629 = tpu.vector_load %arg13[%swap3A_627, %swap3A_628] {strides = array<i32>} : memref<1x64xi32, #tpu.memory_space<vmem>>, vector<16xi32>,
    tpu.vector_store %arg13[%swap3A_627, %swap3A_628], %shift_right_logical3A_625 {strides = array<i32>} : memref<1x64xi32, #tpu.memory_space<vmem>>, vector<16xi32>,
    %dma_start3A_630 = arith.constant 0 : i32
    %dma_start3A_631 = arith.constant 0 : i32
    %dma_start3A_632 = tpu.memref_slice %arg13[%dma_start3A_630, %dma_start3A_631] : memref<1x64xi32, #tpu.memory_space<vmem>> -> memref<1x64xi32, #tpu.memory_space<vmem>>
    %dma_start3A_633 = tpu.memref_squeeze %dma_start3A_632 : memref<1x64xi32, #tpu.memory_space<vmem>> -> memref<64xi32, #tpu.memory_space<vmem>>
    %dma_start3A_634 = arith.constant 0 : i32
    %dma_start3A_635 = arith.constant 0 : i32
    %dma_start3A_636 = tpu.memref_slice %arg20[%dma_start3A_634, %dma_start3A_635] : memref<10240x128xf32, #tpu.memory_space<vmem_shared>> -> memref<10240x128xf32, #tpu.memory_space<vmem_shared>>
    tpu.enqueue_indirect_dma source(%arg17 : memref<64x128xf32, #tpu.memory_space<vmem>>) target(%dma_start3A_636 : memref<10240x128xf32, #tpu.memory_space<vmem_shared>>) offsets(%dma_start3A_633 : memref<64xi32, #tpu.memory_space<vmem>>) semaphore(%arg26 : memref<!tpu.dma_semaphore, #tpu.memory_space<semaphore_mem>>) {add = true}
    %dma_wait3A_637 = arith.constant 0 : i32
    %dma_wait3A_638 = arith.constant 0 : i32
    %dma_wait3A_639 = tpu.memref_slice %arg2[%dma_wait3A_637, %dma_wait3A_638] : memref<10000x128xf32, #tpu.memory_space<hbm>> -> memref<64x128xf32, #tpu.memory_space<hbm>>
    %dma_wait3A_640 = arith.constant 0 : i32
    %dma_wait3A_641 = arith.constant 0 : i32
    %dma_wait3A_642 = tpu.memref_slice %arg2[%dma_wait3A_640, %dma_wait3A_641] : memref<10000x128xf32, #tpu.memory_space<hbm>> -> memref<64x128xf32, #tpu.memory_space<hbm>>
    tpu.wait_dma2 semaphore(%arg23 : memref<!tpu.dma_semaphore, #tpu.memory_space<semaphore_mem>>) src(%dma_wait3A_642 : memref<64x128xf32, #tpu.memory_space<hbm>>) dst(%arg18 : memref<64x128xf32, #tpu.memory_space<vmem>>)
    %get3A_643 = arith.constant 5056 : index
    %get3A_644 = tpu.vector_load %arg7[%get3A_643] {strides = array<i32>} : memref<5120xi32, #tpu.memory_space<vmem>>, vector<16xi32>,
    %and3A_645 = arith.constant 65535 : i32
    %and3A_646 = vector.broadcast %and3A_645 : i32 to vector<16xi32>
    %and3A_647 = arith.andi %get3A_644, %and3A_646 : vector<16xi32>
    %swap3A_648 = arith.constant 0 : i32
    %swap3A_649 = arith.index_cast %swap3A_648 : i32 to index
    %swap3A_650 = arith.constant 0 : index
    %swap3A_651 = tpu.vector_load %arg14[%swap3A_649, %swap3A_650] {strides = array<i32>} : memref<1x64xi32, #tpu.memory_space<vmem>>, vector<16xi32>,
    tpu.vector_store %arg14[%swap3A_649, %swap3A_650], %and3A_647 {strides = array<i32>} : memref<1x64xi32, #tpu.memory_space<vmem>>, vector<16xi32>,
    %shift_right_logical3A_652 = arith.constant 16 : i32
    %shift_right_logical3A_653 = vector.broadcast %shift_right_logical3A_652 : i32 to vector<16xi32>
    %shift_right_logical3A_654 = arith.shrui %get3A_644, %shift_right_logical3A_653 : vector<16xi32>
    %swap3A_655 = arith.constant 0 : i32
    %swap3A_656 = arith.index_cast %swap3A_655 : i32 to index
    %swap3A_657 = arith.constant 32 : index
    %swap3A_658 = tpu.vector_load %arg14[%swap3A_656, %swap3A_657] {strides = array<i32>} : memref<1x64xi32, #tpu.memory_space<vmem>>, vector<16xi32>,
    tpu.vector_store %arg14[%swap3A_656, %swap3A_657], %shift_right_logical3A_654 {strides = array<i32>} : memref<1x64xi32, #tpu.memory_space<vmem>>, vector<16xi32>,
    %get3A_659 = arith.constant 5072 : index
    %get3A_660 = tpu.vector_load %arg7[%get3A_659] {strides = array<i32>} : memref<5120xi32, #tpu.memory_space<vmem>>, vector<16xi32>,
    %and3A_661 = arith.constant 65535 : i32
    %and3A_662 = vector.broadcast %and3A_661 : i32 to vector<16xi32>
    %and3A_663 = arith.andi %get3A_660, %and3A_662 : vector<16xi32>
    %swap3A_664 = arith.constant 0 : i32
    %swap3A_665 = arith.index_cast %swap3A_664 : i32 to index
    %swap3A_666 = arith.constant 16 : index
    %swap3A_667 = tpu.vector_load %arg14[%swap3A_665, %swap3A_666] {strides = array<i32>} : memref<1x64xi32, #tpu.memory_space<vmem>>, vector<16xi32>,
    tpu.vector_store %arg14[%swap3A_665, %swap3A_666], %and3A_663 {strides = array<i32>} : memref<1x64xi32, #tpu.memory_space<vmem>>, vector<16xi32>,
    %shift_right_logical3A_668 = arith.constant 16 : i32
    %shift_right_logical3A_669 = vector.broadcast %shift_right_logical3A_668 : i32 to vector<16xi32>
    %shift_right_logical3A_670 = arith.shrui %get3A_660, %shift_right_logical3A_669 : vector<16xi32>
    %swap3A_671 = arith.constant 0 : i32
    %swap3A_672 = arith.index_cast %swap3A_671 : i32 to index
    %swap3A_673 = arith.constant 48 : index
    %swap3A_674 = tpu.vector_load %arg14[%swap3A_672, %swap3A_673] {strides = array<i32>} : memref<1x64xi32, #tpu.memory_space<vmem>>, vector<16xi32>,
    tpu.vector_store %arg14[%swap3A_672, %swap3A_673], %shift_right_logical3A_670 {strides = array<i32>} : memref<1x64xi32, #tpu.memory_space<vmem>>, vector<16xi32>,
    %dma_start3A_675 = arith.constant 0 : i32
    %dma_start3A_676 = arith.constant 0 : i32
    %dma_start3A_677 = tpu.memref_slice %arg14[%dma_start3A_675, %dma_start3A_676] : memref<1x64xi32, #tpu.memory_space<vmem>> -> memref<1x64xi32, #tpu.memory_space<vmem>>
    %dma_start3A_678 = tpu.memref_squeeze %dma_start3A_677 : memref<1x64xi32, #tpu.memory_space<vmem>> -> memref<64xi32, #tpu.memory_space<vmem>>
    %dma_start3A_679 = arith.constant 0 : i32
    %dma_start3A_680 = arith.constant 0 : i32
    %dma_start3A_681 = tpu.memref_slice %arg20[%dma_start3A_679, %dma_start3A_680] : memref<10240x128xf32, #tpu.memory_space<vmem_shared>> -> memref<10240x128xf32, #tpu.memory_space<vmem_shared>>
    tpu.enqueue_indirect_dma source(%arg18 : memref<64x128xf32, #tpu.memory_space<vmem>>) target(%dma_start3A_681 : memref<10240x128xf32, #tpu.memory_space<vmem_shared>>) offsets(%dma_start3A_678 : memref<64xi32, #tpu.memory_space<vmem>>) semaphore(%arg27 : memref<!tpu.dma_semaphore, #tpu.memory_space<semaphore_mem>>) {add = true}
    %dma_wait3A_682 = arith.constant 0 : i32
    %dma_wait3A_683 = arith.constant 0 : i32
    %dma_wait3A_684 = tpu.memref_slice %arg2[%dma_wait3A_682, %dma_wait3A_683] : memref<10000x128xf32, #tpu.memory_space<hbm>> -> memref<64x128xf32, #tpu.memory_space<hbm>>
    %dma_wait3A_685 = arith.constant 0 : i32
    %dma_wait3A_686 = arith.constant 0 : i32
    %dma_wait3A_687 = tpu.memref_slice %arg2[%dma_wait3A_685, %dma_wait3A_686] : memref<10000x128xf32, #tpu.memory_space<hbm>> -> memref<64x128xf32, #tpu.memory_space<hbm>>
    tpu.wait_dma2 semaphore(%arg24 : memref<!tpu.dma_semaphore, #tpu.memory_space<semaphore_mem>>) src(%dma_wait3A_687 : memref<64x128xf32, #tpu.memory_space<hbm>>) dst(%arg19 : memref<64x128xf32, #tpu.memory_space<vmem>>)
    %get3A_688 = arith.constant 5088 : index
    %get3A_689 = tpu.vector_load %arg7[%get3A_688] {strides = array<i32>} : memref<5120xi32, #tpu.memory_space<vmem>>, vector<16xi32>,
    %and3A_690 = arith.constant 65535 : i32
    %and3A_691 = vector.broadcast %and3A_690 : i32 to vector<16xi32>
    %and3A_692 = arith.andi %get3A_689, %and3A_691 : vector<16xi32>
    %swap3A_693 = arith.constant 0 : i32
    %swap3A_694 = arith.index_cast %swap3A_693 : i32 to index
    %swap3A_695 = arith.constant 0 : index
    %swap3A_696 = tpu.vector_load %arg15[%swap3A_694, %swap3A_695] {strides = array<i32>} : memref<1x64xi32, #tpu.memory_space<vmem>>, vector<16xi32>,
    tpu.vector_store %arg15[%swap3A_694, %swap3A_695], %and3A_692 {strides = array<i32>} : memref<1x64xi32, #tpu.memory_space<vmem>>, vector<16xi32>,
    %shift_right_logical3A_697 = arith.constant 16 : i32
    %shift_right_logical3A_698 = vector.broadcast %shift_right_logical3A_697 : i32 to vector<16xi32>
    %shift_right_logical3A_699 = arith.shrui %get3A_689, %shift_right_logical3A_698 : vector<16xi32>
    %swap3A_700 = arith.constant 0 : i32
    %swap3A_701 = arith.index_cast %swap3A_700 : i32 to index
    %swap3A_702 = arith.constant 32 : index
    %swap3A_703 = tpu.vector_load %arg15[%swap3A_701, %swap3A_702] {strides = array<i32>} : memref<1x64xi32, #tpu.memory_space<vmem>>, vector<16xi32>,
    tpu.vector_store %arg15[%swap3A_701, %swap3A_702], %shift_right_logical3A_699 {strides = array<i32>} : memref<1x64xi32, #tpu.memory_space<vmem>>, vector<16xi32>,
    %get3A_704 = arith.constant 5104 : index
    %get3A_705 = tpu.vector_load %arg7[%get3A_704] {strides = array<i32>} : memref<5120xi32, #tpu.memory_space<vmem>>, vector<16xi32>,
    %and3A_706 = arith.constant 65535 : i32
    %and3A_707 = vector.broadcast %and3A_706 : i32 to vector<16xi32>
    %and3A_708 = arith.andi %get3A_705, %and3A_707 : vector<16xi32>
    %swap3A_709 = arith.constant 0 : i32
    %swap3A_710 = arith.index_cast %swap3A_709 : i32 to index
    %swap3A_711 = arith.constant 16 : index
    %swap3A_712 = tpu.vector_load %arg15[%swap3A_710, %swap3A_711] {strides = array<i32>} : memref<1x64xi32, #tpu.memory_space<vmem>>, vector<16xi32>,
    tpu.vector_store %arg15[%swap3A_710, %swap3A_711], %and3A_708 {strides = array<i32>} : memref<1x64xi32, #tpu.memory_space<vmem>>, vector<16xi32>,
    %shift_right_logical3A_713 = arith.constant 16 : i32
    %shift_right_logical3A_714 = vector.broadcast %shift_right_logical3A_713 : i32 to vector<16xi32>
    %shift_right_logical3A_715 = arith.shrui %get3A_705, %shift_right_logical3A_714 : vector<16xi32>
    %swap3A_716 = arith.constant 0 : i32
    %swap3A_717 = arith.index_cast %swap3A_716 : i32 to index
    %swap3A_718 = arith.constant 48 : index
    %swap3A_719 = tpu.vector_load %arg15[%swap3A_717, %swap3A_718] {strides = array<i32>} : memref<1x64xi32, #tpu.memory_space<vmem>>, vector<16xi32>,
    tpu.vector_store %arg15[%swap3A_717, %swap3A_718], %shift_right_logical3A_715 {strides = array<i32>} : memref<1x64xi32, #tpu.memory_space<vmem>>, vector<16xi32>,
    %dma_start3A_720 = arith.constant 0 : i32
    %dma_start3A_721 = arith.constant 0 : i32
    %dma_start3A_722 = tpu.memref_slice %arg15[%dma_start3A_720, %dma_start3A_721] : memref<1x64xi32, #tpu.memory_space<vmem>> -> memref<1x64xi32, #tpu.memory_space<vmem>>
    %dma_start3A_723 = tpu.memref_squeeze %dma_start3A_722 : memref<1x64xi32, #tpu.memory_space<vmem>> -> memref<64xi32, #tpu.memory_space<vmem>>
    %dma_start3A_724 = arith.constant 0 : i32
    %dma_start3A_725 = arith.constant 0 : i32
    %dma_start3A_726 = tpu.memref_slice %arg20[%dma_start3A_724, %dma_start3A_725] : memref<10240x128xf32, #tpu.memory_space<vmem_shared>> -> memref<10240x128xf32, #tpu.memory_space<vmem_shared>>
    tpu.enqueue_indirect_dma source(%arg19 : memref<64x128xf32, #tpu.memory_space<vmem>>) target(%dma_start3A_726 : memref<10240x128xf32, #tpu.memory_space<vmem_shared>>) offsets(%dma_start3A_723 : memref<64xi32, #tpu.memory_space<vmem>>) semaphore(%arg28 : memref<!tpu.dma_semaphore, #tpu.memory_space<semaphore_mem>>) {add = true}
    %dma_wait3A_727 = arith.constant 0 : i32
    %dma_wait3A_728 = arith.constant 0 : i32
    %dma_wait3A_729 = tpu.memref_slice %arg20[%dma_wait3A_727, %dma_wait3A_728] : memref<10240x128xf32, #tpu.memory_space<vmem_shared>> -> memref<64x128xf32, #tpu.memory_space<vmem_shared>>
    %dma_wait3A_730 = arith.constant 0 : i32
    %dma_wait3A_731 = arith.constant 0 : i32
    %dma_wait3A_732 = tpu.memref_slice %arg20[%dma_wait3A_730, %dma_wait3A_731] : memref<10240x128xf32, #tpu.memory_space<vmem_shared>> -> memref<64x128xf32, #tpu.memory_space<vmem_shared>>
    tpu.wait_dma2 semaphore(%arg25 : memref<!tpu.dma_semaphore, #tpu.memory_space<semaphore_mem>>) src(%arg16 : memref<64x128xf32, #tpu.memory_space<vmem>>) dst(%dma_wait3A_732 : memref<64x128xf32, #tpu.memory_space<vmem_shared>>)
    %dma_wait3A_733 = arith.constant 0 : i32
    %dma_wait3A_734 = arith.constant 0 : i32
    %dma_wait3A_735 = tpu.memref_slice %arg20[%dma_wait3A_733, %dma_wait3A_734] : memref<10240x128xf32, #tpu.memory_space<vmem_shared>> -> memref<64x128xf32, #tpu.memory_space<vmem_shared>>
    %dma_wait3A_736 = arith.constant 0 : i32
    %dma_wait3A_737 = arith.constant 0 : i32
    %dma_wait3A_738 = tpu.memref_slice %arg20[%dma_wait3A_736, %dma_wait3A_737] : memref<10240x128xf32, #tpu.memory_space<vmem_shared>> -> memref<64x128xf32, #tpu.memory_space<vmem_shared>>
    tpu.wait_dma2 semaphore(%arg26 : memref<!tpu.dma_semaphore, #tpu.memory_space<semaphore_mem>>) src(%arg17 : memref<64x128xf32, #tpu.memory_space<vmem>>) dst(%dma_wait3A_738 : memref<64x128xf32, #tpu.memory_space<vmem_shared>>)
    %dma_wait3A_739 = arith.constant 0 : i32
    %dma_wait3A_740 = arith.constant 0 : i32
    %dma_wait3A_741 = tpu.memref_slice %arg20[%dma_wait3A_739, %dma_wait3A_740] : memref<10240x128xf32, #tpu.memory_space<vmem_shared>> -> memref<64x128xf32, #tpu.memory_space<vmem_shared>>
    %dma_wait3A_742 = arith.constant 0 : i32
    %dma_wait3A_743 = arith.constant 0 : i32
    %dma_wait3A_744 = tpu.memref_slice %arg20[%dma_wait3A_742, %dma_wait3A_743] : memref<10240x128xf32, #tpu.memory_space<vmem_shared>> -> memref<64x128xf32, #tpu.memory_space<vmem_shared>>
    tpu.wait_dma2 semaphore(%arg27 : memref<!tpu.dma_semaphore, #tpu.memory_space<semaphore_mem>>) src(%arg18 : memref<64x128xf32, #tpu.memory_space<vmem>>) dst(%dma_wait3A_744 : memref<64x128xf32, #tpu.memory_space<vmem_shared>>)
    %dma_wait3A_745 = arith.constant 0 : i32
    %dma_wait3A_746 = arith.constant 0 : i32
    %dma_wait3A_747 = tpu.memref_slice %arg20[%dma_wait3A_745, %dma_wait3A_746] : memref<10240x128xf32, #tpu.memory_space<vmem_shared>> -> memref<64x128xf32, #tpu.memory_space<vmem_shared>>
    %dma_wait3A_748 = arith.constant 0 : i32
    %dma_wait3A_749 = arith.constant 0 : i32
    %dma_wait3A_750 = tpu.memref_slice %arg20[%dma_wait3A_748, %dma_wait3A_749] : memref<10240x128xf32, #tpu.memory_space<vmem_shared>> -> memref<64x128xf32, #tpu.memory_space<vmem_shared>>
    tpu.wait_dma2 semaphore(%arg28 : memref<!tpu.dma_semaphore, #tpu.memory_space<semaphore_mem>>) src(%arg19 : memref<64x128xf32, #tpu.memory_space<vmem>>) dst(%dma_wait3A_750 : memref<64x128xf32, #tpu.memory_space<vmem_shared>>)
    %barrier3A_751 = arith.constant 0 : index
    tpu.barrier barrier_id(%barrier3A_751)
    "tpu.region"() ({
      %run_scoped3A = tpu.sem_alloc : memref<!tpu.dma_semaphore, #tpu.memory_space<semaphore_mem>>
      %dma_start3A_752 = arith.constant 0 : i32
      %dma_start3A_753 = tpu.memref_slice %arg5[%arg0, %mul3A_9, %dma_start3A_752] : memref<2x10240x128xf32, #tpu.memory_space<hbm>> -> memref<1x640x128xf32, #tpu.memory_space<hbm>>
      %dma_start3A_754 = tpu.memref_squeeze %dma_start3A_753 : memref<1x640x128xf32, #tpu.memory_space<hbm>> -> memref<640x128xf32, #tpu.memory_space<hbm>>
      %dma_start3A_755 = arith.constant 0 : i32
      %dma_start3A_756 = tpu.memref_slice %arg20[%mul3A_9, %dma_start3A_755] : memref<10240x128xf32, #tpu.memory_space<vmem_shared>> -> memref<640x128xf32, #tpu.memory_space<vmem_shared>>
      tpu.enqueue_dma source(%dma_start3A_756 : memref<640x128xf32, #tpu.memory_space<vmem_shared>>) target(%dma_start3A_754 : memref<640x128xf32, #tpu.memory_space<hbm>>) target_semaphore(%run_scoped3A : memref<!tpu.dma_semaphore, #tpu.memory_space<semaphore_mem>>)
      %dma_wait3A_757 = arith.constant 0 : i32
      %dma_wait3A_758 = tpu.memref_slice %arg5[%arg0, %mul3A_9, %dma_wait3A_757] : memref<2x10240x128xf32, #tpu.memory_space<hbm>> -> memref<1x640x128xf32, #tpu.memory_space<hbm>>
      %dma_wait3A_759 = tpu.memref_squeeze %dma_wait3A_758 : memref<1x640x128xf32, #tpu.memory_space<hbm>> -> memref<640x128xf32, #tpu.memory_space<hbm>>
      %dma_wait3A_760 = arith.constant 0 : i32
      %dma_wait3A_761 = tpu.memref_slice %arg20[%mul3A_9, %dma_wait3A_760] : memref<10240x128xf32, #tpu.memory_space<vmem_shared>> -> memref<640x128xf32, #tpu.memory_space<vmem_shared>>
      tpu.wait_dma2 semaphore(%run_scoped3A : memref<!tpu.dma_semaphore, #tpu.memory_space<semaphore_mem>>) src(%dma_wait3A_761 : memref<640x128xf32, #tpu.memory_space<vmem_shared>>) dst(%dma_wait3A_759 : memref<640x128xf32, #tpu.memory_space<hbm>>)
      tpu.yield
    }) : () -> ()
    return
  }
}

module attributes {stable_mosaic.version = 14 : i64} {
  func.func @_lin0_body(%arg0: i32, %arg1: memref<2000x128xf32, #tpu.memory_space<vmem>>, %arg2: memref<128x128xf32, #tpu.memory_space<vmem>>, %arg3: memref<128x128xf32, #tpu.memory_space<vmem>>, %arg4: memref<1x128xf32, #tpu.memory_space<vmem>>, %arg5: memref<2000x128xf32, #tpu.memory_space<vmem>>, %arg6: memref<2000x128xf32, #tpu.memory_space<vmem>>) attributes {dimension_semantics = [#tpu.dimension_semantics<arbitrary>], iteration_bounds = array<i64: 5>, scalar_prefetch = 0 : i64, scratch_operands = 0 : i64, tpu.core_type = #tpu.core_type<tc>, window_params = [{transform_indices = @transform_0, window_bounds = array<i64: 2000, 128>}, {pipeline_mode = #tpu.pipeline_mode<synchronous>, transform_indices = @transform_1, window_bounds = array<i64: 128, 128>}, {pipeline_mode = #tpu.pipeline_mode<synchronous>, transform_indices = @transform_2, window_bounds = array<i64: 128, 128>}, {pipeline_mode = #tpu.pipeline_mode<synchronous>, transform_indices = @transform_3, window_bounds = array<i64: 1, 128>}, {transform_indices = @transform_4, window_bounds = array<i64: 2000, 128>}, {transform_indices = @transform_5, window_bounds = array<i64: 2000, 128>}]} {
    %get3A = arith.constant 0 : index
    %get3A_0 = arith.constant 0 : index
    %get3A_1 = vector.load %arg1[%get3A, %get3A_0] : memref<2000x128xf32, #tpu.memory_space<vmem>>, vector<2000x128xf32>
    %get3A_2 = arith.constant 0 : index
    %get3A_3 = arith.constant 0 : index
    %get3A_4 = vector.load %arg2[%get3A_2, %get3A_3] : memref<128x128xf32, #tpu.memory_space<vmem>>, vector<128x128xf32>
    %dot_general3A = arith.constant dense<0.000000e+00> : vector<2000x128xf32>
    %dot_general3A_5 = tpu.matmul %get3A_1, %get3A_4, %dot_general3A {dimension_numbers = #tpu.dot_dimension_numbers<[1], [0], [0], [1], [0, 0, 1, 1], [], []>, transpose_lhs_hint = false} : vector<2000x128xf32>, vector<128x128xf32>, vector<2000x128xf32> -> vector<2000x128xf32>
    %swap3A = arith.constant 0 : index
    %swap3A_6 = arith.constant 0 : index
    %swap3A_7 = vector.load %arg5[%swap3A, %swap3A_6] : memref<2000x128xf32, #tpu.memory_space<vmem>>, vector<2000x128xf32>
    tpu.vector_store %arg5[%swap3A, %swap3A_6], %dot_general3A_5 {strides = array<i32>} : memref<2000x128xf32, #tpu.memory_space<vmem>>, vector<2000x128xf32>,
    %get3A_8 = arith.constant 0 : index
    %get3A_9 = arith.constant 0 : index
    %get3A_10 = vector.load %arg3[%get3A_8, %get3A_9] : memref<128x128xf32, #tpu.memory_space<vmem>>, vector<128x128xf32>
    %dot_general3A_11 = arith.constant dense<0.000000e+00> : vector<2000x128xf32>
    %dot_general3A_12 = tpu.matmul %get3A_1, %get3A_10, %dot_general3A_11 {dimension_numbers = #tpu.dot_dimension_numbers<[1], [0], [0], [1], [0, 0, 1, 1], [], []>, transpose_lhs_hint = false} : vector<2000x128xf32>, vector<128x128xf32>, vector<2000x128xf32> -> vector<2000x128xf32>
    %get3A_13 = arith.constant 0 : index
    %get3A_14 = arith.constant 0 : index
    %get3A_15 = vector.load %arg4[%get3A_13, %get3A_14] : memref<1x128xf32, #tpu.memory_space<vmem>>, vector<1x128xf32>
    %add3A = vector.broadcast %get3A_15 : vector<1x128xf32> to vector<2000x128xf32>
    %add3A_16 = arith.addf %dot_general3A_12, %add3A : vector<2000x128xf32>
    %swap3A_17 = arith.constant 0 : index
    %swap3A_18 = arith.constant 0 : index
    %swap3A_19 = vector.load %arg6[%swap3A_17, %swap3A_18] : memref<2000x128xf32, #tpu.memory_space<vmem>>, vector<2000x128xf32>
    tpu.vector_store %arg6[%swap3A_17, %swap3A_18], %add3A_16 {strides = array<i32>} : memref<2000x128xf32, #tpu.memory_space<vmem>>, vector<2000x128xf32>,
    return
  }
  func.func @transform_0(%arg0: i32) -> (i32, i32) {
    %c0_i32 = arith.constant 0 : i32
    %c0_i32_0 = arith.constant 0 : i32
    return %arg0, %c0_i32 : i32, i32
  }
  func.func @transform_1(%arg0: i32) -> (i32, i32) {
    %c0_i32 = arith.constant 0 : i32
    %c0_i32_0 = arith.constant 0 : i32
    %c0_i32_1 = arith.constant 0 : i32
    return %c0_i32, %c0_i32_0 : i32, i32
  }
  func.func @transform_2(%arg0: i32) -> (i32, i32) {
    %c0_i32 = arith.constant 0 : i32
    %c0_i32_0 = arith.constant 0 : i32
    %c0_i32_1 = arith.constant 0 : i32
    return %c0_i32, %c0_i32_0 : i32, i32
  }
  func.func @transform_3(%arg0: i32) -> (i32, i32) {
    %c0_i32 = arith.constant 0 : i32
    %c0_i32_0 = arith.constant 0 : i32
    %c0_i32_1 = arith.constant 0 : i32
    return %c0_i32, %c0_i32_0 : i32, i32
  }
  func.func @transform_4(%arg0: i32) -> (i32, i32) {
    %c0_i32 = arith.constant 0 : i32
    %c0_i32_0 = arith.constant 0 : i32
    return %arg0, %c0_i32 : i32, i32
  }
  func.func @transform_5(%arg0: i32) -> (i32, i32) {
    %c0_i32 = arith.constant 0 : i32
    %c0_i32_0 = arith.constant 0 : i32
    return %arg0, %c0_i32 : i32, i32
  }
}

module attributes {stable_mosaic.version = 14 : i64} {
  func.func @_pack_body(%arg0: i32, %arg1: memref<2x40960xi32, #tpu.memory_space<vmem>>, %arg2: memref<2x40960xi32, #tpu.memory_space<vmem>>, %arg3: memref<8x5120xi32, #tpu.memory_space<vmem>>, %arg4: memref<8x5120xi32, #tpu.memory_space<vmem>>) attributes {dimension_semantics = [#tpu.dimension_semantics<arbitrary>], iteration_bounds = array<i64: 4>, scalar_prefetch = 0 : i64, scratch_operands = 0 : i64, tpu.core_type = #tpu.core_type<tc>, window_params = [{transform_indices = @transform_0, window_bounds = array<i64: 2, 40960>}, {transform_indices = @transform_1, window_bounds = array<i64: 2, 40960>}, {transform_indices = @transform_2, window_bounds = array<i64: 8, 5120>}, {transform_indices = @transform_3, window_bounds = array<i64: 8, 5120>}]} {
    %add3A = arith.constant 4 : i32
    %add3A_0 = arith.addi %arg0, %add3A : i32
    %mul3A = arith.constant 40960 : i32
    %mul3A_1 = arith.muli %add3A_0, %mul3A : i32
    %iota3A = tpu.iota {dimensions = array<i32: 1>} : vector<1x40960xi32>
    %add3A_2 = vector.broadcast %mul3A_1 : i32 to vector<1x40960xi32>
    %add3A_3 = arith.addi %add3A_2, %iota3A : vector<1x40960xi32>
    %lt3A = arith.constant 320000 : i32
    %lt3A_4 = vector.broadcast %lt3A : i32 to vector<1x40960xi32>
    %lt3A_5 = arith.cmpi slt, %add3A_3, %lt3A_4 : vector<1x40960xi32>
    %sub3A = arith.constant 320000 : i32
    %sub3A_6 = vector.broadcast %sub3A : i32 to vector<1x40960xi32>
    %sub3A_7 = arith.subi %add3A_3, %sub3A_6 : vector<1x40960xi32>
    %max3A = arith.constant 0 : i32
    %max3A_8 = vector.broadcast %max3A : i32 to vector<1x40960xi32>
    %max3A_9 = arith.maxsi %sub3A_7, %max3A_8 : vector<1x40960xi32>
    %get3A = arith.constant 0 : index
    %get3A_10 = arith.constant 0 : index
    %get3A_11 = vector.load %arg2[%get3A, %get3A_10] : memref<2x40960xi32, #tpu.memory_space<vmem>>, vector<1x40960xi32>
    %jit3A = arith.constant 10000 : i32
    %eq3A = arith.constant 0 : i32
    %eq3A_12 = arith.cmpi eq, %jit3A, %eq3A : i32
    %jit3A_13 = arith.constant 1 : i32
    %select_n3A = arith.select %eq3A_12, %jit3A_13, %jit3A : i32
    %rem3A = vector.broadcast %select_n3A : i32 to vector<1x40960xi32>
    %rem3A_14 = arith.remsi %max3A_9, %rem3A : vector<1x40960xi32>
    %ne3A = arith.constant 0 : i32
    %ne3A_15 = vector.broadcast %ne3A : i32 to vector<1x40960xi32>
    %ne3A_16 = arith.cmpi ne, %rem3A_14, %ne3A_15 : vector<1x40960xi32>
    %lt3A_17 = arith.constant 0 : i32
    %lt3A_18 = vector.broadcast %lt3A_17 : i32 to vector<1x40960xi32>
    %lt3A_19 = arith.cmpi slt, %rem3A_14, %lt3A_18 : vector<1x40960xi32>
    %lt3A_20 = arith.constant 0 : i32
    %lt3A_21 = arith.cmpi slt, %select_n3A, %lt3A_20 : i32
    %ne3A_22 = vector.broadcast %lt3A_21 : i1 to vector<1x40960xi1>
    %ne3A_23 = vector.broadcast %ne3A_22 : vector<1x40960xi1> to vector<1x40960xi1>
    %ne3A_24 = arith.xori %lt3A_19, %ne3A_23 : vector<1x40960xi1>
    %and3A = arith.andi %ne3A_24, %ne3A_16 : vector<1x40960xi1>
    %add3A_25 = vector.broadcast %select_n3A : i32 to vector<1x40960xi32>
    %add3A_26 = arith.addi %rem3A_14, %add3A_25 : vector<1x40960xi32>
    %select_n3A_27 = arith.select %and3A, %add3A_26, %rem3A_14 : vector<1x40960xi1>, vector<1x40960xi32>
    %select_n3A_28 = arith.select %lt3A_5, %get3A_11, %select_n3A_27 : vector<1x40960xi1>, vector<1x40960xi32>
    %get3A_29 = arith.constant 1 : index
    %get3A_30 = arith.constant 0 : index
    %get3A_31 = vector.load %arg2[%get3A_29, %get3A_30] : memref<2x40960xi32, #tpu.memory_space<vmem>>, vector<1x40960xi32>
    %jit3A_32 = arith.constant 240 : i32
    %eq3A_33 = arith.constant 0 : i32
    %eq3A_34 = arith.cmpi eq, %jit3A_32, %eq3A_33 : i32
    %jit3A_35 = arith.constant 1 : i32
    %select_n3A_36 = arith.select %eq3A_34, %jit3A_35, %jit3A_32 : i32
    %rem3A_37 = vector.broadcast %select_n3A_36 : i32 to vector<1x40960xi32>
    %rem3A_38 = arith.remsi %max3A_9, %rem3A_37 : vector<1x40960xi32>
    %ne3A_39 = arith.constant 0 : i32
    %ne3A_40 = vector.broadcast %ne3A_39 : i32 to vector<1x40960xi32>
    %ne3A_41 = arith.cmpi ne, %rem3A_38, %ne3A_40 : vector<1x40960xi32>
    %lt3A_42 = arith.constant 0 : i32
    %lt3A_43 = vector.broadcast %lt3A_42 : i32 to vector<1x40960xi32>
    %lt3A_44 = arith.cmpi slt, %rem3A_38, %lt3A_43 : vector<1x40960xi32>
    %lt3A_45 = arith.constant 0 : i32
    %lt3A_46 = arith.cmpi slt, %select_n3A_36, %lt3A_45 : i32
    %ne3A_47 = vector.broadcast %lt3A_46 : i1 to vector<1x40960xi1>
    %ne3A_48 = vector.broadcast %ne3A_47 : vector<1x40960xi1> to vector<1x40960xi1>
    %ne3A_49 = arith.xori %lt3A_44, %ne3A_48 : vector<1x40960xi1>
    %and3A_50 = arith.andi %ne3A_49, %ne3A_41 : vector<1x40960xi1>
    %add3A_51 = vector.broadcast %select_n3A_36 : i32 to vector<1x40960xi32>
    %add3A_52 = arith.addi %rem3A_38, %add3A_51 : vector<1x40960xi32>
    %select_n3A_53 = arith.select %and3A_50, %add3A_52, %rem3A_38 : vector<1x40960xi1>, vector<1x40960xi32>
    %add3A_54 = arith.constant 10000 : i32
    %add3A_55 = vector.broadcast %add3A_54 : i32 to vector<1x40960xi32>
    %add3A_56 = arith.addi %add3A_55, %select_n3A_53 : vector<1x40960xi32>
    %select_n3A_57 = arith.select %lt3A_5, %get3A_31, %add3A_56 : vector<1x40960xi1>, vector<1x40960xi32>
    %get3A_58 = arith.constant 0 : index
    %get3A_59 = arith.constant 0 : index
    %get3A_60 = vector.load %arg1[%get3A_58, %get3A_59] : memref<2x40960xi32, #tpu.memory_space<vmem>>, vector<1x40960xi32>
    %shift_left3A = arith.constant 16 : i32
    %shift_left3A_61 = vector.broadcast %shift_left3A : i32 to vector<1x40960xi32>
    %shift_left3A_62 = arith.shli %select_n3A_28, %shift_left3A_61 : vector<1x40960xi32>
    %or3A = arith.ori %get3A_60, %shift_left3A_62 : vector<1x40960xi32>
    %reshape3A = vector.shape_cast %or3A : vector<1x40960xi32> to vector<8x5120xi32>
    %swap3A = arith.constant 0 : index
    %swap3A_63 = arith.constant 0 : index
    %swap3A_64 = vector.load %arg3[%swap3A, %swap3A_63] : memref<8x5120xi32, #tpu.memory_space<vmem>>, vector<8x5120xi32>
    tpu.vector_store %arg3[%swap3A, %swap3A_63], %reshape3A {strides = array<i32>} : memref<8x5120xi32, #tpu.memory_space<vmem>>, vector<8x5120xi32>,
    %get3A_65 = arith.constant 1 : index
    %get3A_66 = arith.constant 0 : index
    %get3A_67 = vector.load %arg1[%get3A_65, %get3A_66] : memref<2x40960xi32, #tpu.memory_space<vmem>>, vector<1x40960xi32>
    %shift_left3A_68 = arith.constant 16 : i32
    %shift_left3A_69 = vector.broadcast %shift_left3A_68 : i32 to vector<1x40960xi32>
    %shift_left3A_70 = arith.shli %select_n3A_57, %shift_left3A_69 : vector<1x40960xi32>
    %or3A_71 = arith.ori %get3A_67, %shift_left3A_70 : vector<1x40960xi32>
    %reshape3A_72 = vector.shape_cast %or3A_71 : vector<1x40960xi32> to vector<8x5120xi32>
    %swap3A_73 = arith.constant 0 : index
    %swap3A_74 = arith.constant 0 : index
    %swap3A_75 = vector.load %arg4[%swap3A_73, %swap3A_74] : memref<8x5120xi32, #tpu.memory_space<vmem>>, vector<8x5120xi32>
    tpu.vector_store %arg4[%swap3A_73, %swap3A_74], %reshape3A_72 {strides = array<i32>} : memref<8x5120xi32, #tpu.memory_space<vmem>>, vector<8x5120xi32>,
    return
  }
  func.func @transform_0(%arg0: i32) -> (i32, i32) {
    %c0_i32 = arith.constant 0 : i32
    %c0_i32_0 = arith.constant 0 : i32
    return %c0_i32, %arg0 : i32, i32
  }
  func.func @transform_1(%arg0: i32) -> (i32, i32) {
    %add3A = arith.constant 4 : i32
    %add3A_0 = arith.addi %arg0, %add3A : i32
    %c0_i32 = arith.constant 0 : i32
    %c0_i32_1 = arith.constant 0 : i32
    return %c0_i32, %add3A_0 : i32, i32
  }
  func.func @transform_2(%arg0: i32) -> (i32, i32) {
    %c0_i32 = arith.constant 0 : i32
    %c0_i32_0 = arith.constant 0 : i32
    return %arg0, %c0_i32 : i32, i32
  }
  func.func @transform_3(%arg0: i32) -> (i32, i32) {
    %c0_i32 = arith.constant 0 : i32
    %c0_i32_0 = arith.constant 0 : i32
    return %arg0, %c0_i32 : i32, i32
  }
}

module attributes {stable_mosaic.version = 14 : i64} {
  func.func @_mid_body(%arg0: i32, %arg1: memref<2x2000x128xf32, #tpu.memory_space<vmem>>, %arg2: memref<2000x1xf32, #tpu.memory_space<vmem>>, %arg3: memref<2000x128xf32, #tpu.memory_space<vmem>>, %arg4: memref<128x128xf32, #tpu.memory_space<vmem>>, %arg5: memref<128x128xf32, #tpu.memory_space<vmem>>, %arg6: memref<1x128xf32, #tpu.memory_space<vmem>>, %arg7: memref<2000x128xf32, #tpu.memory_space<vmem>>, %arg8: memref<2000x128xf32, #tpu.memory_space<vmem>>) attributes {dimension_semantics = [#tpu.dimension_semantics<arbitrary>], iteration_bounds = array<i64: 5>, scalar_prefetch = 0 : i64, scratch_operands = 0 : i64, tpu.core_type = #tpu.core_type<tc>, window_params = [{transform_indices = @transform_0, window_bounds = array<i64: 2, 2000, 128>}, {transform_indices = @transform_1, window_bounds = array<i64: 2000, 1>}, {transform_indices = @transform_2, window_bounds = array<i64: 2000, 128>}, {pipeline_mode = #tpu.pipeline_mode<synchronous>, transform_indices = @transform_3, window_bounds = array<i64: 128, 128>}, {pipeline_mode = #tpu.pipeline_mode<synchronous>, transform_indices = @transform_4, window_bounds = array<i64: 128, 128>}, {pipeline_mode = #tpu.pipeline_mode<synchronous>, transform_indices = @transform_5, window_bounds = array<i64: 1, 128>}, {transform_indices = @transform_6, window_bounds = array<i64: 2000, 128>}, {transform_indices = @transform_7, window_bounds = array<i64: 2000, 128>}]} {
    %get3A = arith.constant 0 : index
    %get3A_0 = arith.constant 0 : index
    %get3A_1 = arith.constant 0 : index
    %get3A_2 = vector.load %arg1[%get3A, %get3A_0, %get3A_1] : memref<2x2000x128xf32, #tpu.memory_space<vmem>>, vector<1x2000x128xf32>
    %get3A_3 = vector.shape_cast %get3A_2 : vector<1x2000x128xf32> to vector<2000x128xf32>
    %get3A_4 = arith.constant 1 : index
    %get3A_5 = arith.constant 0 : index
    %get3A_6 = arith.constant 0 : index
    %get3A_7 = vector.load %arg1[%get3A_4, %get3A_5, %get3A_6] : memref<2x2000x128xf32, #tpu.memory_space<vmem>>, vector<1x2000x128xf32>
    %get3A_8 = vector.shape_cast %get3A_7 : vector<1x2000x128xf32> to vector<2000x128xf32>
    %add3A = arith.addf %get3A_3, %get3A_8 : vector<2000x128xf32>
    %get3A_9 = arith.constant 0 : index
    %get3A_10 = arith.constant 0 : index
    %get3A_11 = vector.load %arg2[%get3A_9, %get3A_10] : memref<2000x1xf32, #tpu.memory_space<vmem>>, vector<2000x1xf32>
    %mul3A = vector.broadcast %get3A_11 : vector<2000x1xf32> to vector<2000x128xf32>
    %mul3A_12 = arith.mulf %add3A, %mul3A : vector<2000x128xf32>
    %get3A_13 = arith.constant 0 : index
    %get3A_14 = arith.constant 0 : index
    %get3A_15 = vector.load %arg3[%get3A_13, %get3A_14] : memref<2000x128xf32, #tpu.memory_space<vmem>>, vector<2000x128xf32>
    %add3A_16 = arith.addf %mul3A_12, %get3A_15 : vector<2000x128xf32>
    %max3A = arith.constant 0.000000e+00 : f32
    %max3A_17 = vector.broadcast %max3A : f32 to vector<2000x128xf32>
    %max3A_18 = arith.maximumf %add3A_16, %max3A_17 : vector<2000x128xf32>
    %get3A_19 = arith.constant 0 : index
    %get3A_20 = arith.constant 0 : index
    %get3A_21 = vector.load %arg4[%get3A_19, %get3A_20] : memref<128x128xf32, #tpu.memory_space<vmem>>, vector<128x128xf32>
    %dot_general3A = arith.constant dense<0.000000e+00> : vector<2000x128xf32>
    %dot_general3A_22 = tpu.matmul %max3A_18, %get3A_21, %dot_general3A {dimension_numbers = #tpu.dot_dimension_numbers<[1], [0], [0], [1], [0, 0, 1, 1], [], []>, transpose_lhs_hint = false} : vector<2000x128xf32>, vector<128x128xf32>, vector<2000x128xf32> -> vector<2000x128xf32>
    %swap3A = arith.constant 0 : index
    %swap3A_23 = arith.constant 0 : index
    %swap3A_24 = vector.load %arg7[%swap3A, %swap3A_23] : memref<2000x128xf32, #tpu.memory_space<vmem>>, vector<2000x128xf32>
    tpu.vector_store %arg7[%swap3A, %swap3A_23], %dot_general3A_22 {strides = array<i32>} : memref<2000x128xf32, #tpu.memory_space<vmem>>, vector<2000x128xf32>,
    %get3A_25 = arith.constant 0 : index
    %get3A_26 = arith.constant 0 : index
    %get3A_27 = vector.load %arg5[%get3A_25, %get3A_26] : memref<128x128xf32, #tpu.memory_space<vmem>>, vector<128x128xf32>
    %dot_general3A_28 = arith.constant dense<0.000000e+00> : vector<2000x128xf32>
    %dot_general3A_29 = tpu.matmul %max3A_18, %get3A_27, %dot_general3A_28 {dimension_numbers = #tpu.dot_dimension_numbers<[1], [0], [0], [1], [0, 0, 1, 1], [], []>, transpose_lhs_hint = false} : vector<2000x128xf32>, vector<128x128xf32>, vector<2000x128xf32> -> vector<2000x128xf32>
    %get3A_30 = arith.constant 0 : index
    %get3A_31 = arith.constant 0 : index
    %get3A_32 = vector.load %arg6[%get3A_30, %get3A_31] : memref<1x128xf32, #tpu.memory_space<vmem>>, vector<1x128xf32>
    %add3A_33 = vector.broadcast %get3A_32 : vector<1x128xf32> to vector<2000x128xf32>
    %add3A_34 = arith.addf %dot_general3A_29, %add3A_33 : vector<2000x128xf32>
    %swap3A_35 = arith.constant 0 : index
    %swap3A_36 = arith.constant 0 : index
    %swap3A_37 = vector.load %arg8[%swap3A_35, %swap3A_36] : memref<2000x128xf32, #tpu.memory_space<vmem>>, vector<2000x128xf32>
    tpu.vector_store %arg8[%swap3A_35, %swap3A_36], %add3A_34 {strides = array<i32>} : memref<2000x128xf32, #tpu.memory_space<vmem>>, vector<2000x128xf32>,
    return
  }
  func.func @transform_0(%arg0: i32) -> (i32, i32, i32) {
    %c0_i32 = arith.constant 0 : i32
    %c0_i32_0 = arith.constant 0 : i32
    %c0_i32_1 = arith.constant 0 : i32
    return %c0_i32, %arg0, %c0_i32_0 : i32, i32, i32
  }
  func.func @transform_1(%arg0: i32) -> (i32, i32) {
    %c0_i32 = arith.constant 0 : i32
    %c0_i32_0 = arith.constant 0 : i32
    return %arg0, %c0_i32 : i32, i32
  }
  func.func @transform_2(%arg0: i32) -> (i32, i32) {
    %c0_i32 = arith.constant 0 : i32
    %c0_i32_0 = arith.constant 0 : i32
    return %arg0, %c0_i32 : i32, i32
  }
  func.func @transform_3(%arg0: i32) -> (i32, i32) {
    %c0_i32 = arith.constant 0 : i32
    %c0_i32_0 = arith.constant 0 : i32
    %c0_i32_1 = arith.constant 0 : i32
    return %c0_i32, %c0_i32_0 : i32, i32
  }
  func.func @transform_4(%arg0: i32) -> (i32, i32) {
    %c0_i32 = arith.constant 0 : i32
    %c0_i32_0 = arith.constant 0 : i32
    %c0_i32_1 = arith.constant 0 : i32
    return %c0_i32, %c0_i32_0 : i32, i32
  }
  func.func @transform_5(%arg0: i32) -> (i32, i32) {
    %c0_i32 = arith.constant 0 : i32
    %c0_i32_0 = arith.constant 0 : i32
    %c0_i32_1 = arith.constant 0 : i32
    return %c0_i32, %c0_i32_0 : i32, i32
  }
  func.func @transform_6(%arg0: i32) -> (i32, i32) {
    %c0_i32 = arith.constant 0 : i32
    %c0_i32_0 = arith.constant 0 : i32
    return %arg0, %c0_i32 : i32, i32
  }
  func.func @transform_7(%arg0: i32) -> (i32, i32) {
    %c0_i32 = arith.constant 0 : i32
    %c0_i32_0 = arith.constant 0 : i32
    return %arg0, %c0_i32 : i32, i32
  }
}

module attributes {stable_mosaic.version = 14 : i64} {
  func.func @_fin_body(%arg0: i32, %arg1: memref<2x2000x128xf32, #tpu.memory_space<vmem>>, %arg2: memref<2000x1xf32, #tpu.memory_space<vmem>>, %arg3: memref<2000x128xf32, #tpu.memory_space<vmem>>, %arg4: memref<2000x128xf32, #tpu.memory_space<vmem>>) attributes {dimension_semantics = [#tpu.dimension_semantics<arbitrary>], iteration_bounds = array<i64: 5>, scalar_prefetch = 0 : i64, scratch_operands = 0 : i64, tpu.core_type = #tpu.core_type<tc>, window_params = [{transform_indices = @transform_0, window_bounds = array<i64: 2, 2000, 128>}, {transform_indices = @transform_1, window_bounds = array<i64: 2000, 1>}, {transform_indices = @transform_2, window_bounds = array<i64: 2000, 128>}, {transform_indices = @transform_3, window_bounds = array<i64: 2000, 128>}]} {
    %get3A = arith.constant 0 : index
    %get3A_0 = arith.constant 0 : index
    %get3A_1 = arith.constant 0 : index
    %get3A_2 = vector.load %arg1[%get3A, %get3A_0, %get3A_1] : memref<2x2000x128xf32, #tpu.memory_space<vmem>>, vector<1x2000x128xf32>
    %get3A_3 = vector.shape_cast %get3A_2 : vector<1x2000x128xf32> to vector<2000x128xf32>
    %get3A_4 = arith.constant 1 : index
    %get3A_5 = arith.constant 0 : index
    %get3A_6 = arith.constant 0 : index
    %get3A_7 = vector.load %arg1[%get3A_4, %get3A_5, %get3A_6] : memref<2x2000x128xf32, #tpu.memory_space<vmem>>, vector<1x2000x128xf32>
    %get3A_8 = vector.shape_cast %get3A_7 : vector<1x2000x128xf32> to vector<2000x128xf32>
    %add3A = arith.addf %get3A_3, %get3A_8 : vector<2000x128xf32>
    %get3A_9 = arith.constant 0 : index
    %get3A_10 = arith.constant 0 : index
    %get3A_11 = vector.load %arg2[%get3A_9, %get3A_10] : memref<2000x1xf32, #tpu.memory_space<vmem>>, vector<2000x1xf32>
    %mul3A = vector.broadcast %get3A_11 : vector<2000x1xf32> to vector<2000x128xf32>
    %mul3A_12 = arith.mulf %add3A, %mul3A : vector<2000x128xf32>
    %get3A_13 = arith.constant 0 : index
    %get3A_14 = arith.constant 0 : index
    %get3A_15 = vector.load %arg3[%get3A_13, %get3A_14] : memref<2000x128xf32, #tpu.memory_space<vmem>>, vector<2000x128xf32>
    %add3A_16 = arith.addf %mul3A_12, %get3A_15 : vector<2000x128xf32>
    %swap3A = arith.constant 0 : index
    %swap3A_17 = arith.constant 0 : index
    %swap3A_18 = vector.load %arg4[%swap3A, %swap3A_17] : memref<2000x128xf32, #tpu.memory_space<vmem>>, vector<2000x128xf32>
    tpu.vector_store %arg4[%swap3A, %swap3A_17], %add3A_16 {strides = array<i32>} : memref<2000x128xf32, #tpu.memory_space<vmem>>, vector<2000x128xf32>,
    return
  }
  func.func @transform_0(%arg0: i32) -> (i32, i32, i32) {
    %c0_i32 = arith.constant 0 : i32
    %c0_i32_0 = arith.constant 0 : i32
    %c0_i32_1 = arith.constant 0 : i32
    return %c0_i32, %arg0, %c0_i32_0 : i32, i32, i32
  }
  func.func @transform_1(%arg0: i32) -> (i32, i32) {
    %c0_i32 = arith.constant 0 : i32
    %c0_i32_0 = arith.constant 0 : i32
    return %arg0, %c0_i32 : i32, i32
  }
  func.func @transform_2(%arg0: i32) -> (i32, i32) {
    %c0_i32 = arith.constant 0 : i32
    %c0_i32_0 = arith.constant 0 : i32
    return %arg0, %c0_i32 : i32, i32
  }
  func.func @transform_3(%arg0: i32) -> (i32, i32) {
    %c0_i32 = arith.constant 0 : i32
    %c0_i32_0 = arith.constant 0 : i32
    return %arg0, %c0_i32 : i32, i32
  }
}

</mosaic_0001>

<sc_bundles>
// kernel: kernel.12.cloned.1.call-start
scs
__scs_entry_jumppad:
0x0: {  	(pc) =	sbr.rel $0x88, $3  }
0x1: {  	(tag) =	ssettag $0x0;
	lr =	simm.s32 $0x1  }
0x2: {  	[smem:$0x3F99] =	sst lr;
	_ =	strace $0xD0000000  }
0x3: {  	_ = 	snop  }
0x4: {  	_ = 	snop  }
0x5: {  	_ = 	snop  }
0x6: {  	_ = 	snop  }
0x7: {  	_ = 	snop  }
__scs_overlays_trampoline_lowered:
0x8: {  	[smem:$0x3FA8] =	sst s0  }
0x9: {  	[smem:$0x3FA9] =	sst s1  }
0xa: {  	[smem:$0x3FAA] =	sst s2  }
0xb: {  	[smem:$0x3FAB] =	sst s3  }
0xc: {  	[smem:$0x3FAC] =	sst s4  }
0xd: {  	[smem:$0x3FAD] =	sst s5  }
0xe: {  	[smem:$0x3FAE] =	sst s6  }
0xf: {  	[smem:$0x3FAF] =	sst s7  }
0x10: {  	[smem:$0x3FB0] =	sst s8  }
0x11: {  	[smem:$0x3FB1] =	sst s9;
	s0 =	simm.s32 @!p0 $0x0  }
0x12: {  	s1 =	sld [smem:$0x3F97];
	s0 =	simm.s32 @p0 $0x1  }
0x13: {  	[smem:$0x3FB2] =	sst s0;
	s0 =	simm.s32 @!p1 $0x0  }
0x14: {  	s2 =	sld [smem:$0x3F96];
	s0 =	simm.s32 @p1 $0x1  }
0x15: {  	[smem:$0x3FB3] =	sst s0;
	s0 =	simm.s32 @!p2 $0x0  }
0x16: {  	s3 =	sld [smem:$0x3FDB];
	s0 =	simm.s32 @p2 $0x1  }
0x17: {  	s4 =	simm.s32 $0x1BF5;
	[smem:$0x3FB5] =	sst s0  }
0x18: {  	s0 =	sld [smem:$0x3F98];
	_ =	swait.ge [sflag:s4], $0x0  }
0x19: {  	s7 =	sld [smem:$0x3F99]  }
0x1a: {  	s8 =	sadd.s32 $0xFFFFE003, lr  }
0x1b: {  	s9 =	sadd.s32 $0xFFFFFEF7, lr;
	s5 =	simm.s32 $0xFFFFFFFF;
	p2 =	slt.u32 s8, $0xFFFFF086  }
0x1c: {  	p1 =	slt.u32 s9, $0xF7A;
	s5 =	simm.s32 @!p2 $0x0  }
0x1d: {  	s5 =	simm.s32 @p1 $0x1;
	p0 =	seq.s32 s7, s2  }
0x1e: {  	s7 =	smul.u32 @!p0 $0xF7A, s2;
	p2 =	seq.s32 @!p0 s5, $0x0  }
0x1f: {  	s9 =	smul.u32 $0xF7A, s1;
	s8 =	simm.s32 @!p0 $0x1BF5;
	p2 =	por !p2, p0  }
0x20: {  	[sflag:s8] =	ssyncset.s32 @!p0 $0xFFFFF086;
	s6 =	sadd.s32 @!p0 s3, s7;
	s7 =	simm.s32 @!p0 $0x108  }
0x21: {  	s3 =	sadd.s32 s3, s9;
	s6 =	sadd.s32 @!p0 $0x88, s6;
	s7 =	simm.s32 @p2 $0x1082  }
0x22: {  	[simem:s7], [sflag:s8] =	dma.local @!p0 [hbm:s6], $0xF7A  }
0x23: {  	s9 =	sor.u32 $0xD0000000, s2;
	s6 =	simm.s32 $0x108;
	_ =	swait.ge @!p0 [sflag:s8], $0x0  }
0x24: {  	s3 =	sadd.s32 $0x88, s3;
	s6 =	simm.s32 @!p1 $0x1082;
	[sflag:s4] =	ssyncset.s32 $0xFFFFF086  }
0x25: {  	[simem:s6], [sflag:s4] =	dma.local [hbm:s3], $0xF7A  }
0x26: {  	[smem:$0x3F99] =	sst s1;
	(tag) =	ssettag s2;
	_ =	strace s9  }
0x27: {  	s1 =	sld [smem:$0x3FA9]  }
0x28: {  	s2 =	sld [smem:$0x3FAA]  }
0x29: {  	s4 =	sld [smem:$0x3FAC]  }
0x2a: {  	p0 =	seq.s32 s5, $0x0;
	s5 =	sld [smem:$0x3FAD]  }
0x2b: {  	s6 =	sld [smem:$0x3FAE]  }
0x2c: {  	s7 =	sld [smem:$0x3FAF]  }
0x2d: {  	s3 =	simm.s32 $0x108;
	s8 =	sld [smem:$0x3FB0]  }
0x2e: {  	s3 =	simm.s32 @!p0 $0x1082;
	s9 =	sld [smem:$0x3FB1]  }
0x2f: {  	lr =	sadd.s32 s0, s3;
	s0 =	sld [smem:$0x3FA8]  }
0x30: {  	s3 =	sld [smem:$0x3FAB]  }
0x31: {  	[smem:$0x3FB4] =	sst s10  }
0x32: {  	s10 =	sld [smem:$0x3FB2];
	_ =	sdelay $0x3  }
0x33: {  	p0 =	seq.s32 s10, $0x1;
	s10 =	sld [smem:$0x3FB4];
	_ =	sdelay $0x3  }
0x34: {  	[smem:$0x3FB4] =	sst s10  }
0x35: {  	s10 =	sld [smem:$0x3FB3];
	_ =	sdelay $0x3  }
0x36: {  	p1 =	seq.s32 s10, $0x1;
	s10 =	sld [smem:$0x3FB4];
	_ =	sdelay $0x3  }
0x37: {  	[smem:$0x3FB4] =	sst s10  }
0x38: {  	s10 =	sld [smem:$0x3FB5]  }
0x39: {  	_ = 	snop;
	(pc) =	sbr.ind lr, $3  }
0x3a: {  	_ = 	snop  }
0x3b: {  	_ = 	snop  }
0x3c: {  	p2 =	seq.s32 s10, $0x1;
	s10 =	sld [smem:$0x3FB4]  }
0x3d: {  	_ =	shalt  }
0x3e: {  	_ =	shalt  }
0x3f: {  	_ =	shalt  }
0x40: {  	_ =	shalt  }
0x41: {  	_ =	shalt  }
0x42: {  	_ =	shalt  }
0x43: {  	_ =	shalt  }
0x44: {  	_ =	shalt  }
0x45: {  	_ =	shalt  }
0x46: {  	_ =	shalt  }
0x47: {  	_ =	shalt  }
0x48: {  	_ =	shalt  }
0x49: {  	_ =	shalt  }
0x4a: {  	_ =	shalt  }
0x4b: {  	_ =	shalt  }
0x4c: {  	_ =	shalt  }
0x4d: {  	_ =	shalt  }
0x4e: {  	_ =	shalt  }
0x4f: {  	_ =	shalt  }
0x50: {  	_ =	shalt  }
0x51: {  	_ =	shalt  }
0x52: {  	_ =	shalt  }
0x53: {  	_ =	shalt  }
0x54: {  	_ =	shalt  }
0x55: {  	_ =	shalt  }
0x56: {  	_ =	shalt  }
0x57: {  	_ =	shalt  }
0x58: {  	_ =	shalt  }
0x59: {  	_ =	shalt  }
0x5a: {  	_ =	shalt  }
0x5b: {  	_ =	shalt  }
0x5c: {  	_ =	shalt  }
0x5d: {  	_ =	shalt  }
0x5e: {  	_ =	shalt  }
0x5f: {  	_ =	shalt  }
0x60: {  	_ =	shalt  }
0x61: {  	_ =	shalt  }
0x62: {  	_ =	shalt  }
0x63: {  	_ =	shalt  }
0x64: {  	_ =	shalt  }
0x65: {  	_ =	shalt  }
0x66: {  	_ =	shalt  }
0x67: {  	_ =	shalt  }
0x68: {  	_ =	shalt  }
0x69: {  	_ =	shalt  }
0x6a: {  	_ =	shalt  }
0x6b: {  	_ =	shalt  }
0x6c: {  	_ =	shalt  }
0x6d: {  	_ =	shalt  }
0x6e: {  	_ =	shalt  }
0x6f: {  	_ =	shalt  }
0x70: {  	_ =	shalt  }
0x71: {  	_ =	shalt  }
0x72: {  	_ =	shalt  }
0x73: {  	_ =	shalt  }
0x74: {  	_ =	shalt  }
0x75: {  	_ =	shalt  }
0x76: {  	_ =	shalt  }
0x77: {  	_ =	shalt  }
0x78: {  	_ =	shalt  }
0x79: {  	_ =	shalt  }
0x7a: {  	_ =	shalt  }
0x7b: {  	_ =	shalt  }
0x7c: {  	_ =	shalt  }
0x7d: {  	_ =	shalt  }
0x7e: {  	_ =	shalt  }
0x7f: {  	_ =	shalt  }
0x80: {  	_ =	shalt  }
0x81: {  	_ =	shalt  }
0x82: {  	_ =	shalt  }
0x83: {  	_ =	shalt  }
0x84: {  	_ =	shalt  }
0x85: {  	_ =	shalt  }
0x86: {  	_ =	shalt  }
0x87: {  	_ =	shalt  }
.Lfunc_end0:
.L_simem_size_0:
called_computation.1_lowered:
.L_overlay_start_0:
0x88: {  	s2 =	sld [smem:$0x3FD9]  }
0x89: {  	s3 =	sld [smem:$0x3FFE];
	_ =	sdelay $0x1  }
0x8a: {  	s1 =	srdreg.scid  }
0x8b: {  	s0 =	sand.u32 $0x1, s1  }
0x8c: {  	s17 =	sshll.u32 s0, $0xA;
	s2 =	sadd.s32 s3, s2  }
0x8d: {  	s2 =	sadd.s32 s2, s17  }
0x8e: {  	[smem:$0x3FC0] =	sst s2  }
0x8f: {  	_ = 	snop  }
0x90: {  	s18 =	sld [smem:$0x3FD0];
	(tm) =	ssettm $0x1  }
0x91: {  	s19 =	sld [smem:$0x3FFB];
	_ =	sdelay $0x3  }
0x92: {  	_ =	strace s19  }
0x93: {  	s2 =	sld [smem:$0x3FFC];
	_ =	sdelay $0x3  }
0x94: {  	_ =	strace s2  }
0x95: {  	s2 =	sld [smem:$0x3FFD];
	_ =	sdelay $0x3  }
0x96: {  	_ =	strace s2  }
0x97: {  	_ =	strace $0x8FFFFFFF  }
0x98: {  	s20 =	sld [smem:$0x3FDB];
	_ =	sdelay $0x1  }
0x99: {  	s4 =	simm.s32 $_scs_section_size  }
0x9a: {  	s5 =	simm.s32 $_size__tile_overlayer_lowered;
	s6 =	simm.s32 $_tile_overlayer_lowered  }
0x9b: {  	s7 =	simm.s32 $0x1BFF;
	s21 =	sshll.u32 s6, $0x1;
	s4 =	sadd.s32 s4, s20  }
0x9c: {  	s22 =	simm.s32 $0x0;
	s5 =	sshll.u32 s5, $0x1;
	s6 =	sadd.s32 s21, s4  }
0x9d: {  	[timem:s22], [sflag:s7] =	dma.local [hbm:s6], s5  }
0x9e: {  	_ =	swait.ge [sflag:s7], s5  }
0x9f: {  	s5 =	ssub.s32 $0x0, s5;
	[sflag:s7] =	ssyncset.done $0x0  }
0xa0: {  	[sflag:s7] =	ssyncadd.s32 s5;
	_ =	sdelay $0x1  }
0xa1: {  	s23 =	simm.s32 $0x1B8B  }
0xa2: {  	_ =	swait.ge [sflag:s23], $0x1  }
0xa3: {  	[sflag:s23] =	ssyncset.done $0x0  }
0xa4: {  	[sflag:s23] =	ssyncadd.s32 $0xFFFFFFFF  }
0xa5: {  	s5 =	sld [smem:$0x0]  }
0xa6: {  	s6 =	sand.u32 $0xFFFFFFFE, s1  }
0xa7: {  	p0 =	sne.s32 s1, s6  }
0xa8: {  	s6 =	sshll.u32 @p0 s6, $0xE  }
0xa9: {  	s6 =	sadd.s32 @p0 $0x11B8D, s6;
	s7 =	sshll.u32 @p0 s5, $0x11  }
0xaa: {  	s6 =	sor.u32 @p0 s7, s6  }
0xab: {  	[sflag:s6] =	ssyncadd.remote.s32 @p0 $0x1;
	_ =	sdelay $0x1  }
0xac: {  	s6 =	simm.s32 @p0 $0x1B8D  }
0xad: {  	_ =	swait.eq @p0 [sflag:s6], $0x1  }
0xae: {  	[sflag:s6] =	ssyncadd.s32 @p0 $0xFFFFFFFF  }
0xaf: {  	s7 =	sshll.u32 @!p0 s1, $0xE  }
0xb0: {  	s7 =	sor.u32 @!p0 $0x4000, s7;
	s6 =	simm.s32 @!p0 $0x1B8D  }
0xb1: {  	s5 =	sshll.u32 @!p0 s5, $0x11;
	s7 =	sadd.s32 @!p0 $0x11B8D, s7;
	_ =	swait.eq @!p0 [sflag:s6], $0x1  }
0xb2: {  	s5 =	sor.u32 @!p0 s5, s7;
	[sflag:s6] =	ssyncadd.s32 @!p0 $0xFFFFFFFF  }
0xb3: {  	s25 =	simm.s32 $0x1B8E;
	s24 =	sld [smem:$0x3FFE];
	[sflag:s5] =	ssyncadd.remote.s32 @!p0 $0x1  }
0xb4: {  	s26 =	simm.s32 $execute0_lowered;
	[smem:$0x3FD2] =	sst s25  }
0xb5: {  	s6 =	sshll.u32 s26, $0x1;
	_ =	strace $0x80000049;
	[dreg:$0x1] =	wrdreg $0xFFFFFFFF  }
0xb6: {  	s28 =	simm.s32 $_size_execute0_lowered;
	s4 =	sadd.s32 s4, s6;
	[dreg:$0x0] =	wrdreg $0x0  }
0xb7: {  	s6 =	sshll.u32 s28, $0x1;
	[dreg:$0x2] =	wrdreg s4  }
0xb8: {  	[dreg:$0x3] =	wrdreg s6  }
0xb9: {  	[dreg:$0x4] =	wrdreg $0xC0  }
0xba: {  	_ =	task [dreg:s22], $0x5FFFF  }
0xbb: {  	[dreg:$0x1] =	wrdreg $0xFFFFFFFF  }
0xbc: {  	[dreg:$0x0] =	wrdreg $0x60  }
0xbd: {  	[dreg:$0x2] =	wrdreg s18  }
0xbe: {  	[dreg:$0x3] =	wrdreg s24  }
0xbf: {  	[dreg:$0x4] =	wrdreg $0xAC000  }
0xc0: {  	[dreg:$0x5] =	wrdreg $0xA  }
0xc1: {  	_ =	task.clear_ibuf [dreg:s22], $0x6FFFF;
	_ =	strace $0x90000049  }
0xc2: {  	s29 =	simm.s32 $0xA;
	_ =	strace $0x8000004B  }
0xc3: {  	_ =	swait.ge [sflag:s29], $0x1  }
0xc4: {  	[sflag:s29] =	ssyncadd.s32 $0xFFFFFFFF  }
0xc5: {  	_ =	strace $0x9000004B  }
0xc6: {  	_ =	sfence  }
0xc7: {  	s30 =	sld [smem:$0x0];
	_ =	sdelay $0x2  }
0xc8: {  	s31 =	sshll.u32 s1, $0xD;
	s1 =	sshrl.u32 s1, $0x2  }
0xc9: {  	s4 =	sand.u32 $0x4000, s31;
	s1 =	sadd.s32 s1, s30  }
0xca: {  	s0 =	sor.u32 s4, s0;
	s1 =	sshll.u32 s1, $0x11  }
0xcb: {  	s0 =	sor.u32 s1, s0  }
0xcc: {  	s0 =	sadd.s32 $0x8F2B, s0  }
0xcd: {  	[sflag:s0] =	ssyncadd.remote.s32 $0x1  }
0xce: {  	_ =	sfence.sel $0xFFFF  }
0xcf: {  	[dreg:$0x0] =	wrdreg $0xFFFFFFFF;
	(pc) =	sbr.abs _section_cstart, $3  }
0xd0: {  	[dreg:$0x1] =	wrdreg $0xFFFFFFFF  }
0xd1: {  	_ =	task.clear_ibuf [dreg:s22], $0x2FFFF;
	_ =	strace $0x9FFFFFFF  }
0xd2: {  	(tm) =	ssettm $0x7FFFFFFF  }
0xd3: {  	_ =	shalt  }
tec
execute0_lowered:
.L_overlay_start_1:
0x0: {  	(tag) =	ssettag $0x1  }
0x1: {  	s0 =	srdreg.scid  }
0x2: {  	s1 =	rddreg [dreg:$0x0];
	s0 =	sand.u32 $0x1, s0  }
0x3: {  	s7 =	stileid.u32;
	s4 =	rddreg [dreg:$0x1];
	s2 =	sshll.u32 s0, $0x4  }
0x4: {  	s3 =	rddreg [dreg:$0x2];
	s8 =	simm.s32 $0x0;
	s2 =	sor.u32 s7, s2  }
0x5: {  	s28 =	simm.s32 $0x4C00;
	s14 =	smul.u32 $0x14000, s7;
	s2 =	sshrl.u32 s2, $0x3  }
0x6: {  	s29 =	simm.s32 $0x1;
	s5 =	sshll.u32 s7, $0x7;
	s2 =	smul.u32 $0xA000, s2  }
0x7: {  	s30 =	simm.s32 $0x2900;
	s5 =	sand.u32 $0x380, s5;
	s6 =	smul.u32 $0x140000, s0  }
0x8: {  	s31 =	simm.s32 $0x6C00;
	[smem:$0x7FF] =	sst s8;
	s2 =	sor.u32 s5, s2  }
0x9: {  	s7 =	smul.u32 $0x50000, s7;
	s5 =	sadd.s32 s14, s6;
	s2 =	sshrl.u32 s2, $0x3  }
0xa: {  	_ =	strace $0x8000004A;
	s5 =	sshrl.u32 s5, $0x3;
	s2 =	sadd.s32 s2, s4  }
0xb: {  	s7 =	sshrl.u32 s7, $0x2;
	s4 =	sadd.s32 s5, s4;
	s16 =	sadd.s32 $0x7E00, s2  }
0xc: {  	s5 =	sadd.s32 s7, s3;
	s2 =	sadd.s32 $0x2E00, s2;
	[dreg:$0x4] =	wrdreg s16  }
0xd: {  	s9 =	simm.s32 $0x6;
	s17 =	sadd.s32 $0x2000, s5;
	[dreg:$0x5] =	wrdreg s2  }
0xe: {  	s10 =	simm.s32 $0x2B80;
	s18 =	sadd.s32 $0x4000, s5;
	[dreg:$0x6] =	wrdreg s17  }
0xf: {  	s11 =	simm.s32 $0x7;
	s19 =	sadd.s32 $0x6000, s5;
	[dreg:$0x7] =	wrdreg s18  }
0x10: {  	s12 =	simm.s32 $0x8;
	s20 =	sadd.s32 $0x8000, s5;
	[dreg:$0x8] =	wrdreg s19  }
0x11: {  	s13 =	simm.s32 $0x0;
	s21 =	sadd.s32 $0xA000, s5;
	[dreg:$0x9] =	wrdreg s20  }
0x12: {  	s8 =	simm.s32 $0x2B00;
	s22 =	sadd.s32 $0xC000, s5;
	[dreg:$0xa] =	wrdreg s21  }
0x13: {  	s0 =	ssub.s32 $0x2, s0;
	s23 =	sadd.s32 $0xE000, s5;
	[dreg:$0xb] =	wrdreg s22  }
0x14: {  	s15 =	sshrl.u32 s0, $0x1;
	s24 =	sadd.s32 $0x10000, s5;
	[dreg:$0xc] =	wrdreg s23  }
0x15: {  	s0 =	ssub.s32 s0, s15;
	s25 =	sadd.s32 $0x12000, s5;
	[dreg:$0xd] =	wrdreg s24  }
0x16: {  	s6 =	simm.s32 $0x2A80;
	s26 =	sadd.s32 $0xD800, s4;
	[dreg:$0xe] =	wrdreg s25  }
0x17: {  	s7 =	simm.s32 $0x3;
	s4 =	simm.s32 $0x2;
	[dreg:$0xf] =	wrdreg s26  }
0x18: {  	s18 =	smax.u32 s0, $0x1;
	s21 =	simm.s32 $0x9;
	s23 =	simm.s32 $0x2C00  }
0x19: {  	s24 =	simm.s32 $0x40;
	s25 =	simm.s32 $0x2800;
	s26 =	simm.s32 $0x2880  }
0x1a: {  	s2 =	simm.s32 $0x2A00;
	s22 =	simm.s32 $0x2980;
	s0 =	simm.s32 $0x8C00  }
0x1b: {  	v0 =	vimm.f32 $0.0e+00;
	s19 =	simm.s32 $0x5;
	s20 =	simm.s32 $0x4;
	s17 =	simm.s32 $0x400  }
.LBB2_1:
0x1c: {  	s14 =	simm.s32 $0x0;
	s15 =	rddreg [dreg:$0x4];
	s16 =	simm.s32 $0x80  }
0x1d: {  	[tilespmem:s14], [sflag:$0x9] =	stream.strided.gather [hbm4b:s15+s16], $0x1400, s17, s16, $0x38;
	[tilespmem:$0x1EC00] =	vst v63  }
0x1e: {  	_ =	swait.ge [sflag:s21], $0x1400  }
0x1f: {  	[sflag:s21] =	ssyncset.done $0x0  }
0x20: {  	s15 =	simm.s32 $0x1400;
	s14 =	rddreg [dreg:$0x5];
	[sflag:s21] =	ssyncadd.s32 $0xFFFFEC00  }
0x21: {  	[tilespmem:s15], [sflag:$0x9] =	stream.strided.gather [hbm4b:s14+s16], $0x1400, s17, s16, $0x38;
	[tilespmem:$0x1EC00] =	vst v63  }
0x22: {  	_ =	swait.ge [sflag:s21], $0x1400  }
0x23: {  	[sflag:s21] =	ssyncset.done $0x0  }
0x24: {  	s14 =	simm.s32 $0x0;
	s15 =	simm.s32 $0x200;
	[sflag:s21] =	ssyncadd.s32 $0xFFFFEC00  }
.LBB2_2:
0x25: {  	p0 =	sne.s32 s15, $0x7E00;
	[tilespmem:s14+$0x2C70] =	vst v0  }
0x26: {  	[tilespmem:s14+$0x2C00] =	vst v0  }
0x27: {  	[tilespmem:s14+$0x2C10] =	vst v0  }
.Ltmp0:
0x28: {  	[tilespmem:s14+$0x2C20] =	vst v0;
	(pc) =	sbr.rel @p0 .LBB2_2-.Ltmp0, $4  }
0x29: {  	[tilespmem:s14+$0x2C30] =	vst v0  }
0x2a: {  	[tilespmem:s14+$0x2C40] =	vst v0  }
0x2b: {  	[tilespmem:s14+$0x2C50] =	vst v0  }
0x2c: {  	[tilespmem:s14+$0x2C60] =	vst v0;
	s14 =	sshra.s32 s15, $0x2;
	s15 =	sadd.s32 $0x200, s15  }
0x2d: {  	[tilespmem:s14+$0x2C70] =	vst v0  }
0x2e: {  	[tilespmem:s14+$0x2C00] =	vst v0  }
0x2f: {  	[tilespmem:s14+$0x2C10] =	vst v0  }
0x30: {  	[tilespmem:s14+$0x2C20] =	vst v0  }
0x31: {  	[tilespmem:s14+$0x2C30] =	vst v0  }
0x32: {  	[tilespmem:s14+$0x2C40] =	vst v0  }
0x33: {  	[tilespmem:s14+$0x2C50] =	vst v0  }
0x34: {  	[tilespmem:s14+$0x2C60] =	vst v0  }
0x35: {  	[spmem:s5] =	stream.linear.scatter [tilespmem:s23], [sflag:$0x9], $0x2000, $0x38;
	[tilespmem:$0x1EC00] =	vst v63  }
0x36: {  	_ =	swait.ge [sflag:s21], $0x2000  }
0x37: {  	[sflag:s21] =	ssyncset.done $0x0  }
0x38: {  	s16 =	rddreg [dreg:$0x6];
	[sflag:s21] =	ssyncadd.s32 $0xFFFFE000  }
0x39: {  	[spmem:s16] =	stream.linear.scatter [tilespmem:s23], [sflag:$0x9], $0x2000, $0x38;
	[tilespmem:$0x1EC00] =	vst v63  }
0x3a: {  	_ =	swait.ge [sflag:s21], $0x2000  }
0x3b: {  	[sflag:s21] =	ssyncset.done $0x0  }
0x3c: {  	s15 =	rddreg [dreg:$0x7];
	[sflag:s21] =	ssyncadd.s32 $0xFFFFE000  }
0x3d: {  	[spmem:s15] =	stream.linear.scatter [tilespmem:s23], [sflag:$0x9], $0x2000, $0x38;
	[tilespmem:$0x1EC00] =	vst v63  }
0x3e: {  	_ =	swait.ge [sflag:s21], $0x2000  }
0x3f: {  	[sflag:s21] =	ssyncset.done $0x0  }
0x40: {  	s16 =	rddreg [dreg:$0x8];
	[sflag:s21] =	ssyncadd.s32 $0xFFFFE000  }
0x41: {  	[spmem:s16] =	stream.linear.scatter [tilespmem:s23], [sflag:$0x9], $0x2000, $0x38;
	[tilespmem:$0x1EC00] =	vst v63  }
0x42: {  	_ =	swait.ge [sflag:s21], $0x2000  }
0x43: {  	[sflag:s21] =	ssyncset.done $0x0  }
0x44: {  	s15 =	rddreg [dreg:$0x9];
	[sflag:s21] =	ssyncadd.s32 $0xFFFFE000  }
0x45: {  	[spmem:s15] =	stream.linear.scatter [tilespmem:s23], [sflag:$0x9], $0x2000, $0x38;
	[tilespmem:$0x1EC00] =	vst v63  }
0x46: {  	_ =	swait.ge [sflag:s21], $0x2000  }
0x47: {  	[sflag:s21] =	ssyncset.done $0x0  }
0x48: {  	s16 =	rddreg [dreg:$0xa];
	[sflag:s21] =	ssyncadd.s32 $0xFFFFE000  }
0x49: {  	[spmem:s16] =	stream.linear.scatter [tilespmem:s23], [sflag:$0x9], $0x2000, $0x38;
	[tilespmem:$0x1EC00] =	vst v63  }
0x4a: {  	_ =	swait.ge [sflag:s21], $0x2000  }
0x4b: {  	[sflag:s21] =	ssyncset.done $0x0  }
0x4c: {  	s15 =	rddreg [dreg:$0xb];
	[sflag:s21] =	ssyncadd.s32 $0xFFFFE000  }
0x4d: {  	[spmem:s15] =	stream.linear.scatter [tilespmem:s23], [sflag:$0x9], $0x2000, $0x38;
	[tilespmem:$0x1EC00] =	vst v63  }
0x4e: {  	_ =	swait.ge [sflag:s21], $0x2000  }
0x4f: {  	[sflag:s21] =	ssyncset.done $0x0  }
0x50: {  	s16 =	rddreg [dreg:$0xc];
	[sflag:s21] =	ssyncadd.s32 $0xFFFFE000  }
0x51: {  	[spmem:s16] =	stream.linear.scatter [tilespmem:s23], [sflag:$0x9], $0x2000, $0x38;
	[tilespmem:$0x1EC00] =	vst v63  }
0x52: {  	_ =	swait.ge [sflag:s21], $0x2000  }
0x53: {  	[sflag:s21] =	ssyncset.done $0x0  }
0x54: {  	s15 =	rddreg [dreg:$0xd];
	[sflag:s21] =	ssyncadd.s32 $0xFFFFE000  }
0x55: {  	[spmem:s15] =	stream.linear.scatter [tilespmem:s23], [sflag:$0x9], $0x2000, $0x38;
	[tilespmem:$0x1EC00] =	vst v63  }
0x56: {  	_ =	swait.ge [sflag:s21], $0x2000  }
0x57: {  	[sflag:s21] =	ssyncset.done $0x0  }
0x58: {  	s16 =	rddreg [dreg:$0xe];
	[sflag:s21] =	ssyncadd.s32 $0xFFFFE000  }
0x59: {  	[spmem:s16] =	stream.linear.scatter [tilespmem:s23], [sflag:$0x9], $0x2000, $0x38;
	[tilespmem:$0x1EC00] =	vst v63  }
0x5a: {  	_ =	swait.ge [sflag:s21], $0x2000  }
0x5b: {  	[sflag:s21] =	ssyncset.done $0x0  }
0x5c: {  	[sflag:s21] =	ssyncadd.s32 $0xFFFFE000  }
0x5d: {  	[bflag:$0x0] =	sbarrier.arrive $0xFFFF  }
0x5e: {  	v1 =	vld [tilespmem:$0x0];
	_ =	sdelay $0x1  }
0x5f: {  	v2 =	vld [tilespmem:$0x10];
	_ =	sdelay $0x2  }
0x60: {  	v3 =	vand.u32 $0xFFFF, v1  }
0x61: {  	v1 =	vshrl.u32 v1, $0x10;
	[tilespmem:$0x2800] =	vst v3  }
0x62: {  	[tilespmem:$0x2820] =	vst v1;
	v1 =	vand.u32 $0xFFFF, v2  }
0x63: {  	[tilespmem:$0x2810] =	vst v1;
	v1 =	vshrl.u32 v2, $0x10  }
0x64: {  	[tilespmem:$0x2830] =	vst v1  }
0x65: {  	[tilespmem:s23], [sflag:$0x1] =	stream.indirect.gather [hbm4b:s1+s24], $0x80, s25, s24, $0xb8;
	[tilespmem:$0x1EC00] =	vst v63  }
0x66: {  	v1 =	vld [tilespmem:$0x20];
	_ =	sdelay $0x1  }
0x67: {  	v2 =	vld [tilespmem:$0x30];
	_ =	sdelay $0x2  }
0x68: {  	v3 =	vand.u32 $0xFFFF, v1  }
0x69: {  	v1 =	vshrl.u32 v1, $0x10;
	[tilespmem:$0x2880] =	vst v3  }
0x6a: {  	[tilespmem:$0x28A0] =	vst v1;
	v1 =	vand.u32 $0xFFFF, v2  }
0x6b: {  	[tilespmem:$0x2890] =	vst v1;
	v1 =	vshrl.u32 v2, $0x10  }
0x6c: {  	[tilespmem:$0x28B0] =	vst v1  }
0x6d: {  	[tilespmem:s28], [sflag:$0x2] =	stream.indirect.gather [hbm4b:s1+s24], $0x80, s26, s24, $0xb8;
	[tilespmem:$0x1EC00] =	vst v63  }
0x6e: {  	_ =	swait.ge [sflag:s29], $0x2000  }
0x6f: {  	[sflag:s29] =	ssyncset.done $0x0  }
0x70: {  	[sflag:s29] =	ssyncadd.s32 $0xFFFFE000  }
0x71: {  	v1 =	vld [tilespmem:$0x40];
	_ =	sdelay $0x1  }
0x72: {  	v2 =	vld [tilespmem:$0x50];
	_ =	sdelay $0x2  }
0x73: {  	v3 =	vand.u32 $0xFFFF, v1  }
0x74: {  	v1 =	vshrl.u32 v1, $0x10;
	[tilespmem:$0x2900] =	vst v3  }
0x75: {  	[tilespmem:$0x2920] =	vst v1;
	v1 =	vand.u32 $0xFFFF, v2  }
0x76: {  	[tilespmem:$0x2910] =	vst v1;
	v1 =	vshrl.u32 v2, $0x10  }
0x77: {  	[tilespmem:$0x2930] =	vst v1  }
0x78: {  	[tilespmem:s31], [sflag:$0x3] =	stream.indirect.gather [hbm4b:s1+s24], $0x80, s30, s24, $0xb8;
	[tilespmem:$0x1EC00] =	vst v63  }
0x79: {  	v1 =	vld [tilespmem:$0x1400];
	_ =	sdelay $0x1  }
0x7a: {  	v2 =	vld [tilespmem:$0x1410];
	_ =	sdelay $0x2  }
0x7b: {  	v3 =	vand.u32 $0xFFFF, v1  }
0x7c: {  	v1 =	vshrl.u32 v1, $0x10;
	[tilespmem:$0x2A00] =	vst v3  }
0x7d: {  	[tilespmem:$0x2A20] =	vst v1;
	v1 =	vand.u32 $0xFFFF, v2  }
0x7e: {  	[tilespmem:$0x2A10] =	vst v1;
	v1 =	vshrl.u32 v2, $0x10  }
0x7f: {  	[tilespmem:$0x2A30] =	vst v1  }
0x80: {  	[spmem:s3] =	stream.indirect.scatter.add.f32 [tilespmem:s23], [sflag:$0x5], $0x80, s2, s24, $0xb8;
	[tilespmem:$0x1EC00] =	vst v63  }
0x81: {  	_ =	swait.ge [sflag:s4], $0x2000  }
0x82: {  	[sflag:s4] =	ssyncset.done $0x0  }
0x83: {  	[sflag:s4] =	ssyncadd.s32 $0xFFFFE000  }
0x84: {  	v1 =	vld [tilespmem:$0x60];
	_ =	sdelay $0x1  }
0x85: {  	v2 =	vld [tilespmem:$0x70];
	_ =	sdelay $0x2  }
0x86: {  	v3 =	vand.u32 $0xFFFF, v1  }
0x87: {  	v1 =	vshrl.u32 v1, $0x10;
	[tilespmem:$0x2980] =	vst v3  }
0x88: {  	[tilespmem:$0x29A0] =	vst v1;
	v1 =	vand.u32 $0xFFFF, v2  }
0x89: {  	[tilespmem:$0x2990] =	vst v1;
	v1 =	vshrl.u32 v2, $0x10  }
0x8a: {  	[tilespmem:$0x29B0] =	vst v1  }
0x8b: {  	[tilespmem:s0], [sflag:$0x4] =	stream.indirect.gather [hbm4b:s1+s24], $0x80, s22, s24, $0xb8;
	[tilespmem:$0x1EC00] =	vst v63  }
0x8c: {  	v1 =	vld [tilespmem:$0x1420];
	_ =	sdelay $0x1  }
0x8d: {  	v2 =	vld [tilespmem:$0x1430];
	_ =	sdelay $0x2  }
0x8e: {  	v3 =	vand.u32 $0xFFFF, v1  }
0x8f: {  	v1 =	vshrl.u32 v1, $0x10;
	[tilespmem:$0x2A80] =	vst v3  }
0x90: {  	[tilespmem:$0x2AA0] =	vst v1;
	v1 =	vand.u32 $0xFFFF, v2  }
0x91: {  	[tilespmem:$0x2A90] =	vst v1;
	v1 =	vshrl.u32 v2, $0x10  }
0x92: {  	[tilespmem:$0x2AB0] =	vst v1  }
0x93: {  	[spmem:s3] =	stream.indirect.scatter.add.f32 [tilespmem:s28], [sflag:$0x6], $0x80, s6, s24, $0xb8;
	[tilespmem:$0x1EC00] =	vst v63  }
0x94: {  	_ =	swait.ge [sflag:s7], $0x2000  }
0x95: {  	[sflag:s7] =	ssyncset.done $0x0  }
0x96: {  	[sflag:s7] =	ssyncadd.s32 $0xFFFFE000  }
0x97: {  	_ =	swait.ge [sflag:s19], $0x2000  }
0x98: {  	[sflag:s19] =	ssyncset.done $0x0  }
0x99: {  	s14 =	simm.s32 $0x0;
	[sflag:s19] =	ssyncadd.s32 $0xFFFFE000  }
0x9a: {  	v1 =	vld [tilespmem:s14+$0x80];
	_ =	sdelay $0x4  }
0x9b: {  	v2 =	vand.u32 $0xFFFF, v1  }
0x9c: {  	v1 =	vshrl.u32 v1, $0x10;
	[tilespmem:$0x2800] =	vst v2  }
0x9d: {  	[tilespmem:$0x2820] =	vst v1  }
0x9e: {  	v1 =	vld [tilespmem:s14+$0x90];
	_ =	sdelay $0x4  }
0x9f: {  	v2 =	vand.u32 $0xFFFF, v1  }
0xa0: {  	v1 =	vshrl.u32 v1, $0x10;
	[tilespmem:$0x2810] =	vst v2  }
0xa1: {  	[tilespmem:$0x2830] =	vst v1  }
0xa2: {  	[tilespmem:s23], [sflag:$0x1] =	stream.indirect.gather [hbm4b:s1+s24], $0x80, s25, s24, $0xb8;
	[tilespmem:$0x1EC00] =	vst v63  }
0xa3: {  	v1 =	vld [tilespmem:s14+$0x1440];
	_ =	sdelay $0x4  }
0xa4: {  	v2 =	vand.u32 $0xFFFF, v1  }
0xa5: {  	v1 =	vshrl.u32 v1, $0x10;
	[tilespmem:$0x2B00] =	vst v2  }
0xa6: {  	[tilespmem:$0x2B20] =	vst v1  }
0xa7: {  	v1 =	vld [tilespmem:s14+$0x1450];
	_ =	sdelay $0x4  }
0xa8: {  	v2 =	vand.u32 $0xFFFF, v1  }
0xa9: {  	v1 =	vshrl.u32 v1, $0x10;
	[tilespmem:$0x2B10] =	vst v2  }
0xaa: {  	[tilespmem:$0x2B30] =	vst v1  }
0xab: {  	[spmem:s3] =	stream.indirect.scatter.add.f32 [tilespmem:s31], [sflag:$0x7], $0x80, s8, s24, $0xb8;
	[tilespmem:$0x1EC00] =	vst v63  }
0xac: {  	_ =	swait.ge [sflag:s20], $0x2000  }
0xad: {  	[sflag:s20] =	ssyncset.done $0x0  }
0xae: {  	[sflag:s20] =	ssyncadd.s32 $0xFFFFE000  }
0xaf: {  	_ =	swait.ge [sflag:s9], $0x2000  }
0xb0: {  	[sflag:s9] =	ssyncset.done $0x0  }
0xb1: {  	[sflag:s9] =	ssyncadd.s32 $0xFFFFE000  }
0xb2: {  	v1 =	vld [tilespmem:s14+$0xA0];
	_ =	sdelay $0x4  }
0xb3: {  	v2 =	vand.u32 $0xFFFF, v1  }
0xb4: {  	v1 =	vshrl.u32 v1, $0x10;
	[tilespmem:$0x2880] =	vst v2  }
0xb5: {  	[tilespmem:$0x28A0] =	vst v1  }
0xb6: {  	v1 =	vld [tilespmem:s14+$0xB0];
	_ =	sdelay $0x4  }
0xb7: {  	v2 =	vand.u32 $0xFFFF, v1  }
0xb8: {  	v1 =	vshrl.u32 v1, $0x10;
	[tilespmem:$0x2890] =	vst v2  }
0xb9: {  	[tilespmem:$0x28B0] =	vst v1  }
0xba: {  	[tilespmem:s28], [sflag:$0x2] =	stream.indirect.gather [hbm4b:s1+s24], $0x80, s26, s24, $0xb8;
	[tilespmem:$0x1EC00] =	vst v63  }
0xbb: {  	v1 =	vld [tilespmem:s14+$0x1460];
	_ =	sdelay $0x4  }
0xbc: {  	v2 =	vand.u32 $0xFFFF, v1  }
0xbd: {  	v1 =	vshrl.u32 v1, $0x10;
	[tilespmem:$0x2B80] =	vst v2  }
0xbe: {  	[tilespmem:$0x2BA0] =	vst v1  }
0xbf: {  	v1 =	vld [tilespmem:s14+$0x1470];
	_ =	sdelay $0x4  }
0xc0: {  	v2 =	vand.u32 $0xFFFF, v1  }
0xc1: {  	v1 =	vshrl.u32 v1, $0x10;
	[tilespmem:$0x2B90] =	vst v2  }
0xc2: {  	[tilespmem:$0x2BB0] =	vst v1  }
0xc3: {  	[spmem:s3] =	stream.indirect.scatter.add.f32 [tilespmem:s0], [sflag:$0x8], $0x80, s10, s24, $0xb8;
	[tilespmem:$0x1EC00] =	vst v63  }
0xc4: {  	_ =	swait.ge [sflag:s29], $0x2000  }
0xc5: {  	[sflag:s29] =	ssyncset.done $0x0  }
0xc6: {  	[sflag:s29] =	ssyncadd.s32 $0xFFFFE000  }
0xc7: {  	_ =	swait.ge [sflag:s11], $0x2000  }
0xc8: {  	[sflag:s11] =	ssyncset.done $0x0  }
0xc9: {  	[sflag:s11] =	ssyncadd.s32 $0xFFFFE000  }
0xca: {  	v1 =	vld [tilespmem:s14+$0xC0];
	_ =	sdelay $0x4  }
0xcb: {  	v2 =	vand.u32 $0xFFFF, v1  }
0xcc: {  	v1 =	vshrl.u32 v1, $0x10;
	[tilespmem:$0x2900] =	vst v2  }
0xcd: {  	[tilespmem:$0x2920] =	vst v1  }
0xce: {  	v1 =	vld [tilespmem:s14+$0xD0];
	_ =	sdelay $0x4  }
0xcf: {  	v2 =	vand.u32 $0xFFFF, v1  }
0xd0: {  	v1 =	vshrl.u32 v1, $0x10;
	[tilespmem:$0x2910] =	vst v2  }
0xd1: {  	[tilespmem:$0x2930] =	vst v1  }
0xd2: {  	[tilespmem:s31], [sflag:$0x3] =	stream.indirect.gather [hbm4b:s1+s24], $0x80, s30, s24, $0xb8;
	[tilespmem:$0x1EC00] =	vst v63  }
0xd3: {  	v1 =	vld [tilespmem:s14+$0x1480];
	_ =	sdelay $0x4  }
0xd4: {  	v2 =	vand.u32 $0xFFFF, v1  }
0xd5: {  	v1 =	vshrl.u32 v1, $0x10;
	[tilespmem:$0x2A00] =	vst v2  }
0xd6: {  	[tilespmem:$0x2A20] =	vst v1  }
0xd7: {  	v1 =	vld [tilespmem:s14+$0x1490];
	_ =	sdelay $0x4  }
0xd8: {  	v2 =	vand.u32 $0xFFFF, v1  }
0xd9: {  	v1 =	vshrl.u32 v1, $0x10;
	[tilespmem:$0x2A10] =	vst v2  }
0xda: {  	[tilespmem:$0x2A30] =	vst v1  }
0xdb: {  	[spmem:s3] =	stream.indirect.scatter.add.f32 [tilespmem:s23], [sflag:$0x5], $0x80, s2, s24, $0xb8;
	[tilespmem:$0x1EC00] =	vst v63  }
0xdc: {  	_ =	swait.ge [sflag:s4], $0x2000  }
0xdd: {  	[sflag:s4] =	ssyncset.done $0x0  }
0xde: {  	[sflag:s4] =	ssyncadd.s32 $0xFFFFE000  }
0xdf: {  	_ =	swait.ge [sflag:s12], $0x2000  }
0xe0: {  	[sflag:s12] =	ssyncset.done $0x0  }
0xe1: {  	[sflag:s12] =	ssyncadd.s32 $0xFFFFE000  }
0xe2: {  	v1 =	vld [tilespmem:s14+$0xE0];
	_ =	sdelay $0x4  }
0xe3: {  	v2 =	vand.u32 $0xFFFF, v1  }
0xe4: {  	v1 =	vshrl.u32 v1, $0x10;
	[tilespmem:$0x2980] =	vst v2  }
0xe5: {  	[tilespmem:$0x29A0] =	vst v1  }
0xe6: {  	v1 =	vld [tilespmem:s14+$0xF0];
	_ =	sdelay $0x4  }
0xe7: {  	v2 =	vand.u32 $0xFFFF, v1  }
0xe8: {  	v1 =	vshrl.u32 v1, $0x10;
	[tilespmem:$0x2990] =	vst v2  }
0xe9: {  	s15 =	simm.s32 $0x200;
	[tilespmem:$0x29B0] =	vst v1  }
0xea: {  	[tilespmem:s0], [sflag:$0x4] =	stream.indirect.gather [hbm4b:s1+s24], $0x80, s22, s24, $0xb8;
	[tilespmem:$0x1EC00] =	vst v63  }
.LBB2_4:
0xeb: {  	p0 =	sne.s32 s15, $0x4A00;
	v1 =	vld [tilespmem:s14+$0x14A0];
	s16 =	smov.u32 s15;
	s15 =	sadd.s32 $0x200, s15  }
0xec: {  	_ =	sdelay $0x3  }
0xed: {  	v2 =	vand.u32 $0xFFFF, v1;
	v1 =	vshrl.u32 v1, $0x10  }
0xee: {  	[tilespmem:$0x2A80] =	vst v2  }
0xef: {  	[tilespmem:$0x2AA0] =	vst v1  }
0xf0: {  	v1 =	vld [tilespmem:s14+$0x14B0];
	_ =	sdelay $0x4  }
0xf1: {  	v2 =	vand.u32 $0xFFFF, v1;
	v1 =	vshrl.u32 v1, $0x10  }
0xf2: {  	[tilespmem:$0x2A90] =	vst v2  }
0xf3: {  	[tilespmem:$0x2AB0] =	vst v1  }
0xf4: {  	[spmem:s3] =	stream.indirect.scatter.add.f32 [tilespmem:s28], [sflag:$0x6], $0x80, s6, s24, $0xb8;
	[tilespmem:$0x1EC00] =	vst v63  }
0xf5: {  	_ =	swait.ge [sflag:s7], $0x2000  }
0xf6: {  	[sflag:s7] =	ssyncset.done $0x0  }
0xf7: {  	[sflag:s7] =	ssyncadd.s32 $0xFFFFE000  }
0xf8: {  	_ =	swait.ge [sflag:s19], $0x2000  }
0xf9: {  	[sflag:s19] =	ssyncset.done $0x0  }
0xfa: {  	s14 =	sshra.s32 s16, $0x2;
	[sflag:s19] =	ssyncadd.s32 $0xFFFFE000  }
0xfb: {  	v1 =	vld [tilespmem:s14+$0x80];
	_ =	sdelay $0x4  }
0xfc: {  	v2 =	vand.u32 $0xFFFF, v1;
	v1 =	vshrl.u32 v1, $0x10  }
0xfd: {  	[tilespmem:$0x2800] =	vst v2  }
0xfe: {  	[tilespmem:$0x2820] =	vst v1  }
0xff: {  	v1 =	vld [tilespmem:s14+$0x90];
	_ =	sdelay $0x4  }
0x100: {  	v2 =	vand.u32 $0xFFFF, v1;
	v1 =	vshrl.u32 v1, $0x10  }
0x101: {  	[tilespmem:$0x2810] =	vst v2  }
0x102: {  	[tilespmem:$0x2830] =	vst v1  }
0x103: {  	[tilespmem:s23], [sflag:$0x1] =	stream.indirect.gather [hbm4b:s1+s24], $0x80, s25, s24, $0xb8;
	[tilespmem:$0x1EC00] =	vst v63  }
0x104: {  	v1 =	vld [tilespmem:s14+$0x1440];
	_ =	sdelay $0x4  }
0x105: {  	v2 =	vand.u32 $0xFFFF, v1;
	v1 =	vshrl.u32 v1, $0x10  }
0x106: {  	[tilespmem:$0x2B00] =	vst v2  }
0x107: {  	[tilespmem:$0x2B20] =	vst v1  }
0x108: {  	v1 =	vld [tilespmem:s14+$0x1450];
	_ =	sdelay $0x4  }
0x109: {  	v2 =	vand.u32 $0xFFFF, v1;
	v1 =	vshrl.u32 v1, $0x10  }
0x10a: {  	[tilespmem:$0x2B10] =	vst v2  }
0x10b: {  	[tilespmem:$0x2B30] =	vst v1  }
0x10c: {  	[spmem:s3] =	stream.indirect.scatter.add.f32 [tilespmem:s31], [sflag:$0x7], $0x80, s8, s24, $0xb8;
	[tilespmem:$0x1EC00] =	vst v63  }
0x10d: {  	_ =	swait.ge [sflag:s20], $0x2000  }
0x10e: {  	[sflag:s20] =	ssyncset.done $0x0  }
0x10f: {  	[sflag:s20] =	ssyncadd.s32 $0xFFFFE000  }
0x110: {  	_ =	swait.ge [sflag:s9], $0x2000  }
0x111: {  	[sflag:s9] =	ssyncset.done $0x0  }
0x112: {  	[sflag:s9] =	ssyncadd.s32 $0xFFFFE000  }
0x113: {  	v1 =	vld [tilespmem:s14+$0xA0];
	_ =	sdelay $0x4  }
0x114: {  	v2 =	vand.u32 $0xFFFF, v1;
	v1 =	vshrl.u32 v1, $0x10  }
0x115: {  	[tilespmem:$0x2880] =	vst v2  }
0x116: {  	[tilespmem:$0x28A0] =	vst v1  }
0x117: {  	v1 =	vld [tilespmem:s14+$0xB0];
	_ =	sdelay $0x4  }
0x118: {  	v2 =	vand.u32 $0xFFFF, v1;
	v1 =	vshrl.u32 v1, $0x10  }
0x119: {  	[tilespmem:$0x2890] =	vst v2  }
0x11a: {  	[tilespmem:$0x28B0] =	vst v1  }
0x11b: {  	[tilespmem:s28], [sflag:$0x2] =	stream.indirect.gather [hbm4b:s1+s24], $0x80, s26, s24, $0xb8;
	[tilespmem:$0x1EC00] =	vst v63  }
0x11c: {  	v1 =	vld [tilespmem:s14+$0x1460];
	_ =	sdelay $0x4  }
0x11d: {  	v2 =	vand.u32 $0xFFFF, v1;
	v1 =	vshrl.u32 v1, $0x10  }
0x11e: {  	[tilespmem:$0x2B80] =	vst v2  }
0x11f: {  	[tilespmem:$0x2BA0] =	vst v1  }
0x120: {  	v1 =	vld [tilespmem:s14+$0x1470];
	_ =	sdelay $0x4  }
0x121: {  	v2 =	vand.u32 $0xFFFF, v1;
	v1 =	vshrl.u32 v1, $0x10  }
0x122: {  	[tilespmem:$0x2B90] =	vst v2  }
0x123: {  	[tilespmem:$0x2BB0] =	vst v1  }
0x124: {  	[spmem:s3] =	stream.indirect.scatter.add.f32 [tilespmem:s0], [sflag:$0x8], $0x80, s10, s24, $0xb8;
	[tilespmem:$0x1EC00] =	vst v63  }
0x125: {  	_ =	swait.ge [sflag:s29], $0x2000  }
0x126: {  	[sflag:s29] =	ssyncset.done $0x0  }
0x127: {  	[sflag:s29] =	ssyncadd.s32 $0xFFFFE000  }
0x128: {  	_ =	swait.ge [sflag:s11], $0x2000  }
0x129: {  	[sflag:s11] =	ssyncset.done $0x0  }
0x12a: {  	[sflag:s11] =	ssyncadd.s32 $0xFFFFE000  }
0x12b: {  	v1 =	vld [tilespmem:s14+$0xC0];
	_ =	sdelay $0x4  }
0x12c: {  	v2 =	vand.u32 $0xFFFF, v1;
	v1 =	vshrl.u32 v1, $0x10  }
0x12d: {  	[tilespmem:$0x2900] =	vst v2  }
0x12e: {  	[tilespmem:$0x2920] =	vst v1  }
0x12f: {  	v1 =	vld [tilespmem:s14+$0xD0];
	_ =	sdelay $0x4  }
0x130: {  	v2 =	vand.u32 $0xFFFF, v1;
	v1 =	vshrl.u32 v1, $0x10  }
0x131: {  	[tilespmem:$0x2910] =	vst v2  }
0x132: {  	[tilespmem:$0x2930] =	vst v1  }
0x133: {  	[tilespmem:s31], [sflag:$0x3] =	stream.indirect.gather [hbm4b:s1+s24], $0x80, s30, s24, $0xb8;
	[tilespmem:$0x1EC00] =	vst v63  }
0x134: {  	v1 =	vld [tilespmem:s14+$0x1480];
	_ =	sdelay $0x4  }
0x135: {  	v2 =	vand.u32 $0xFFFF, v1;
	v1 =	vshrl.u32 v1, $0x10  }
0x136: {  	[tilespmem:$0x2A00] =	vst v2  }
0x137: {  	[tilespmem:$0x2A20] =	vst v1  }
0x138: {  	v1 =	vld [tilespmem:s14+$0x1490];
	_ =	sdelay $0x4  }
0x139: {  	v2 =	vand.u32 $0xFFFF, v1;
	v1 =	vshrl.u32 v1, $0x10  }
0x13a: {  	[tilespmem:$0x2A10] =	vst v2  }
0x13b: {  	[tilespmem:$0x2A30] =	vst v1  }
0x13c: {  	[spmem:s3] =	stream.indirect.scatter.add.f32 [tilespmem:s23], [sflag:$0x5], $0x80, s2, s24, $0xb8;
	[tilespmem:$0x1EC00] =	vst v63  }
0x13d: {  	_ =	swait.ge [sflag:s4], $0x2000  }
0x13e: {  	[sflag:s4] =	ssyncset.done $0x0  }
0x13f: {  	[sflag:s4] =	ssyncadd.s32 $0xFFFFE000  }
0x140: {  	_ =	swait.ge [sflag:s12], $0x2000  }
0x141: {  	[sflag:s12] =	ssyncset.done $0x0  }
0x142: {  	[sflag:s12] =	ssyncadd.s32 $0xFFFFE000  }
0x143: {  	v1 =	vld [tilespmem:s14+$0xE0];
	_ =	sdelay $0x4  }
0x144: {  	v2 =	vand.u32 $0xFFFF, v1;
	v1 =	vshrl.u32 v1, $0x10  }
0x145: {  	[tilespmem:$0x2980] =	vst v2  }
0x146: {  	[tilespmem:$0x29A0] =	vst v1  }
0x147: {  	v1 =	vld [tilespmem:s14+$0xF0];
	_ =	sdelay $0x3  }
.Ltmp1:
0x148: {  	(pc) =	sbr.rel @p0 .LBB2_4-.Ltmp1, $4  }
0x149: {  	v2 =	vand.u32 $0xFFFF, v1;
	v1 =	vshrl.u32 v1, $0x10  }
0x14a: {  	[tilespmem:$0x2990] =	vst v2  }
0x14b: {  	[tilespmem:$0x29B0] =	vst v1  }
0x14c: {  	[tilespmem:s0], [sflag:$0x4] =	stream.indirect.gather [hbm4b:s1+s24], $0x80, s22, s24, $0xb8;
	[tilespmem:$0x1EC00] =	vst v63  }
0x14d: {  	v1 =	vld [tilespmem:s14+$0x14A0];
	_ =	sdelay $0x4  }
0x14e: {  	v2 =	vand.u32 $0xFFFF, v1  }
0x14f: {  	v1 =	vshrl.u32 v1, $0x10;
	[tilespmem:$0x2A80] =	vst v2  }
0x150: {  	[tilespmem:$0x2AA0] =	vst v1  }
0x151: {  	v1 =	vld [tilespmem:s14+$0x14B0];
	_ =	sdelay $0x4  }
0x152: {  	v2 =	vand.u32 $0xFFFF, v1  }
0x153: {  	v1 =	vshrl.u32 v1, $0x10;
	[tilespmem:$0x2A90] =	vst v2  }
0x154: {  	[tilespmem:$0x2AB0] =	vst v1  }
0x155: {  	[spmem:s3] =	stream.indirect.scatter.add.f32 [tilespmem:s28], [sflag:$0x6], $0x80, s6, s24, $0xb8;
	[tilespmem:$0x1EC00] =	vst v63  }
0x156: {  	_ =	swait.ge [sflag:s7], $0x2000  }
0x157: {  	[sflag:s7] =	ssyncset.done $0x0  }
0x158: {  	[sflag:s7] =	ssyncadd.s32 $0xFFFFE000  }
0x159: {  	_ =	swait.ge [sflag:s19], $0x2000  }
0x15a: {  	[sflag:s19] =	ssyncset.done $0x0  }
0x15b: {  	[sflag:s19] =	ssyncadd.s32 $0xFFFFE000  }
0x15c: {  	v1 =	vld [tilespmem:$0x1380];
	_ =	sdelay $0x1  }
0x15d: {  	v2 =	vld [tilespmem:$0x1390];
	_ =	sdelay $0x2  }
0x15e: {  	v3 =	vand.u32 $0xFFFF, v1  }
0x15f: {  	v1 =	vshrl.u32 v1, $0x10;
	[tilespmem:$0x2800] =	vst v3  }
0x160: {  	[tilespmem:$0x2820] =	vst v1;
	v1 =	vand.u32 $0xFFFF, v2  }
0x161: {  	[tilespmem:$0x2810] =	vst v1;
	v1 =	vshrl.u32 v2, $0x10  }
0x162: {  	[tilespmem:$0x2830] =	vst v1  }
0x163: {  	[tilespmem:s23], [sflag:$0x1] =	stream.indirect.gather [hbm4b:s1+s24], $0x80, s25, s24, $0xb8;
	[tilespmem:$0x1EC00] =	vst v63  }
0x164: {  	v1 =	vld [tilespmem:$0x2740];
	_ =	sdelay $0x1  }
0x165: {  	v2 =	vld [tilespmem:$0x2750];
	_ =	sdelay $0x2  }
0x166: {  	v3 =	vand.u32 $0xFFFF, v1  }
0x167: {  	v1 =	vshrl.u32 v1, $0x10;
	[tilespmem:$0x2B00] =	vst v3  }
0x168: {  	[tilespmem:$0x2B20] =	vst v1;
	v1 =	vand.u32 $0xFFFF, v2  }
0x169: {  	[tilespmem:$0x2B10] =	vst v1;
	v1 =	vshrl.u32 v2, $0x10  }
0x16a: {  	[tilespmem:$0x2B30] =	vst v1  }
0x16b: {  	[spmem:s3] =	stream.indirect.scatter.add.f32 [tilespmem:s31], [sflag:$0x7], $0x80, s8, s24, $0xb8;
	[tilespmem:$0x1EC00] =	vst v63  }
0x16c: {  	_ =	swait.ge [sflag:s20], $0x2000  }
0x16d: {  	[sflag:s20] =	ssyncset.done $0x0  }
0x16e: {  	[sflag:s20] =	ssyncadd.s32 $0xFFFFE000  }
0x16f: {  	_ =	swait.ge [sflag:s9], $0x2000  }
0x170: {  	[sflag:s9] =	ssyncset.done $0x0  }
0x171: {  	[sflag:s9] =	ssyncadd.s32 $0xFFFFE000  }
0x172: {  	v1 =	vld [tilespmem:$0x13A0];
	_ =	sdelay $0x1  }
0x173: {  	v2 =	vld [tilespmem:$0x13B0];
	_ =	sdelay $0x2  }
0x174: {  	v3 =	vand.u32 $0xFFFF, v1  }
0x175: {  	v1 =	vshrl.u32 v1, $0x10;
	[tilespmem:$0x2880] =	vst v3  }
0x176: {  	[tilespmem:$0x28A0] =	vst v1;
	v1 =	vand.u32 $0xFFFF, v2  }
0x177: {  	[tilespmem:$0x2890] =	vst v1;
	v1 =	vshrl.u32 v2, $0x10  }
0x178: {  	[tilespmem:$0x28B0] =	vst v1  }
0x179: {  	[tilespmem:s28], [sflag:$0x2] =	stream.indirect.gather [hbm4b:s1+s24], $0x80, s26, s24, $0xb8;
	[tilespmem:$0x1EC00] =	vst v63  }
0x17a: {  	v1 =	vld [tilespmem:$0x2760];
	_ =	sdelay $0x1  }
0x17b: {  	v2 =	vld [tilespmem:$0x2770];
	_ =	sdelay $0x2  }
0x17c: {  	v3 =	vand.u32 $0xFFFF, v1  }
0x17d: {  	v1 =	vshrl.u32 v1, $0x10;
	[tilespmem:$0x2B80] =	vst v3  }
0x17e: {  	[tilespmem:$0x2BA0] =	vst v1;
	v1 =	vand.u32 $0xFFFF, v2  }
0x17f: {  	[tilespmem:$0x2B90] =	vst v1;
	v1 =	vshrl.u32 v2, $0x10  }
0x180: {  	[tilespmem:$0x2BB0] =	vst v1  }
0x181: {  	[spmem:s3] =	stream.indirect.scatter.add.f32 [tilespmem:s0], [sflag:$0x8], $0x80, s10, s24, $0xb8;
	[tilespmem:$0x1EC00] =	vst v63  }
0x182: {  	_ =	swait.ge [sflag:s29], $0x2000  }
0x183: {  	[sflag:s29] =	ssyncset.done $0x0  }
0x184: {  	[sflag:s29] =	ssyncadd.s32 $0xFFFFE000  }
0x185: {  	_ =	swait.ge [sflag:s11], $0x2000  }
0x186: {  	[sflag:s11] =	ssyncset.done $0x0  }
0x187: {  	[sflag:s11] =	ssyncadd.s32 $0xFFFFE000  }
0x188: {  	v1 =	vld [tilespmem:$0x13C0];
	_ =	sdelay $0x1  }
0x189: {  	v2 =	vld [tilespmem:$0x13D0];
	_ =	sdelay $0x2  }
0x18a: {  	v3 =	vand.u32 $0xFFFF, v1  }
0x18b: {  	v1 =	vshrl.u32 v1, $0x10;
	[tilespmem:$0x2900] =	vst v3  }
0x18c: {  	[tilespmem:$0x2920] =	vst v1;
	v1 =	vand.u32 $0xFFFF, v2  }
0x18d: {  	[tilespmem:$0x2910] =	vst v1;
	v1 =	vshrl.u32 v2, $0x10  }
0x18e: {  	[tilespmem:$0x2930] =	vst v1  }
0x18f: {  	[tilespmem:s31], [sflag:$0x3] =	stream.indirect.gather [hbm4b:s1+s24], $0x80, s30, s24, $0xb8;
	[tilespmem:$0x1EC00] =	vst v63  }
0x190: {  	v1 =	vld [tilespmem:$0x2780];
	_ =	sdelay $0x1  }
0x191: {  	v2 =	vld [tilespmem:$0x2790];
	_ =	sdelay $0x2  }
0x192: {  	v3 =	vand.u32 $0xFFFF, v1  }
0x193: {  	v1 =	vshrl.u32 v1, $0x10;
	[tilespmem:$0x2A00] =	vst v3  }
0x194: {  	[tilespmem:$0x2A20] =	vst v1;
	v1 =	vand.u32 $0xFFFF, v2  }
0x195: {  	[tilespmem:$0x2A10] =	vst v1;
	v1 =	vshrl.u32 v2, $0x10  }
0x196: {  	[tilespmem:$0x2A30] =	vst v1  }
0x197: {  	[spmem:s3] =	stream.indirect.scatter.add.f32 [tilespmem:s23], [sflag:$0x5], $0x80, s2, s24, $0xb8;
	[tilespmem:$0x1EC00] =	vst v63  }
0x198: {  	_ =	swait.ge [sflag:s4], $0x2000  }
0x199: {  	[sflag:s4] =	ssyncset.done $0x0  }
0x19a: {  	[sflag:s4] =	ssyncadd.s32 $0xFFFFE000  }
0x19b: {  	_ =	swait.ge [sflag:s12], $0x2000  }
0x19c: {  	[sflag:s12] =	ssyncset.done $0x0  }
0x19d: {  	[sflag:s12] =	ssyncadd.s32 $0xFFFFE000  }
0x19e: {  	v1 =	vld [tilespmem:$0x13E0];
	_ =	sdelay $0x1  }
0x19f: {  	v2 =	vld [tilespmem:$0x13F0];
	_ =	sdelay $0x2  }
0x1a0: {  	v3 =	vand.u32 $0xFFFF, v1  }
0x1a1: {  	v1 =	vshrl.u32 v1, $0x10;
	[tilespmem:$0x2980] =	vst v3  }
0x1a2: {  	[tilespmem:$0x29A0] =	vst v1;
	v1 =	vand.u32 $0xFFFF, v2  }
0x1a3: {  	[tilespmem:$0x2990] =	vst v1;
	v1 =	vshrl.u32 v2, $0x10  }
0x1a4: {  	[tilespmem:$0x29B0] =	vst v1  }
0x1a5: {  	[tilespmem:s0], [sflag:$0x4] =	stream.indirect.gather [hbm4b:s1+s24], $0x80, s22, s24, $0xb8;
	[tilespmem:$0x1EC00] =	vst v63  }
0x1a6: {  	v1 =	vld [tilespmem:$0x27A0];
	_ =	sdelay $0x1  }
0x1a7: {  	v2 =	vld [tilespmem:$0x27B0];
	_ =	sdelay $0x2  }
0x1a8: {  	v3 =	vand.u32 $0xFFFF, v1  }
0x1a9: {  	v1 =	vshrl.u32 v1, $0x10;
	[tilespmem:$0x2A80] =	vst v3  }
0x1aa: {  	[tilespmem:$0x2AA0] =	vst v1;
	v1 =	vand.u32 $0xFFFF, v2  }
0x1ab: {  	[tilespmem:$0x2A90] =	vst v1;
	v1 =	vshrl.u32 v2, $0x10  }
0x1ac: {  	[tilespmem:$0x2AB0] =	vst v1  }
0x1ad: {  	[spmem:s3] =	stream.indirect.scatter.add.f32 [tilespmem:s28], [sflag:$0x6], $0x80, s6, s24, $0xb8;
	[tilespmem:$0x1EC00] =	vst v63  }
0x1ae: {  	_ =	swait.ge [sflag:s7], $0x2000  }
0x1af: {  	[sflag:s7] =	ssyncset.done $0x0  }
0x1b0: {  	[sflag:s7] =	ssyncadd.s32 $0xFFFFE000  }
0x1b1: {  	v1 =	vld [tilespmem:$0x27C0];
	_ =	sdelay $0x1  }
0x1b2: {  	v2 =	vld [tilespmem:$0x27D0];
	_ =	sdelay $0x2  }
0x1b3: {  	v3 =	vand.u32 $0xFFFF, v1  }
0x1b4: {  	v1 =	vshrl.u32 v1, $0x10;
	[tilespmem:$0x2B00] =	vst v3  }
0x1b5: {  	[tilespmem:$0x2B20] =	vst v1;
	v1 =	vand.u32 $0xFFFF, v2  }
0x1b6: {  	[tilespmem:$0x2B10] =	vst v1;
	v1 =	vshrl.u32 v2, $0x10  }
0x1b7: {  	[tilespmem:$0x2B30] =	vst v1  }
0x1b8: {  	[spmem:s3] =	stream.indirect.scatter.add.f32 [tilespmem:s31], [sflag:$0x7], $0x80, s8, s24, $0xb8;
	[tilespmem:$0x1EC00] =	vst v63  }
0x1b9: {  	_ =	swait.ge [sflag:s20], $0x2000  }
0x1ba: {  	[sflag:s20] =	ssyncset.done $0x0  }
0x1bb: {  	[sflag:s20] =	ssyncadd.s32 $0xFFFFE000  }
0x1bc: {  	v1 =	vld [tilespmem:$0x27E0];
	_ =	sdelay $0x1  }
0x1bd: {  	v2 =	vld [tilespmem:$0x27F0];
	_ =	sdelay $0x2  }
0x1be: {  	v3 =	vand.u32 $0xFFFF, v1  }
0x1bf: {  	v1 =	vshrl.u32 v1, $0x10;
	[tilespmem:$0x2B80] =	vst v3  }
0x1c0: {  	[tilespmem:$0x2BA0] =	vst v1;
	v1 =	vand.u32 $0xFFFF, v2  }
0x1c1: {  	[tilespmem:$0x2B90] =	vst v1;
	v1 =	vshrl.u32 v2, $0x10  }
0x1c2: {  	[tilespmem:$0x2BB0] =	vst v1  }
0x1c3: {  	[spmem:s3] =	stream.indirect.scatter.add.f32 [tilespmem:s0], [sflag:$0x8], $0x80, s10, s24, $0xb8;
	[tilespmem:$0x1EC00] =	vst v63  }
0x1c4: {  	_ =	swait.ge [sflag:s19], $0x2000  }
0x1c5: {  	[sflag:s19] =	ssyncset.done $0x0  }
0x1c6: {  	[sflag:s19] =	ssyncadd.s32 $0xFFFFE000  }
0x1c7: {  	_ =	swait.ge [sflag:s9], $0x2000  }
0x1c8: {  	[sflag:s9] =	ssyncset.done $0x0  }
0x1c9: {  	[sflag:s9] =	ssyncadd.s32 $0xFFFFE000  }
0x1ca: {  	_ =	swait.ge [sflag:s11], $0x2000  }
0x1cb: {  	[sflag:s11] =	ssyncset.done $0x0  }
0x1cc: {  	[sflag:s11] =	ssyncadd.s32 $0xFFFFE000  }
0x1cd: {  	_ =	swait.ge [sflag:s12], $0x2000  }
0x1ce: {  	s16 =	stileid.u32;
	[sflag:s12] =	ssyncset.done $0x0  }
0x1cf: {  	s15 =	sshrl.u32 s5, $0x3;
	s13 =	sadd.s32 $0x1, s13;
	[sflag:s12] =	ssyncadd.s32 $0xFFFFE000  }
0x1d0: {  	p0 =	sne.s32 s13, s18;
	s14 =	sshll.u32 s16, $0x6;
	[bflag:$0x0] =	sbarrier.arrive $0xFFFF  }
.Ltmp2:
0x1d1: {  	s14 =	sor.u32 $0x1C09, s14;
	s16 =	rddreg [dreg:$0xf];
	(pc) =	sbr.rel @p0 .LBB2_1-.Ltmp2, $4  }
0x1d2: {  	[hbm:s16], [sflag:s14] =	dma.local [spmem:s15], $0x2800  }
0x1d3: {  	_ =	swait.ge [sflag:s21], $0x2800  }
0x1d4: {  	[sflag:s21] =	ssyncset.done $0x0  }
0x1d5: {  	[sflag:s21] =	ssyncadd.s32 $0xFFFFD800  }
0x1d6: {  	_ =	sfence.sel $0x180000  }
0x1d7: {  	[bflag:$0x0] =	sbarrier.arrive $0xFFFF  }
0x1d8: {  	_ =	strace $0x9000004A  }
0x1d9: {  	s0 =	stileid.u32;
	[bflag:$0x2] =	sbarrier.arrive $0xFFFF  }
0x1da: {  	p0 =	sne.s32 s0, $0x0;
	s0 =	rddreg [dreg:$0x3]  }
0x1db: {  	s0 =	sadd.s32 @!p0 $0x100000, s0  }
0x1dc: {  	[sflag:s0] =	ssyncadd.tile.s32 @!p0 $0x1;
	_ =	shalt  }
.Lfunc_end2:
_tile_overlayer_lowered:
.L_overlay_start_2:
0x1dd: {  	(tag) =	ssettag $0x2  }
0x1de: {  	s0 =	rddreg [dreg:$0x0];
	s2 =	stileid.u32  }
0x1df: {  	s1 =	rddreg [dreg:$0x1];
	p0 =	sne.s32 s2, $0x0  }
0x1e0: {  	s3 =	rddreg [dreg:$0x2];
	[bflag:$0x3] =	sbarrier.arrive $0xFFFF;
	s2 =	simm.s32 @!p0 $0x1C09  }
0x1e1: {  	[timem:s3], [sflag:s2] =	dma.local @!p0 [hbm:s0], s1  }
0x1e2: {  	s0 =	simm.s32 @!p0 $0x9  }
0x1e3: {  	_ =	swait.ge @!p0 [sflag:s0], s1  }
0x1e4: {  	s1 =	ssub.s32 @!p0 $0x0, s1;
	[sflag:s0] =	ssyncset.done @!p0 $0x0  }
0x1e5: {  	[sflag:s0] =	ssyncadd.s32 @!p0 s1  }
0x1e6: {  	[bflag:$0x3] =	sbarrier.arrive $0xFFFF  }
0x1e7: {  	_ =	shalt  }

// kernel: kernel.15.cloned.1.call-start
scs
__scs_entry_jumppad:
0x0: {  	(pc) =	sbr.rel $0x88, $3  }
0x1: {  	(tag) =	ssettag $0x0;
	lr =	simm.s32 $0x1  }
0x2: {  	[smem:$0x3F99] =	sst lr;
	_ =	strace $0xD0000000  }
0x3: {  	_ = 	snop  }
0x4: {  	_ = 	snop  }
0x5: {  	_ = 	snop  }
0x6: {  	_ = 	snop  }
0x7: {  	_ = 	snop  }
__scs_overlays_trampoline_lowered:
0x8: {  	[smem:$0x3FA8] =	sst s0  }
0x9: {  	[smem:$0x3FA9] =	sst s1  }
0xa: {  	[smem:$0x3FAA] =	sst s2  }
0xb: {  	[smem:$0x3FAB] =	sst s3  }
0xc: {  	[smem:$0x3FAC] =	sst s4  }
0xd: {  	[smem:$0x3FAD] =	sst s5  }
0xe: {  	[smem:$0x3FAE] =	sst s6  }
0xf: {  	[smem:$0x3FAF] =	sst s7  }
0x10: {  	[smem:$0x3FB0] =	sst s8  }
0x11: {  	[smem:$0x3FB1] =	sst s9;
	s0 =	simm.s32 @!p0 $0x0  }
0x12: {  	s1 =	sld [smem:$0x3F97];
	s0 =	simm.s32 @p0 $0x1  }
0x13: {  	[smem:$0x3FB2] =	sst s0;
	s0 =	simm.s32 @!p1 $0x0  }
0x14: {  	s2 =	sld [smem:$0x3F96];
	s0 =	simm.s32 @p1 $0x1  }
0x15: {  	[smem:$0x3FB3] =	sst s0;
	s0 =	simm.s32 @!p2 $0x0  }
0x16: {  	s3 =	sld [smem:$0x3FDB];
	s0 =	simm.s32 @p2 $0x1  }
0x17: {  	s4 =	simm.s32 $0x1BF5;
	[smem:$0x3FB5] =	sst s0  }
0x18: {  	s0 =	sld [smem:$0x3F98];
	_ =	swait.ge [sflag:s4], $0x0  }
0x19: {  	s7 =	sld [smem:$0x3F99]  }
0x1a: {  	s8 =	sadd.s32 $0xFFFFE003, lr  }
0x1b: {  	s9 =	sadd.s32 $0xFFFFFEF7, lr;
	s5 =	simm.s32 $0xFFFFFFFF;
	p2 =	slt.u32 s8, $0xFFFFF086  }
0x1c: {  	p1 =	slt.u32 s9, $0xF7A;
	s5 =	simm.s32 @!p2 $0x0  }
0x1d: {  	s5 =	simm.s32 @p1 $0x1;
	p0 =	seq.s32 s7, s2  }
0x1e: {  	s7 =	smul.u32 @!p0 $0xF7A, s2;
	p2 =	seq.s32 @!p0 s5, $0x0  }
0x1f: {  	s9 =	smul.u32 $0xF7A, s1;
	s8 =	simm.s32 @!p0 $0x1BF5;
	p2 =	por !p2, p0  }
0x20: {  	[sflag:s8] =	ssyncset.s32 @!p0 $0xFFFFF086;
	s6 =	sadd.s32 @!p0 s3, s7;
	s7 =	simm.s32 @!p0 $0x108  }
0x21: {  	s3 =	sadd.s32 s3, s9;
	s6 =	sadd.s32 @!p0 $0x88, s6;
	s7 =	simm.s32 @p2 $0x1082  }
0x22: {  	[simem:s7], [sflag:s8] =	dma.local @!p0 [hbm:s6], $0xF7A  }
0x23: {  	s9 =	sor.u32 $0xD0000000, s2;
	s6 =	simm.s32 $0x108;
	_ =	swait.ge @!p0 [sflag:s8], $0x0  }
0x24: {  	s3 =	sadd.s32 $0x88, s3;
	s6 =	simm.s32 @!p1 $0x1082;
	[sflag:s4] =	ssyncset.s32 $0xFFFFF086  }
0x25: {  	[simem:s6], [sflag:s4] =	dma.local [hbm:s3], $0xF7A  }
0x26: {  	[smem:$0x3F99] =	sst s1;
	(tag) =	ssettag s2;
	_ =	strace s9  }
0x27: {  	s1 =	sld [smem:$0x3FA9]  }
0x28: {  	s2 =	sld [smem:$0x3FAA]  }
0x29: {  	s4 =	sld [smem:$0x3FAC]  }
0x2a: {  	p0 =	seq.s32 s5, $0x0;
	s5 =	sld [smem:$0x3FAD]  }
0x2b: {  	s6 =	sld [smem:$0x3FAE]  }
0x2c: {  	s7 =	sld [smem:$0x3FAF]  }
0x2d: {  	s3 =	simm.s32 $0x108;
	s8 =	sld [smem:$0x3FB0]  }
0x2e: {  	s3 =	simm.s32 @!p0 $0x1082;
	s9 =	sld [smem:$0x3FB1]  }
0x2f: {  	lr =	sadd.s32 s0, s3;
	s0 =	sld [smem:$0x3FA8]  }
0x30: {  	s3 =	sld [smem:$0x3FAB]  }
0x31: {  	[smem:$0x3FB4] =	sst s10  }
0x32: {  	s10 =	sld [smem:$0x3FB2];
	_ =	sdelay $0x3  }
0x33: {  	p0 =	seq.s32 s10, $0x1;
	s10 =	sld [smem:$0x3FB4];
	_ =	sdelay $0x3  }
0x34: {  	[smem:$0x3FB4] =	sst s10  }
0x35: {  	s10 =	sld [smem:$0x3FB3];
	_ =	sdelay $0x3  }
0x36: {  	p1 =	seq.s32 s10, $0x1;
	s10 =	sld [smem:$0x3FB4];
	_ =	sdelay $0x3  }
0x37: {  	[smem:$0x3FB4] =	sst s10  }
0x38: {  	s10 =	sld [smem:$0x3FB5]  }
0x39: {  	_ = 	snop;
	(pc) =	sbr.ind lr, $3  }
0x3a: {  	_ = 	snop  }
0x3b: {  	_ = 	snop  }
0x3c: {  	p2 =	seq.s32 s10, $0x1;
	s10 =	sld [smem:$0x3FB4]  }
0x3d: {  	_ =	shalt  }
0x3e: {  	_ =	shalt  }
0x3f: {  	_ =	shalt  }
0x40: {  	_ =	shalt  }
0x41: {  	_ =	shalt  }
0x42: {  	_ =	shalt  }
0x43: {  	_ =	shalt  }
0x44: {  	_ =	shalt  }
0x45: {  	_ =	shalt  }
0x46: {  	_ =	shalt  }
0x47: {  	_ =	shalt  }
0x48: {  	_ =	shalt  }
0x49: {  	_ =	shalt  }
0x4a: {  	_ =	shalt  }
0x4b: {  	_ =	shalt  }
0x4c: {  	_ =	shalt  }
0x4d: {  	_ =	shalt  }
0x4e: {  	_ =	shalt  }
0x4f: {  	_ =	shalt  }
0x50: {  	_ =	shalt  }
0x51: {  	_ =	shalt  }
0x52: {  	_ =	shalt  }
0x53: {  	_ =	shalt  }
0x54: {  	_ =	shalt  }
0x55: {  	_ =	shalt  }
0x56: {  	_ =	shalt  }
0x57: {  	_ =	shalt  }
0x58: {  	_ =	shalt  }
0x59: {  	_ =	shalt  }
0x5a: {  	_ =	shalt  }
0x5b: {  	_ =	shalt  }
0x5c: {  	_ =	shalt  }
0x5d: {  	_ =	shalt  }
0x5e: {  	_ =	shalt  }
0x5f: {  	_ =	shalt  }
0x60: {  	_ =	shalt  }
0x61: {  	_ =	shalt  }
0x62: {  	_ =	shalt  }
0x63: {  	_ =	shalt  }
0x64: {  	_ =	shalt  }
0x65: {  	_ =	shalt  }
0x66: {  	_ =	shalt  }
0x67: {  	_ =	shalt  }
0x68: {  	_ =	shalt  }
0x69: {  	_ =	shalt  }
0x6a: {  	_ =	shalt  }
0x6b: {  	_ =	shalt  }
0x6c: {  	_ =	shalt  }
0x6d: {  	_ =	shalt  }
0x6e: {  	_ =	shalt  }
0x6f: {  	_ =	shalt  }
0x70: {  	_ =	shalt  }
0x71: {  	_ =	shalt  }
0x72: {  	_ =	shalt  }
0x73: {  	_ =	shalt  }
0x74: {  	_ =	shalt  }
0x75: {  	_ =	shalt  }
0x76: {  	_ =	shalt  }
0x77: {  	_ =	shalt  }
0x78: {  	_ =	shalt  }
0x79: {  	_ =	shalt  }
0x7a: {  	_ =	shalt  }
0x7b: {  	_ =	shalt  }
0x7c: {  	_ =	shalt  }
0x7d: {  	_ =	shalt  }
0x7e: {  	_ =	shalt  }
0x7f: {  	_ =	shalt  }
0x80: {  	_ =	shalt  }
0x81: {  	_ =	shalt  }
0x82: {  	_ =	shalt  }
0x83: {  	_ =	shalt  }
0x84: {  	_ =	shalt  }
0x85: {  	_ =	shalt  }
0x86: {  	_ =	shalt  }
0x87: {  	_ =	shalt  }
.Lfunc_end0:
.L_simem_size_0:
called_computation.2_lowered:
.L_overlay_start_0:
0x88: {  	s2 =	sld [smem:$0x3FD9]  }
0x89: {  	s3 =	sld [smem:$0x3FFE];
	_ =	sdelay $0x1  }
0x8a: {  	s1 =	srdreg.scid  }
0x8b: {  	s0 =	sand.u32 $0x1, s1  }
0x8c: {  	s17 =	sshll.u32 s0, $0xA;
	s2 =	sadd.s32 s3, s2  }
0x8d: {  	s2 =	sadd.s32 s2, s17  }
0x8e: {  	[smem:$0x3FC0] =	sst s2  }
0x8f: {  	_ = 	snop  }
0x90: {  	s2 =	sld [smem:$0x3FD0];
	(tm) =	ssettm $0x1  }
0x91: {  	s18 =	sld [smem:$0x3FFB];
	_ =	sdelay $0x3  }
0x92: {  	_ =	strace s18  }
0x93: {  	s3 =	sld [smem:$0x3FFC];
	_ =	sdelay $0x3  }
0x94: {  	_ =	strace s3  }
0x95: {  	s3 =	sld [smem:$0x3FFD];
	_ =	sdelay $0x3  }
0x96: {  	_ =	strace s3  }
0x97: {  	_ =	strace $0x8FFFFFFF  }
0x98: {  	s19 =	sld [smem:$0x3FDB];
	_ =	sdelay $0x1  }
0x99: {  	s4 =	simm.s32 $_scs_section_size  }
0x9a: {  	s5 =	simm.s32 $_size__tile_overlayer_lowered;
	s6 =	simm.s32 $_tile_overlayer_lowered  }
0x9b: {  	s22 =	simm.s32 $0x1BFF;
	s21 =	sshll.u32 s6, $0x1;
	s3 =	sadd.s32 s4, s19  }
0x9c: {  	s7 =	simm.s32 $0x0;
	s20 =	sshll.u32 s5, $0x1;
	s5 =	sadd.s32 s21, s3  }
0x9d: {  	[timem:s7], [sflag:s22] =	dma.local [hbm:s5], s20  }
0x9e: {  	_ =	swait.ge [sflag:s22], s20  }
0x9f: {  	s4 =	ssub.s32 $0x0, s20;
	[sflag:s22] =	ssyncset.done $0x0  }
0xa0: {  	[sflag:s22] =	ssyncadd.s32 s4;
	_ =	sdelay $0x1  }
0xa1: {  	s23 =	simm.s32 $0x1B8B  }
0xa2: {  	_ =	swait.ge [sflag:s23], $0x1  }
0xa3: {  	[sflag:s23] =	ssyncset.done $0x0  }
0xa4: {  	s25 =	simm.s32 $0x1B8E;
	s24 =	sld [smem:$0x3FFE];
	[sflag:s23] =	ssyncadd.s32 $0xFFFFFFFF  }
0xa5: {  	s26 =	simm.s32 $execute0_lowered;
	[smem:$0x3FD2] =	sst s25  }
0xa6: {  	s5 =	sshll.u32 s26, $0x1;
	_ =	strace $0x8000004C;
	[dreg:$0x1] =	wrdreg $0xFFFFFFFF  }
0xa7: {  	s28 =	simm.s32 $_size_execute0_lowered;
	s3 =	sadd.s32 s3, s5;
	[dreg:$0x0] =	wrdreg $0x0  }
0xa8: {  	s5 =	sshll.u32 s28, $0x1;
	[dreg:$0x2] =	wrdreg s3  }
0xa9: {  	[dreg:$0x3] =	wrdreg s5  }
0xaa: {  	[dreg:$0x4] =	wrdreg $0xC0  }
0xab: {  	_ =	task [dreg:s7], $0x5FFFF  }
0xac: {  	[dreg:$0x1] =	wrdreg $0xFFFFFFFF  }
0xad: {  	[dreg:$0x0] =	wrdreg $0x60  }
0xae: {  	[dreg:$0x2] =	wrdreg s2  }
0xaf: {  	[dreg:$0x3] =	wrdreg s24  }
0xb0: {  	[dreg:$0x4] =	wrdreg $0xAC000  }
0xb1: {  	[dreg:$0x5] =	wrdreg $0x9  }
0xb2: {  	_ =	task.clear_ibuf [dreg:s7], $0x6FFFF;
	_ =	strace $0x9000004C  }
0xb3: {  	s29 =	simm.s32 $0x9;
	_ =	strace $0x8000004E  }
0xb4: {  	_ =	swait.ge [sflag:s29], $0x1  }
0xb5: {  	[sflag:s29] =	ssyncadd.s32 $0xFFFFFFFF  }
0xb6: {  	_ =	strace $0x9000004E  }
0xb7: {  	_ =	sfence  }
0xb8: {  	s30 =	sld [smem:$0x0];
	_ =	sdelay $0x2  }
0xb9: {  	s31 =	sshll.u32 s1, $0xD;
	s1 =	sshrl.u32 s1, $0x2  }
0xba: {  	s3 =	sand.u32 $0x4000, s31;
	s1 =	sadd.s32 s1, s30  }
0xbb: {  	s0 =	sor.u32 s3, s0;
	s1 =	sshll.u32 s1, $0x11  }
0xbc: {  	s0 =	sor.u32 s1, s0  }
0xbd: {  	s0 =	sadd.s32 $0x8F2B, s0  }
0xbe: {  	[sflag:s0] =	ssyncadd.remote.s32 $0x1  }
0xbf: {  	_ =	sfence.sel $0xFFFF  }
0xc0: {  	[dreg:$0x0] =	wrdreg $0xFFFFFFFF;
	(pc) =	sbr.abs _section_cstart, $3  }
0xc1: {  	[dreg:$0x1] =	wrdreg $0xFFFFFFFF  }
0xc2: {  	_ =	task.clear_ibuf [dreg:s7], $0x2FFFF;
	_ =	strace $0x9FFFFFFF  }
0xc3: {  	(tm) =	ssettm $0x7FFFFFFF  }
tec
execute0_lowered:
.L_overlay_start_1:
0x0: {  	(tag) =	ssettag $0x1  }
0x1: {  	s0 =	srdreg.scid  }
0x2: {  	s1 =	rddreg [dreg:$0x0];
	s0 =	sand.u32 $0x1, s0  }
0x3: {  	s7 =	stileid.u32;
	s4 =	rddreg [dreg:$0x1];
	s2 =	sshll.u32 s0, $0x4  }
0x4: {  	s3 =	rddreg [dreg:$0x2];
	s8 =	simm.s32 $0x0;
	s2 =	sor.u32 s7, s2  }
0x5: {  	s28 =	simm.s32 $0x4C00;
	s14 =	smul.u32 $0x14000, s7;
	s2 =	sshrl.u32 s2, $0x3  }
0x6: {  	s29 =	simm.s32 $0x1;
	s5 =	sshll.u32 s7, $0x7;
	s2 =	smul.u32 $0xA000, s2  }
0x7: {  	s30 =	simm.s32 $0x2900;
	s5 =	sand.u32 $0x380, s5;
	s6 =	smul.u32 $0x140000, s0  }
0x8: {  	s31 =	simm.s32 $0x6C00;
	[smem:$0x7FF] =	sst s8;
	s2 =	sor.u32 s5, s2  }
0x9: {  	s7 =	smul.u32 $0x50000, s7;
	s5 =	sadd.s32 s14, s6;
	s2 =	sshrl.u32 s2, $0x3  }
0xa: {  	_ =	strace $0x8000004D;
	s5 =	sshrl.u32 s5, $0x3;
	s2 =	sadd.s32 s2, s4  }
0xb: {  	s7 =	sshrl.u32 s7, $0x2;
	s4 =	sadd.s32 s5, s4;
	s16 =	sadd.s32 $0x7E00, s2  }
0xc: {  	s5 =	sadd.s32 s7, s3;
	s2 =	sadd.s32 $0x2E00, s2;
	[dreg:$0x4] =	wrdreg s16  }
0xd: {  	s9 =	simm.s32 $0x6;
	s17 =	sadd.s32 $0x2000, s5;
	[dreg:$0x5] =	wrdreg s2  }
0xe: {  	s10 =	simm.s32 $0x2B80;
	s18 =	sadd.s32 $0x4000, s5;
	[dreg:$0x6] =	wrdreg s17  }
0xf: {  	s11 =	simm.s32 $0x7;
	s19 =	sadd.s32 $0x6000, s5;
	[dreg:$0x7] =	wrdreg s18  }
0x10: {  	s12 =	simm.s32 $0x8;
	s20 =	sadd.s32 $0x8000, s5;
	[dreg:$0x8] =	wrdreg s19  }
0x11: {  	s13 =	simm.s32 $0x0;
	s21 =	sadd.s32 $0xA000, s5;
	[dreg:$0x9] =	wrdreg s20  }
0x12: {  	s8 =	simm.s32 $0x2B00;
	s22 =	sadd.s32 $0xC000, s5;
	[dreg:$0xa] =	wrdreg s21  }
0x13: {  	s0 =	ssub.s32 $0x2, s0;
	s23 =	sadd.s32 $0xE000, s5;
	[dreg:$0xb] =	wrdreg s22  }
0x14: {  	s15 =	sshrl.u32 s0, $0x1;
	s24 =	sadd.s32 $0x10000, s5;
	[dreg:$0xc] =	wrdreg s23  }
0x15: {  	s0 =	ssub.s32 s0, s15;
	s25 =	sadd.s32 $0x12000, s5;
	[dreg:$0xd] =	wrdreg s24  }
0x16: {  	s6 =	simm.s32 $0x2A80;
	s26 =	sadd.s32 $0xCE00, s4;
	[dreg:$0xe] =	wrdreg s25  }
0x17: {  	s7 =	simm.s32 $0x3;
	s4 =	simm.s32 $0x2;
	[dreg:$0xf] =	wrdreg s26  }
0x18: {  	s18 =	smax.u32 s0, $0x1;
	s21 =	simm.s32 $0x9;
	s23 =	simm.s32 $0x2C00  }
0x19: {  	s24 =	simm.s32 $0x40;
	s25 =	simm.s32 $0x2800;
	s26 =	simm.s32 $0x2880  }
0x1a: {  	s2 =	simm.s32 $0x2A00;
	s22 =	simm.s32 $0x2980;
	s0 =	simm.s32 $0x8C00  }
0x1b: {  	v0 =	vimm.f32 $0.0e+00;
	s19 =	simm.s32 $0x5;
	s20 =	simm.s32 $0x4;
	s17 =	simm.s32 $0x400  }
.LBB2_1:
0x1c: {  	s14 =	simm.s32 $0x0;
	s15 =	rddreg [dreg:$0x4];
	s16 =	simm.s32 $0x80  }
0x1d: {  	[tilespmem:s14], [sflag:$0x9] =	stream.strided.gather [hbm4b:s15+s16], $0x1400, s17, s16, $0x38;
	[tilespmem:$0x1EC00] =	vst v63  }
0x1e: {  	_ =	swait.ge [sflag:s21], $0x1400  }
0x1f: {  	[sflag:s21] =	ssyncset.done $0x0  }
0x20: {  	s15 =	simm.s32 $0x1400;
	s14 =	rddreg [dreg:$0x5];
	[sflag:s21] =	ssyncadd.s32 $0xFFFFEC00  }
0x21: {  	[tilespmem:s15], [sflag:$0x9] =	stream.strided.gather [hbm4b:s14+s16], $0x1400, s17, s16, $0x38;
	[tilespmem:$0x1EC00] =	vst v63  }
0x22: {  	_ =	swait.ge [sflag:s21], $0x1400  }
0x23: {  	[sflag:s21] =	ssyncset.done $0x0  }
0x24: {  	s14 =	simm.s32 $0x0;
	s15 =	simm.s32 $0x200;
	[sflag:s21] =	ssyncadd.s32 $0xFFFFEC00  }
.LBB2_2:
0x25: {  	p0 =	sne.s32 s15, $0x7E00;
	[tilespmem:s14+$0x2C70] =	vst v0  }
0x26: {  	[tilespmem:s14+$0x2C00] =	vst v0  }
0x27: {  	[tilespmem:s14+$0x2C10] =	vst v0  }
.Ltmp0:
0x28: {  	[tilespmem:s14+$0x2C20] =	vst v0;
	(pc) =	sbr.rel @p0 .LBB2_2-.Ltmp0, $4  }
0x29: {  	[tilespmem:s14+$0x2C30] =	vst v0  }
0x2a: {  	[tilespmem:s14+$0x2C40] =	vst v0  }
0x2b: {  	[tilespmem:s14+$0x2C50] =	vst v0  }
0x2c: {  	[tilespmem:s14+$0x2C60] =	vst v0;
	s14 =	sshra.s32 s15, $0x2;
	s15 =	sadd.s32 $0x200, s15  }
0x2d: {  	[tilespmem:s14+$0x2C70] =	vst v0  }
0x2e: {  	[tilespmem:s14+$0x2C00] =	vst v0  }
0x2f: {  	[tilespmem:s14+$0x2C10] =	vst v0  }
0x30: {  	[tilespmem:s14+$0x2C20] =	vst v0  }
0x31: {  	[tilespmem:s14+$0x2C30] =	vst v0  }
0x32: {  	[tilespmem:s14+$0x2C40] =	vst v0  }
0x33: {  	[tilespmem:s14+$0x2C50] =	vst v0  }
0x34: {  	[tilespmem:s14+$0x2C60] =	vst v0  }
0x35: {  	[spmem:s5] =	stream.linear.scatter [tilespmem:s23], [sflag:$0x9], $0x2000, $0x38;
	[tilespmem:$0x1EC00] =	vst v63  }
0x36: {  	_ =	swait.ge [sflag:s21], $0x2000  }
0x37: {  	[sflag:s21] =	ssyncset.done $0x0  }
0x38: {  	s16 =	rddreg [dreg:$0x6];
	[sflag:s21] =	ssyncadd.s32 $0xFFFFE000  }
0x39: {  	[spmem:s16] =	stream.linear.scatter [tilespmem:s23], [sflag:$0x9], $0x2000, $0x38;
	[tilespmem:$0x1EC00] =	vst v63  }
0x3a: {  	_ =	swait.ge [sflag:s21], $0x2000  }
0x3b: {  	[sflag:s21] =	ssyncset.done $0x0  }
0x3c: {  	s15 =	rddreg [dreg:$0x7];
	[sflag:s21] =	ssyncadd.s32 $0xFFFFE000  }
0x3d: {  	[spmem:s15] =	stream.linear.scatter [tilespmem:s23], [sflag:$0x9], $0x2000, $0x38;
	[tilespmem:$0x1EC00] =	vst v63  }
0x3e: {  	_ =	swait.ge [sflag:s21], $0x2000  }
0x3f: {  	[sflag:s21] =	ssyncset.done $0x0  }
0x40: {  	s16 =	rddreg [dreg:$0x8];
	[sflag:s21] =	ssyncadd.s32 $0xFFFFE000  }
0x41: {  	[spmem:s16] =	stream.linear.scatter [tilespmem:s23], [sflag:$0x9], $0x2000, $0x38;
	[tilespmem:$0x1EC00] =	vst v63  }
0x42: {  	_ =	swait.ge [sflag:s21], $0x2000  }
0x43: {  	[sflag:s21] =	ssyncset.done $0x0  }
0x44: {  	s15 =	rddreg [dreg:$0x9];
	[sflag:s21] =	ssyncadd.s32 $0xFFFFE000  }
0x45: {  	[spmem:s15] =	stream.linear.scatter [tilespmem:s23], [sflag:$0x9], $0x2000, $0x38;
	[tilespmem:$0x1EC00] =	vst v63  }
0x46: {  	_ =	swait.ge [sflag:s21], $0x2000  }
0x47: {  	[sflag:s21] =	ssyncset.done $0x0  }
0x48: {  	s16 =	rddreg [dreg:$0xa];
	[sflag:s21] =	ssyncadd.s32 $0xFFFFE000  }
0x49: {  	[spmem:s16] =	stream.linear.scatter [tilespmem:s23], [sflag:$0x9], $0x2000, $0x38;
	[tilespmem:$0x1EC00] =	vst v63  }
0x4a: {  	_ =	swait.ge [sflag:s21], $0x2000  }
0x4b: {  	[sflag:s21] =	ssyncset.done $0x0  }
0x4c: {  	s15 =	rddreg [dreg:$0xb];
	[sflag:s21] =	ssyncadd.s32 $0xFFFFE000  }
0x4d: {  	[spmem:s15] =	stream.linear.scatter [tilespmem:s23], [sflag:$0x9], $0x2000, $0x38;
	[tilespmem:$0x1EC00] =	vst v63  }
0x4e: {  	_ =	swait.ge [sflag:s21], $0x2000  }
0x4f: {  	[sflag:s21] =	ssyncset.done $0x0  }
0x50: {  	s16 =	rddreg [dreg:$0xc];
	[sflag:s21] =	ssyncadd.s32 $0xFFFFE000  }
0x51: {  	[spmem:s16] =	stream.linear.scatter [tilespmem:s23], [sflag:$0x9], $0x2000, $0x38;
	[tilespmem:$0x1EC00] =	vst v63  }
0x52: {  	_ =	swait.ge [sflag:s21], $0x2000  }
0x53: {  	[sflag:s21] =	ssyncset.done $0x0  }
0x54: {  	s15 =	rddreg [dreg:$0xd];
	[sflag:s21] =	ssyncadd.s32 $0xFFFFE000  }
0x55: {  	[spmem:s15] =	stream.linear.scatter [tilespmem:s23], [sflag:$0x9], $0x2000, $0x38;
	[tilespmem:$0x1EC00] =	vst v63  }
0x56: {  	_ =	swait.ge [sflag:s21], $0x2000  }
0x57: {  	[sflag:s21] =	ssyncset.done $0x0  }
0x58: {  	s16 =	rddreg [dreg:$0xe];
	[sflag:s21] =	ssyncadd.s32 $0xFFFFE000  }
0x59: {  	[spmem:s16] =	stream.linear.scatter [tilespmem:s23], [sflag:$0x9], $0x2000, $0x38;
	[tilespmem:$0x1EC00] =	vst v63  }
0x5a: {  	_ =	swait.ge [sflag:s21], $0x2000  }
0x5b: {  	[sflag:s21] =	ssyncset.done $0x0  }
0x5c: {  	[sflag:s21] =	ssyncadd.s32 $0xFFFFE000  }
0x5d: {  	[bflag:$0x0] =	sbarrier.arrive $0xFFFF  }
0x5e: {  	v1 =	vld [tilespmem:$0x0];
	_ =	sdelay $0x1  }
0x5f: {  	v2 =	vld [tilespmem:$0x10];
	_ =	sdelay $0x2  }
0x60: {  	v3 =	vand.u32 $0xFFFF, v1  }
0x61: {  	v1 =	vshrl.u32 v1, $0x10;
	[tilespmem:$0x2800] =	vst v3  }
0x62: {  	[tilespmem:$0x2820] =	vst v1;
	v1 =	vand.u32 $0xFFFF, v2  }
0x63: {  	[tilespmem:$0x2810] =	vst v1;
	v1 =	vshrl.u32 v2, $0x10  }
0x64: {  	[tilespmem:$0x2830] =	vst v1  }
0x65: {  	[tilespmem:s23], [sflag:$0x1] =	stream.indirect.gather [hbm4b:s1+s24], $0x80, s25, s24, $0xb8;
	[tilespmem:$0x1EC00] =	vst v63  }
0x66: {  	v1 =	vld [tilespmem:$0x20];
	_ =	sdelay $0x1  }
0x67: {  	v2 =	vld [tilespmem:$0x30];
	_ =	sdelay $0x2  }
0x68: {  	v3 =	vand.u32 $0xFFFF, v1  }
0x69: {  	v1 =	vshrl.u32 v1, $0x10;
	[tilespmem:$0x2880] =	vst v3  }
0x6a: {  	[tilespmem:$0x28A0] =	vst v1;
	v1 =	vand.u32 $0xFFFF, v2  }
0x6b: {  	[tilespmem:$0x2890] =	vst v1;
	v1 =	vshrl.u32 v2, $0x10  }
0x6c: {  	[tilespmem:$0x28B0] =	vst v1  }
0x6d: {  	[tilespmem:s28], [sflag:$0x2] =	stream.indirect.gather [hbm4b:s1+s24], $0x80, s26, s24, $0xb8;
	[tilespmem:$0x1EC00] =	vst v63  }
0x6e: {  	_ =	swait.ge [sflag:s29], $0x2000  }
0x6f: {  	[sflag:s29] =	ssyncset.done $0x0  }
0x70: {  	[sflag:s29] =	ssyncadd.s32 $0xFFFFE000  }
0x71: {  	v1 =	vld [tilespmem:$0x40];
	_ =	sdelay $0x1  }
0x72: {  	v2 =	vld [tilespmem:$0x50];
	_ =	sdelay $0x2  }
0x73: {  	v3 =	vand.u32 $0xFFFF, v1  }
0x74: {  	v1 =	vshrl.u32 v1, $0x10;
	[tilespmem:$0x2900] =	vst v3  }
0x75: {  	[tilespmem:$0x2920] =	vst v1;
	v1 =	vand.u32 $0xFFFF, v2  }
0x76: {  	[tilespmem:$0x2910] =	vst v1;
	v1 =	vshrl.u32 v2, $0x10  }
0x77: {  	[tilespmem:$0x2930] =	vst v1  }
0x78: {  	[tilespmem:s31], [sflag:$0x3] =	stream.indirect.gather [hbm4b:s1+s24], $0x80, s30, s24, $0xb8;
	[tilespmem:$0x1EC00] =	vst v63  }
0x79: {  	v1 =	vld [tilespmem:$0x1400];
	_ =	sdelay $0x1  }
0x7a: {  	v2 =	vld [tilespmem:$0x1410];
	_ =	sdelay $0x2  }
0x7b: {  	v3 =	vand.u32 $0xFFFF, v1  }
0x7c: {  	v1 =	vshrl.u32 v1, $0x10;
	[tilespmem:$0x2A00] =	vst v3  }
0x7d: {  	[tilespmem:$0x2A20] =	vst v1;
	v1 =	vand.u32 $0xFFFF, v2  }
0x7e: {  	[tilespmem:$0x2A10] =	vst v1;
	v1 =	vshrl.u32 v2, $0x10  }
0x7f: {  	[tilespmem:$0x2A30] =	vst v1  }
0x80: {  	[spmem:s3] =	stream.indirect.scatter.add.f32 [tilespmem:s23], [sflag:$0x5], $0x80, s2, s24, $0xb8;
	[tilespmem:$0x1EC00] =	vst v63  }
0x81: {  	_ =	swait.ge [sflag:s4], $0x2000  }
0x82: {  	[sflag:s4] =	ssyncset.done $0x0  }
0x83: {  	[sflag:s4] =	ssyncadd.s32 $0xFFFFE000  }
0x84: {  	v1 =	vld [tilespmem:$0x60];
	_ =	sdelay $0x1  }
0x85: {  	v2 =	vld [tilespmem:$0x70];
	_ =	sdelay $0x2  }
0x86: {  	v3 =	vand.u32 $0xFFFF, v1  }
0x87: {  	v1 =	vshrl.u32 v1, $0x10;
	[tilespmem:$0x2980] =	vst v3  }
0x88: {  	[tilespmem:$0x29A0] =	vst v1;
	v1 =	vand.u32 $0xFFFF, v2  }
0x89: {  	[tilespmem:$0x2990] =	vst v1;
	v1 =	vshrl.u32 v2, $0x10  }
0x8a: {  	[tilespmem:$0x29B0] =	vst v1  }
0x8b: {  	[tilespmem:s0], [sflag:$0x4] =	stream.indirect.gather [hbm4b:s1+s24], $0x80, s22, s24, $0xb8;
	[tilespmem:$0x1EC00] =	vst v63  }
0x8c: {  	v1 =	vld [tilespmem:$0x1420];
	_ =	sdelay $0x1  }
0x8d: {  	v2 =	vld [tilespmem:$0x1430];
	_ =	sdelay $0x2  }
0x8e: {  	v3 =	vand.u32 $0xFFFF, v1  }
0x8f: {  	v1 =	vshrl.u32 v1, $0x10;
	[tilespmem:$0x2A80] =	vst v3  }
0x90: {  	[tilespmem:$0x2AA0] =	vst v1;
	v1 =	vand.u32 $0xFFFF, v2  }
0x91: {  	[tilespmem:$0x2A90] =	vst v1;
	v1 =	vshrl.u32 v2, $0x10  }
0x92: {  	[tilespmem:$0x2AB0] =	vst v1  }
0x93: {  	[spmem:s3] =	stream.indirect.scatter.add.f32 [tilespmem:s28], [sflag:$0x6], $0x80, s6, s24, $0xb8;
	[tilespmem:$0x1EC00] =	vst v63  }
0x94: {  	_ =	swait.ge [sflag:s7], $0x2000  }
0x95: {  	[sflag:s7] =	ssyncset.done $0x0  }
0x96: {  	[sflag:s7] =	ssyncadd.s32 $0xFFFFE000  }
0x97: {  	_ =	swait.ge [sflag:s19], $0x2000  }
0x98: {  	[sflag:s19] =	ssyncset.done $0x0  }
0x99: {  	s14 =	simm.s32 $0x0;
	[sflag:s19] =	ssyncadd.s32 $0xFFFFE000  }
0x9a: {  	v1 =	vld [tilespmem:s14+$0x80];
	_ =	sdelay $0x4  }
0x9b: {  	v2 =	vand.u32 $0xFFFF, v1  }
0x9c: {  	v1 =	vshrl.u32 v1, $0x10;
	[tilespmem:$0x2800] =	vst v2  }
0x9d: {  	[tilespmem:$0x2820] =	vst v1  }
0x9e: {  	v1 =	vld [tilespmem:s14+$0x90];
	_ =	sdelay $0x4  }
0x9f: {  	v2 =	vand.u32 $0xFFFF, v1  }
0xa0: {  	v1 =	vshrl.u32 v1, $0x10;
	[tilespmem:$0x2810] =	vst v2  }
0xa1: {  	[tilespmem:$0x2830] =	vst v1  }
0xa2: {  	[tilespmem:s23], [sflag:$0x1] =	stream.indirect.gather [hbm4b:s1+s24], $0x80, s25, s24, $0xb8;
	[tilespmem:$0x1EC00] =	vst v63  }
0xa3: {  	v1 =	vld [tilespmem:s14+$0x1440];
	_ =	sdelay $0x4  }
0xa4: {  	v2 =	vand.u32 $0xFFFF, v1  }
0xa5: {  	v1 =	vshrl.u32 v1, $0x10;
	[tilespmem:$0x2B00] =	vst v2  }
0xa6: {  	[tilespmem:$0x2B20] =	vst v1  }
0xa7: {  	v1 =	vld [tilespmem:s14+$0x1450];
	_ =	sdelay $0x4  }
0xa8: {  	v2 =	vand.u32 $0xFFFF, v1  }
0xa9: {  	v1 =	vshrl.u32 v1, $0x10;
	[tilespmem:$0x2B10] =	vst v2  }
0xaa: {  	[tilespmem:$0x2B30] =	vst v1  }
0xab: {  	[spmem:s3] =	stream.indirect.scatter.add.f32 [tilespmem:s31], [sflag:$0x7], $0x80, s8, s24, $0xb8;
	[tilespmem:$0x1EC00] =	vst v63  }
0xac: {  	_ =	swait.ge [sflag:s20], $0x2000  }
0xad: {  	[sflag:s20] =	ssyncset.done $0x0  }
0xae: {  	[sflag:s20] =	ssyncadd.s32 $0xFFFFE000  }
0xaf: {  	_ =	swait.ge [sflag:s9], $0x2000  }
0xb0: {  	[sflag:s9] =	ssyncset.done $0x0  }
0xb1: {  	[sflag:s9] =	ssyncadd.s32 $0xFFFFE000  }
0xb2: {  	v1 =	vld [tilespmem:s14+$0xA0];
	_ =	sdelay $0x4  }
0xb3: {  	v2 =	vand.u32 $0xFFFF, v1  }
0xb4: {  	v1 =	vshrl.u32 v1, $0x10;
	[tilespmem:$0x2880] =	vst v2  }
0xb5: {  	[tilespmem:$0x28A0] =	vst v1  }
0xb6: {  	v1 =	vld [tilespmem:s14+$0xB0];
	_ =	sdelay $0x4  }
0xb7: {  	v2 =	vand.u32 $0xFFFF, v1  }
0xb8: {  	v1 =	vshrl.u32 v1, $0x10;
	[tilespmem:$0x2890] =	vst v2  }
0xb9: {  	[tilespmem:$0x28B0] =	vst v1  }
0xba: {  	[tilespmem:s28], [sflag:$0x2] =	stream.indirect.gather [hbm4b:s1+s24], $0x80, s26, s24, $0xb8;
	[tilespmem:$0x1EC00] =	vst v63  }
0xbb: {  	v1 =	vld [tilespmem:s14+$0x1460];
	_ =	sdelay $0x4  }
0xbc: {  	v2 =	vand.u32 $0xFFFF, v1  }
0xbd: {  	v1 =	vshrl.u32 v1, $0x10;
	[tilespmem:$0x2B80] =	vst v2  }
0xbe: {  	[tilespmem:$0x2BA0] =	vst v1  }
0xbf: {  	v1 =	vld [tilespmem:s14+$0x1470];
	_ =	sdelay $0x4  }
0xc0: {  	v2 =	vand.u32 $0xFFFF, v1  }
0xc1: {  	v1 =	vshrl.u32 v1, $0x10;
	[tilespmem:$0x2B90] =	vst v2  }
0xc2: {  	[tilespmem:$0x2BB0] =	vst v1  }
0xc3: {  	[spmem:s3] =	stream.indirect.scatter.add.f32 [tilespmem:s0], [sflag:$0x8], $0x80, s10, s24, $0xb8;
	[tilespmem:$0x1EC00] =	vst v63  }
0xc4: {  	_ =	swait.ge [sflag:s29], $0x2000  }
0xc5: {  	[sflag:s29] =	ssyncset.done $0x0  }
0xc6: {  	[sflag:s29] =	ssyncadd.s32 $0xFFFFE000  }
0xc7: {  	_ =	swait.ge [sflag:s11], $0x2000  }
0xc8: {  	[sflag:s11] =	ssyncset.done $0x0  }
0xc9: {  	[sflag:s11] =	ssyncadd.s32 $0xFFFFE000  }
0xca: {  	v1 =	vld [tilespmem:s14+$0xC0];
	_ =	sdelay $0x4  }
0xcb: {  	v2 =	vand.u32 $0xFFFF, v1  }
0xcc: {  	v1 =	vshrl.u32 v1, $0x10;
	[tilespmem:$0x2900] =	vst v2  }
0xcd: {  	[tilespmem:$0x2920] =	vst v1  }
0xce: {  	v1 =	vld [tilespmem:s14+$0xD0];
	_ =	sdelay $0x4  }
0xcf: {  	v2 =	vand.u32 $0xFFFF, v1  }
0xd0: {  	v1 =	vshrl.u32 v1, $0x10;
	[tilespmem:$0x2910] =	vst v2  }
0xd1: {  	[tilespmem:$0x2930] =	vst v1  }
0xd2: {  	[tilespmem:s31], [sflag:$0x3] =	stream.indirect.gather [hbm4b:s1+s24], $0x80, s30, s24, $0xb8;
	[tilespmem:$0x1EC00] =	vst v63  }
0xd3: {  	v1 =	vld [tilespmem:s14+$0x1480];
	_ =	sdelay $0x4  }
0xd4: {  	v2 =	vand.u32 $0xFFFF, v1  }
0xd5: {  	v1 =	vshrl.u32 v1, $0x10;
	[tilespmem:$0x2A00] =	vst v2  }
0xd6: {  	[tilespmem:$0x2A20] =	vst v1  }
0xd7: {  	v1 =	vld [tilespmem:s14+$0x1490];
	_ =	sdelay $0x4  }
0xd8: {  	v2 =	vand.u32 $0xFFFF, v1  }
0xd9: {  	v1 =	vshrl.u32 v1, $0x10;
	[tilespmem:$0x2A10] =	vst v2  }
0xda: {  	[tilespmem:$0x2A30] =	vst v1  }
0xdb: {  	[spmem:s3] =	stream.indirect.scatter.add.f32 [tilespmem:s23], [sflag:$0x5], $0x80, s2, s24, $0xb8;
	[tilespmem:$0x1EC00] =	vst v63  }
0xdc: {  	_ =	swait.ge [sflag:s4], $0x2000  }
0xdd: {  	[sflag:s4] =	ssyncset.done $0x0  }
0xde: {  	[sflag:s4] =	ssyncadd.s32 $0xFFFFE000  }
0xdf: {  	_ =	swait.ge [sflag:s12], $0x2000  }
0xe0: {  	[sflag:s12] =	ssyncset.done $0x0  }
0xe1: {  	[sflag:s12] =	ssyncadd.s32 $0xFFFFE000  }
0xe2: {  	v1 =	vld [tilespmem:s14+$0xE0];
	_ =	sdelay $0x4  }
0xe3: {  	v2 =	vand.u32 $0xFFFF, v1  }
0xe4: {  	v1 =	vshrl.u32 v1, $0x10;
	[tilespmem:$0x2980] =	vst v2  }
0xe5: {  	[tilespmem:$0x29A0] =	vst v1  }
0xe6: {  	v1 =	vld [tilespmem:s14+$0xF0];
	_ =	sdelay $0x4  }
0xe7: {  	v2 =	vand.u32 $0xFFFF, v1  }
0xe8: {  	v1 =	vshrl.u32 v1, $0x10;
	[tilespmem:$0x2990] =	vst v2  }
0xe9: {  	s15 =	simm.s32 $0x200;
	[tilespmem:$0x29B0] =	vst v1  }
0xea: {  	[tilespmem:s0], [sflag:$0x4] =	stream.indirect.gather [hbm4b:s1+s24], $0x80, s22, s24, $0xb8;
	[tilespmem:$0x1EC00] =	vst v63  }
.LBB2_4:
0xeb: {  	p0 =	sne.s32 s15, $0x4A00;
	v1 =	vld [tilespmem:s14+$0x14A0];
	s16 =	smov.u32 s15;
	s15 =	sadd.s32 $0x200, s15  }
0xec: {  	_ =	sdelay $0x3  }
0xed: {  	v2 =	vand.u32 $0xFFFF, v1;
	v1 =	vshrl.u32 v1, $0x10  }
0xee: {  	[tilespmem:$0x2A80] =	vst v2  }
0xef: {  	[tilespmem:$0x2AA0] =	vst v1  }
0xf0: {  	v1 =	vld [tilespmem:s14+$0x14B0];
	_ =	sdelay $0x4  }
0xf1: {  	v2 =	vand.u32 $0xFFFF, v1;
	v1 =	vshrl.u32 v1, $0x10  }
0xf2: {  	[tilespmem:$0x2A90] =	vst v2  }
0xf3: {  	[tilespmem:$0x2AB0] =	vst v1  }
0xf4: {  	[spmem:s3] =	stream.indirect.scatter.add.f32 [tilespmem:s28], [sflag:$0x6], $0x80, s6, s24, $0xb8;
	[tilespmem:$0x1EC00] =	vst v63  }
0xf5: {  	_ =	swait.ge [sflag:s7], $0x2000  }
0xf6: {  	[sflag:s7] =	ssyncset.done $0x0  }
0xf7: {  	[sflag:s7] =	ssyncadd.s32 $0xFFFFE000  }
0xf8: {  	_ =	swait.ge [sflag:s19], $0x2000  }
0xf9: {  	[sflag:s19] =	ssyncset.done $0x0  }
0xfa: {  	s14 =	sshra.s32 s16, $0x2;
	[sflag:s19] =	ssyncadd.s32 $0xFFFFE000  }
0xfb: {  	v1 =	vld [tilespmem:s14+$0x80];
	_ =	sdelay $0x4  }
0xfc: {  	v2 =	vand.u32 $0xFFFF, v1;
	v1 =	vshrl.u32 v1, $0x10  }
0xfd: {  	[tilespmem:$0x2800] =	vst v2  }
0xfe: {  	[tilespmem:$0x2820] =	vst v1  }
0xff: {  	v1 =	vld [tilespmem:s14+$0x90];
	_ =	sdelay $0x4  }
0x100: {  	v2 =	vand.u32 $0xFFFF, v1;
	v1 =	vshrl.u32 v1, $0x10  }
0x101: {  	[tilespmem:$0x2810] =	vst v2  }
0x102: {  	[tilespmem:$0x2830] =	vst v1  }
0x103: {  	[tilespmem:s23], [sflag:$0x1] =	stream.indirect.gather [hbm4b:s1+s24], $0x80, s25, s24, $0xb8;
	[tilespmem:$0x1EC00] =	vst v63  }
0x104: {  	v1 =	vld [tilespmem:s14+$0x1440];
	_ =	sdelay $0x4  }
0x105: {  	v2 =	vand.u32 $0xFFFF, v1;
	v1 =	vshrl.u32 v1, $0x10  }
0x106: {  	[tilespmem:$0x2B00] =	vst v2  }
0x107: {  	[tilespmem:$0x2B20] =	vst v1  }
0x108: {  	v1 =	vld [tilespmem:s14+$0x1450];
	_ =	sdelay $0x4  }
0x109: {  	v2 =	vand.u32 $0xFFFF, v1;
	v1 =	vshrl.u32 v1, $0x10  }
0x10a: {  	[tilespmem:$0x2B10] =	vst v2  }
0x10b: {  	[tilespmem:$0x2B30] =	vst v1  }
0x10c: {  	[spmem:s3] =	stream.indirect.scatter.add.f32 [tilespmem:s31], [sflag:$0x7], $0x80, s8, s24, $0xb8;
	[tilespmem:$0x1EC00] =	vst v63  }
0x10d: {  	_ =	swait.ge [sflag:s20], $0x2000  }
0x10e: {  	[sflag:s20] =	ssyncset.done $0x0  }
0x10f: {  	[sflag:s20] =	ssyncadd.s32 $0xFFFFE000  }
0x110: {  	_ =	swait.ge [sflag:s9], $0x2000  }
0x111: {  	[sflag:s9] =	ssyncset.done $0x0  }
0x112: {  	[sflag:s9] =	ssyncadd.s32 $0xFFFFE000  }
0x113: {  	v1 =	vld [tilespmem:s14+$0xA0];
	_ =	sdelay $0x4  }
0x114: {  	v2 =	vand.u32 $0xFFFF, v1;
	v1 =	vshrl.u32 v1, $0x10  }
0x115: {  	[tilespmem:$0x2880] =	vst v2  }
0x116: {  	[tilespmem:$0x28A0] =	vst v1  }
0x117: {  	v1 =	vld [tilespmem:s14+$0xB0];
	_ =	sdelay $0x4  }
0x118: {  	v2 =	vand.u32 $0xFFFF, v1;
	v1 =	vshrl.u32 v1, $0x10  }
0x119: {  	[tilespmem:$0x2890] =	vst v2  }
0x11a: {  	[tilespmem:$0x28B0] =	vst v1  }
0x11b: {  	[tilespmem:s28], [sflag:$0x2] =	stream.indirect.gather [hbm4b:s1+s24], $0x80, s26, s24, $0xb8;
	[tilespmem:$0x1EC00] =	vst v63  }
0x11c: {  	v1 =	vld [tilespmem:s14+$0x1460];
	_ =	sdelay $0x4  }
0x11d: {  	v2 =	vand.u32 $0xFFFF, v1;
	v1 =	vshrl.u32 v1, $0x10  }
0x11e: {  	[tilespmem:$0x2B80] =	vst v2  }
0x11f: {  	[tilespmem:$0x2BA0] =	vst v1  }
0x120: {  	v1 =	vld [tilespmem:s14+$0x1470];
	_ =	sdelay $0x4  }
0x121: {  	v2 =	vand.u32 $0xFFFF, v1;
	v1 =	vshrl.u32 v1, $0x10  }
0x122: {  	[tilespmem:$0x2B90] =	vst v2  }
0x123: {  	[tilespmem:$0x2BB0] =	vst v1  }
0x124: {  	[spmem:s3] =	stream.indirect.scatter.add.f32 [tilespmem:s0], [sflag:$0x8], $0x80, s10, s24, $0xb8;
	[tilespmem:$0x1EC00] =	vst v63  }
0x125: {  	_ =	swait.ge [sflag:s29], $0x2000  }
0x126: {  	[sflag:s29] =	ssyncset.done $0x0  }
0x127: {  	[sflag:s29] =	ssyncadd.s32 $0xFFFFE000  }
0x128: {  	_ =	swait.ge [sflag:s11], $0x2000  }
0x129: {  	[sflag:s11] =	ssyncset.done $0x0  }
0x12a: {  	[sflag:s11] =	ssyncadd.s32 $0xFFFFE000  }
0x12b: {  	v1 =	vld [tilespmem:s14+$0xC0];
	_ =	sdelay $0x4  }
0x12c: {  	v2 =	vand.u32 $0xFFFF, v1;
	v1 =	vshrl.u32 v1, $0x10  }
0x12d: {  	[tilespmem:$0x2900] =	vst v2  }
0x12e: {  	[tilespmem:$0x2920] =	vst v1  }
0x12f: {  	v1 =	vld [tilespmem:s14+$0xD0];
	_ =	sdelay $0x4  }
0x130: {  	v2 =	vand.u32 $0xFFFF, v1;
	v1 =	vshrl.u32 v1, $0x10  }
0x131: {  	[tilespmem:$0x2910] =	vst v2  }
0x132: {  	[tilespmem:$0x2930] =	vst v1  }
0x133: {  	[tilespmem:s31], [sflag:$0x3] =	stream.indirect.gather [hbm4b:s1+s24], $0x80, s30, s24, $0xb8;
	[tilespmem:$0x1EC00] =	vst v63  }
0x134: {  	v1 =	vld [tilespmem:s14+$0x1480];
	_ =	sdelay $0x4  }
0x135: {  	v2 =	vand.u32 $0xFFFF, v1;
	v1 =	vshrl.u32 v1, $0x10  }
0x136: {  	[tilespmem:$0x2A00] =	vst v2  }
0x137: {  	[tilespmem:$0x2A20] =	vst v1  }
0x138: {  	v1 =	vld [tilespmem:s14+$0x1490];
	_ =	sdelay $0x4  }
0x139: {  	v2 =	vand.u32 $0xFFFF, v1;
	v1 =	vshrl.u32 v1, $0x10  }
0x13a: {  	[tilespmem:$0x2A10] =	vst v2  }
0x13b: {  	[tilespmem:$0x2A30] =	vst v1  }
0x13c: {  	[spmem:s3] =	stream.indirect.scatter.add.f32 [tilespmem:s23], [sflag:$0x5], $0x80, s2, s24, $0xb8;
	[tilespmem:$0x1EC00] =	vst v63  }
0x13d: {  	_ =	swait.ge [sflag:s4], $0x2000  }
0x13e: {  	[sflag:s4] =	ssyncset.done $0x0  }
0x13f: {  	[sflag:s4] =	ssyncadd.s32 $0xFFFFE000  }
0x140: {  	_ =	swait.ge [sflag:s12], $0x2000  }
0x141: {  	[sflag:s12] =	ssyncset.done $0x0  }
0x142: {  	[sflag:s12] =	ssyncadd.s32 $0xFFFFE000  }
0x143: {  	v1 =	vld [tilespmem:s14+$0xE0];
	_ =	sdelay $0x4  }
0x144: {  	v2 =	vand.u32 $0xFFFF, v1;
	v1 =	vshrl.u32 v1, $0x10  }
0x145: {  	[tilespmem:$0x2980] =	vst v2  }
0x146: {  	[tilespmem:$0x29A0] =	vst v1  }
0x147: {  	v1 =	vld [tilespmem:s14+$0xF0];
	_ =	sdelay $0x3  }
.Ltmp1:
0x148: {  	(pc) =	sbr.rel @p0 .LBB2_4-.Ltmp1, $4  }
0x149: {  	v2 =	vand.u32 $0xFFFF, v1;
	v1 =	vshrl.u32 v1, $0x10  }
0x14a: {  	[tilespmem:$0x2990] =	vst v2  }
0x14b: {  	[tilespmem:$0x29B0] =	vst v1  }
0x14c: {  	[tilespmem:s0], [sflag:$0x4] =	stream.indirect.gather [hbm4b:s1+s24], $0x80, s22, s24, $0xb8;
	[tilespmem:$0x1EC00] =	vst v63  }
0x14d: {  	v1 =	vld [tilespmem:s14+$0x14A0];
	_ =	sdelay $0x4  }
0x14e: {  	v2 =	vand.u32 $0xFFFF, v1  }
0x14f: {  	v1 =	vshrl.u32 v1, $0x10;
	[tilespmem:$0x2A80] =	vst v2  }
0x150: {  	[tilespmem:$0x2AA0] =	vst v1  }
0x151: {  	v1 =	vld [tilespmem:s14+$0x14B0];
	_ =	sdelay $0x4  }
0x152: {  	v2 =	vand.u32 $0xFFFF, v1  }
0x153: {  	v1 =	vshrl.u32 v1, $0x10;
	[tilespmem:$0x2A90] =	vst v2  }
0x154: {  	[tilespmem:$0x2AB0] =	vst v1  }
0x155: {  	[spmem:s3] =	stream.indirect.scatter.add.f32 [tilespmem:s28], [sflag:$0x6], $0x80, s6, s24, $0xb8;
	[tilespmem:$0x1EC00] =	vst v63  }
0x156: {  	_ =	swait.ge [sflag:s7], $0x2000  }
0x157: {  	[sflag:s7] =	ssyncset.done $0x0  }
0x158: {  	[sflag:s7] =	ssyncadd.s32 $0xFFFFE000  }
0x159: {  	_ =	swait.ge [sflag:s19], $0x2000  }
0x15a: {  	[sflag:s19] =	ssyncset.done $0x0  }
0x15b: {  	[sflag:s19] =	ssyncadd.s32 $0xFFFFE000  }
0x15c: {  	v1 =	vld [tilespmem:$0x1380];
	_ =	sdelay $0x1  }
0x15d: {  	v2 =	vld [tilespmem:$0x1390];
	_ =	sdelay $0x2  }
0x15e: {  	v3 =	vand.u32 $0xFFFF, v1  }
0x15f: {  	v1 =	vshrl.u32 v1, $0x10;
	[tilespmem:$0x2800] =	vst v3  }
0x160: {  	[tilespmem:$0x2820] =	vst v1;
	v1 =	vand.u32 $0xFFFF, v2  }
0x161: {  	[tilespmem:$0x2810] =	vst v1;
	v1 =	vshrl.u32 v2, $0x10  }
0x162: {  	[tilespmem:$0x2830] =	vst v1  }
0x163: {  	[tilespmem:s23], [sflag:$0x1] =	stream.indirect.gather [hbm4b:s1+s24], $0x80, s25, s24, $0xb8;
	[tilespmem:$0x1EC00] =	vst v63  }
0x164: {  	v1 =	vld [tilespmem:$0x2740];
	_ =	sdelay $0x1  }
0x165: {  	v2 =	vld [tilespmem:$0x2750];
	_ =	sdelay $0x2  }
0x166: {  	v3 =	vand.u32 $0xFFFF, v1  }
0x167: {  	v1 =	vshrl.u32 v1, $0x10;
	[tilespmem:$0x2B00] =	vst v3  }
0x168: {  	[tilespmem:$0x2B20] =	vst v1;
	v1 =	vand.u32 $0xFFFF, v2  }
0x169: {  	[tilespmem:$0x2B10] =	vst v1;
	v1 =	vshrl.u32 v2, $0x10  }
0x16a: {  	[tilespmem:$0x2B30] =	vst v1  }
0x16b: {  	[spmem:s3] =	stream.indirect.scatter.add.f32 [tilespmem:s31], [sflag:$0x7], $0x80, s8, s24, $0xb8;
	[tilespmem:$0x1EC00] =	vst v63  }
0x16c: {  	_ =	swait.ge [sflag:s20], $0x2000  }
0x16d: {  	[sflag:s20] =	ssyncset.done $0x0  }
0x16e: {  	[sflag:s20] =	ssyncadd.s32 $0xFFFFE000  }
0x16f: {  	_ =	swait.ge [sflag:s9], $0x2000  }
0x170: {  	[sflag:s9] =	ssyncset.done $0x0  }
0x171: {  	[sflag:s9] =	ssyncadd.s32 $0xFFFFE000  }
0x172: {  	v1 =	vld [tilespmem:$0x13A0];
	_ =	sdelay $0x1  }
0x173: {  	v2 =	vld [tilespmem:$0x13B0];
	_ =	sdelay $0x2  }
0x174: {  	v3 =	vand.u32 $0xFFFF, v1  }
0x175: {  	v1 =	vshrl.u32 v1, $0x10;
	[tilespmem:$0x2880] =	vst v3  }
0x176: {  	[tilespmem:$0x28A0] =	vst v1;
	v1 =	vand.u32 $0xFFFF, v2  }
0x177: {  	[tilespmem:$0x2890] =	vst v1;
	v1 =	vshrl.u32 v2, $0x10  }
0x178: {  	[tilespmem:$0x28B0] =	vst v1  }
0x179: {  	[tilespmem:s28], [sflag:$0x2] =	stream.indirect.gather [hbm4b:s1+s24], $0x80, s26, s24, $0xb8;
	[tilespmem:$0x1EC00] =	vst v63  }
0x17a: {  	v1 =	vld [tilespmem:$0x2760];
	_ =	sdelay $0x1  }
0x17b: {  	v2 =	vld [tilespmem:$0x2770];
	_ =	sdelay $0x2  }
0x17c: {  	v3 =	vand.u32 $0xFFFF, v1  }
0x17d: {  	v1 =	vshrl.u32 v1, $0x10;
	[tilespmem:$0x2B80] =	vst v3  }
0x17e: {  	[tilespmem:$0x2BA0] =	vst v1;
	v1 =	vand.u32 $0xFFFF, v2  }
0x17f: {  	[tilespmem:$0x2B90] =	vst v1;
	v1 =	vshrl.u32 v2, $0x10  }
0x180: {  	[tilespmem:$0x2BB0] =	vst v1  }
0x181: {  	[spmem:s3] =	stream.indirect.scatter.add.f32 [tilespmem:s0], [sflag:$0x8], $0x80, s10, s24, $0xb8;
	[tilespmem:$0x1EC00] =	vst v63  }
0x182: {  	_ =	swait.ge [sflag:s29], $0x2000  }
0x183: {  	[sflag:s29] =	ssyncset.done $0x0  }
0x184: {  	[sflag:s29] =	ssyncadd.s32 $0xFFFFE000  }
0x185: {  	_ =	swait.ge [sflag:s11], $0x2000  }
0x186: {  	[sflag:s11] =	ssyncset.done $0x0  }
0x187: {  	[sflag:s11] =	ssyncadd.s32 $0xFFFFE000  }
0x188: {  	v1 =	vld [tilespmem:$0x13C0];
	_ =	sdelay $0x1  }
0x189: {  	v2 =	vld [tilespmem:$0x13D0];
	_ =	sdelay $0x2  }
0x18a: {  	v3 =	vand.u32 $0xFFFF, v1  }
0x18b: {  	v1 =	vshrl.u32 v1, $0x10;
	[tilespmem:$0x2900] =	vst v3  }
0x18c: {  	[tilespmem:$0x2920] =	vst v1;
	v1 =	vand.u32 $0xFFFF, v2  }
0x18d: {  	[tilespmem:$0x2910] =	vst v1;
	v1 =	vshrl.u32 v2, $0x10  }
0x18e: {  	[tilespmem:$0x2930] =	vst v1  }
0x18f: {  	[tilespmem:s31], [sflag:$0x3] =	stream.indirect.gather [hbm4b:s1+s24], $0x80, s30, s24, $0xb8;
	[tilespmem:$0x1EC00] =	vst v63  }
0x190: {  	v1 =	vld [tilespmem:$0x2780];
	_ =	sdelay $0x1  }
0x191: {  	v2 =	vld [tilespmem:$0x2790];
	_ =	sdelay $0x2  }
0x192: {  	v3 =	vand.u32 $0xFFFF, v1  }
0x193: {  	v1 =	vshrl.u32 v1, $0x10;
	[tilespmem:$0x2A00] =	vst v3  }
0x194: {  	[tilespmem:$0x2A20] =	vst v1;
	v1 =	vand.u32 $0xFFFF, v2  }
0x195: {  	[tilespmem:$0x2A10] =	vst v1;
	v1 =	vshrl.u32 v2, $0x10  }
0x196: {  	[tilespmem:$0x2A30] =	vst v1  }
0x197: {  	[spmem:s3] =	stream.indirect.scatter.add.f32 [tilespmem:s23], [sflag:$0x5], $0x80, s2, s24, $0xb8;
	[tilespmem:$0x1EC00] =	vst v63  }
0x198: {  	_ =	swait.ge [sflag:s4], $0x2000  }
0x199: {  	[sflag:s4] =	ssyncset.done $0x0  }
0x19a: {  	[sflag:s4] =	ssyncadd.s32 $0xFFFFE000  }
0x19b: {  	_ =	swait.ge [sflag:s12], $0x2000  }
0x19c: {  	[sflag:s12] =	ssyncset.done $0x0  }
0x19d: {  	[sflag:s12] =	ssyncadd.s32 $0xFFFFE000  }
0x19e: {  	v1 =	vld [tilespmem:$0x13E0];
	_ =	sdelay $0x1  }
0x19f: {  	v2 =	vld [tilespmem:$0x13F0];
	_ =	sdelay $0x2  }
0x1a0: {  	v3 =	vand.u32 $0xFFFF, v1  }
0x1a1: {  	v1 =	vshrl.u32 v1, $0x10;
	[tilespmem:$0x2980] =	vst v3  }
0x1a2: {  	[tilespmem:$0x29A0] =	vst v1;
	v1 =	vand.u32 $0xFFFF, v2  }
0x1a3: {  	[tilespmem:$0x2990] =	vst v1;
	v1 =	vshrl.u32 v2, $0x10  }
0x1a4: {  	[tilespmem:$0x29B0] =	vst v1  }
0x1a5: {  	[tilespmem:s0], [sflag:$0x4] =	stream.indirect.gather [hbm4b:s1+s24], $0x80, s22, s24, $0xb8;
	[tilespmem:$0x1EC00] =	vst v63  }
0x1a6: {  	v1 =	vld [tilespmem:$0x27A0];
	_ =	sdelay $0x1  }
0x1a7: {  	v2 =	vld [tilespmem:$0x27B0];
	_ =	sdelay $0x2  }
0x1a8: {  	v3 =	vand.u32 $0xFFFF, v1  }
0x1a9: {  	v1 =	vshrl.u32 v1, $0x10;
	[tilespmem:$0x2A80] =	vst v3  }
0x1aa: {  	[tilespmem:$0x2AA0] =	vst v1;
	v1 =	vand.u32 $0xFFFF, v2  }
0x1ab: {  	[tilespmem:$0x2A90] =	vst v1;
	v1 =	vshrl.u32 v2, $0x10  }
0x1ac: {  	[tilespmem:$0x2AB0] =	vst v1  }
0x1ad: {  	[spmem:s3] =	stream.indirect.scatter.add.f32 [tilespmem:s28], [sflag:$0x6], $0x80, s6, s24, $0xb8;
	[tilespmem:$0x1EC00] =	vst v63  }
0x1ae: {  	_ =	swait.ge [sflag:s7], $0x2000  }
0x1af: {  	[sflag:s7] =	ssyncset.done $0x0  }
0x1b0: {  	[sflag:s7] =	ssyncadd.s32 $0xFFFFE000  }
0x1b1: {  	v1 =	vld [tilespmem:$0x27C0];
	_ =	sdelay $0x1  }
0x1b2: {  	v2 =	vld [tilespmem:$0x27D0];
	_ =	sdelay $0x2  }
0x1b3: {  	v3 =	vand.u32 $0xFFFF, v1  }
0x1b4: {  	v1 =	vshrl.u32 v1, $0x10;
	[tilespmem:$0x2B00] =	vst v3  }
0x1b5: {  	[tilespmem:$0x2B20] =	vst v1;
	v1 =	vand.u32 $0xFFFF, v2  }
0x1b6: {  	[tilespmem:$0x2B10] =	vst v1;
	v1 =	vshrl.u32 v2, $0x10  }
0x1b7: {  	[tilespmem:$0x2B30] =	vst v1  }
0x1b8: {  	[spmem:s3] =	stream.indirect.scatter.add.f32 [tilespmem:s31], [sflag:$0x7], $0x80, s8, s24, $0xb8;
	[tilespmem:$0x1EC00] =	vst v63  }
0x1b9: {  	_ =	swait.ge [sflag:s20], $0x2000  }
0x1ba: {  	[sflag:s20] =	ssyncset.done $0x0  }
0x1bb: {  	[sflag:s20] =	ssyncadd.s32 $0xFFFFE000  }
0x1bc: {  	v1 =	vld [tilespmem:$0x27E0];
	_ =	sdelay $0x1  }
0x1bd: {  	v2 =	vld [tilespmem:$0x27F0];
	_ =	sdelay $0x2  }
0x1be: {  	v3 =	vand.u32 $0xFFFF, v1  }
0x1bf: {  	v1 =	vshrl.u32 v1, $0x10;
	[tilespmem:$0x2B80] =	vst v3  }
0x1c0: {  	[tilespmem:$0x2BA0] =	vst v1;
	v1 =	vand.u32 $0xFFFF, v2  }
0x1c1: {  	[tilespmem:$0x2B90] =	vst v1;
	v1 =	vshrl.u32 v2, $0x10  }
0x1c2: {  	[tilespmem:$0x2BB0] =	vst v1  }
0x1c3: {  	[spmem:s3] =	stream.indirect.scatter.add.f32 [tilespmem:s0], [sflag:$0x8], $0x80, s10, s24, $0xb8;
	[tilespmem:$0x1EC00] =	vst v63  }
0x1c4: {  	_ =	swait.ge [sflag:s19], $0x2000  }
0x1c5: {  	[sflag:s19] =	ssyncset.done $0x0  }
0x1c6: {  	[sflag:s19] =	ssyncadd.s32 $0xFFFFE000  }
0x1c7: {  	_ =	swait.ge [sflag:s9], $0x2000  }
0x1c8: {  	[sflag:s9] =	ssyncset.done $0x0  }
0x1c9: {  	[sflag:s9] =	ssyncadd.s32 $0xFFFFE000  }
0x1ca: {  	_ =	swait.ge [sflag:s11], $0x2000  }
0x1cb: {  	[sflag:s11] =	ssyncset.done $0x0  }
0x1cc: {  	[sflag:s11] =	ssyncadd.s32 $0xFFFFE000  }
0x1cd: {  	_ =	swait.ge [sflag:s12], $0x2000  }
0x1ce: {  	s16 =	stileid.u32;
	[sflag:s12] =	ssyncset.done $0x0  }
0x1cf: {  	s15 =	sshrl.u32 s5, $0x3;
	s13 =	sadd.s32 $0x1, s13;
	[sflag:s12] =	ssyncadd.s32 $0xFFFFE000  }
0x1d0: {  	p0 =	sne.s32 s13, s18;
	s14 =	sshll.u32 s16, $0x6;
	[bflag:$0x0] =	sbarrier.arrive $0xFFFF  }
.Ltmp2:
0x1d1: {  	s14 =	sor.u32 $0x1C09, s14;
	s16 =	rddreg [dreg:$0xf];
	(pc) =	sbr.rel @p0 .LBB2_1-.Ltmp2, $4  }
0x1d2: {  	[hbm:s16], [sflag:s14] =	dma.local [spmem:s15], $0x2800  }
0x1d3: {  	_ =	swait.ge [sflag:s21], $0x2800  }
0x1d4: {  	[sflag:s21] =	ssyncset.done $0x0  }
0x1d5: {  	[sflag:s21] =	ssyncadd.s32 $0xFFFFD800  }
0x1d6: {  	_ =	sfence.sel $0x180000  }
0x1d7: {  	[bflag:$0x0] =	sbarrier.arrive $0xFFFF  }
0x1d8: {  	_ =	strace $0x9000004D  }
0x1d9: {  	s0 =	stileid.u32;
	[bflag:$0x2] =	sbarrier.arrive $0xFFFF  }
0x1da: {  	p0 =	sne.s32 s0, $0x0;
	s0 =	rddreg [dreg:$0x3]  }
0x1db: {  	s0 =	sadd.s32 @!p0 $0x100000, s0  }
0x1dc: {  	[sflag:s0] =	ssyncadd.tile.s32 @!p0 $0x1;
	_ =	shalt  }
.Lfunc_end2:
_tile_overlayer_lowered:
.L_overlay_start_2:
0x1dd: {  	(tag) =	ssettag $0x2  }
0x1de: {  	s0 =	rddreg [dreg:$0x0];
	s2 =	stileid.u32  }
0x1df: {  	s1 =	rddreg [dreg:$0x1];
	p0 =	sne.s32 s2, $0x0  }
0x1e0: {  	s3 =	rddreg [dreg:$0x2];
	[bflag:$0x3] =	sbarrier.arrive $0xFFFF;
	s2 =	simm.s32 @!p0 $0x1C09  }
0x1e1: {  	[timem:s3], [sflag:s2] =	dma.local @!p0 [hbm:s0], s1  }
0x1e2: {  	s0 =	simm.s32 @!p0 $0x9  }
0x1e3: {  	_ =	swait.ge @!p0 [sflag:s0], s1  }
0x1e4: {  	s1 =	ssub.s32 @!p0 $0x0, s1;
	[sflag:s0] =	ssyncset.done @!p0 $0x0  }
0x1e5: {  	[sflag:s0] =	ssyncadd.s32 @!p0 s1  }
0x1e6: {  	[bflag:$0x3] =	sbarrier.arrive $0xFFFF  }
0x1e7: {  	_ =	shalt  }

// kernel: kernel.9.cloned.1.call-start
scs
__scs_entry_jumppad:
0x0: {  	(pc) =	sbr.rel $0x88, $3  }
0x1: {  	(tag) =	ssettag $0x0;
	lr =	simm.s32 $0x1  }
0x2: {  	[smem:$0x3F99] =	sst lr;
	_ =	strace $0xD0000000  }
0x3: {  	_ = 	snop  }
0x4: {  	_ = 	snop  }
0x5: {  	_ = 	snop  }
0x6: {  	_ = 	snop  }
0x7: {  	_ = 	snop  }
__scs_overlays_trampoline_lowered:
0x8: {  	[smem:$0x3FA8] =	sst s0  }
0x9: {  	[smem:$0x3FA9] =	sst s1  }
0xa: {  	[smem:$0x3FAA] =	sst s2  }
0xb: {  	[smem:$0x3FAB] =	sst s3  }
0xc: {  	[smem:$0x3FAC] =	sst s4  }
0xd: {  	[smem:$0x3FAD] =	sst s5  }
0xe: {  	[smem:$0x3FAE] =	sst s6  }
0xf: {  	[smem:$0x3FAF] =	sst s7  }
0x10: {  	[smem:$0x3FB0] =	sst s8  }
0x11: {  	[smem:$0x3FB1] =	sst s9;
	s0 =	simm.s32 @!p0 $0x0  }
0x12: {  	s1 =	sld [smem:$0x3F97];
	s0 =	simm.s32 @p0 $0x1  }
0x13: {  	[smem:$0x3FB2] =	sst s0;
	s0 =	simm.s32 @!p1 $0x0  }
0x14: {  	s2 =	sld [smem:$0x3F96];
	s0 =	simm.s32 @p1 $0x1  }
0x15: {  	[smem:$0x3FB3] =	sst s0;
	s0 =	simm.s32 @!p2 $0x0  }
0x16: {  	s3 =	sld [smem:$0x3FDB];
	s0 =	simm.s32 @p2 $0x1  }
0x17: {  	s4 =	simm.s32 $0x1BF5;
	[smem:$0x3FB5] =	sst s0  }
0x18: {  	s0 =	sld [smem:$0x3F98];
	_ =	swait.ge [sflag:s4], $0x0  }
0x19: {  	s7 =	sld [smem:$0x3F99]  }
0x1a: {  	s8 =	sadd.s32 $0xFFFFE003, lr  }
0x1b: {  	s9 =	sadd.s32 $0xFFFFFEF7, lr;
	s5 =	simm.s32 $0xFFFFFFFF;
	p2 =	slt.u32 s8, $0xFFFFF086  }
0x1c: {  	p1 =	slt.u32 s9, $0xF7A;
	s5 =	simm.s32 @!p2 $0x0  }
0x1d: {  	s5 =	simm.s32 @p1 $0x1;
	p0 =	seq.s32 s7, s2  }
0x1e: {  	s7 =	smul.u32 @!p0 $0xF7A, s2;
	p2 =	seq.s32 @!p0 s5, $0x0  }
0x1f: {  	s9 =	smul.u32 $0xF7A, s1;
	s8 =	simm.s32 @!p0 $0x1BF5;
	p2 =	por !p2, p0  }
0x20: {  	[sflag:s8] =	ssyncset.s32 @!p0 $0xFFFFF086;
	s6 =	sadd.s32 @!p0 s3, s7;
	s7 =	simm.s32 @!p0 $0x108  }
0x21: {  	s3 =	sadd.s32 s3, s9;
	s6 =	sadd.s32 @!p0 $0x88, s6;
	s7 =	simm.s32 @p2 $0x1082  }
0x22: {  	[simem:s7], [sflag:s8] =	dma.local @!p0 [hbm:s6], $0xF7A  }
0x23: {  	s9 =	sor.u32 $0xD0000000, s2;
	s6 =	simm.s32 $0x108;
	_ =	swait.ge @!p0 [sflag:s8], $0x0  }
0x24: {  	s3 =	sadd.s32 $0x88, s3;
	s6 =	simm.s32 @!p1 $0x1082;
	[sflag:s4] =	ssyncset.s32 $0xFFFFF086  }
0x25: {  	[simem:s6], [sflag:s4] =	dma.local [hbm:s3], $0xF7A  }
0x26: {  	[smem:$0x3F99] =	sst s1;
	(tag) =	ssettag s2;
	_ =	strace s9  }
0x27: {  	s1 =	sld [smem:$0x3FA9]  }
0x28: {  	s2 =	sld [smem:$0x3FAA]  }
0x29: {  	s4 =	sld [smem:$0x3FAC]  }
0x2a: {  	p0 =	seq.s32 s5, $0x0;
	s5 =	sld [smem:$0x3FAD]  }
0x2b: {  	s6 =	sld [smem:$0x3FAE]  }
0x2c: {  	s7 =	sld [smem:$0x3FAF]  }
0x2d: {  	s3 =	simm.s32 $0x108;
	s8 =	sld [smem:$0x3FB0]  }
0x2e: {  	s3 =	simm.s32 @!p0 $0x1082;
	s9 =	sld [smem:$0x3FB1]  }
0x2f: {  	lr =	sadd.s32 s0, s3;
	s0 =	sld [smem:$0x3FA8]  }
0x30: {  	s3 =	sld [smem:$0x3FAB]  }
0x31: {  	[smem:$0x3FB4] =	sst s10  }
0x32: {  	s10 =	sld [smem:$0x3FB2];
	_ =	sdelay $0x3  }
0x33: {  	p0 =	seq.s32 s10, $0x1;
	s10 =	sld [smem:$0x3FB4];
	_ =	sdelay $0x3  }
0x34: {  	[smem:$0x3FB4] =	sst s10  }
0x35: {  	s10 =	sld [smem:$0x3FB3];
	_ =	sdelay $0x3  }
0x36: {  	p1 =	seq.s32 s10, $0x1;
	s10 =	sld [smem:$0x3FB4];
	_ =	sdelay $0x3  }
0x37: {  	[smem:$0x3FB4] =	sst s10  }
0x38: {  	s10 =	sld [smem:$0x3FB5]  }
0x39: {  	_ = 	snop;
	(pc) =	sbr.ind lr, $3  }
0x3a: {  	_ = 	snop  }
0x3b: {  	_ = 	snop  }
0x3c: {  	p2 =	seq.s32 s10, $0x1;
	s10 =	sld [smem:$0x3FB4]  }
0x3d: {  	_ =	shalt  }
0x3e: {  	_ =	shalt  }
0x3f: {  	_ =	shalt  }
0x40: {  	_ =	shalt  }
0x41: {  	_ =	shalt  }
0x42: {  	_ =	shalt  }
0x43: {  	_ =	shalt  }
0x44: {  	_ =	shalt  }
0x45: {  	_ =	shalt  }
0x46: {  	_ =	shalt  }
0x47: {  	_ =	shalt  }
0x48: {  	_ =	shalt  }
0x49: {  	_ =	shalt  }
0x4a: {  	_ =	shalt  }
0x4b: {  	_ =	shalt  }
0x4c: {  	_ =	shalt  }
0x4d: {  	_ =	shalt  }
0x4e: {  	_ =	shalt  }
0x4f: {  	_ =	shalt  }
0x50: {  	_ =	shalt  }
0x51: {  	_ =	shalt  }
0x52: {  	_ =	shalt  }
0x53: {  	_ =	shalt  }
0x54: {  	_ =	shalt  }
0x55: {  	_ =	shalt  }
0x56: {  	_ =	shalt  }
0x57: {  	_ =	shalt  }
0x58: {  	_ =	shalt  }
0x59: {  	_ =	shalt  }
0x5a: {  	_ =	shalt  }
0x5b: {  	_ =	shalt  }
0x5c: {  	_ =	shalt  }
0x5d: {  	_ =	shalt  }
0x5e: {  	_ =	shalt  }
0x5f: {  	_ =	shalt  }
0x60: {  	_ =	shalt  }
0x61: {  	_ =	shalt  }
0x62: {  	_ =	shalt  }
0x63: {  	_ =	shalt  }
0x64: {  	_ =	shalt  }
0x65: {  	_ =	shalt  }
0x66: {  	_ =	shalt  }
0x67: {  	_ =	shalt  }
0x68: {  	_ =	shalt  }
0x69: {  	_ =	shalt  }
0x6a: {  	_ =	shalt  }
0x6b: {  	_ =	shalt  }
0x6c: {  	_ =	shalt  }
0x6d: {  	_ =	shalt  }
0x6e: {  	_ =	shalt  }
0x6f: {  	_ =	shalt  }
0x70: {  	_ =	shalt  }
0x71: {  	_ =	shalt  }
0x72: {  	_ =	shalt  }
0x73: {  	_ =	shalt  }
0x74: {  	_ =	shalt  }
0x75: {  	_ =	shalt  }
0x76: {  	_ =	shalt  }
0x77: {  	_ =	shalt  }
0x78: {  	_ =	shalt  }
0x79: {  	_ =	shalt  }
0x7a: {  	_ =	shalt  }
0x7b: {  	_ =	shalt  }
0x7c: {  	_ =	shalt  }
0x7d: {  	_ =	shalt  }
0x7e: {  	_ =	shalt  }
0x7f: {  	_ =	shalt  }
0x80: {  	_ =	shalt  }
0x81: {  	_ =	shalt  }
0x82: {  	_ =	shalt  }
0x83: {  	_ =	shalt  }
0x84: {  	_ =	shalt  }
0x85: {  	_ =	shalt  }
0x86: {  	_ =	shalt  }
0x87: {  	_ =	shalt  }
.Lfunc_end0:
.L_simem_size_0:
called_computation_lowered:
.L_overlay_start_0:
0x88: {  	s2 =	sld [smem:$0x3FD9]  }
0x89: {  	s3 =	sld [smem:$0x3FFE];
	_ =	sdelay $0x1  }
0x8a: {  	s1 =	srdreg.scid  }
0x8b: {  	s0 =	sand.u32 $0x1, s1  }
0x8c: {  	s16 =	sshll.u32 s0, $0xA;
	s2 =	sadd.s32 s3, s2  }
0x8d: {  	s2 =	sadd.s32 s2, s16  }
0x8e: {  	[smem:$0x3FC0] =	sst s2  }
0x8f: {  	_ = 	snop  }
0x90: {  	(tm) =	ssettm $0x1  }
0x91: {  	s17 =	sld [smem:$0x3FFB];
	_ =	sdelay $0x3  }
0x92: {  	_ =	strace s17  }
0x93: {  	s2 =	sld [smem:$0x3FFC];
	_ =	sdelay $0x3  }
0x94: {  	_ =	strace s2  }
0x95: {  	s2 =	sld [smem:$0x3FFD];
	_ =	sdelay $0x3  }
0x96: {  	_ =	strace s2  }
0x97: {  	_ =	strace $0x8FFFFFFF  }
0x98: {  	s18 =	sld [smem:$0x3FDB];
	_ =	sdelay $0x1  }
0x99: {  	s19 =	simm.s32 $_scs_section_size  }
0x9a: {  	s4 =	simm.s32 $_size__tile_overlayer_lowered;
	s5 =	simm.s32 $_tile_overlayer_lowered  }
0x9b: {  	s22 =	simm.s32 $0x1BFF;
	s21 =	sshll.u32 s5, $0x1;
	s2 =	sadd.s32 s19, s18  }
0x9c: {  	s6 =	simm.s32 $0x0;
	s20 =	sshll.u32 s4, $0x1;
	s4 =	sadd.s32 s21, s2  }
0x9d: {  	[timem:s6], [sflag:s22] =	dma.local [hbm:s4], s20  }
0x9e: {  	_ =	swait.ge [sflag:s22], s20  }
0x9f: {  	s3 =	ssub.s32 $0x0, s20;
	[sflag:s22] =	ssyncset.done $0x0  }
0xa0: {  	[sflag:s22] =	ssyncadd.s32 s3;
	_ =	sdelay $0x1  }
0xa1: {  	s23 =	simm.s32 $0x1B8B  }
0xa2: {  	_ =	swait.ge [sflag:s23], $0x1  }
0xa3: {  	[sflag:s23] =	ssyncset.done $0x0  }
0xa4: {  	s25 =	simm.s32 $0x1B8E;
	s24 =	sld [smem:$0x3FFE];
	[sflag:s23] =	ssyncadd.s32 $0xFFFFFFFF  }
0xa5: {  	s26 =	simm.s32 $execute0_lowered;
	[smem:$0x3FD2] =	sst s25  }
0xa6: {  	s4 =	sshll.u32 s26, $0x1;
	_ =	strace $0x80000046;
	[dreg:$0x1] =	wrdreg $0xFFFFFFFF  }
0xa7: {  	s28 =	simm.s32 $_size_execute0_lowered;
	s2 =	sadd.s32 s2, s4;
	[dreg:$0x0] =	wrdreg $0x0  }
0xa8: {  	s4 =	sshll.u32 s28, $0x1;
	[dreg:$0x2] =	wrdreg s2  }
0xa9: {  	[dreg:$0x3] =	wrdreg s4  }
0xaa: {  	[dreg:$0x4] =	wrdreg $0xC0  }
0xab: {  	_ =	task [dreg:s6], $0x5FFFF  }
0xac: {  	[dreg:$0x1] =	wrdreg $0xFFFFFFFF  }
0xad: {  	[dreg:$0x0] =	wrdreg $0x60  }
0xae: {  	[dreg:$0x2] =	wrdreg s24  }
0xaf: {  	[dreg:$0x3] =	wrdreg $0x56800  }
0xb0: {  	[dreg:$0x4] =	wrdreg $0x9  }
0xb1: {  	_ =	task.clear_ibuf [dreg:s6], $0x5FFFF;
	_ =	strace $0x90000046  }
0xb2: {  	s29 =	simm.s32 $0x9;
	_ =	strace $0x80000048  }
0xb3: {  	_ =	swait.ge [sflag:s29], $0x1  }
0xb4: {  	[sflag:s29] =	ssyncadd.s32 $0xFFFFFFFF  }
0xb5: {  	_ =	strace $0x90000048  }
0xb6: {  	_ =	sfence  }
0xb7: {  	s30 =	sld [smem:$0x0];
	_ =	sdelay $0x2  }
0xb8: {  	s31 =	sshll.u32 s1, $0xD;
	s1 =	sshrl.u32 s1, $0x2  }
0xb9: {  	s3 =	sand.u32 $0x4000, s31;
	s1 =	sadd.s32 s1, s30  }
0xba: {  	s0 =	sor.u32 s3, s0;
	s1 =	sshll.u32 s1, $0x11  }
0xbb: {  	s0 =	sor.u32 s1, s0  }
0xbc: {  	s0 =	sadd.s32 $0x8F2B, s0  }
0xbd: {  	[sflag:s0] =	ssyncadd.remote.s32 $0x1  }
0xbe: {  	_ =	sfence.sel $0xFFFF  }
0xbf: {  	[dreg:$0x0] =	wrdreg $0xFFFFFFFF;
	(pc) =	sbr.abs _section_cstart, $3  }
0xc0: {  	[dreg:$0x1] =	wrdreg $0xFFFFFFFF  }
0xc1: {  	_ =	task.clear_ibuf [dreg:s6], $0x2FFFF;
	_ =	strace $0x9FFFFFFF  }
0xc2: {  	(tm) =	ssettm $0x7FFFFFFF  }
0xc3: {  	_ =	shalt  }
tec
execute0_lowered:
.L_overlay_start_1:
0x0: {  	(tag) =	ssettag $0x1  }
0x1: {  	s4 =	rddreg [dreg:$0x0]  }
0x2: {  	s0 =	srdreg.scid;
	s5 =	rddreg [dreg:$0x1];
	s2 =	simm.s32 $0x0  }
0x3: {  	s12 =	simm.s32 $0x80;
	s13 =	simm.s32 $0x400;
	s14 =	simm.s32 $0x1  }
0x4: {  	s15 =	simm.s32 $0x1400;
	s16 =	simm.s32 $0x14000;
	s17 =	simm.s32 $0x2E80  }
0x5: {  	s18 =	simm.s32 $0x100;
	s19 =	simm.s32 $0x2C00;
	s3 =	sand.u32 $0x1, s0  }
0x6: {  	s0 =	stileid.u32;
	[smem:$0x7FF] =	sst s2;
	s1 =	sshll.u32 s3, $0x4  }
0x7: {  	s7 =	sshll.u32 s0, $0x7;
	s8 =	smul.u32 $0x500, s0;
	s9 =	sshll.u32 s3, $0x7  }
0x8: {  	s10 =	sshrl.u32 s0, $0x3;
	s29 =	smul.u32 $0x5000, s0;
	s6 =	sor.u32 s0, s1  }
0x9: {  	s3 =	ssub.s32 $0x2, s3;
	s1 =	rddreg [dreg:$0x2];
	s6 =	sshrl.u32 s6, $0x3  }
0xa: {  	_ =	strace $0x80000047;
	s7 =	sand.u32 $0x380, s7;
	s6 =	smul.u32 $0xA000, s6  }
0xb: {  	s26 =	smul.u32 $0x50000, s10;
	s31 =	sshrl.u32 s3, $0x1;
	s8 =	sor.u32 s9, s8  }
0xc: {  	s9 =	ssub.s32 s3, s31;
	s28 =	sshrl.u32 s8, $0x3;
	s6 =	sor.u32 s7, s6  }
0xd: {  	s30 =	sshrl.u32 s26, $0x2;
	s8 =	sshrl.u32 s29, $0x2;
	s6 =	sshrl.u32 s6, $0x3  }
0xe: {  	s11 =	sadd.s32 s6, s4;
	s6 =	sadd.s32 s28, s4;
	s4 =	sadd.s32 s30, s5  }
0xf: {  	s3 =	sadd.s32 s7, s4;
	s4 =	sadd.s32 s8, s5;
	s5 =	sadd.s32 $0xCE00, s6  }
0x10: {  	s6 =	smax.u32 s9, $0x1;
	s7 =	sadd.s32 $0x2E00, s11;
	s8 =	sadd.s32 $0x3200, s11  }
0x11: {  	v0 =	vimm.f32 $0.0e+00;
	v1 =	vimm.f32 $1.000000000e+00;
	s9 =	sadd.s32 $0x3600, s11;
	s10 =	sadd.s32 $0x3A00, s11;
	s11 =	sadd.s32 $0x3E00, s11  }
.LBB2_1:
0x12: {  	s20 =	simm.s32 $0x40;
	s21 =	simm.s32 $0x0  }
.LBB2_2:
0x13: {  	p0 =	sne.s32 s20, $0x9FC0;
	[tilespmem:s21+$0x400] =	vst v0;
	s21 =	smov.u32 s20;
	s20 =	sadd.s32 $0x40, s20  }
.Ltmp0:
0x14: {  	(pc) =	sbr.rel @p0 .LBB2_2-.Ltmp0, $2  }
0x15: {  	_ =	sdelay $0x2  }
0x16: {  	s21 =	sshra.s32 s21, $0x2  }
0x17: {  	[tilespmem:s21+$0x400] =	vst v0;
	s20 =	simm.s32 $0x0  }
0x18: {  	[tilespmem:s20], [sflag:$0x1] =	stream.strided.gather [hbm4b:s7+s12], $0x400, s13, s12, $0x38;
	[tilespmem:$0x7E80] =	vst v63  }
0x19: {  	_ =	swait.ge [sflag:s14], $0x400  }
0x1a: {  	[sflag:s14] =	ssyncset.done $0x0  }
0x1b: {  	s31 =	simm.s32 $0x0;
	[sflag:s14] =	ssyncadd.s32 $0xFFFFFC00  }
0x1c: {  	s20 =	simm.s32 $0x40;
	v2 =	vld [tilespmem:s31+$0x0]  }
.LBB2_4:
0x1d: {  	p0 =	sne.s32 s20, $0xFC0;
	_ =	sdelay $0x3  }
0x1e: {  	v3 =	vand.u32 $0xFFFF, v2;
	v2 =	vshrl.u32 v2, $0x10;
	_ =	sdelay $0x2  }
.Ltmp1:
0x1f: {  	(pc) =	sbr.rel @p0 .LBB2_4-.Ltmp1, $4  }
0x20: {  	_ = 	snop  }
0x21: {  	[tilespmem:v3+s13+$0x0] =	vst.idx.add.f32.msk $0xffff, v1  }
0x22: {  	s21 =	sshra.s32 s20, $0x2;
	[tilespmem:v2+s13+$0x0] =	vst.idx.add.f32.msk $0xffff, v1  }
0x23: {  	s20 =	sadd.s32 $0x40, s20;
	v2 =	vld [tilespmem:s21+$0x0]  }
0x24: {  	_ =	sdelay $0x3  }
0x25: {  	v3 =	vand.u32 $0xFFFF, v2  }
0x26: {  	v2 =	vshrl.u32 v2, $0x10;
	_ =	sdelay $0x3  }
0x27: {  	[tilespmem:v3+s13+$0x0] =	vst.idx.add.f32.msk $0xffff, v1  }
0x28: {  	s20 =	simm.s32 $0x0;
	[tilespmem:v2+s13+$0x0] =	vst.idx.add.f32.msk $0xffff, v1  }
0x29: {  	[tilespmem:s20], [sflag:$0x1] =	stream.strided.gather [hbm4b:s8+s12], $0x400, s13, s12, $0x38;
	[tilespmem:$0x7E80] =	vst v63  }
0x2a: {  	_ =	swait.ge [sflag:s14], $0x400  }
0x2b: {  	[sflag:s14] =	ssyncset.done $0x0  }
0x2c: {  	s31 =	simm.s32 $0x0;
	[sflag:s14] =	ssyncadd.s32 $0xFFFFFC00  }
0x2d: {  	s20 =	simm.s32 $0x40;
	v2 =	vld [tilespmem:s31+$0x0]  }
.LBB2_6:
0x2e: {  	p0 =	sne.s32 s20, $0xFC0;
	_ =	sdelay $0x3  }
0x2f: {  	v3 =	vand.u32 $0xFFFF, v2;
	v2 =	vshrl.u32 v2, $0x10;
	_ =	sdelay $0x2  }
.Ltmp2:
0x30: {  	(pc) =	sbr.rel @p0 .LBB2_6-.Ltmp2, $4  }
0x31: {  	_ = 	snop  }
0x32: {  	[tilespmem:v3+s13+$0x0] =	vst.idx.add.f32.msk $0xffff, v1  }
0x33: {  	s21 =	sshra.s32 s20, $0x2;
	[tilespmem:v2+s13+$0x0] =	vst.idx.add.f32.msk $0xffff, v1  }
0x34: {  	s20 =	sadd.s32 $0x40, s20;
	v2 =	vld [tilespmem:s21+$0x0]  }
0x35: {  	_ =	sdelay $0x3  }
0x36: {  	v3 =	vand.u32 $0xFFFF, v2  }
0x37: {  	v2 =	vshrl.u32 v2, $0x10;
	_ =	sdelay $0x3  }
0x38: {  	[tilespmem:v3+s13+$0x0] =	vst.idx.add.f32.msk $0xffff, v1  }
0x39: {  	s20 =	simm.s32 $0x0;
	[tilespmem:v2+s13+$0x0] =	vst.idx.add.f32.msk $0xffff, v1  }
0x3a: {  	[tilespmem:s20], [sflag:$0x1] =	stream.strided.gather [hbm4b:s9+s12], $0x400, s13, s12, $0x38;
	[tilespmem:$0x7E80] =	vst v63  }
0x3b: {  	_ =	swait.ge [sflag:s14], $0x400  }
0x3c: {  	[sflag:s14] =	ssyncset.done $0x0  }
0x3d: {  	s31 =	simm.s32 $0x0;
	[sflag:s14] =	ssyncadd.s32 $0xFFFFFC00  }
0x3e: {  	s20 =	simm.s32 $0x40;
	v2 =	vld [tilespmem:s31+$0x0]  }
.LBB2_8:
0x3f: {  	p0 =	sne.s32 s20, $0xFC0;
	_ =	sdelay $0x3  }
0x40: {  	v3 =	vand.u32 $0xFFFF, v2;
	v2 =	vshrl.u32 v2, $0x10;
	_ =	sdelay $0x2  }
.Ltmp3:
0x41: {  	(pc) =	sbr.rel @p0 .LBB2_8-.Ltmp3, $4  }
0x42: {  	_ = 	snop  }
0x43: {  	[tilespmem:v3+s13+$0x0] =	vst.idx.add.f32.msk $0xffff, v1  }
0x44: {  	s21 =	sshra.s32 s20, $0x2;
	[tilespmem:v2+s13+$0x0] =	vst.idx.add.f32.msk $0xffff, v1  }
0x45: {  	s20 =	sadd.s32 $0x40, s20;
	v2 =	vld [tilespmem:s21+$0x0]  }
0x46: {  	_ =	sdelay $0x3  }
0x47: {  	v3 =	vand.u32 $0xFFFF, v2  }
0x48: {  	v2 =	vshrl.u32 v2, $0x10;
	_ =	sdelay $0x3  }
0x49: {  	[tilespmem:v3+s13+$0x0] =	vst.idx.add.f32.msk $0xffff, v1  }
0x4a: {  	s20 =	simm.s32 $0x0;
	[tilespmem:v2+s13+$0x0] =	vst.idx.add.f32.msk $0xffff, v1  }
0x4b: {  	[tilespmem:s20], [sflag:$0x1] =	stream.strided.gather [hbm4b:s10+s12], $0x400, s13, s12, $0x38;
	[tilespmem:$0x7E80] =	vst v63  }
0x4c: {  	_ =	swait.ge [sflag:s14], $0x400  }
0x4d: {  	[sflag:s14] =	ssyncset.done $0x0  }
0x4e: {  	s31 =	simm.s32 $0x0;
	[sflag:s14] =	ssyncadd.s32 $0xFFFFFC00  }
0x4f: {  	s20 =	simm.s32 $0x40;
	v2 =	vld [tilespmem:s31+$0x0]  }
.LBB2_10:
0x50: {  	p0 =	sne.s32 s20, $0xFC0;
	_ =	sdelay $0x3  }
0x51: {  	v3 =	vand.u32 $0xFFFF, v2;
	v2 =	vshrl.u32 v2, $0x10;
	_ =	sdelay $0x2  }
.Ltmp4:
0x52: {  	(pc) =	sbr.rel @p0 .LBB2_10-.Ltmp4, $4  }
0x53: {  	_ = 	snop  }
0x54: {  	[tilespmem:v3+s13+$0x0] =	vst.idx.add.f32.msk $0xffff, v1  }
0x55: {  	s21 =	sshra.s32 s20, $0x2;
	[tilespmem:v2+s13+$0x0] =	vst.idx.add.f32.msk $0xffff, v1  }
0x56: {  	s20 =	sadd.s32 $0x40, s20;
	v2 =	vld [tilespmem:s21+$0x0]  }
0x57: {  	_ =	sdelay $0x3  }
0x58: {  	v3 =	vand.u32 $0xFFFF, v2  }
0x59: {  	v2 =	vshrl.u32 v2, $0x10;
	_ =	sdelay $0x3  }
0x5a: {  	[tilespmem:v3+s13+$0x0] =	vst.idx.add.f32.msk $0xffff, v1  }
0x5b: {  	s20 =	simm.s32 $0x0;
	[tilespmem:v2+s13+$0x0] =	vst.idx.add.f32.msk $0xffff, v1  }
0x5c: {  	[tilespmem:s20], [sflag:$0x1] =	stream.strided.gather [hbm4b:s11+s12], $0x400, s13, s12, $0x38;
	[tilespmem:$0x7E80] =	vst v63  }
0x5d: {  	_ =	swait.ge [sflag:s14], $0x400  }
0x5e: {  	[sflag:s14] =	ssyncset.done $0x0  }
0x5f: {  	s31 =	simm.s32 $0x0;
	[sflag:s14] =	ssyncadd.s32 $0xFFFFFC00  }
0x60: {  	s20 =	simm.s32 $0x40;
	v2 =	vld [tilespmem:s31+$0x0]  }
.LBB2_12:
0x61: {  	p0 =	sne.s32 s20, $0xFC0;
	_ =	sdelay $0x3  }
0x62: {  	v3 =	vand.u32 $0xFFFF, v2;
	v2 =	vshrl.u32 v2, $0x10;
	_ =	sdelay $0x2  }
.Ltmp5:
0x63: {  	(pc) =	sbr.rel @p0 .LBB2_12-.Ltmp5, $4  }
0x64: {  	_ = 	snop  }
0x65: {  	[tilespmem:v3+s13+$0x0] =	vst.idx.add.f32.msk $0xffff, v1  }
0x66: {  	s21 =	sshra.s32 s20, $0x2;
	[tilespmem:v2+s13+$0x0] =	vst.idx.add.f32.msk $0xffff, v1  }
0x67: {  	s20 =	sadd.s32 $0x40, s20;
	v2 =	vld [tilespmem:s21+$0x0]  }
0x68: {  	_ =	sdelay $0x3  }
0x69: {  	v3 =	vand.u32 $0xFFFF, v2  }
0x6a: {  	v2 =	vshrl.u32 v2, $0x10;
	_ =	sdelay $0x3  }
0x6b: {  	[tilespmem:v3+s13+$0x0] =	vst.idx.add.f32.msk $0xffff, v1  }
0x6c: {  	[tilespmem:v2+s13+$0x0] =	vst.idx.add.f32.msk $0xffff, v1  }
0x6d: {  	[spmem:s3] =	stream.strided.scatter [tilespmem:s13], [sflag:$0x1], $0x2800, s13, s12, $0x38;
	[tilespmem:$0x7E80] =	vst v63  }
0x6e: {  	_ =	swait.ge [sflag:s14], $0x2800  }
0x6f: {  	[sflag:s14] =	ssyncset.done $0x0  }
0x70: {  	[sflag:s14] =	ssyncadd.s32 $0xFFFFD800  }
0x71: {  	[bflag:$0x0] =	sbarrier.arrive $0xFFFF  }
0x72: {  	[tilespmem:s17], [sflag:$0x1] =	stream.strided.gather [spmem:s4], $0x2800, s16, s15, $0x38;
	[tilespmem:$0x7E80] =	vst v63  }
0x73: {  	s20 =	simm.s32 $0x0;
	_ =	swait.ge [sflag:s14], $0x2800  }
0x74: {  	s21 =	sand.u32 $0x70, s20;
	s20 =	sand.u32 $0x1C00, s20;
	[sflag:s14] =	ssyncset.done $0x0  }
0x75: {  	s20 =	sor.u32 s21, s20;
	[sflag:s14] =	ssyncadd.s32 $0xFFFFD800  }
0x76: {  	v2 =	vld [tilespmem:s20+$0x2F00]  }
0x77: {  	v3 =	vld [tilespmem:s20+$0x2E80];
	_ =	sdelay $0x1  }
0x78: {  	v4 =	vld [tilespmem:s20+$0x2F80];
	_ =	sdelay $0x1  }
0x79: {  	v5 =	vld [tilespmem:s20+$0x3000]  }
0x7a: {  	v2 =	vadd.f32 v2, v3  }
0x7b: {  	v3 =	vld [tilespmem:s20+$0x3080]  }
0x7c: {  	v2 =	vadd.f32 v4, v2  }
0x7d: {  	v56 =	vld [tilespmem:s20+$0x3100]  }
0x7e: {  	v2 =	vadd.f32 v5, v2  }
0x7f: {  	v57 =	vld [tilespmem:s20+$0x3180]  }
0x80: {  	v2 =	vadd.f32 v3, v2  }
0x81: {  	v3 =	vld [tilespmem:s20+$0x3200]  }
0x82: {  	v2 =	vadd.f32 v56, v2  }
0x83: {  	v58 =	vld [tilespmem:s20+$0x4280]  }
0x84: {  	v2 =	vadd.f32 v57, v2  }
0x85: {  	v59 =	vld [tilespmem:s20+$0x4300]  }
0x86: {  	v2 =	vadd.f32 v3, v2  }
0x87: {  	v3 =	vld [tilespmem:s20+$0x4380]  }
0x88: {  	v2 =	vadd.f32 v58, v2  }
0x89: {  	v60 =	vld [tilespmem:s20+$0x4400]  }
0x8a: {  	v2 =	vadd.f32 v59, v2  }
0x8b: {  	v61 =	vld [tilespmem:s20+$0x4480]  }
0x8c: {  	v2 =	vadd.f32 v3, v2  }
0x8d: {  	v3 =	vld [tilespmem:s20+$0x4500]  }
0x8e: {  	v2 =	vadd.f32 v60, v2  }
0x8f: {  	v62 =	vld [tilespmem:s20+$0x4580]  }
0x90: {  	v2 =	vadd.f32 v61, v2  }
0x91: {  	v63 =	vld [tilespmem:s20+$0x4600]  }
0x92: {  	v2 =	vadd.f32 v3, v2;
	_ =	sdelay $0x1  }
0x93: {  	v2 =	vadd.f32 v62, v2;
	_ =	sdelay $0x1  }
0x94: {  	s31 =	simm.s32 $0x10;
	s22 =	simm.s32 $0x80;
	v2 =	vadd.f32 v63, v2  }
0x95: {  	s23 =	sand.u32 $0x1C00, s22;
	s21 =	sand.u32 $0x70, s31;
	s20 =	simm.s32 $0x2C00  }
0x96: {  	s21 =	sor.u32 s21, s23;
	s23 =	simm.s32 $0x20;
	[tilespmem:s20+$0x0] =	vst v2  }
.LBB2_14:
0x97: {  	p0 =	sne.s32 s23, $0x270;
	v2 =	vld [tilespmem:s21+$0x2F00]  }
0x98: {  	v3 =	vld [tilespmem:s21+$0x2E80];
	_ =	sdelay $0x1  }
0x99: {  	v4 =	vld [tilespmem:s21+$0x2F80];
	_ =	sdelay $0x1  }
0x9a: {  	v5 =	vld [tilespmem:s21+$0x3000]  }
0x9b: {  	v2 =	vadd.f32 v2, v3  }
0x9c: {  	v3 =	vld [tilespmem:s21+$0x3080]  }
0x9d: {  	v2 =	vadd.f32 v4, v2  }
0x9e: {  	v4 =	vld [tilespmem:s21+$0x3100]  }
0x9f: {  	v2 =	vadd.f32 v5, v2  }
0xa0: {  	v5 =	vld [tilespmem:s21+$0x3180]  }
0xa1: {  	v2 =	vadd.f32 v3, v2  }
0xa2: {  	v3 =	vld [tilespmem:s21+$0x3200]  }
0xa3: {  	v2 =	vadd.f32 v4, v2  }
0xa4: {  	v4 =	vld [tilespmem:s21+$0x4280]  }
0xa5: {  	v2 =	vadd.f32 v5, v2  }
0xa6: {  	v5 =	vld [tilespmem:s21+$0x4300]  }
0xa7: {  	v2 =	vadd.f32 v3, v2  }
0xa8: {  	v3 =	vld [tilespmem:s21+$0x4380]  }
0xa9: {  	v2 =	vadd.f32 v4, v2  }
0xaa: {  	v4 =	vld [tilespmem:s21+$0x4400]  }
0xab: {  	v2 =	vadd.f32 v5, v2  }
0xac: {  	v5 =	vld [tilespmem:s21+$0x4480]  }
0xad: {  	v2 =	vadd.f32 v3, v2  }
0xae: {  	v3 =	vld [tilespmem:s21+$0x4500]  }
0xaf: {  	v2 =	vadd.f32 v4, v2  }
0xb0: {  	v4 =	vld [tilespmem:s21+$0x4580]  }
0xb1: {  	v2 =	vadd.f32 v5, v2  }
0xb2: {  	v5 =	vld [tilespmem:s21+$0x4600]  }
0xb3: {  	v2 =	vadd.f32 v3, v2;
	_ =	sdelay $0x1  }
.Ltmp6:
0xb4: {  	v2 =	vadd.f32 v4, v2;
	(pc) =	sbr.rel @p0 .LBB2_14-.Ltmp6, $4  }
0xb5: {  	_ = 	snop  }
0xb6: {  	s22 =	sadd.s32 $0x80, s22;
	v2 =	vadd.f32 v5, v2  }
0xb7: {  	s20 =	sadd.s32 $0x10, s20;
	s24 =	sand.u32 $0x1C00, s22;
	s21 =	sand.u32 $0x70, s23  }
0xb8: {  	s23 =	sadd.s32 $0x10, s23;
	s21 =	sor.u32 s21, s24;
	[tilespmem:s20+$0x0] =	vst v2  }
0xb9: {  	v2 =	vld [tilespmem:s21+$0x2F00]  }
0xba: {  	v3 =	vld [tilespmem:s21+$0x2E80];
	_ =	sdelay $0x1  }
0xbb: {  	v4 =	vld [tilespmem:s21+$0x2F80];
	_ =	sdelay $0x1  }
0xbc: {  	v5 =	vld [tilespmem:s21+$0x3000]  }
0xbd: {  	v2 =	vadd.f32 v2, v3  }
0xbe: {  	v3 =	vld [tilespmem:s21+$0x3080]  }
0xbf: {  	v2 =	vadd.f32 v4, v2  }
0xc0: {  	v56 =	vld [tilespmem:s21+$0x3100]  }
0xc1: {  	v2 =	vadd.f32 v5, v2  }
0xc2: {  	v57 =	vld [tilespmem:s21+$0x3180]  }
0xc3: {  	v2 =	vadd.f32 v3, v2  }
0xc4: {  	v3 =	vld [tilespmem:s21+$0x3200]  }
0xc5: {  	v2 =	vadd.f32 v56, v2  }
0xc6: {  	v58 =	vld [tilespmem:s21+$0x4280]  }
0xc7: {  	v2 =	vadd.f32 v57, v2  }
0xc8: {  	v59 =	vld [tilespmem:s21+$0x4300]  }
0xc9: {  	v2 =	vadd.f32 v3, v2  }
0xca: {  	v3 =	vld [tilespmem:s21+$0x4380]  }
0xcb: {  	v2 =	vadd.f32 v58, v2  }
0xcc: {  	v60 =	vld [tilespmem:s21+$0x4400]  }
0xcd: {  	v2 =	vadd.f32 v59, v2  }
0xce: {  	v61 =	vld [tilespmem:s21+$0x4480]  }
0xcf: {  	v2 =	vadd.f32 v3, v2  }
0xd0: {  	v3 =	vld [tilespmem:s21+$0x4500]  }
0xd1: {  	v2 =	vadd.f32 v60, v2  }
0xd2: {  	v62 =	vld [tilespmem:s21+$0x4580]  }
0xd3: {  	v2 =	vadd.f32 v61, v2  }
0xd4: {  	v63 =	vld [tilespmem:s21+$0x4600]  }
0xd5: {  	v2 =	vadd.f32 v3, v2;
	_ =	sdelay $0x1  }
0xd6: {  	v2 =	vadd.f32 v62, v2;
	_ =	sdelay $0x1  }
0xd7: {  	s2 =	sadd.s32 $0x1, s2;
	v2 =	vadd.f32 v63, v2  }
0xd8: {  	s20 =	sadd.s32 $0x10, s20;
	p0 =	sne.s32 s2, s6  }
.Ltmp7:
0xd9: {  	[tilespmem:s20+$0x0] =	vst v2;
	(pc) =	sbr.rel @p0 .LBB2_1-.Ltmp7, $4  }
0xda: {  	[hbm4b:s5+s12] =	stream.strided.scatter [tilespmem:s19], [sflag:$0x1], $0x280, s18, s12, $0x38;
	[tilespmem:$0x7E80] =	vst v63  }
0xdb: {  	_ =	swait.ge [sflag:s14], $0x280  }
0xdc: {  	[sflag:s14] =	ssyncset.done $0x0  }
0xdd: {  	[sflag:s14] =	ssyncadd.s32 $0xFFFFFD80  }
0xde: {  	_ =	sfence.sel $0x180000  }
0xdf: {  	[bflag:$0x0] =	sbarrier.arrive $0xFFFF  }
0xe0: {  	p0 =	sne.s32 s0, $0x0;
	_ =	strace $0x90000047  }
0xe1: {  	s0 =	sadd.s32 @!p0 $0x100000, s1;
	[bflag:$0x2] =	sbarrier.arrive $0xFFFF  }
0xe2: {  	[sflag:s0] =	ssyncadd.tile.s32 @!p0 $0x1;
	_ =	shalt  }
.Lfunc_end2:
_tile_overlayer_lowered:
.L_overlay_start_2:
0xe3: {  	(tag) =	ssettag $0x2  }
0xe4: {  	s0 =	rddreg [dreg:$0x0];
	s2 =	stileid.u32  }
0xe5: {  	s1 =	rddreg [dreg:$0x1];
	p0 =	sne.s32 s2, $0x0  }
0xe6: {  	s3 =	rddreg [dreg:$0x2];
	[bflag:$0x3] =	sbarrier.arrive $0xFFFF;
	s2 =	simm.s32 @!p0 $0x1C01  }
0xe7: {  	[timem:s3], [sflag:s2] =	dma.local @!p0 [hbm:s0], s1  }
0xe8: {  	s0 =	simm.s32 @!p0 $0x1  }
0xe9: {  	_ =	swait.ge @!p0 [sflag:s0], s1  }
0xea: {  	s1 =	ssub.s32 @!p0 $0x0, s1;
	[sflag:s0] =	ssyncset.done @!p0 $0x0  }
0xeb: {  	[sflag:s0] =	ssyncadd.s32 @!p0 s1  }
0xec: {  	[bflag:$0x3] =	sbarrier.arrive $0xFFFF  }
0xed: {  	_ =	shalt  }

</sc_bundles>
